<compile_context>
chip_gen: v7x
topology: tpu7x:2x2x1
jax: 0.10.2.dev20260603
libtpu: 0.0.44.dev20260713+nightly
codegen_flags: <defaults>
</compile_context>

<pallas_src>
import functools
import jax
import jax.numpy as jnp
from jax import lax
from jax.experimental import pallas as pl
from jax.experimental.pallas import tpu as pltpu
from jax.experimental.pallas import tpu_sc as plsc

EMB = 3
H1 = 4
OUT = 5
ROW = 8

NC = 2
NS = 16
NW = NC * NS

CLS = 16
CBLK = 3200
IDXW = 128
BATCH = 50


def _mlp_table_block(rep_ref, w1_ref, b1_ref, w2b_ref, b2b_ref, out_ref):
    t = [jnp.repeat(rep_ref[k], ROW, axis=1) for k in range(EMB)]
    h = []
    for j in range(H1):
        hj = t[0] * w1_ref[0, j]
        for k in range(1, EMB):
            hj = hj + t[k] * w1_ref[k, j]
        h.append(hj + b1_ref[j])
    mean = (h[0] + h[1] + h[2] + h[3]) * 0.25
    d = [hj - mean for hj in h]
    var = (d[0] * d[0] + d[1] * d[1] + d[2] * d[2] + d[3] * d[3]) * 0.25
    sd = jnp.sqrt(var + 1e-5)
    acc = d[0] * w2b_ref[0:1, :]
    for j in range(1, H1):
        acc = acc + d[j] * w2b_ref[j:j + 1, :]
    out_ref[...] = acc / sd + b2b_ref[0:1, :]


def _precompute_table(rep, W1, b1, W2b, b2b, vpad):
    g = CBLK // CLS
    smem = pl.BlockSpec(memory_space=pltpu.SMEM)
    return pl.pallas_call(
        _mlp_table_block,
        grid=(vpad // CBLK,),
        in_specs=[
            pl.BlockSpec((EMB, g, 16), lambda i: (0, i, 0)),
            smem, smem,
            pl.BlockSpec((H1, 128), lambda i: (0, 0)),
            pl.BlockSpec((1, 128), lambda i: (0, 0)),
        ],
        out_specs=pl.BlockSpec((g, 128), lambda i: (i, 0)),
        out_shape=jax.ShapeDtypeStruct((vpad // CLS, CLS * ROW), jnp.float32),
    )(rep, W1, b1, W2b, b2b)


def _make_gather(b, l, vpad):
    jt_n, it_n = l // 8, b // 128
    icn = 8
    istr = b // icn
    itb = it_n // icn
    tasks = l * icn
    per_w = tasks // NW
    assert per_w * NW == tasks and per_w % 2 == 0
    mesh = plsc.VectorSubcoreMesh(core_axis_name="c", subcore_axis_name="s")

    @functools.partial(
        pl.kernel,
        mesh=mesh,
        out_type=jax.ShapeDtypeStruct((OUT, jt_n, it_n, 8, 128), jnp.float32),
        scratch_types=[
            [pltpu.VMEM((itb, 128), jnp.int32) for _ in range(2)],
            [pltpu.VMEM((istr, ROW), jnp.float32) for _ in range(2)],
            [pltpu.VMEM((itb, 128), jnp.float32) for _ in range(OUT)],
            [pltpu.SemaphoreType.DMA for _ in range(2)],
            [pltpu.SemaphoreType.DMA for _ in range(2)],
        ],
        compiler_params=pltpu.CompilerParams(
            use_tc_tiling_on_sc=False, needs_layout_passes=False),
    )
    def gather(tab_hbm, idx_hbm, out_hbm, idx2, rows2, ck_v, sem2, isem2):
        wid = lax.axis_index("s") * NC + lax.axis_index("c")
        lane = lax.iota(jnp.int32, 16)
        cvec = [jnp.full((16,), k, jnp.int32) for k in range(OUT)]
        base = wid * per_w

        def idx_start(t, bi):
            j = lax.shift_right_logical(t, 3)
            ic = t & 7
            pltpu.make_async_copy(
                idx_hbm.at[j, pl.ds(ic * itb, itb)], idx2[bi],
                isem2[bi]).start()

        def idx_wait(bi):
            pltpu.make_async_copy(
                idx_hbm.at[0, pl.ds(0, itb)], idx2[bi], isem2[bi]).wait()

        def fire(bi):
            for r in range(itb):
                pltpu.make_async_copy(
                    tab_hbm.at[idx2[bi].at[r]],
                    rows2[bi].at[pl.ds(r * 128, 128)],
                    sem2[bi],
                ).start()

        def drain(bi):
            pltpu.make_async_copy(
                tab_hbm.at[pl.ds(0, istr)], rows2[bi], sem2[bi]).wait()

        def comp_write(t, bi):
            j = lax.shift_right_logical(t, 3)
            ic = t & 7
            jt = lax.shift_right_logical(j, 3)
            jr = j & 7

            def comp(g4, rvec):
                for u in range(4):
                    g = g4 * 4 + u
                    gr = lax.shift_right_logical(g, 3)
                    gc = (g & 7) * 16
                    rv = rvec + u * 16
                    for k in range(OUT):
                        vals = plsc.load_gather(rows2[bi], [rv, cvec[k]])
                        ck_v[k][gr, pl.ds(gc, 16)] = vals
                return rvec + 64

            lax.fori_loop(0, istr // 64, comp, lane)
            for k in range(OUT):
                pltpu.sync_copy(ck_v[k],
                                out_hbm.at[k, jt, pl.ds(ic * itb, itb), jr])

        idx_start(base, 0)
        idx_wait(0)
        fire(0)
        idx_start(base + 1, 1)
        idx_wait(1)
        fire(1)

        def pair(s2, c):
            a = base + 2 * s2
            drain(0)
            idx_start(a + 2, 0)
            comp_write(a, 0)
            idx_wait(0)
            fire(0)
            drain(1)
            idx_start(a + 3, 1)
            comp_write(a + 1, 1)
            idx_wait(1)
            fire(1)
            return c

        lax.fori_loop(0, per_w // 2 - 1, pair, 0)
        drain(0)
        comp_write(base + per_w - 2, 0)
        drain(1)
        comp_write(base + per_w - 1, 1)

    return gather


def kernel(input_ids, table, W1, b1, gamma, beta, W2, b2):
    b, l = input_ids.shape
    vocab = table.shape[0]
    ids3 = input_ids.astype(jnp.int32).T.reshape(l, b // 128, 128)

    vpad = ((vocab + CBLK - 1) // CBLK) * CBLK
    tab_pad = jnp.pad(table, ((0, vpad - vocab), (0, 0)))
    rep = tab_pad.reshape(vpad // CLS, CLS, EMB).transpose(2, 0, 1)
    w2g = jnp.pad(W2 * gamma[:, None], ((0, 0), (0, ROW - OUT)))
    b2e = jnp.pad(beta @ W2 + b2, (0, ROW - OUT))
    W2b = jnp.tile(w2g, (1, CLS))
    b2b = jnp.tile(b2e, CLS)[None, :]

    tab_out = _precompute_table(rep, W1, b1, W2b, b2b, vpad)
    tab8 = tab_out.reshape(vpad, ROW)

    out5 = _make_gather(b, l, vpad)(tab8, ids3)
    return out5.transpose(2, 4, 1, 3, 0).reshape(b, l, OUT)

# --- scband reference (transcript-rebuilt; emitter-appended) ---
"""Pipeline reference for scband-model-for-test-13486197309929 (READ-ONLY COPY).

The authoritative reference and input builder live on the scoring server;
editing this copy changes nothing except your own understanding.
"""

import jax, jax.numpy as jnp
import numpy as np

VOCAB = 200000
EMB = 3
H1 = 4
OUT = 5

def setup_inputs(seed: int = 0) -> dict:
    key = jax.random.key(seed)
    k_ids, k_tab, k_w1, k_b1, k_g, k_be, k_w2, k_b2 = jax.random.split(key, 8)
    input_ids = jax.random.randint(k_ids, (4096, 200), 0, VOCAB, dtype=jnp.int64 if jax.config.jax_enable_x64 else jnp.int32)
    table = jax.random.normal(k_tab, (VOCAB, EMB), dtype=jnp.float32)
    W1 = jax.random.normal(k_w1, (EMB, H1), dtype=jnp.float32) * (1.0 / np.sqrt(EMB))
    b1 = jax.random.normal(k_b1, (H1,), dtype=jnp.float32) * 0.01
    gamma = jnp.ones((H1,), dtype=jnp.float32)
    beta = jnp.zeros((H1,), dtype=jnp.float32)
    W2 = jax.random.normal(k_w2, (H1, OUT), dtype=jnp.float32) * (1.0 / np.sqrt(H1))
    b2 = jax.random.normal(k_b2, (OUT,), dtype=jnp.float32) * 0.01
    return {"input_ids": input_ids, "table": table, "W1": W1, "b1": b1, "gamma": gamma, "beta": beta, "W2": W2, "b2": b2}

def reference(input_ids, table, W1, b1, gamma, beta, W2, b2):
    emb = jnp.take(table, input_ids, axis=0)            # [B, L, EMB] gather
    h = emb @ W1 + b1                                    # [B, L, H1]
    mean = jnp.mean(h, axis=-1, keepdims=True)
    var = jnp.var(h, axis=-1, keepdims=True)
    ln = (h - mean) / jnp.sqrt(var + 1e-5) * gamma + beta
    out = ln @ W2 + b2                                   # [B, L, OUT]
    return out

if __name__ == "__main__":
    import jax
    _d = setup_inputs()
    print(jax.jit(kernel)(*tuple(_d.values())))

</pallas_src>

<mosaic_0001>
#map = affine_map<(d0, d1) -> (0, 0)>
#map1 = affine_map<(d0, d1) -> (0, 0, 0)>
#map2 = affine_map<(d0, d1) -> (0, 0, 0, 0, 0)>
module attributes {stable_mosaic.version = 14 : i64} {
  func.func @gather(%arg0: i32, %arg1: i32, %arg2: memref<201600x8xf32, #tpu.memory_space<hbm>>, %arg3: memref<200x32x128xi32, #tpu.memory_space<hbm>>, %arg4: memref<5x25x32x8x128xf32, #tpu.memory_space<hbm>>, %arg5: memref<4x128xi32, #tpu.memory_space<vmem>>, %arg6: memref<4x128xi32, #tpu.memory_space<vmem>>, %arg7: memref<512x8xf32, #tpu.memory_space<vmem>>, %arg8: memref<512x8xf32, #tpu.memory_space<vmem>>, %arg9: memref<4x128xf32, #tpu.memory_space<vmem>>, %arg10: memref<4x128xf32, #tpu.memory_space<vmem>>, %arg11: memref<4x128xf32, #tpu.memory_space<vmem>>, %arg12: memref<4x128xf32, #tpu.memory_space<vmem>>, %arg13: memref<4x128xf32, #tpu.memory_space<vmem>>, %arg14: memref<!tpu.dma_semaphore, #tpu.memory_space<semaphore_mem>>, %arg15: memref<!tpu.dma_semaphore, #tpu.memory_space<semaphore_mem>>, %arg16: memref<!tpu.dma_semaphore, #tpu.memory_space<semaphore_mem>>, %arg17: memref<!tpu.dma_semaphore, #tpu.memory_space<semaphore_mem>>) attributes {dimension_semantics = [#tpu.dimension_semantics<core_parallel>, #tpu.dimension_semantics<subcore_parallel>], iteration_bounds = array<i64: 2, 16>, scalar_prefetch = 0 : i64, scratch_operands = 13 : i64, tpu.core_type = #tpu.core_type<sc_vector_subcore>, window_params = [{transform_indices = #map}, {transform_indices = #map1}, {transform_indices = #map2}]} {
    %mul3A = arith.constant 2 : i32
    %mul3A_0 = arith.muli %arg1, %mul3A : i32
    %add3A = arith.addi %mul3A_0, %arg0 : i32
    %iota3A = tpu.iota {dimensions = array<i32: 0>} : vector<16xi32>
    %broadcast_in_dim3A = arith.constant 0 : i32
    %broadcast_in_dim3A_1 = vector.broadcast %broadcast_in_dim3A : i32 to vector<16xi32>
    %broadcast_in_dim3A_2 = arith.constant 1 : i32
    %broadcast_in_dim3A_3 = vector.broadcast %broadcast_in_dim3A_2 : i32 to vector<16xi32>
    %broadcast_in_dim3A_4 = arith.constant 2 : i32
    %broadcast_in_dim3A_5 = vector.broadcast %broadcast_in_dim3A_4 : i32 to vector<16xi32>
    %broadcast_in_dim3A_6 = arith.constant 3 : i32
    %broadcast_in_dim3A_7 = vector.broadcast %broadcast_in_dim3A_6 : i32 to vector<16xi32>
    %broadcast_in_dim3A_8 = arith.constant 4 : i32
    %broadcast_in_dim3A_9 = vector.broadcast %broadcast_in_dim3A_8 : i32 to vector<16xi32>
    %mul3A_10 = arith.constant 50 : i32
    %mul3A_11 = arith.muli %add3A, %mul3A_10 : i32
    %shift_right_logical3A = arith.constant 3 : i32
    %shift_right_logical3A_12 = arith.shrui %mul3A_11, %shift_right_logical3A : i32
    %and3A = arith.constant 7 : i32
    %and3A_13 = arith.andi %mul3A_11, %and3A : i32
    %mul3A_14 = arith.constant 4 : i32
    %mul3A_15 = arith.muli %and3A_13, %mul3A_14 : i32
    %dma_start3A = arith.constant 0 : i32
    %dma_start3A_16 = tpu.memref_slice %arg3[%shift_right_logical3A_12, %mul3A_15, %dma_start3A] : memref<200x32x128xi32, #tpu.memory_space<hbm>> -> memref<1x4x128xi32, #tpu.memory_space<hbm>>
    %dma_start3A_17 = tpu.memref_squeeze %dma_start3A_16 : memref<1x4x128xi32, #tpu.memory_space<hbm>> -> memref<4x128xi32, #tpu.memory_space<hbm>>
    %dma_start3A_18 = arith.constant 0 : i32
    %dma_start3A_19 = tpu.memref_slice %arg3[%shift_right_logical3A_12, %mul3A_15, %dma_start3A_18] : memref<200x32x128xi32, #tpu.memory_space<hbm>> -> memref<1x4x128xi32, #tpu.memory_space<hbm>>
    %dma_start3A_20 = tpu.memref_squeeze %dma_start3A_19 : memref<1x4x128xi32, #tpu.memory_space<hbm>> -> memref<4x128xi32, #tpu.memory_space<hbm>>
    tpu.enqueue_dma source(%dma_start3A_20 : memref<4x128xi32, #tpu.memory_space<hbm>>) target(%arg5 : memref<4x128xi32, #tpu.memory_space<vmem>>) target_semaphore(%arg16 : memref<!tpu.dma_semaphore, #tpu.memory_space<semaphore_mem>>)
    %dma_wait3A = arith.constant 0 : i32
    %dma_wait3A_21 = arith.constant 0 : i32
    %dma_wait3A_22 = arith.constant 0 : i32
    %dma_wait3A_23 = tpu.memref_slice %arg3[%dma_wait3A, %dma_wait3A_21, %dma_wait3A_22] : memref<200x32x128xi32, #tpu.memory_space<hbm>> -> memref<1x4x128xi32, #tpu.memory_space<hbm>>
    %dma_wait3A_24 = tpu.memref_squeeze %dma_wait3A_23 : memref<1x4x128xi32, #tpu.memory_space<hbm>> -> memref<4x128xi32, #tpu.memory_space<hbm>>
    %dma_wait3A_25 = arith.constant 0 : i32
    %dma_wait3A_26 = arith.constant 0 : i32
    %dma_wait3A_27 = tpu.memref_slice %arg3[%dma_wait3A, %dma_wait3A_25, %dma_wait3A_26] : memref<200x32x128xi32, #tpu.memory_space<hbm>> -> memref<1x4x128xi32, #tpu.memory_space<hbm>>
    %dma_wait3A_28 = tpu.memref_squeeze %dma_wait3A_27 : memref<1x4x128xi32, #tpu.memory_space<hbm>> -> memref<4x128xi32, #tpu.memory_space<hbm>>
    tpu.wait_dma2 semaphore(%arg16 : memref<!tpu.dma_semaphore, #tpu.memory_space<semaphore_mem>>) src(%dma_wait3A_28 : memref<4x128xi32, #tpu.memory_space<hbm>>) dst(%arg5 : memref<4x128xi32, #tpu.memory_space<vmem>>)
    %dma_start3A_29 = arith.constant 0 : i32
    %dma_start3A_30 = arith.constant 0 : i32
    %dma_start3A_31 = arith.constant 0 : i32
    %dma_start3A_32 = tpu.memref_slice %arg7[%dma_start3A_30, %dma_start3A_31] : memref<512x8xf32, #tpu.memory_space<vmem>> -> memref<128x8xf32, #tpu.memory_space<vmem>>
    %dma_start3A_33 = arith.constant 0 : i32
    %dma_start3A_34 = tpu.memref_slice %arg5[%dma_start3A_29, %dma_start3A_33] : memref<4x128xi32, #tpu.memory_space<vmem>> -> memref<1x128xi32, #tpu.memory_space<vmem>>
    %dma_start3A_35 = tpu.memref_squeeze %dma_start3A_34 : memref<1x128xi32, #tpu.memory_space<vmem>> -> memref<128xi32, #tpu.memory_space<vmem>>
    %dma_start3A_36 = arith.constant 0 : i32
    %dma_start3A_37 = arith.constant 0 : i32
    %dma_start3A_38 = tpu.memref_slice %arg2[%dma_start3A_36, %dma_start3A_37] : memref<201600x8xf32, #tpu.memory_space<hbm>> -> memref<201600x8xf32, #tpu.memory_space<hbm>>
    tpu.enqueue_indirect_dma source(%dma_start3A_38 : memref<201600x8xf32, #tpu.memory_space<hbm>>) target(%dma_start3A_32 : memref<128x8xf32, #tpu.memory_space<vmem>>) offsets(%dma_start3A_35 : memref<128xi32, #tpu.memory_space<vmem>>) semaphore(%arg14 : memref<!tpu.dma_semaphore, #tpu.memory_space<semaphore_mem>>)
    %dma_start3A_39 = arith.constant 1 : i32
    %dma_start3A_40 = arith.constant 128 : i32
    %dma_start3A_41 = arith.constant 0 : i32
    %dma_start3A_42 = tpu.memref_slice %arg7[%dma_start3A_40, %dma_start3A_41] : memref<512x8xf32, #tpu.memory_space<vmem>> -> memref<128x8xf32, #tpu.memory_space<vmem>>
    %dma_start3A_43 = arith.constant 0 : i32
    %dma_start3A_44 = tpu.memref_slice %arg5[%dma_start3A_39, %dma_start3A_43] : memref<4x128xi32, #tpu.memory_space<vmem>> -> memref<1x128xi32, #tpu.memory_space<vmem>>
    %dma_start3A_45 = tpu.memref_squeeze %dma_start3A_44 : memref<1x128xi32, #tpu.memory_space<vmem>> -> memref<128xi32, #tpu.memory_space<vmem>>
    %dma_start3A_46 = arith.constant 0 : i32
    %dma_start3A_47 = arith.constant 0 : i32
    %dma_start3A_48 = tpu.memref_slice %arg2[%dma_start3A_46, %dma_start3A_47] : memref<201600x8xf32, #tpu.memory_space<hbm>> -> memref<201600x8xf32, #tpu.memory_space<hbm>>
    tpu.enqueue_indirect_dma source(%dma_start3A_48 : memref<201600x8xf32, #tpu.memory_space<hbm>>) target(%dma_start3A_42 : memref<128x8xf32, #tpu.memory_space<vmem>>) offsets(%dma_start3A_45 : memref<128xi32, #tpu.memory_space<vmem>>) semaphore(%arg14 : memref<!tpu.dma_semaphore, #tpu.memory_space<semaphore_mem>>)
    %dma_start3A_49 = arith.constant 2 : i32
    %dma_start3A_50 = arith.constant 256 : i32
    %dma_start3A_51 = arith.constant 0 : i32
    %dma_start3A_52 = tpu.memref_slice %arg7[%dma_start3A_50, %dma_start3A_51] : memref<512x8xf32, #tpu.memory_space<vmem>> -> memref<128x8xf32, #tpu.memory_space<vmem>>
    %dma_start3A_53 = arith.constant 0 : i32
    %dma_start3A_54 = tpu.memref_slice %arg5[%dma_start3A_49, %dma_start3A_53] : memref<4x128xi32, #tpu.memory_space<vmem>> -> memref<1x128xi32, #tpu.memory_space<vmem>>
    %dma_start3A_55 = tpu.memref_squeeze %dma_start3A_54 : memref<1x128xi32, #tpu.memory_space<vmem>> -> memref<128xi32, #tpu.memory_space<vmem>>
    %dma_start3A_56 = arith.constant 0 : i32
    %dma_start3A_57 = arith.constant 0 : i32
    %dma_start3A_58 = tpu.memref_slice %arg2[%dma_start3A_56, %dma_start3A_57] : memref<201600x8xf32, #tpu.memory_space<hbm>> -> memref<201600x8xf32, #tpu.memory_space<hbm>>
    tpu.enqueue_indirect_dma source(%dma_start3A_58 : memref<201600x8xf32, #tpu.memory_space<hbm>>) target(%dma_start3A_52 : memref<128x8xf32, #tpu.memory_space<vmem>>) offsets(%dma_start3A_55 : memref<128xi32, #tpu.memory_space<vmem>>) semaphore(%arg14 : memref<!tpu.dma_semaphore, #tpu.memory_space<semaphore_mem>>)
    %dma_start3A_59 = arith.constant 3 : i32
    %dma_start3A_60 = arith.constant 384 : i32
    %dma_start3A_61 = arith.constant 0 : i32
    %dma_start3A_62 = tpu.memref_slice %arg7[%dma_start3A_60, %dma_start3A_61] : memref<512x8xf32, #tpu.memory_space<vmem>> -> memref<128x8xf32, #tpu.memory_space<vmem>>
    %dma_start3A_63 = arith.constant 0 : i32
    %dma_start3A_64 = tpu.memref_slice %arg5[%dma_start3A_59, %dma_start3A_63] : memref<4x128xi32, #tpu.memory_space<vmem>> -> memref<1x128xi32, #tpu.memory_space<vmem>>
    %dma_start3A_65 = tpu.memref_squeeze %dma_start3A_64 : memref<1x128xi32, #tpu.memory_space<vmem>> -> memref<128xi32, #tpu.memory_space<vmem>>
    %dma_start3A_66 = arith.constant 0 : i32
    %dma_start3A_67 = arith.constant 0 : i32
    %dma_start3A_68 = tpu.memref_slice %arg2[%dma_start3A_66, %dma_start3A_67] : memref<201600x8xf32, #tpu.memory_space<hbm>> -> memref<201600x8xf32, #tpu.memory_space<hbm>>
    tpu.enqueue_indirect_dma source(%dma_start3A_68 : memref<201600x8xf32, #tpu.memory_space<hbm>>) target(%dma_start3A_62 : memref<128x8xf32, #tpu.memory_space<vmem>>) offsets(%dma_start3A_65 : memref<128xi32, #tpu.memory_space<vmem>>) semaphore(%arg14 : memref<!tpu.dma_semaphore, #tpu.memory_space<semaphore_mem>>)
    %add3A_69 = arith.constant 1 : i32
    %add3A_70 = arith.addi %mul3A_11, %add3A_69 : i32
    %shift_right_logical3A_71 = arith.constant 3 : i32
    %shift_right_logical3A_72 = arith.shrui %add3A_70, %shift_right_logical3A_71 : i32
    %and3A_73 = arith.constant 7 : i32
    %and3A_74 = arith.andi %add3A_70, %and3A_73 : i32
    %mul3A_75 = arith.constant 4 : i32
    %mul3A_76 = arith.muli %and3A_74, %mul3A_75 : i32
    %dma_start3A_77 = arith.constant 0 : i32
    %dma_start3A_78 = tpu.memref_slice %arg3[%shift_right_logical3A_72, %mul3A_76, %dma_start3A_77] : memref<200x32x128xi32, #tpu.memory_space<hbm>> -> memref<1x4x128xi32, #tpu.memory_space<hbm>>
    %dma_start3A_79 = tpu.memref_squeeze %dma_start3A_78 : memref<1x4x128xi32, #tpu.memory_space<hbm>> -> memref<4x128xi32, #tpu.memory_space<hbm>>
    %dma_start3A_80 = arith.constant 0 : i32
    %dma_start3A_81 = tpu.memref_slice %arg3[%shift_right_logical3A_72, %mul3A_76, %dma_start3A_80] : memref<200x32x128xi32, #tpu.memory_space<hbm>> -> memref<1x4x128xi32, #tpu.memory_space<hbm>>
    %dma_start3A_82 = tpu.memref_squeeze %dma_start3A_81 : memref<1x4x128xi32, #tpu.memory_space<hbm>> -> memref<4x128xi32, #tpu.memory_space<hbm>>
    tpu.enqueue_dma source(%dma_start3A_82 : memref<4x128xi32, #tpu.memory_space<hbm>>) target(%arg6 : memref<4x128xi32, #tpu.memory_space<vmem>>) target_semaphore(%arg17 : memref<!tpu.dma_semaphore, #tpu.memory_space<semaphore_mem>>)
    %dma_wait3A_83 = arith.constant 0 : i32
    %dma_wait3A_84 = arith.constant 0 : i32
    %dma_wait3A_85 = arith.constant 0 : i32
    %dma_wait3A_86 = tpu.memref_slice %arg3[%dma_wait3A_83, %dma_wait3A_84, %dma_wait3A_85] : memref<200x32x128xi32, #tpu.memory_space<hbm>> -> memref<1x4x128xi32, #tpu.memory_space<hbm>>
    %dma_wait3A_87 = tpu.memref_squeeze %dma_wait3A_86 : memref<1x4x128xi32, #tpu.memory_space<hbm>> -> memref<4x128xi32, #tpu.memory_space<hbm>>
    %dma_wait3A_88 = arith.constant 0 : i32
    %dma_wait3A_89 = arith.constant 0 : i32
    %dma_wait3A_90 = tpu.memref_slice %arg3[%dma_wait3A_83, %dma_wait3A_88, %dma_wait3A_89] : memref<200x32x128xi32, #tpu.memory_space<hbm>> -> memref<1x4x128xi32, #tpu.memory_space<hbm>>
    %dma_wait3A_91 = tpu.memref_squeeze %dma_wait3A_90 : memref<1x4x128xi32, #tpu.memory_space<hbm>> -> memref<4x128xi32, #tpu.memory_space<hbm>>
    tpu.wait_dma2 semaphore(%arg17 : memref<!tpu.dma_semaphore, #tpu.memory_space<semaphore_mem>>) src(%dma_wait3A_91 : memref<4x128xi32, #tpu.memory_space<hbm>>) dst(%arg6 : memref<4x128xi32, #tpu.memory_space<vmem>>)
    %dma_start3A_92 = arith.constant 0 : i32
    %dma_start3A_93 = arith.constant 0 : i32
    %dma_start3A_94 = arith.constant 0 : i32
    %dma_start3A_95 = tpu.memref_slice %arg8[%dma_start3A_93, %dma_start3A_94] : memref<512x8xf32, #tpu.memory_space<vmem>> -> memref<128x8xf32, #tpu.memory_space<vmem>>
    %dma_start3A_96 = arith.constant 0 : i32
    %dma_start3A_97 = tpu.memref_slice %arg6[%dma_start3A_92, %dma_start3A_96] : memref<4x128xi32, #tpu.memory_space<vmem>> -> memref<1x128xi32, #tpu.memory_space<vmem>>
    %dma_start3A_98 = tpu.memref_squeeze %dma_start3A_97 : memref<1x128xi32, #tpu.memory_space<vmem>> -> memref<128xi32, #tpu.memory_space<vmem>>
    %dma_start3A_99 = arith.constant 0 : i32
    %dma_start3A_100 = arith.constant 0 : i32
    %dma_start3A_101 = tpu.memref_slice %arg2[%dma_start3A_99, %dma_start3A_100] : memref<201600x8xf32, #tpu.memory_space<hbm>> -> memref<201600x8xf32, #tpu.memory_space<hbm>>
    tpu.enqueue_indirect_dma source(%dma_start3A_101 : memref<201600x8xf32, #tpu.memory_space<hbm>>) target(%dma_start3A_95 : memref<128x8xf32, #tpu.memory_space<vmem>>) offsets(%dma_start3A_98 : memref<128xi32, #tpu.memory_space<vmem>>) semaphore(%arg15 : memref<!tpu.dma_semaphore, #tpu.memory_space<semaphore_mem>>)
    %dma_start3A_102 = arith.constant 1 : i32
    %dma_start3A_103 = arith.constant 128 : i32
    %dma_start3A_104 = arith.constant 0 : i32
    %dma_start3A_105 = tpu.memref_slice %arg8[%dma_start3A_103, %dma_start3A_104] : memref<512x8xf32, #tpu.memory_space<vmem>> -> memref<128x8xf32, #tpu.memory_space<vmem>>
    %dma_start3A_106 = arith.constant 0 : i32
    %dma_start3A_107 = tpu.memref_slice %arg6[%dma_start3A_102, %dma_start3A_106] : memref<4x128xi32, #tpu.memory_space<vmem>> -> memref<1x128xi32, #tpu.memory_space<vmem>>
    %dma_start3A_108 = tpu.memref_squeeze %dma_start3A_107 : memref<1x128xi32, #tpu.memory_space<vmem>> -> memref<128xi32, #tpu.memory_space<vmem>>
    %dma_start3A_109 = arith.constant 0 : i32
    %dma_start3A_110 = arith.constant 0 : i32
    %dma_start3A_111 = tpu.memref_slice %arg2[%dma_start3A_109, %dma_start3A_110] : memref<201600x8xf32, #tpu.memory_space<hbm>> -> memref<201600x8xf32, #tpu.memory_space<hbm>>
    tpu.enqueue_indirect_dma source(%dma_start3A_111 : memref<201600x8xf32, #tpu.memory_space<hbm>>) target(%dma_start3A_105 : memref<128x8xf32, #tpu.memory_space<vmem>>) offsets(%dma_start3A_108 : memref<128xi32, #tpu.memory_space<vmem>>) semaphore(%arg15 : memref<!tpu.dma_semaphore, #tpu.memory_space<semaphore_mem>>)
    %dma_start3A_112 = arith.constant 2 : i32
    %dma_start3A_113 = arith.constant 256 : i32
    %dma_start3A_114 = arith.constant 0 : i32
    %dma_start3A_115 = tpu.memref_slice %arg8[%dma_start3A_113, %dma_start3A_114] : memref<512x8xf32, #tpu.memory_space<vmem>> -> memref<128x8xf32, #tpu.memory_space<vmem>>
    %dma_start3A_116 = arith.constant 0 : i32
    %dma_start3A_117 = tpu.memref_slice %arg6[%dma_start3A_112, %dma_start3A_116] : memref<4x128xi32, #tpu.memory_space<vmem>> -> memref<1x128xi32, #tpu.memory_space<vmem>>
    %dma_start3A_118 = tpu.memref_squeeze %dma_start3A_117 : memref<1x128xi32, #tpu.memory_space<vmem>> -> memref<128xi32, #tpu.memory_space<vmem>>
    %dma_start3A_119 = arith.constant 0 : i32
    %dma_start3A_120 = arith.constant 0 : i32
    %dma_start3A_121 = tpu.memref_slice %arg2[%dma_start3A_119, %dma_start3A_120] : memref<201600x8xf32, #tpu.memory_space<hbm>> -> memref<201600x8xf32, #tpu.memory_space<hbm>>
    tpu.enqueue_indirect_dma source(%dma_start3A_121 : memref<201600x8xf32, #tpu.memory_space<hbm>>) target(%dma_start3A_115 : memref<128x8xf32, #tpu.memory_space<vmem>>) offsets(%dma_start3A_118 : memref<128xi32, #tpu.memory_space<vmem>>) semaphore(%arg15 : memref<!tpu.dma_semaphore, #tpu.memory_space<semaphore_mem>>)
    %dma_start3A_122 = arith.constant 3 : i32
    %dma_start3A_123 = arith.constant 384 : i32
    %dma_start3A_124 = arith.constant 0 : i32
    %dma_start3A_125 = tpu.memref_slice %arg8[%dma_start3A_123, %dma_start3A_124] : memref<512x8xf32, #tpu.memory_space<vmem>> -> memref<128x8xf32, #tpu.memory_space<vmem>>
    %dma_start3A_126 = arith.constant 0 : i32
    %dma_start3A_127 = tpu.memref_slice %arg6[%dma_start3A_122, %dma_start3A_126] : memref<4x128xi32, #tpu.memory_space<vmem>> -> memref<1x128xi32, #tpu.memory_space<vmem>>
    %dma_start3A_128 = tpu.memref_squeeze %dma_start3A_127 : memref<1x128xi32, #tpu.memory_space<vmem>> -> memref<128xi32, #tpu.memory_space<vmem>>
    %dma_start3A_129 = arith.constant 0 : i32
    %dma_start3A_130 = arith.constant 0 : i32
    %dma_start3A_131 = tpu.memref_slice %arg2[%dma_start3A_129, %dma_start3A_130] : memref<201600x8xf32, #tpu.memory_space<hbm>> -> memref<201600x8xf32, #tpu.memory_space<hbm>>
    tpu.enqueue_indirect_dma source(%dma_start3A_131 : memref<201600x8xf32, #tpu.memory_space<hbm>>) target(%dma_start3A_125 : memref<128x8xf32, #tpu.memory_space<vmem>>) offsets(%dma_start3A_128 : memref<128xi32, #tpu.memory_space<vmem>>) semaphore(%arg15 : memref<!tpu.dma_semaphore, #tpu.memory_space<semaphore_mem>>)
    %scan3A = arith.constant 0 : i32
    %scan3A_132 = arith.constant 0 : i32
    %scan3A_133 = arith.constant 24 : i32
    %scan3A_134 = arith.addi %scan3A_132, %scan3A_133 : i32
    %scan3A_135 = arith.constant 1 : i32
    scf.for %scan3A_213 = %scan3A_132 to %scan3A_134 step %scan3A_135  : i32 {
      %mul3A_214 = arith.constant 2 : i32
      %mul3A_215 = arith.muli %mul3A_214, %scan3A_213 : i32
      %add3A_216 = arith.addi %mul3A_11, %mul3A_215 : i32
      %dma_wait3A_217 = arith.constant 0 : i32
      %dma_wait3A_218 = arith.constant 0 : i32
      %dma_wait3A_219 = tpu.memref_slice %arg2[%dma_wait3A_217, %dma_wait3A_218] : memref<201600x8xf32, #tpu.memory_space<hbm>> -> memref<512x8xf32, #tpu.memory_space<hbm>>
      %dma_wait3A_220 = arith.constant 0 : i32
      %dma_wait3A_221 = arith.constant 0 : i32
      %dma_wait3A_222 = tpu.memref_slice %arg2[%dma_wait3A_220, %dma_wait3A_221] : memref<201600x8xf32, #tpu.memory_space<hbm>> -> memref<512x8xf32, #tpu.memory_space<hbm>>
      tpu.wait_dma2 semaphore(%arg14 : memref<!tpu.dma_semaphore, #tpu.memory_space<semaphore_mem>>) src(%dma_wait3A_222 : memref<512x8xf32, #tpu.memory_space<hbm>>) dst(%arg7 : memref<512x8xf32, #tpu.memory_space<vmem>>)
      %add3A_223 = arith.constant 2 : i32
      %add3A_224 = arith.addi %add3A_216, %add3A_223 : i32
      %shift_right_logical3A_225 = arith.constant 3 : i32
      %shift_right_logical3A_226 = arith.shrui %add3A_224, %shift_right_logical3A_225 : i32
      %and3A_227 = arith.constant 7 : i32
      %and3A_228 = arith.andi %add3A_224, %and3A_227 : i32
      %mul3A_229 = arith.constant 4 : i32
      %mul3A_230 = arith.muli %and3A_228, %mul3A_229 : i32
      %dma_start3A_231 = arith.constant 0 : i32
      %dma_start3A_232 = tpu.memref_slice %arg3[%shift_right_logical3A_226, %mul3A_230, %dma_start3A_231] : memref<200x32x128xi32, #tpu.memory_space<hbm>> -> memref<1x4x128xi32, #tpu.memory_space<hbm>>
      %dma_start3A_233 = tpu.memref_squeeze %dma_start3A_232 : memref<1x4x128xi32, #tpu.memory_space<hbm>> -> memref<4x128xi32, #tpu.memory_space<hbm>>
      %dma_start3A_234 = arith.constant 0 : i32
      %dma_start3A_235 = tpu.memref_slice %arg3[%shift_right_logical3A_226, %mul3A_230, %dma_start3A_234] : memref<200x32x128xi32, #tpu.memory_space<hbm>> -> memref<1x4x128xi32, #tpu.memory_space<hbm>>
      %dma_start3A_236 = tpu.memref_squeeze %dma_start3A_235 : memref<1x4x128xi32, #tpu.memory_space<hbm>> -> memref<4x128xi32, #tpu.memory_space<hbm>>
      tpu.enqueue_dma source(%dma_start3A_236 : memref<4x128xi32, #tpu.memory_space<hbm>>) target(%arg5 : memref<4x128xi32, #tpu.memory_space<vmem>>) target_semaphore(%arg16 : memref<!tpu.dma_semaphore, #tpu.memory_space<semaphore_mem>>)
      %shift_right_logical3A_237 = arith.constant 3 : i32
      %shift_right_logical3A_238 = arith.shrui %add3A_216, %shift_right_logical3A_237 : i32
      %and3A_239 = arith.constant 7 : i32
      %and3A_240 = arith.andi %add3A_216, %and3A_239 : i32
      %shift_right_logical3A_241 = arith.constant 3 : i32
      %shift_right_logical3A_242 = arith.shrui %shift_right_logical3A_238, %shift_right_logical3A_241 : i32
      %and3A_243 = arith.constant 7 : i32
      %and3A_244 = arith.andi %shift_right_logical3A_238, %and3A_243 : i32
      %scan3A_245 = arith.constant 0 : i32
      %scan3A_246 = arith.constant 8 : i32
      %scan3A_247 = arith.addi %scan3A_245, %scan3A_246 : i32
      %scan3A_248 = arith.constant 1 : i32
      %scan3A_249 = scf.for %scan3A_415 = %scan3A_245 to %scan3A_247 step %scan3A_248 iter_args(%scan3A_416 = %iota3A) -> (vector<16xi32>)  : i32 {
        %mul3A_417 = arith.constant 4 : i32
        %mul3A_418 = arith.muli %scan3A_415, %mul3A_417 : i32
        %add3A_419 = arith.constant 0 : i32
        %add3A_420 = arith.addi %mul3A_418, %add3A_419 : i32
        %shift_right_logical3A_421 = arith.constant 3 : i32
        %shift_right_logical3A_422 = arith.shrui %add3A_420, %shift_right_logical3A_421 : i32
        %and3A_423 = arith.constant 7 : i32
        %and3A_424 = arith.andi %add3A_420, %and3A_423 : i32
        %mul3A_425 = arith.constant 16 : i32
        %mul3A_426 = arith.muli %and3A_424, %mul3A_425 : i32
        %add3A_427 = arith.constant 0 : i32
        %add3A_428 = vector.broadcast %add3A_427 : i32 to vector<16xi32>
        %add3A_429 = arith.addi %scan3A_416, %add3A_428 : vector<16xi32>
        %gather3A = tpu.vector_load_idx %arg7[%add3A_429, %broadcast_in_dim3A_1] : memref<512x8xf32, #tpu.memory_space<vmem>>[vector<16xi32>, vector<16xi32>], vector<16xf32>,
        %swap3A = arith.index_cast %shift_right_logical3A_422 : i32 to index
        %swap3A_430 = arith.index_cast %mul3A_426 : i32 to index
        %swap3A_431 = tpu.vector_load %arg9[%swap3A, %swap3A_430] {strides = array<i32>} : memref<4x128xf32, #tpu.memory_space<vmem>>, vector<16xf32>,
        tpu.vector_store %arg9[%swap3A, %swap3A_430], %gather3A {strides = array<i32>} : memref<4x128xf32, #tpu.memory_space<vmem>>, vector<16xf32>,
        %gather3A_432 = tpu.vector_load_idx %arg7[%add3A_429, %broadcast_in_dim3A_3] : memref<512x8xf32, #tpu.memory_space<vmem>>[vector<16xi32>, vector<16xi32>], vector<16xf32>,
        %swap3A_433 = arith.index_cast %shift_right_logical3A_422 : i32 to index
        %swap3A_434 = arith.index_cast %mul3A_426 : i32 to index
        %swap3A_435 = tpu.vector_load %arg10[%swap3A_433, %swap3A_434] {strides = array<i32>} : memref<4x128xf32, #tpu.memory_space<vmem>>, vector<16xf32>,
        tpu.vector_store %arg10[%swap3A_433, %swap3A_434], %gather3A_432 {strides = array<i32>} : memref<4x128xf32, #tpu.memory_space<vmem>>, vector<16xf32>,
        %gather3A_436 = tpu.vector_load_idx %arg7[%add3A_429, %broadcast_in_dim3A_5] : memref<512x8xf32, #tpu.memory_space<vmem>>[vector<16xi32>, vector<16xi32>], vector<16xf32>,
        %swap3A_437 = arith.index_cast %shift_right_logical3A_422 : i32 to index
        %swap3A_438 = arith.index_cast %mul3A_426 : i32 to index
        %swap3A_439 = tpu.vector_load %arg11[%swap3A_437, %swap3A_438] {strides = array<i32>} : memref<4x128xf32, #tpu.memory_space<vmem>>, vector<16xf32>,
        tpu.vector_store %arg11[%swap3A_437, %swap3A_438], %gather3A_436 {strides = array<i32>} : memref<4x128xf32, #tpu.memory_space<vmem>>, vector<16xf32>,
        %gather3A_440 = tpu.vector_load_idx %arg7[%add3A_429, %broadcast_in_dim3A_7] : memref<512x8xf32, #tpu.memory_space<vmem>>[vector<16xi32>, vector<16xi32>], vector<16xf32>,
        %swap3A_441 = arith.index_cast %shift_right_logical3A_422 : i32 to index
        %swap3A_442 = arith.index_cast %mul3A_426 : i32 to index
        %swap3A_443 = tpu.vector_load %arg12[%swap3A_441, %swap3A_442] {strides = array<i32>} : memref<4x128xf32, #tpu.memory_space<vmem>>, vector<16xf32>,
        tpu.vector_store %arg12[%swap3A_441, %swap3A_442], %gather3A_440 {strides = array<i32>} : memref<4x128xf32, #tpu.memory_space<vmem>>, vector<16xf32>,
        %gather3A_444 = tpu.vector_load_idx %arg7[%add3A_429, %broadcast_in_dim3A_9] : memref<512x8xf32, #tpu.memory_space<vmem>>[vector<16xi32>, vector<16xi32>], vector<16xf32>,
        %swap3A_445 = arith.index_cast %shift_right_logical3A_422 : i32 to index
        %swap3A_446 = arith.index_cast %mul3A_426 : i32 to index
        %swap3A_447 = tpu.vector_load %arg13[%swap3A_445, %swap3A_446] {strides = array<i32>} : memref<4x128xf32, #tpu.memory_space<vmem>>, vector<16xf32>,
        tpu.vector_store %arg13[%swap3A_445, %swap3A_446], %gather3A_444 {strides = array<i32>} : memref<4x128xf32, #tpu.memory_space<vmem>>, vector<16xf32>,
        %mul3A_448 = arith.constant 4 : i32
        %mul3A_449 = arith.muli %scan3A_415, %mul3A_448 : i32
        %add3A_450 = arith.constant 1 : i32
        %add3A_451 = arith.addi %mul3A_449, %add3A_450 : i32
        %shift_right_logical3A_452 = arith.constant 3 : i32
        %shift_right_logical3A_453 = arith.shrui %add3A_451, %shift_right_logical3A_452 : i32
        %and3A_454 = arith.constant 7 : i32
        %and3A_455 = arith.andi %add3A_451, %and3A_454 : i32
        %mul3A_456 = arith.constant 16 : i32
        %mul3A_457 = arith.muli %and3A_455, %mul3A_456 : i32
        %add3A_458 = arith.constant 16 : i32
        %add3A_459 = vector.broadcast %add3A_458 : i32 to vector<16xi32>
        %add3A_460 = arith.addi %scan3A_416, %add3A_459 : vector<16xi32>
        %gather3A_461 = tpu.vector_load_idx %arg7[%add3A_460, %broadcast_in_dim3A_1] : memref<512x8xf32, #tpu.memory_space<vmem>>[vector<16xi32>, vector<16xi32>], vector<16xf32>,
        %swap3A_462 = arith.index_cast %shift_right_logical3A_453 : i32 to index
        %swap3A_463 = arith.index_cast %mul3A_457 : i32 to index
        %swap3A_464 = tpu.vector_load %arg9[%swap3A_462, %swap3A_463] {strides = array<i32>} : memref<4x128xf32, #tpu.memory_space<vmem>>, vector<16xf32>,
        tpu.vector_store %arg9[%swap3A_462, %swap3A_463], %gather3A_461 {strides = array<i32>} : memref<4x128xf32, #tpu.memory_space<vmem>>, vector<16xf32>,
        %gather3A_465 = tpu.vector_load_idx %arg7[%add3A_460, %broadcast_in_dim3A_3] : memref<512x8xf32, #tpu.memory_space<vmem>>[vector<16xi32>, vector<16xi32>], vector<16xf32>,
        %swap3A_466 = arith.index_cast %shift_right_logical3A_453 : i32 to index
        %swap3A_467 = arith.index_cast %mul3A_457 : i32 to index
        %swap3A_468 = tpu.vector_load %arg10[%swap3A_466, %swap3A_467] {strides = array<i32>} : memref<4x128xf32, #tpu.memory_space<vmem>>, vector<16xf32>,
        tpu.vector_store %arg10[%swap3A_466, %swap3A_467], %gather3A_465 {strides = array<i32>} : memref<4x128xf32, #tpu.memory_space<vmem>>, vector<16xf32>,
        %gather3A_469 = tpu.vector_load_idx %arg7[%add3A_460, %broadcast_in_dim3A_5] : memref<512x8xf32, #tpu.memory_space<vmem>>[vector<16xi32>, vector<16xi32>], vector<16xf32>,
        %swap3A_470 = arith.index_cast %shift_right_logical3A_453 : i32 to index
        %swap3A_471 = arith.index_cast %mul3A_457 : i32 to index
        %swap3A_472 = tpu.vector_load %arg11[%swap3A_470, %swap3A_471] {strides = array<i32>} : memref<4x128xf32, #tpu.memory_space<vmem>>, vector<16xf32>,
        tpu.vector_store %arg11[%swap3A_470, %swap3A_471], %gather3A_469 {strides = array<i32>} : memref<4x128xf32, #tpu.memory_space<vmem>>, vector<16xf32>,
        %gather3A_473 = tpu.vector_load_idx %arg7[%add3A_460, %broadcast_in_dim3A_7] : memref<512x8xf32, #tpu.memory_space<vmem>>[vector<16xi32>, vector<16xi32>], vector<16xf32>,
        %swap3A_474 = arith.index_cast %shift_right_logical3A_453 : i32 to index
        %swap3A_475 = arith.index_cast %mul3A_457 : i32 to index
        %swap3A_476 = tpu.vector_load %arg12[%swap3A_474, %swap3A_475] {strides = array<i32>} : memref<4x128xf32, #tpu.memory_space<vmem>>, vector<16xf32>,
        tpu.vector_store %arg12[%swap3A_474, %swap3A_475], %gather3A_473 {strides = array<i32>} : memref<4x128xf32, #tpu.memory_space<vmem>>, vector<16xf32>,
        %gather3A_477 = tpu.vector_load_idx %arg7[%add3A_460, %broadcast_in_dim3A_9] : memref<512x8xf32, #tpu.memory_space<vmem>>[vector<16xi32>, vector<16xi32>], vector<16xf32>,
        %swap3A_478 = arith.index_cast %shift_right_logical3A_453 : i32 to index
        %swap3A_479 = arith.index_cast %mul3A_457 : i32 to index
        %swap3A_480 = tpu.vector_load %arg13[%swap3A_478, %swap3A_479] {strides = array<i32>} : memref<4x128xf32, #tpu.memory_space<vmem>>, vector<16xf32>,
        tpu.vector_store %arg13[%swap3A_478, %swap3A_479], %gather3A_477 {strides = array<i32>} : memref<4x128xf32, #tpu.memory_space<vmem>>, vector<16xf32>,
        %mul3A_481 = arith.constant 4 : i32
        %mul3A_482 = arith.muli %scan3A_415, %mul3A_481 : i32
        %add3A_483 = arith.constant 2 : i32
        %add3A_484 = arith.addi %mul3A_482, %add3A_483 : i32
        %shift_right_logical3A_485 = arith.constant 3 : i32
        %shift_right_logical3A_486 = arith.shrui %add3A_484, %shift_right_logical3A_485 : i32
        %and3A_487 = arith.constant 7 : i32
        %and3A_488 = arith.andi %add3A_484, %and3A_487 : i32
        %mul3A_489 = arith.constant 16 : i32
        %mul3A_490 = arith.muli %and3A_488, %mul3A_489 : i32
        %add3A_491 = arith.constant 32 : i32
        %add3A_492 = vector.broadcast %add3A_491 : i32 to vector<16xi32>
        %add3A_493 = arith.addi %scan3A_416, %add3A_492 : vector<16xi32>
        %gather3A_494 = tpu.vector_load_idx %arg7[%add3A_493, %broadcast_in_dim3A_1] : memref<512x8xf32, #tpu.memory_space<vmem>>[vector<16xi32>, vector<16xi32>], vector<16xf32>,
        %swap3A_495 = arith.index_cast %shift_right_logical3A_486 : i32 to index
        %swap3A_496 = arith.index_cast %mul3A_490 : i32 to index
        %swap3A_497 = tpu.vector_load %arg9[%swap3A_495, %swap3A_496] {strides = array<i32>} : memref<4x128xf32, #tpu.memory_space<vmem>>, vector<16xf32>,
        tpu.vector_store %arg9[%swap3A_495, %swap3A_496], %gather3A_494 {strides = array<i32>} : memref<4x128xf32, #tpu.memory_space<vmem>>, vector<16xf32>,
        %gather3A_498 = tpu.vector_load_idx %arg7[%add3A_493, %broadcast_in_dim3A_3] : memref<512x8xf32, #tpu.memory_space<vmem>>[vector<16xi32>, vector<16xi32>], vector<16xf32>,
        %swap3A_499 = arith.index_cast %shift_right_logical3A_486 : i32 to index
        %swap3A_500 = arith.index_cast %mul3A_490 : i32 to index
        %swap3A_501 = tpu.vector_load %arg10[%swap3A_499, %swap3A_500] {strides = array<i32>} : memref<4x128xf32, #tpu.memory_space<vmem>>, vector<16xf32>,
        tpu.vector_store %arg10[%swap3A_499, %swap3A_500], %gather3A_498 {strides = array<i32>} : memref<4x128xf32, #tpu.memory_space<vmem>>, vector<16xf32>,
        %gather3A_502 = tpu.vector_load_idx %arg7[%add3A_493, %broadcast_in_dim3A_5] : memref<512x8xf32, #tpu.memory_space<vmem>>[vector<16xi32>, vector<16xi32>], vector<16xf32>,
        %swap3A_503 = arith.index_cast %shift_right_logical3A_486 : i32 to index
        %swap3A_504 = arith.index_cast %mul3A_490 : i32 to index
        %swap3A_505 = tpu.vector_load %arg11[%swap3A_503, %swap3A_504] {strides = array<i32>} : memref<4x128xf32, #tpu.memory_space<vmem>>, vector<16xf32>,
        tpu.vector_store %arg11[%swap3A_503, %swap3A_504], %gather3A_502 {strides = array<i32>} : memref<4x128xf32, #tpu.memory_space<vmem>>, vector<16xf32>,
        %gather3A_506 = tpu.vector_load_idx %arg7[%add3A_493, %broadcast_in_dim3A_7] : memref<512x8xf32, #tpu.memory_space<vmem>>[vector<16xi32>, vector<16xi32>], vector<16xf32>,
        %swap3A_507 = arith.index_cast %shift_right_logical3A_486 : i32 to index
        %swap3A_508 = arith.index_cast %mul3A_490 : i32 to index
        %swap3A_509 = tpu.vector_load %arg12[%swap3A_507, %swap3A_508] {strides = array<i32>} : memref<4x128xf32, #tpu.memory_space<vmem>>, vector<16xf32>,
        tpu.vector_store %arg12[%swap3A_507, %swap3A_508], %gather3A_506 {strides = array<i32>} : memref<4x128xf32, #tpu.memory_space<vmem>>, vector<16xf32>,
        %gather3A_510 = tpu.vector_load_idx %arg7[%add3A_493, %broadcast_in_dim3A_9] : memref<512x8xf32, #tpu.memory_space<vmem>>[vector<16xi32>, vector<16xi32>], vector<16xf32>,
        %swap3A_511 = arith.index_cast %shift_right_logical3A_486 : i32 to index
        %swap3A_512 = arith.index_cast %mul3A_490 : i32 to index
        %swap3A_513 = tpu.vector_load %arg13[%swap3A_511, %swap3A_512] {strides = array<i32>} : memref<4x128xf32, #tpu.memory_space<vmem>>, vector<16xf32>,
        tpu.vector_store %arg13[%swap3A_511, %swap3A_512], %gather3A_510 {strides = array<i32>} : memref<4x128xf32, #tpu.memory_space<vmem>>, vector<16xf32>,
        %mul3A_514 = arith.constant 4 : i32
        %mul3A_515 = arith.muli %scan3A_415, %mul3A_514 : i32
        %add3A_516 = arith.constant 3 : i32
        %add3A_517 = arith.addi %mul3A_515, %add3A_516 : i32
        %shift_right_logical3A_518 = arith.constant 3 : i32
        %shift_right_logical3A_519 = arith.shrui %add3A_517, %shift_right_logical3A_518 : i32
        %and3A_520 = arith.constant 7 : i32
        %and3A_521 = arith.andi %add3A_517, %and3A_520 : i32
        %mul3A_522 = arith.constant 16 : i32
        %mul3A_523 = arith.muli %and3A_521, %mul3A_522 : i32
        %add3A_524 = arith.constant 48 : i32
        %add3A_525 = vector.broadcast %add3A_524 : i32 to vector<16xi32>
        %add3A_526 = arith.addi %scan3A_416, %add3A_525 : vector<16xi32>
        %gather3A_527 = tpu.vector_load_idx %arg7[%add3A_526, %broadcast_in_dim3A_1] : memref<512x8xf32, #tpu.memory_space<vmem>>[vector<16xi32>, vector<16xi32>], vector<16xf32>,
        %swap3A_528 = arith.index_cast %shift_right_logical3A_519 : i32 to index
        %swap3A_529 = arith.index_cast %mul3A_523 : i32 to index
        %swap3A_530 = tpu.vector_load %arg9[%swap3A_528, %swap3A_529] {strides = array<i32>} : memref<4x128xf32, #tpu.memory_space<vmem>>, vector<16xf32>,
        tpu.vector_store %arg9[%swap3A_528, %swap3A_529], %gather3A_527 {strides = array<i32>} : memref<4x128xf32, #tpu.memory_space<vmem>>, vector<16xf32>,
        %gather3A_531 = tpu.vector_load_idx %arg7[%add3A_526, %broadcast_in_dim3A_3] : memref<512x8xf32, #tpu.memory_space<vmem>>[vector<16xi32>, vector<16xi32>], vector<16xf32>,
        %swap3A_532 = arith.index_cast %shift_right_logical3A_519 : i32 to index
        %swap3A_533 = arith.index_cast %mul3A_523 : i32 to index
        %swap3A_534 = tpu.vector_load %arg10[%swap3A_532, %swap3A_533] {strides = array<i32>} : memref<4x128xf32, #tpu.memory_space<vmem>>, vector<16xf32>,
        tpu.vector_store %arg10[%swap3A_532, %swap3A_533], %gather3A_531 {strides = array<i32>} : memref<4x128xf32, #tpu.memory_space<vmem>>, vector<16xf32>,
        %gather3A_535 = tpu.vector_load_idx %arg7[%add3A_526, %broadcast_in_dim3A_5] : memref<512x8xf32, #tpu.memory_space<vmem>>[vector<16xi32>, vector<16xi32>], vector<16xf32>,
        %swap3A_536 = arith.index_cast %shift_right_logical3A_519 : i32 to index
        %swap3A_537 = arith.index_cast %mul3A_523 : i32 to index
        %swap3A_538 = tpu.vector_load %arg11[%swap3A_536, %swap3A_537] {strides = array<i32>} : memref<4x128xf32, #tpu.memory_space<vmem>>, vector<16xf32>,
        tpu.vector_store %arg11[%swap3A_536, %swap3A_537], %gather3A_535 {strides = array<i32>} : memref<4x128xf32, #tpu.memory_space<vmem>>, vector<16xf32>,
        %gather3A_539 = tpu.vector_load_idx %arg7[%add3A_526, %broadcast_in_dim3A_7] : memref<512x8xf32, #tpu.memory_space<vmem>>[vector<16xi32>, vector<16xi32>], vector<16xf32>,
        %swap3A_540 = arith.index_cast %shift_right_logical3A_519 : i32 to index
        %swap3A_541 = arith.index_cast %mul3A_523 : i32 to index
        %swap3A_542 = tpu.vector_load %arg12[%swap3A_540, %swap3A_541] {strides = array<i32>} : memref<4x128xf32, #tpu.memory_space<vmem>>, vector<16xf32>,
        tpu.vector_store %arg12[%swap3A_540, %swap3A_541], %gather3A_539 {strides = array<i32>} : memref<4x128xf32, #tpu.memory_space<vmem>>, vector<16xf32>,
        %gather3A_543 = tpu.vector_load_idx %arg7[%add3A_526, %broadcast_in_dim3A_9] : memref<512x8xf32, #tpu.memory_space<vmem>>[vector<16xi32>, vector<16xi32>], vector<16xf32>,
        %swap3A_544 = arith.index_cast %shift_right_logical3A_519 : i32 to index
        %swap3A_545 = arith.index_cast %mul3A_523 : i32 to index
        %swap3A_546 = tpu.vector_load %arg13[%swap3A_544, %swap3A_545] {strides = array<i32>} : memref<4x128xf32, #tpu.memory_space<vmem>>, vector<16xf32>,
        tpu.vector_store %arg13[%swap3A_544, %swap3A_545], %gather3A_543 {strides = array<i32>} : memref<4x128xf32, #tpu.memory_space<vmem>>, vector<16xf32>,
        %add3A_547 = arith.constant 64 : i32
        %add3A_548 = vector.broadcast %add3A_547 : i32 to vector<16xi32>
        %add3A_549 = arith.addi %scan3A_416, %add3A_548 : vector<16xi32>
        scf.yield %add3A_549 : vector<16xi32>
      }
      %scan3A_250 = arith.constant 8 : i32
      %mul3A_251 = arith.constant 4 : i32
      %mul3A_252 = arith.muli %and3A_240, %mul3A_251 : i32
      %run_scoped3A_253 = arith.constant 0 : i32
      "tpu.region"() ({
        %run_scoped3A_415 = tpu.sem_alloc : memref<!tpu.dma_semaphore, #tpu.memory_space<semaphore_mem>>
        %dma_start3A_416 = arith.constant 0 : i32
        %dma_start3A_417 = tpu.memref_slice %arg4[%run_scoped3A_253, %shift_right_logical3A_242, %mul3A_252, %and3A_244, %dma_start3A_416] : memref<5x25x32x8x128xf32, #tpu.memory_space<hbm>> -> memref<1x1x4x1x128xf32, #tpu.memory_space<hbm>>
        %dma_start3A_418 = tpu.memref_squeeze %dma_start3A_417 : memref<1x1x4x1x128xf32, #tpu.memory_space<hbm>> -> memref<4x128xf32, #tpu.memory_space<hbm>>
        %dma_start3A_419 = arith.constant 0 : i32
        %dma_start3A_420 = tpu.memref_slice %arg4[%run_scoped3A_253, %shift_right_logical3A_242, %mul3A_252, %and3A_244, %dma_start3A_419] : memref<5x25x32x8x128xf32, #tpu.memory_space<hbm>> -> memref<1x1x4x1x128xf32, #tpu.memory_space<hbm>>
        %dma_start3A_421 = tpu.memref_squeeze %dma_start3A_420 : memref<1x1x4x1x128xf32, #tpu.memory_space<hbm>> -> memref<4x128xf32, #tpu.memory_space<hbm>>
        tpu.enqueue_dma source(%arg9 : memref<4x128xf32, #tpu.memory_space<vmem>>) target(%dma_start3A_421 : memref<4x128xf32, #tpu.memory_space<hbm>>) target_semaphore(%run_scoped3A_415 : memref<!tpu.dma_semaphore, #tpu.memory_space<semaphore_mem>>)
        %dma_wait3A_422 = arith.constant 0 : i32
        %dma_wait3A_423 = tpu.memref_slice %arg4[%run_scoped3A_253, %shift_right_logical3A_242, %mul3A_252, %and3A_244, %dma_wait3A_422] : memref<5x25x32x8x128xf32, #tpu.memory_space<hbm>> -> memref<1x1x4x1x128xf32, #tpu.memory_space<hbm>>
        %dma_wait3A_424 = tpu.memref_squeeze %dma_wait3A_423 : memref<1x1x4x1x128xf32, #tpu.memory_space<hbm>> -> memref<4x128xf32, #tpu.memory_space<hbm>>
        %dma_wait3A_425 = arith.constant 0 : i32
        %dma_wait3A_426 = tpu.memref_slice %arg4[%run_scoped3A_253, %shift_right_logical3A_242, %mul3A_252, %and3A_244, %dma_wait3A_425] : memref<5x25x32x8x128xf32, #tpu.memory_space<hbm>> -> memref<1x1x4x1x128xf32, #tpu.memory_space<hbm>>
        %dma_wait3A_427 = tpu.memref_squeeze %dma_wait3A_426 : memref<1x1x4x1x128xf32, #tpu.memory_space<hbm>> -> memref<4x128xf32, #tpu.memory_space<hbm>>
        tpu.wait_dma2 semaphore(%run_scoped3A_415 : memref<!tpu.dma_semaphore, #tpu.memory_space<semaphore_mem>>) src(%arg9 : memref<4x128xf32, #tpu.memory_space<vmem>>) dst(%dma_wait3A_427 : memref<4x128xf32, #tpu.memory_space<hbm>>)
        tpu.yield
      }) : () -> ()
      %mul3A_254 = arith.constant 4 : i32
      %mul3A_255 = arith.muli %and3A_240, %mul3A_254 : i32
      %run_scoped3A_256 = arith.constant 1 : i32
      "tpu.region"() ({
        %run_scoped3A_415 = tpu.sem_alloc : memref<!tpu.dma_semaphore, #tpu.memory_space<semaphore_mem>>
        %dma_start3A_416 = arith.constant 0 : i32
        %dma_start3A_417 = tpu.memref_slice %arg4[%run_scoped3A_256, %shift_right_logical3A_242, %mul3A_255, %and3A_244, %dma_start3A_416] : memref<5x25x32x8x128xf32, #tpu.memory_space<hbm>> -> memref<1x1x4x1x128xf32, #tpu.memory_space<hbm>>
        %dma_start3A_418 = tpu.memref_squeeze %dma_start3A_417 : memref<1x1x4x1x128xf32, #tpu.memory_space<hbm>> -> memref<4x128xf32, #tpu.memory_space<hbm>>
        %dma_start3A_419 = arith.constant 0 : i32
        %dma_start3A_420 = tpu.memref_slice %arg4[%run_scoped3A_256, %shift_right_logical3A_242, %mul3A_255, %and3A_244, %dma_start3A_419] : memref<5x25x32x8x128xf32, #tpu.memory_space<hbm>> -> memref<1x1x4x1x128xf32, #tpu.memory_space<hbm>>
        %dma_start3A_421 = tpu.memref_squeeze %dma_start3A_420 : memref<1x1x4x1x128xf32, #tpu.memory_space<hbm>> -> memref<4x128xf32, #tpu.memory_space<hbm>>
        tpu.enqueue_dma source(%arg10 : memref<4x128xf32, #tpu.memory_space<vmem>>) target(%dma_start3A_421 : memref<4x128xf32, #tpu.memory_space<hbm>>) target_semaphore(%run_scoped3A_415 : memref<!tpu.dma_semaphore, #tpu.memory_space<semaphore_mem>>)
        %dma_wait3A_422 = arith.constant 0 : i32
        %dma_wait3A_423 = tpu.memref_slice %arg4[%run_scoped3A_256, %shift_right_logical3A_242, %mul3A_255, %and3A_244, %dma_wait3A_422] : memref<5x25x32x8x128xf32, #tpu.memory_space<hbm>> -> memref<1x1x4x1x128xf32, #tpu.memory_space<hbm>>
        %dma_wait3A_424 = tpu.memref_squeeze %dma_wait3A_423 : memref<1x1x4x1x128xf32, #tpu.memory_space<hbm>> -> memref<4x128xf32, #tpu.memory_space<hbm>>
        %dma_wait3A_425 = arith.constant 0 : i32
        %dma_wait3A_426 = tpu.memref_slice %arg4[%run_scoped3A_256, %shift_right_logical3A_242, %mul3A_255, %and3A_244, %dma_wait3A_425] : memref<5x25x32x8x128xf32, #tpu.memory_space<hbm>> -> memref<1x1x4x1x128xf32, #tpu.memory_space<hbm>>
        %dma_wait3A_427 = tpu.memref_squeeze %dma_wait3A_426 : memref<1x1x4x1x128xf32, #tpu.memory_space<hbm>> -> memref<4x128xf32, #tpu.memory_space<hbm>>
        tpu.wait_dma2 semaphore(%run_scoped3A_415 : memref<!tpu.dma_semaphore, #tpu.memory_space<semaphore_mem>>) src(%arg10 : memref<4x128xf32, #tpu.memory_space<vmem>>) dst(%dma_wait3A_427 : memref<4x128xf32, #tpu.memory_space<hbm>>)
        tpu.yield
      }) : () -> ()
      %mul3A_257 = arith.constant 4 : i32
      %mul3A_258 = arith.muli %and3A_240, %mul3A_257 : i32
      %run_scoped3A_259 = arith.constant 2 : i32
      "tpu.region"() ({
        %run_scoped3A_415 = tpu.sem_alloc : memref<!tpu.dma_semaphore, #tpu.memory_space<semaphore_mem>>
        %dma_start3A_416 = arith.constant 0 : i32
        %dma_start3A_417 = tpu.memref_slice %arg4[%run_scoped3A_259, %shift_right_logical3A_242, %mul3A_258, %and3A_244, %dma_start3A_416] : memref<5x25x32x8x128xf32, #tpu.memory_space<hbm>> -> memref<1x1x4x1x128xf32, #tpu.memory_space<hbm>>
        %dma_start3A_418 = tpu.memref_squeeze %dma_start3A_417 : memref<1x1x4x1x128xf32, #tpu.memory_space<hbm>> -> memref<4x128xf32, #tpu.memory_space<hbm>>
        %dma_start3A_419 = arith.constant 0 : i32
        %dma_start3A_420 = tpu.memref_slice %arg4[%run_scoped3A_259, %shift_right_logical3A_242, %mul3A_258, %and3A_244, %dma_start3A_419] : memref<5x25x32x8x128xf32, #tpu.memory_space<hbm>> -> memref<1x1x4x1x128xf32, #tpu.memory_space<hbm>>
        %dma_start3A_421 = tpu.memref_squeeze %dma_start3A_420 : memref<1x1x4x1x128xf32, #tpu.memory_space<hbm>> -> memref<4x128xf32, #tpu.memory_space<hbm>>
        tpu.enqueue_dma source(%arg11 : memref<4x128xf32, #tpu.memory_space<vmem>>) target(%dma_start3A_421 : memref<4x128xf32, #tpu.memory_space<hbm>>) target_semaphore(%run_scoped3A_415 : memref<!tpu.dma_semaphore, #tpu.memory_space<semaphore_mem>>)
        %dma_wait3A_422 = arith.constant 0 : i32
        %dma_wait3A_423 = tpu.memref_slice %arg4[%run_scoped3A_259, %shift_right_logical3A_242, %mul3A_258, %and3A_244, %dma_wait3A_422] : memref<5x25x32x8x128xf32, #tpu.memory_space<hbm>> -> memref<1x1x4x1x128xf32, #tpu.memory_space<hbm>>
        %dma_wait3A_424 = tpu.memref_squeeze %dma_wait3A_423 : memref<1x1x4x1x128xf32, #tpu.memory_space<hbm>> -> memref<4x128xf32, #tpu.memory_space<hbm>>
        %dma_wait3A_425 = arith.constant 0 : i32
        %dma_wait3A_426 = tpu.memref_slice %arg4[%run_scoped3A_259, %shift_right_logical3A_242, %mul3A_258, %and3A_244, %dma_wait3A_425] : memref<5x25x32x8x128xf32, #tpu.memory_space<hbm>> -> memref<1x1x4x1x128xf32, #tpu.memory_space<hbm>>
        %dma_wait3A_427 = tpu.memref_squeeze %dma_wait3A_426 : memref<1x1x4x1x128xf32, #tpu.memory_space<hbm>> -> memref<4x128xf32, #tpu.memory_space<hbm>>
        tpu.wait_dma2 semaphore(%run_scoped3A_415 : memref<!tpu.dma_semaphore, #tpu.memory_space<semaphore_mem>>) src(%arg11 : memref<4x128xf32, #tpu.memory_space<vmem>>) dst(%dma_wait3A_427 : memref<4x128xf32, #tpu.memory_space<hbm>>)
        tpu.yield
      }) : () -> ()
      %mul3A_260 = arith.constant 4 : i32
      %mul3A_261 = arith.muli %and3A_240, %mul3A_260 : i32
      %run_scoped3A_262 = arith.constant 3 : i32
      "tpu.region"() ({
        %run_scoped3A_415 = tpu.sem_alloc : memref<!tpu.dma_semaphore, #tpu.memory_space<semaphore_mem>>
        %dma_start3A_416 = arith.constant 0 : i32
        %dma_start3A_417 = tpu.memref_slice %arg4[%run_scoped3A_262, %shift_right_logical3A_242, %mul3A_261, %and3A_244, %dma_start3A_416] : memref<5x25x32x8x128xf32, #tpu.memory_space<hbm>> -> memref<1x1x4x1x128xf32, #tpu.memory_space<hbm>>
        %dma_start3A_418 = tpu.memref_squeeze %dma_start3A_417 : memref<1x1x4x1x128xf32, #tpu.memory_space<hbm>> -> memref<4x128xf32, #tpu.memory_space<hbm>>
        %dma_start3A_419 = arith.constant 0 : i32
        %dma_start3A_420 = tpu.memref_slice %arg4[%run_scoped3A_262, %shift_right_logical3A_242, %mul3A_261, %and3A_244, %dma_start3A_419] : memref<5x25x32x8x128xf32, #tpu.memory_space<hbm>> -> memref<1x1x4x1x128xf32, #tpu.memory_space<hbm>>
        %dma_start3A_421 = tpu.memref_squeeze %dma_start3A_420 : memref<1x1x4x1x128xf32, #tpu.memory_space<hbm>> -> memref<4x128xf32, #tpu.memory_space<hbm>>
        tpu.enqueue_dma source(%arg12 : memref<4x128xf32, #tpu.memory_space<vmem>>) target(%dma_start3A_421 : memref<4x128xf32, #tpu.memory_space<hbm>>) target_semaphore(%run_scoped3A_415 : memref<!tpu.dma_semaphore, #tpu.memory_space<semaphore_mem>>)
        %dma_wait3A_422 = arith.constant 0 : i32
        %dma_wait3A_423 = tpu.memref_slice %arg4[%run_scoped3A_262, %shift_right_logical3A_242, %mul3A_261, %and3A_244, %dma_wait3A_422] : memref<5x25x32x8x128xf32, #tpu.memory_space<hbm>> -> memref<1x1x4x1x128xf32, #tpu.memory_space<hbm>>
        %dma_wait3A_424 = tpu.memref_squeeze %dma_wait3A_423 : memref<1x1x4x1x128xf32, #tpu.memory_space<hbm>> -> memref<4x128xf32, #tpu.memory_space<hbm>>
        %dma_wait3A_425 = arith.constant 0 : i32
        %dma_wait3A_426 = tpu.memref_slice %arg4[%run_scoped3A_262, %shift_right_logical3A_242, %mul3A_261, %and3A_244, %dma_wait3A_425] : memref<5x25x32x8x128xf32, #tpu.memory_space<hbm>> -> memref<1x1x4x1x128xf32, #tpu.memory_space<hbm>>
        %dma_wait3A_427 = tpu.memref_squeeze %dma_wait3A_426 : memref<1x1x4x1x128xf32, #tpu.memory_space<hbm>> -> memref<4x128xf32, #tpu.memory_space<hbm>>
        tpu.wait_dma2 semaphore(%run_scoped3A_415 : memref<!tpu.dma_semaphore, #tpu.memory_space<semaphore_mem>>) src(%arg12 : memref<4x128xf32, #tpu.memory_space<vmem>>) dst(%dma_wait3A_427 : memref<4x128xf32, #tpu.memory_space<hbm>>)
        tpu.yield
      }) : () -> ()
      %mul3A_263 = arith.constant 4 : i32
      %mul3A_264 = arith.muli %and3A_240, %mul3A_263 : i32
      %run_scoped3A_265 = arith.constant 4 : i32
      "tpu.region"() ({
        %run_scoped3A_415 = tpu.sem_alloc : memref<!tpu.dma_semaphore, #tpu.memory_space<semaphore_mem>>
        %dma_start3A_416 = arith.constant 0 : i32
        %dma_start3A_417 = tpu.memref_slice %arg4[%run_scoped3A_265, %shift_right_logical3A_242, %mul3A_264, %and3A_244, %dma_start3A_416] : memref<5x25x32x8x128xf32, #tpu.memory_space<hbm>> -> memref<1x1x4x1x128xf32, #tpu.memory_space<hbm>>
        %dma_start3A_418 = tpu.memref_squeeze %dma_start3A_417 : memref<1x1x4x1x128xf32, #tpu.memory_space<hbm>> -> memref<4x128xf32, #tpu.memory_space<hbm>>
        %dma_start3A_419 = arith.constant 0 : i32
        %dma_start3A_420 = tpu.memref_slice %arg4[%run_scoped3A_265, %shift_right_logical3A_242, %mul3A_264, %and3A_244, %dma_start3A_419] : memref<5x25x32x8x128xf32, #tpu.memory_space<hbm>> -> memref<1x1x4x1x128xf32, #tpu.memory_space<hbm>>
        %dma_start3A_421 = tpu.memref_squeeze %dma_start3A_420 : memref<1x1x4x1x128xf32, #tpu.memory_space<hbm>> -> memref<4x128xf32, #tpu.memory_space<hbm>>
        tpu.enqueue_dma source(%arg13 : memref<4x128xf32, #tpu.memory_space<vmem>>) target(%dma_start3A_421 : memref<4x128xf32, #tpu.memory_space<hbm>>) target_semaphore(%run_scoped3A_415 : memref<!tpu.dma_semaphore, #tpu.memory_space<semaphore_mem>>)
        %dma_wait3A_422 = arith.constant 0 : i32
        %dma_wait3A_423 = tpu.memref_slice %arg4[%run_scoped3A_265, %shift_right_logical3A_242, %mul3A_264, %and3A_244, %dma_wait3A_422] : memref<5x25x32x8x128xf32, #tpu.memory_space<hbm>> -> memref<1x1x4x1x128xf32, #tpu.memory_space<hbm>>
        %dma_wait3A_424 = tpu.memref_squeeze %dma_wait3A_423 : memref<1x1x4x1x128xf32, #tpu.memory_space<hbm>> -> memref<4x128xf32, #tpu.memory_space<hbm>>
        %dma_wait3A_425 = arith.constant 0 : i32
        %dma_wait3A_426 = tpu.memref_slice %arg4[%run_scoped3A_265, %shift_right_logical3A_242, %mul3A_264, %and3A_244, %dma_wait3A_425] : memref<5x25x32x8x128xf32, #tpu.memory_space<hbm>> -> memref<1x1x4x1x128xf32, #tpu.memory_space<hbm>>
        %dma_wait3A_427 = tpu.memref_squeeze %dma_wait3A_426 : memref<1x1x4x1x128xf32, #tpu.memory_space<hbm>> -> memref<4x128xf32, #tpu.memory_space<hbm>>
        tpu.wait_dma2 semaphore(%run_scoped3A_415 : memref<!tpu.dma_semaphore, #tpu.memory_space<semaphore_mem>>) src(%arg13 : memref<4x128xf32, #tpu.memory_space<vmem>>) dst(%dma_wait3A_427 : memref<4x128xf32, #tpu.memory_space<hbm>>)
        tpu.yield
      }) : () -> ()
      %dma_wait3A_266 = arith.constant 0 : i32
      %dma_wait3A_267 = arith.constant 0 : i32
      %dma_wait3A_268 = arith.constant 0 : i32
      %dma_wait3A_269 = tpu.memref_slice %arg3[%dma_wait3A_266, %dma_wait3A_267, %dma_wait3A_268] : memref<200x32x128xi32, #tpu.memory_space<hbm>> -> memref<1x4x128xi32, #tpu.memory_space<hbm>>
      %dma_wait3A_270 = tpu.memref_squeeze %dma_wait3A_269 : memref<1x4x128xi32, #tpu.memory_space<hbm>> -> memref<4x128xi32, #tpu.memory_space<hbm>>
      %dma_wait3A_271 = arith.constant 0 : i32
      %dma_wait3A_272 = arith.constant 0 : i32
      %dma_wait3A_273 = tpu.memref_slice %arg3[%dma_wait3A_266, %dma_wait3A_271, %dma_wait3A_272] : memref<200x32x128xi32, #tpu.memory_space<hbm>> -> memref<1x4x128xi32, #tpu.memory_space<hbm>>
      %dma_wait3A_274 = tpu.memref_squeeze %dma_wait3A_273 : memref<1x4x128xi32, #tpu.memory_space<hbm>> -> memref<4x128xi32, #tpu.memory_space<hbm>>
      tpu.wait_dma2 semaphore(%arg16 : memref<!tpu.dma_semaphore, #tpu.memory_space<semaphore_mem>>) src(%dma_wait3A_274 : memref<4x128xi32, #tpu.memory_space<hbm>>) dst(%arg5 : memref<4x128xi32, #tpu.memory_space<vmem>>)
      %dma_start3A_275 = arith.constant 0 : i32
      %dma_start3A_276 = arith.constant 0 : i32
      %dma_start3A_277 = arith.constant 0 : i32
      %dma_start3A_278 = tpu.memref_slice %arg7[%dma_start3A_276, %dma_start3A_277] : memref<512x8xf32, #tpu.memory_space<vmem>> -> memref<128x8xf32, #tpu.memory_space<vmem>>
      %dma_start3A_279 = arith.constant 0 : i32
      %dma_start3A_280 = tpu.memref_slice %arg5[%dma_start3A_275, %dma_start3A_279] : memref<4x128xi32, #tpu.memory_space<vmem>> -> memref<1x128xi32, #tpu.memory_space<vmem>>
      %dma_start3A_281 = tpu.memref_squeeze %dma_start3A_280 : memref<1x128xi32, #tpu.memory_space<vmem>> -> memref<128xi32, #tpu.memory_space<vmem>>
      %dma_start3A_282 = arith.constant 0 : i32
      %dma_start3A_283 = arith.constant 0 : i32
      %dma_start3A_284 = tpu.memref_slice %arg2[%dma_start3A_282, %dma_start3A_283] : memref<201600x8xf32, #tpu.memory_space<hbm>> -> memref<201600x8xf32, #tpu.memory_space<hbm>>
      tpu.enqueue_indirect_dma source(%dma_start3A_284 : memref<201600x8xf32, #tpu.memory_space<hbm>>) target(%dma_start3A_278 : memref<128x8xf32, #tpu.memory_space<vmem>>) offsets(%dma_start3A_281 : memref<128xi32, #tpu.memory_space<vmem>>) semaphore(%arg14 : memref<!tpu.dma_semaphore, #tpu.memory_space<semaphore_mem>>)
      %dma_start3A_285 = arith.constant 1 : i32
      %dma_start3A_286 = arith.constant 128 : i32
      %dma_start3A_287 = arith.constant 0 : i32
      %dma_start3A_288 = tpu.memref_slice %arg7[%dma_start3A_286, %dma_start3A_287] : memref<512x8xf32, #tpu.memory_space<vmem>> -> memref<128x8xf32, #tpu.memory_space<vmem>>
      %dma_start3A_289 = arith.constant 0 : i32
      %dma_start3A_290 = tpu.memref_slice %arg5[%dma_start3A_285, %dma_start3A_289] : memref<4x128xi32, #tpu.memory_space<vmem>> -> memref<1x128xi32, #tpu.memory_space<vmem>>
      %dma_start3A_291 = tpu.memref_squeeze %dma_start3A_290 : memref<1x128xi32, #tpu.memory_space<vmem>> -> memref<128xi32, #tpu.memory_space<vmem>>
      %dma_start3A_292 = arith.constant 0 : i32
      %dma_start3A_293 = arith.constant 0 : i32
      %dma_start3A_294 = tpu.memref_slice %arg2[%dma_start3A_292, %dma_start3A_293] : memref<201600x8xf32, #tpu.memory_space<hbm>> -> memref<201600x8xf32, #tpu.memory_space<hbm>>
      tpu.enqueue_indirect_dma source(%dma_start3A_294 : memref<201600x8xf32, #tpu.memory_space<hbm>>) target(%dma_start3A_288 : memref<128x8xf32, #tpu.memory_space<vmem>>) offsets(%dma_start3A_291 : memref<128xi32, #tpu.memory_space<vmem>>) semaphore(%arg14 : memref<!tpu.dma_semaphore, #tpu.memory_space<semaphore_mem>>)
      %dma_start3A_295 = arith.constant 2 : i32
      %dma_start3A_296 = arith.constant 256 : i32
      %dma_start3A_297 = arith.constant 0 : i32
      %dma_start3A_298 = tpu.memref_slice %arg7[%dma_start3A_296, %dma_start3A_297] : memref<512x8xf32, #tpu.memory_space<vmem>> -> memref<128x8xf32, #tpu.memory_space<vmem>>
      %dma_start3A_299 = arith.constant 0 : i32
      %dma_start3A_300 = tpu.memref_slice %arg5[%dma_start3A_295, %dma_start3A_299] : memref<4x128xi32, #tpu.memory_space<vmem>> -> memref<1x128xi32, #tpu.memory_space<vmem>>
      %dma_start3A_301 = tpu.memref_squeeze %dma_start3A_300 : memref<1x128xi32, #tpu.memory_space<vmem>> -> memref<128xi32, #tpu.memory_space<vmem>>
      %dma_start3A_302 = arith.constant 0 : i32
      %dma_start3A_303 = arith.constant 0 : i32
      %dma_start3A_304 = tpu.memref_slice %arg2[%dma_start3A_302, %dma_start3A_303] : memref<201600x8xf32, #tpu.memory_space<hbm>> -> memref<201600x8xf32, #tpu.memory_space<hbm>>
      tpu.enqueue_indirect_dma source(%dma_start3A_304 : memref<201600x8xf32, #tpu.memory_space<hbm>>) target(%dma_start3A_298 : memref<128x8xf32, #tpu.memory_space<vmem>>) offsets(%dma_start3A_301 : memref<128xi32, #tpu.memory_space<vmem>>) semaphore(%arg14 : memref<!tpu.dma_semaphore, #tpu.memory_space<semaphore_mem>>)
      %dma_start3A_305 = arith.constant 3 : i32
      %dma_start3A_306 = arith.constant 384 : i32
      %dma_start3A_307 = arith.constant 0 : i32
      %dma_start3A_308 = tpu.memref_slice %arg7[%dma_start3A_306, %dma_start3A_307] : memref<512x8xf32, #tpu.memory_space<vmem>> -> memref<128x8xf32, #tpu.memory_space<vmem>>
      %dma_start3A_309 = arith.constant 0 : i32
      %dma_start3A_310 = tpu.memref_slice %arg5[%dma_start3A_305, %dma_start3A_309] : memref<4x128xi32, #tpu.memory_space<vmem>> -> memref<1x128xi32, #tpu.memory_space<vmem>>
      %dma_start3A_311 = tpu.memref_squeeze %dma_start3A_310 : memref<1x128xi32, #tpu.memory_space<vmem>> -> memref<128xi32, #tpu.memory_space<vmem>>
      %dma_start3A_312 = arith.constant 0 : i32
      %dma_start3A_313 = arith.constant 0 : i32
      %dma_start3A_314 = tpu.memref_slice %arg2[%dma_start3A_312, %dma_start3A_313] : memref<201600x8xf32, #tpu.memory_space<hbm>> -> memref<201600x8xf32, #tpu.memory_space<hbm>>
      tpu.enqueue_indirect_dma source(%dma_start3A_314 : memref<201600x8xf32, #tpu.memory_space<hbm>>) target(%dma_start3A_308 : memref<128x8xf32, #tpu.memory_space<vmem>>) offsets(%dma_start3A_311 : memref<128xi32, #tpu.memory_space<vmem>>) semaphore(%arg14 : memref<!tpu.dma_semaphore, #tpu.memory_space<semaphore_mem>>)
      %dma_wait3A_315 = arith.constant 0 : i32
      %dma_wait3A_316 = arith.constant 0 : i32
      %dma_wait3A_317 = tpu.memref_slice %arg2[%dma_wait3A_315, %dma_wait3A_316] : memref<201600x8xf32, #tpu.memory_space<hbm>> -> memref<512x8xf32, #tpu.memory_space<hbm>>
      %dma_wait3A_318 = arith.constant 0 : i32
      %dma_wait3A_319 = arith.constant 0 : i32
      %dma_wait3A_320 = tpu.memref_slice %arg2[%dma_wait3A_318, %dma_wait3A_319] : memref<201600x8xf32, #tpu.memory_space<hbm>> -> memref<512x8xf32, #tpu.memory_space<hbm>>
      tpu.wait_dma2 semaphore(%arg15 : memref<!tpu.dma_semaphore, #tpu.memory_space<semaphore_mem>>) src(%dma_wait3A_320 : memref<512x8xf32, #tpu.memory_space<hbm>>) dst(%arg8 : memref<512x8xf32, #tpu.memory_space<vmem>>)
      %add3A_321 = arith.constant 3 : i32
      %add3A_322 = arith.addi %add3A_216, %add3A_321 : i32
      %shift_right_logical3A_323 = arith.constant 3 : i32
      %shift_right_logical3A_324 = arith.shrui %add3A_322, %shift_right_logical3A_323 : i32
      %and3A_325 = arith.constant 7 : i32
      %and3A_326 = arith.andi %add3A_322, %and3A_325 : i32
      %mul3A_327 = arith.constant 4 : i32
      %mul3A_328 = arith.muli %and3A_326, %mul3A_327 : i32
      %dma_start3A_329 = arith.constant 0 : i32
      %dma_start3A_330 = tpu.memref_slice %arg3[%shift_right_logical3A_324, %mul3A_328, %dma_start3A_329] : memref<200x32x128xi32, #tpu.memory_space<hbm>> -> memref<1x4x128xi32, #tpu.memory_space<hbm>>
      %dma_start3A_331 = tpu.memref_squeeze %dma_start3A_330 : memref<1x4x128xi32, #tpu.memory_space<hbm>> -> memref<4x128xi32, #tpu.memory_space<hbm>>
      %dma_start3A_332 = arith.constant 0 : i32
      %dma_start3A_333 = tpu.memref_slice %arg3[%shift_right_logical3A_324, %mul3A_328, %dma_start3A_332] : memref<200x32x128xi32, #tpu.memory_space<hbm>> -> memref<1x4x128xi32, #tpu.memory_space<hbm>>
      %dma_start3A_334 = tpu.memref_squeeze %dma_start3A_333 : memref<1x4x128xi32, #tpu.memory_space<hbm>> -> memref<4x128xi32, #tpu.memory_space<hbm>>
      tpu.enqueue_dma source(%dma_start3A_334 : memref<4x128xi32, #tpu.memory_space<hbm>>) target(%arg6 : memref<4x128xi32, #tpu.memory_space<vmem>>) target_semaphore(%arg17 : memref<!tpu.dma_semaphore, #tpu.memory_space<semaphore_mem>>)
      %add3A_335 = arith.constant 1 : i32
      %add3A_336 = arith.addi %add3A_216, %add3A_335 : i32
      %shift_right_logical3A_337 = arith.constant 3 : i32
      %shift_right_logical3A_338 = arith.shrui %add3A_336, %shift_right_logical3A_337 : i32
      %and3A_339 = arith.constant 7 : i32
      %and3A_340 = arith.andi %add3A_336, %and3A_339 : i32
      %shift_right_logical3A_341 = arith.constant 3 : i32
      %shift_right_logical3A_342 = arith.shrui %shift_right_logical3A_338, %shift_right_logical3A_341 : i32
      %and3A_343 = arith.constant 7 : i32
      %and3A_344 = arith.andi %shift_right_logical3A_338, %and3A_343 : i32
      %scan3A_345 = arith.constant 0 : i32
      %scan3A_346 = arith.constant 8 : i32
      %scan3A_347 = arith.addi %scan3A_345, %scan3A_346 : i32
      %scan3A_348 = arith.constant 1 : i32
      %scan3A_349 = scf.for %scan3A_415 = %scan3A_345 to %scan3A_347 step %scan3A_348 iter_args(%scan3A_416 = %iota3A) -> (vector<16xi32>)  : i32 {
        %mul3A_417 = arith.constant 4 : i32
        %mul3A_418 = arith.muli %scan3A_415, %mul3A_417 : i32
        %add3A_419 = arith.constant 0 : i32
        %add3A_420 = arith.addi %mul3A_418, %add3A_419 : i32
        %shift_right_logical3A_421 = arith.constant 3 : i32
        %shift_right_logical3A_422 = arith.shrui %add3A_420, %shift_right_logical3A_421 : i32
        %and3A_423 = arith.constant 7 : i32
        %and3A_424 = arith.andi %add3A_420, %and3A_423 : i32
        %mul3A_425 = arith.constant 16 : i32
        %mul3A_426 = arith.muli %and3A_424, %mul3A_425 : i32
        %add3A_427 = arith.constant 0 : i32
        %add3A_428 = vector.broadcast %add3A_427 : i32 to vector<16xi32>
        %add3A_429 = arith.addi %scan3A_416, %add3A_428 : vector<16xi32>
        %gather3A = tpu.vector_load_idx %arg8[%add3A_429, %broadcast_in_dim3A_1] : memref<512x8xf32, #tpu.memory_space<vmem>>[vector<16xi32>, vector<16xi32>], vector<16xf32>,
        %swap3A = arith.index_cast %shift_right_logical3A_422 : i32 to index
        %swap3A_430 = arith.index_cast %mul3A_426 : i32 to index
        %swap3A_431 = tpu.vector_load %arg9[%swap3A, %swap3A_430] {strides = array<i32>} : memref<4x128xf32, #tpu.memory_space<vmem>>, vector<16xf32>,
        tpu.vector_store %arg9[%swap3A, %swap3A_430], %gather3A {strides = array<i32>} : memref<4x128xf32, #tpu.memory_space<vmem>>, vector<16xf32>,
        %gather3A_432 = tpu.vector_load_idx %arg8[%add3A_429, %broadcast_in_dim3A_3] : memref<512x8xf32, #tpu.memory_space<vmem>>[vector<16xi32>, vector<16xi32>], vector<16xf32>,
        %swap3A_433 = arith.index_cast %shift_right_logical3A_422 : i32 to index
        %swap3A_434 = arith.index_cast %mul3A_426 : i32 to index
        %swap3A_435 = tpu.vector_load %arg10[%swap3A_433, %swap3A_434] {strides = array<i32>} : memref<4x128xf32, #tpu.memory_space<vmem>>, vector<16xf32>,
        tpu.vector_store %arg10[%swap3A_433, %swap3A_434], %gather3A_432 {strides = array<i32>} : memref<4x128xf32, #tpu.memory_space<vmem>>, vector<16xf32>,
        %gather3A_436 = tpu.vector_load_idx %arg8[%add3A_429, %broadcast_in_dim3A_5] : memref<512x8xf32, #tpu.memory_space<vmem>>[vector<16xi32>, vector<16xi32>], vector<16xf32>,
        %swap3A_437 = arith.index_cast %shift_right_logical3A_422 : i32 to index
        %swap3A_438 = arith.index_cast %mul3A_426 : i32 to index
        %swap3A_439 = tpu.vector_load %arg11[%swap3A_437, %swap3A_438] {strides = array<i32>} : memref<4x128xf32, #tpu.memory_space<vmem>>, vector<16xf32>,
        tpu.vector_store %arg11[%swap3A_437, %swap3A_438], %gather3A_436 {strides = array<i32>} : memref<4x128xf32, #tpu.memory_space<vmem>>, vector<16xf32>,
        %gather3A_440 = tpu.vector_load_idx %arg8[%add3A_429, %broadcast_in_dim3A_7] : memref<512x8xf32, #tpu.memory_space<vmem>>[vector<16xi32>, vector<16xi32>], vector<16xf32>,
        %swap3A_441 = arith.index_cast %shift_right_logical3A_422 : i32 to index
        %swap3A_442 = arith.index_cast %mul3A_426 : i32 to index
        %swap3A_443 = tpu.vector_load %arg12[%swap3A_441, %swap3A_442] {strides = array<i32>} : memref<4x128xf32, #tpu.memory_space<vmem>>, vector<16xf32>,
        tpu.vector_store %arg12[%swap3A_441, %swap3A_442], %gather3A_440 {strides = array<i32>} : memref<4x128xf32, #tpu.memory_space<vmem>>, vector<16xf32>,
        %gather3A_444 = tpu.vector_load_idx %arg8[%add3A_429, %broadcast_in_dim3A_9] : memref<512x8xf32, #tpu.memory_space<vmem>>[vector<16xi32>, vector<16xi32>], vector<16xf32>,
        %swap3A_445 = arith.index_cast %shift_right_logical3A_422 : i32 to index
        %swap3A_446 = arith.index_cast %mul3A_426 : i32 to index
        %swap3A_447 = tpu.vector_load %arg13[%swap3A_445, %swap3A_446] {strides = array<i32>} : memref<4x128xf32, #tpu.memory_space<vmem>>, vector<16xf32>,
        tpu.vector_store %arg13[%swap3A_445, %swap3A_446], %gather3A_444 {strides = array<i32>} : memref<4x128xf32, #tpu.memory_space<vmem>>, vector<16xf32>,
        %mul3A_448 = arith.constant 4 : i32
        %mul3A_449 = arith.muli %scan3A_415, %mul3A_448 : i32
        %add3A_450 = arith.constant 1 : i32
        %add3A_451 = arith.addi %mul3A_449, %add3A_450 : i32
        %shift_right_logical3A_452 = arith.constant 3 : i32
        %shift_right_logical3A_453 = arith.shrui %add3A_451, %shift_right_logical3A_452 : i32
        %and3A_454 = arith.constant 7 : i32
        %and3A_455 = arith.andi %add3A_451, %and3A_454 : i32
        %mul3A_456 = arith.constant 16 : i32
        %mul3A_457 = arith.muli %and3A_455, %mul3A_456 : i32
        %add3A_458 = arith.constant 16 : i32
        %add3A_459 = vector.broadcast %add3A_458 : i32 to vector<16xi32>
        %add3A_460 = arith.addi %scan3A_416, %add3A_459 : vector<16xi32>
        %gather3A_461 = tpu.vector_load_idx %arg8[%add3A_460, %broadcast_in_dim3A_1] : memref<512x8xf32, #tpu.memory_space<vmem>>[vector<16xi32>, vector<16xi32>], vector<16xf32>,
        %swap3A_462 = arith.index_cast %shift_right_logical3A_453 : i32 to index
        %swap3A_463 = arith.index_cast %mul3A_457 : i32 to index
        %swap3A_464 = tpu.vector_load %arg9[%swap3A_462, %swap3A_463] {strides = array<i32>} : memref<4x128xf32, #tpu.memory_space<vmem>>, vector<16xf32>,
        tpu.vector_store %arg9[%swap3A_462, %swap3A_463], %gather3A_461 {strides = array<i32>} : memref<4x128xf32, #tpu.memory_space<vmem>>, vector<16xf32>,
        %gather3A_465 = tpu.vector_load_idx %arg8[%add3A_460, %broadcast_in_dim3A_3] : memref<512x8xf32, #tpu.memory_space<vmem>>[vector<16xi32>, vector<16xi32>], vector<16xf32>,
        %swap3A_466 = arith.index_cast %shift_right_logical3A_453 : i32 to index
        %swap3A_467 = arith.index_cast %mul3A_457 : i32 to index
        %swap3A_468 = tpu.vector_load %arg10[%swap3A_466, %swap3A_467] {strides = array<i32>} : memref<4x128xf32, #tpu.memory_space<vmem>>, vector<16xf32>,
        tpu.vector_store %arg10[%swap3A_466, %swap3A_467], %gather3A_465 {strides = array<i32>} : memref<4x128xf32, #tpu.memory_space<vmem>>, vector<16xf32>,
        %gather3A_469 = tpu.vector_load_idx %arg8[%add3A_460, %broadcast_in_dim3A_5] : memref<512x8xf32, #tpu.memory_space<vmem>>[vector<16xi32>, vector<16xi32>], vector<16xf32>,
        %swap3A_470 = arith.index_cast %shift_right_logical3A_453 : i32 to index
        %swap3A_471 = arith.index_cast %mul3A_457 : i32 to index
        %swap3A_472 = tpu.vector_load %arg11[%swap3A_470, %swap3A_471] {strides = array<i32>} : memref<4x128xf32, #tpu.memory_space<vmem>>, vector<16xf32>,
        tpu.vector_store %arg11[%swap3A_470, %swap3A_471], %gather3A_469 {strides = array<i32>} : memref<4x128xf32, #tpu.memory_space<vmem>>, vector<16xf32>,
        %gather3A_473 = tpu.vector_load_idx %arg8[%add3A_460, %broadcast_in_dim3A_7] : memref<512x8xf32, #tpu.memory_space<vmem>>[vector<16xi32>, vector<16xi32>], vector<16xf32>,
        %swap3A_474 = arith.index_cast %shift_right_logical3A_453 : i32 to index
        %swap3A_475 = arith.index_cast %mul3A_457 : i32 to index
        %swap3A_476 = tpu.vector_load %arg12[%swap3A_474, %swap3A_475] {strides = array<i32>} : memref<4x128xf32, #tpu.memory_space<vmem>>, vector<16xf32>,
        tpu.vector_store %arg12[%swap3A_474, %swap3A_475], %gather3A_473 {strides = array<i32>} : memref<4x128xf32, #tpu.memory_space<vmem>>, vector<16xf32>,
        %gather3A_477 = tpu.vector_load_idx %arg8[%add3A_460, %broadcast_in_dim3A_9] : memref<512x8xf32, #tpu.memory_space<vmem>>[vector<16xi32>, vector<16xi32>], vector<16xf32>,
        %swap3A_478 = arith.index_cast %shift_right_logical3A_453 : i32 to index
        %swap3A_479 = arith.index_cast %mul3A_457 : i32 to index
        %swap3A_480 = tpu.vector_load %arg13[%swap3A_478, %swap3A_479] {strides = array<i32>} : memref<4x128xf32, #tpu.memory_space<vmem>>, vector<16xf32>,
        tpu.vector_store %arg13[%swap3A_478, %swap3A_479], %gather3A_477 {strides = array<i32>} : memref<4x128xf32, #tpu.memory_space<vmem>>, vector<16xf32>,
        %mul3A_481 = arith.constant 4 : i32
        %mul3A_482 = arith.muli %scan3A_415, %mul3A_481 : i32
        %add3A_483 = arith.constant 2 : i32
        %add3A_484 = arith.addi %mul3A_482, %add3A_483 : i32
        %shift_right_logical3A_485 = arith.constant 3 : i32
        %shift_right_logical3A_486 = arith.shrui %add3A_484, %shift_right_logical3A_485 : i32
        %and3A_487 = arith.constant 7 : i32
        %and3A_488 = arith.andi %add3A_484, %and3A_487 : i32
        %mul3A_489 = arith.constant 16 : i32
        %mul3A_490 = arith.muli %and3A_488, %mul3A_489 : i32
        %add3A_491 = arith.constant 32 : i32
        %add3A_492 = vector.broadcast %add3A_491 : i32 to vector<16xi32>
        %add3A_493 = arith.addi %scan3A_416, %add3A_492 : vector<16xi32>
        %gather3A_494 = tpu.vector_load_idx %arg8[%add3A_493, %broadcast_in_dim3A_1] : memref<512x8xf32, #tpu.memory_space<vmem>>[vector<16xi32>, vector<16xi32>], vector<16xf32>,
        %swap3A_495 = arith.index_cast %shift_right_logical3A_486 : i32 to index
        %swap3A_496 = arith.index_cast %mul3A_490 : i32 to index
        %swap3A_497 = tpu.vector_load %arg9[%swap3A_495, %swap3A_496] {strides = array<i32>} : memref<4x128xf32, #tpu.memory_space<vmem>>, vector<16xf32>,
        tpu.vector_store %arg9[%swap3A_495, %swap3A_496], %gather3A_494 {strides = array<i32>} : memref<4x128xf32, #tpu.memory_space<vmem>>, vector<16xf32>,
        %gather3A_498 = tpu.vector_load_idx %arg8[%add3A_493, %broadcast_in_dim3A_3] : memref<512x8xf32, #tpu.memory_space<vmem>>[vector<16xi32>, vector<16xi32>], vector<16xf32>,
        %swap3A_499 = arith.index_cast %shift_right_logical3A_486 : i32 to index
        %swap3A_500 = arith.index_cast %mul3A_490 : i32 to index
        %swap3A_501 = tpu.vector_load %arg10[%swap3A_499, %swap3A_500] {strides = array<i32>} : memref<4x128xf32, #tpu.memory_space<vmem>>, vector<16xf32>,
        tpu.vector_store %arg10[%swap3A_499, %swap3A_500], %gather3A_498 {strides = array<i32>} : memref<4x128xf32, #tpu.memory_space<vmem>>, vector<16xf32>,
        %gather3A_502 = tpu.vector_load_idx %arg8[%add3A_493, %broadcast_in_dim3A_5] : memref<512x8xf32, #tpu.memory_space<vmem>>[vector<16xi32>, vector<16xi32>], vector<16xf32>,
        %swap3A_503 = arith.index_cast %shift_right_logical3A_486 : i32 to index
        %swap3A_504 = arith.index_cast %mul3A_490 : i32 to index
        %swap3A_505 = tpu.vector_load %arg11[%swap3A_503, %swap3A_504] {strides = array<i32>} : memref<4x128xf32, #tpu.memory_space<vmem>>, vector<16xf32>,
        tpu.vector_store %arg11[%swap3A_503, %swap3A_504], %gather3A_502 {strides = array<i32>} : memref<4x128xf32, #tpu.memory_space<vmem>>, vector<16xf32>,
        %gather3A_506 = tpu.vector_load_idx %arg8[%add3A_493, %broadcast_in_dim3A_7] : memref<512x8xf32, #tpu.memory_space<vmem>>[vector<16xi32>, vector<16xi32>], vector<16xf32>,
        %swap3A_507 = arith.index_cast %shift_right_logical3A_486 : i32 to index
        %swap3A_508 = arith.index_cast %mul3A_490 : i32 to index
        %swap3A_509 = tpu.vector_load %arg12[%swap3A_507, %swap3A_508] {strides = array<i32>} : memref<4x128xf32, #tpu.memory_space<vmem>>, vector<16xf32>,
        tpu.vector_store %arg12[%swap3A_507, %swap3A_508], %gather3A_506 {strides = array<i32>} : memref<4x128xf32, #tpu.memory_space<vmem>>, vector<16xf32>,
        %gather3A_510 = tpu.vector_load_idx %arg8[%add3A_493, %broadcast_in_dim3A_9] : memref<512x8xf32, #tpu.memory_space<vmem>>[vector<16xi32>, vector<16xi32>], vector<16xf32>,
        %swap3A_511 = arith.index_cast %shift_right_logical3A_486 : i32 to index
        %swap3A_512 = arith.index_cast %mul3A_490 : i32 to index
        %swap3A_513 = tpu.vector_load %arg13[%swap3A_511, %swap3A_512] {strides = array<i32>} : memref<4x128xf32, #tpu.memory_space<vmem>>, vector<16xf32>,
        tpu.vector_store %arg13[%swap3A_511, %swap3A_512], %gather3A_510 {strides = array<i32>} : memref<4x128xf32, #tpu.memory_space<vmem>>, vector<16xf32>,
        %mul3A_514 = arith.constant 4 : i32
        %mul3A_515 = arith.muli %scan3A_415, %mul3A_514 : i32
        %add3A_516 = arith.constant 3 : i32
        %add3A_517 = arith.addi %mul3A_515, %add3A_516 : i32
        %shift_right_logical3A_518 = arith.constant 3 : i32
        %shift_right_logical3A_519 = arith.shrui %add3A_517, %shift_right_logical3A_518 : i32
        %and3A_520 = arith.constant 7 : i32
        %and3A_521 = arith.andi %add3A_517, %and3A_520 : i32
        %mul3A_522 = arith.constant 16 : i32
        %mul3A_523 = arith.muli %and3A_521, %mul3A_522 : i32
        %add3A_524 = arith.constant 48 : i32
        %add3A_525 = vector.broadcast %add3A_524 : i32 to vector<16xi32>
        %add3A_526 = arith.addi %scan3A_416, %add3A_525 : vector<16xi32>
        %gather3A_527 = tpu.vector_load_idx %arg8[%add3A_526, %broadcast_in_dim3A_1] : memref<512x8xf32, #tpu.memory_space<vmem>>[vector<16xi32>, vector<16xi32>], vector<16xf32>,
        %swap3A_528 = arith.index_cast %shift_right_logical3A_519 : i32 to index
        %swap3A_529 = arith.index_cast %mul3A_523 : i32 to index
        %swap3A_530 = tpu.vector_load %arg9[%swap3A_528, %swap3A_529] {strides = array<i32>} : memref<4x128xf32, #tpu.memory_space<vmem>>, vector<16xf32>,
        tpu.vector_store %arg9[%swap3A_528, %swap3A_529], %gather3A_527 {strides = array<i32>} : memref<4x128xf32, #tpu.memory_space<vmem>>, vector<16xf32>,
        %gather3A_531 = tpu.vector_load_idx %arg8[%add3A_526, %broadcast_in_dim3A_3] : memref<512x8xf32, #tpu.memory_space<vmem>>[vector<16xi32>, vector<16xi32>], vector<16xf32>,
        %swap3A_532 = arith.index_cast %shift_right_logical3A_519 : i32 to index
        %swap3A_533 = arith.index_cast %mul3A_523 : i32 to index
        %swap3A_534 = tpu.vector_load %arg10[%swap3A_532, %swap3A_533] {strides = array<i32>} : memref<4x128xf32, #tpu.memory_space<vmem>>, vector<16xf32>,
        tpu.vector_store %arg10[%swap3A_532, %swap3A_533], %gather3A_531 {strides = array<i32>} : memref<4x128xf32, #tpu.memory_space<vmem>>, vector<16xf32>,
        %gather3A_535 = tpu.vector_load_idx %arg8[%add3A_526, %broadcast_in_dim3A_5] : memref<512x8xf32, #tpu.memory_space<vmem>>[vector<16xi32>, vector<16xi32>], vector<16xf32>,
        %swap3A_536 = arith.index_cast %shift_right_logical3A_519 : i32 to index
        %swap3A_537 = arith.index_cast %mul3A_523 : i32 to index
        %swap3A_538 = tpu.vector_load %arg11[%swap3A_536, %swap3A_537] {strides = array<i32>} : memref<4x128xf32, #tpu.memory_space<vmem>>, vector<16xf32>,
        tpu.vector_store %arg11[%swap3A_536, %swap3A_537], %gather3A_535 {strides = array<i32>} : memref<4x128xf32, #tpu.memory_space<vmem>>, vector<16xf32>,
        %gather3A_539 = tpu.vector_load_idx %arg8[%add3A_526, %broadcast_in_dim3A_7] : memref<512x8xf32, #tpu.memory_space<vmem>>[vector<16xi32>, vector<16xi32>], vector<16xf32>,
        %swap3A_540 = arith.index_cast %shift_right_logical3A_519 : i32 to index
        %swap3A_541 = arith.index_cast %mul3A_523 : i32 to index
        %swap3A_542 = tpu.vector_load %arg12[%swap3A_540, %swap3A_541] {strides = array<i32>} : memref<4x128xf32, #tpu.memory_space<vmem>>, vector<16xf32>,
        tpu.vector_store %arg12[%swap3A_540, %swap3A_541], %gather3A_539 {strides = array<i32>} : memref<4x128xf32, #tpu.memory_space<vmem>>, vector<16xf32>,
        %gather3A_543 = tpu.vector_load_idx %arg8[%add3A_526, %broadcast_in_dim3A_9] : memref<512x8xf32, #tpu.memory_space<vmem>>[vector<16xi32>, vector<16xi32>], vector<16xf32>,
        %swap3A_544 = arith.index_cast %shift_right_logical3A_519 : i32 to index
        %swap3A_545 = arith.index_cast %mul3A_523 : i32 to index
        %swap3A_546 = tpu.vector_load %arg13[%swap3A_544, %swap3A_545] {strides = array<i32>} : memref<4x128xf32, #tpu.memory_space<vmem>>, vector<16xf32>,
        tpu.vector_store %arg13[%swap3A_544, %swap3A_545], %gather3A_543 {strides = array<i32>} : memref<4x128xf32, #tpu.memory_space<vmem>>, vector<16xf32>,
        %add3A_547 = arith.constant 64 : i32
        %add3A_548 = vector.broadcast %add3A_547 : i32 to vector<16xi32>
        %add3A_549 = arith.addi %scan3A_416, %add3A_548 : vector<16xi32>
        scf.yield %add3A_549 : vector<16xi32>
      }
      %scan3A_350 = arith.constant 8 : i32
      %mul3A_351 = arith.constant 4 : i32
      %mul3A_352 = arith.muli %and3A_340, %mul3A_351 : i32
      %run_scoped3A_353 = arith.constant 0 : i32
      "tpu.region"() ({
        %run_scoped3A_415 = tpu.sem_alloc : memref<!tpu.dma_semaphore, #tpu.memory_space<semaphore_mem>>
        %dma_start3A_416 = arith.constant 0 : i32
        %dma_start3A_417 = tpu.memref_slice %arg4[%run_scoped3A_353, %shift_right_logical3A_342, %mul3A_352, %and3A_344, %dma_start3A_416] : memref<5x25x32x8x128xf32, #tpu.memory_space<hbm>> -> memref<1x1x4x1x128xf32, #tpu.memory_space<hbm>>
        %dma_start3A_418 = tpu.memref_squeeze %dma_start3A_417 : memref<1x1x4x1x128xf32, #tpu.memory_space<hbm>> -> memref<4x128xf32, #tpu.memory_space<hbm>>
        %dma_start3A_419 = arith.constant 0 : i32
        %dma_start3A_420 = tpu.memref_slice %arg4[%run_scoped3A_353, %shift_right_logical3A_342, %mul3A_352, %and3A_344, %dma_start3A_419] : memref<5x25x32x8x128xf32, #tpu.memory_space<hbm>> -> memref<1x1x4x1x128xf32, #tpu.memory_space<hbm>>
        %dma_start3A_421 = tpu.memref_squeeze %dma_start3A_420 : memref<1x1x4x1x128xf32, #tpu.memory_space<hbm>> -> memref<4x128xf32, #tpu.memory_space<hbm>>
        tpu.enqueue_dma source(%arg9 : memref<4x128xf32, #tpu.memory_space<vmem>>) target(%dma_start3A_421 : memref<4x128xf32, #tpu.memory_space<hbm>>) target_semaphore(%run_scoped3A_415 : memref<!tpu.dma_semaphore, #tpu.memory_space<semaphore_mem>>)
        %dma_wait3A_422 = arith.constant 0 : i32
        %dma_wait3A_423 = tpu.memref_slice %arg4[%run_scoped3A_353, %shift_right_logical3A_342, %mul3A_352, %and3A_344, %dma_wait3A_422] : memref<5x25x32x8x128xf32, #tpu.memory_space<hbm>> -> memref<1x1x4x1x128xf32, #tpu.memory_space<hbm>>
        %dma_wait3A_424 = tpu.memref_squeeze %dma_wait3A_423 : memref<1x1x4x1x128xf32, #tpu.memory_space<hbm>> -> memref<4x128xf32, #tpu.memory_space<hbm>>
        %dma_wait3A_425 = arith.constant 0 : i32
        %dma_wait3A_426 = tpu.memref_slice %arg4[%run_scoped3A_353, %shift_right_logical3A_342, %mul3A_352, %and3A_344, %dma_wait3A_425] : memref<5x25x32x8x128xf32, #tpu.memory_space<hbm>> -> memref<1x1x4x1x128xf32, #tpu.memory_space<hbm>>
        %dma_wait3A_427 = tpu.memref_squeeze %dma_wait3A_426 : memref<1x1x4x1x128xf32, #tpu.memory_space<hbm>> -> memref<4x128xf32, #tpu.memory_space<hbm>>
        tpu.wait_dma2 semaphore(%run_scoped3A_415 : memref<!tpu.dma_semaphore, #tpu.memory_space<semaphore_mem>>) src(%arg9 : memref<4x128xf32, #tpu.memory_space<vmem>>) dst(%dma_wait3A_427 : memref<4x128xf32, #tpu.memory_space<hbm>>)
        tpu.yield
      }) : () -> ()
      %mul3A_354 = arith.constant 4 : i32
      %mul3A_355 = arith.muli %and3A_340, %mul3A_354 : i32
      %run_scoped3A_356 = arith.constant 1 : i32
      "tpu.region"() ({
        %run_scoped3A_415 = tpu.sem_alloc : memref<!tpu.dma_semaphore, #tpu.memory_space<semaphore_mem>>
        %dma_start3A_416 = arith.constant 0 : i32
        %dma_start3A_417 = tpu.memref_slice %arg4[%run_scoped3A_356, %shift_right_logical3A_342, %mul3A_355, %and3A_344, %dma_start3A_416] : memref<5x25x32x8x128xf32, #tpu.memory_space<hbm>> -> memref<1x1x4x1x128xf32, #tpu.memory_space<hbm>>
        %dma_start3A_418 = tpu.memref_squeeze %dma_start3A_417 : memref<1x1x4x1x128xf32, #tpu.memory_space<hbm>> -> memref<4x128xf32, #tpu.memory_space<hbm>>
        %dma_start3A_419 = arith.constant 0 : i32
        %dma_start3A_420 = tpu.memref_slice %arg4[%run_scoped3A_356, %shift_right_logical3A_342, %mul3A_355, %and3A_344, %dma_start3A_419] : memref<5x25x32x8x128xf32, #tpu.memory_space<hbm>> -> memref<1x1x4x1x128xf32, #tpu.memory_space<hbm>>
        %dma_start3A_421 = tpu.memref_squeeze %dma_start3A_420 : memref<1x1x4x1x128xf32, #tpu.memory_space<hbm>> -> memref<4x128xf32, #tpu.memory_space<hbm>>
        tpu.enqueue_dma source(%arg10 : memref<4x128xf32, #tpu.memory_space<vmem>>) target(%dma_start3A_421 : memref<4x128xf32, #tpu.memory_space<hbm>>) target_semaphore(%run_scoped3A_415 : memref<!tpu.dma_semaphore, #tpu.memory_space<semaphore_mem>>)
        %dma_wait3A_422 = arith.constant 0 : i32
        %dma_wait3A_423 = tpu.memref_slice %arg4[%run_scoped3A_356, %shift_right_logical3A_342, %mul3A_355, %and3A_344, %dma_wait3A_422] : memref<5x25x32x8x128xf32, #tpu.memory_space<hbm>> -> memref<1x1x4x1x128xf32, #tpu.memory_space<hbm>>
        %dma_wait3A_424 = tpu.memref_squeeze %dma_wait3A_423 : memref<1x1x4x1x128xf32, #tpu.memory_space<hbm>> -> memref<4x128xf32, #tpu.memory_space<hbm>>
        %dma_wait3A_425 = arith.constant 0 : i32
        %dma_wait3A_426 = tpu.memref_slice %arg4[%run_scoped3A_356, %shift_right_logical3A_342, %mul3A_355, %and3A_344, %dma_wait3A_425] : memref<5x25x32x8x128xf32, #tpu.memory_space<hbm>> -> memref<1x1x4x1x128xf32, #tpu.memory_space<hbm>>
        %dma_wait3A_427 = tpu.memref_squeeze %dma_wait3A_426 : memref<1x1x4x1x128xf32, #tpu.memory_space<hbm>> -> memref<4x128xf32, #tpu.memory_space<hbm>>
        tpu.wait_dma2 semaphore(%run_scoped3A_415 : memref<!tpu.dma_semaphore, #tpu.memory_space<semaphore_mem>>) src(%arg10 : memref<4x128xf32, #tpu.memory_space<vmem>>) dst(%dma_wait3A_427 : memref<4x128xf32, #tpu.memory_space<hbm>>)
        tpu.yield
      }) : () -> ()
      %mul3A_357 = arith.constant 4 : i32
      %mul3A_358 = arith.muli %and3A_340, %mul3A_357 : i32
      %run_scoped3A_359 = arith.constant 2 : i32
      "tpu.region"() ({
        %run_scoped3A_415 = tpu.sem_alloc : memref<!tpu.dma_semaphore, #tpu.memory_space<semaphore_mem>>
        %dma_start3A_416 = arith.constant 0 : i32
        %dma_start3A_417 = tpu.memref_slice %arg4[%run_scoped3A_359, %shift_right_logical3A_342, %mul3A_358, %and3A_344, %dma_start3A_416] : memref<5x25x32x8x128xf32, #tpu.memory_space<hbm>> -> memref<1x1x4x1x128xf32, #tpu.memory_space<hbm>>
        %dma_start3A_418 = tpu.memref_squeeze %dma_start3A_417 : memref<1x1x4x1x128xf32, #tpu.memory_space<hbm>> -> memref<4x128xf32, #tpu.memory_space<hbm>>
        %dma_start3A_419 = arith.constant 0 : i32
        %dma_start3A_420 = tpu.memref_slice %arg4[%run_scoped3A_359, %shift_right_logical3A_342, %mul3A_358, %and3A_344, %dma_start3A_419] : memref<5x25x32x8x128xf32, #tpu.memory_space<hbm>> -> memref<1x1x4x1x128xf32, #tpu.memory_space<hbm>>
        %dma_start3A_421 = tpu.memref_squeeze %dma_start3A_420 : memref<1x1x4x1x128xf32, #tpu.memory_space<hbm>> -> memref<4x128xf32, #tpu.memory_space<hbm>>
        tpu.enqueue_dma source(%arg11 : memref<4x128xf32, #tpu.memory_space<vmem>>) target(%dma_start3A_421 : memref<4x128xf32, #tpu.memory_space<hbm>>) target_semaphore(%run_scoped3A_415 : memref<!tpu.dma_semaphore, #tpu.memory_space<semaphore_mem>>)
        %dma_wait3A_422 = arith.constant 0 : i32
        %dma_wait3A_423 = tpu.memref_slice %arg4[%run_scoped3A_359, %shift_right_logical3A_342, %mul3A_358, %and3A_344, %dma_wait3A_422] : memref<5x25x32x8x128xf32, #tpu.memory_space<hbm>> -> memref<1x1x4x1x128xf32, #tpu.memory_space<hbm>>
        %dma_wait3A_424 = tpu.memref_squeeze %dma_wait3A_423 : memref<1x1x4x1x128xf32, #tpu.memory_space<hbm>> -> memref<4x128xf32, #tpu.memory_space<hbm>>
        %dma_wait3A_425 = arith.constant 0 : i32
        %dma_wait3A_426 = tpu.memref_slice %arg4[%run_scoped3A_359, %shift_right_logical3A_342, %mul3A_358, %and3A_344, %dma_wait3A_425] : memref<5x25x32x8x128xf32, #tpu.memory_space<hbm>> -> memref<1x1x4x1x128xf32, #tpu.memory_space<hbm>>
        %dma_wait3A_427 = tpu.memref_squeeze %dma_wait3A_426 : memref<1x1x4x1x128xf32, #tpu.memory_space<hbm>> -> memref<4x128xf32, #tpu.memory_space<hbm>>
        tpu.wait_dma2 semaphore(%run_scoped3A_415 : memref<!tpu.dma_semaphore, #tpu.memory_space<semaphore_mem>>) src(%arg11 : memref<4x128xf32, #tpu.memory_space<vmem>>) dst(%dma_wait3A_427 : memref<4x128xf32, #tpu.memory_space<hbm>>)
        tpu.yield
      }) : () -> ()
      %mul3A_360 = arith.constant 4 : i32
      %mul3A_361 = arith.muli %and3A_340, %mul3A_360 : i32
      %run_scoped3A_362 = arith.constant 3 : i32
      "tpu.region"() ({
        %run_scoped3A_415 = tpu.sem_alloc : memref<!tpu.dma_semaphore, #tpu.memory_space<semaphore_mem>>
        %dma_start3A_416 = arith.constant 0 : i32
        %dma_start3A_417 = tpu.memref_slice %arg4[%run_scoped3A_362, %shift_right_logical3A_342, %mul3A_361, %and3A_344, %dma_start3A_416] : memref<5x25x32x8x128xf32, #tpu.memory_space<hbm>> -> memref<1x1x4x1x128xf32, #tpu.memory_space<hbm>>
        %dma_start3A_418 = tpu.memref_squeeze %dma_start3A_417 : memref<1x1x4x1x128xf32, #tpu.memory_space<hbm>> -> memref<4x128xf32, #tpu.memory_space<hbm>>
        %dma_start3A_419 = arith.constant 0 : i32
        %dma_start3A_420 = tpu.memref_slice %arg4[%run_scoped3A_362, %shift_right_logical3A_342, %mul3A_361, %and3A_344, %dma_start3A_419] : memref<5x25x32x8x128xf32, #tpu.memory_space<hbm>> -> memref<1x1x4x1x128xf32, #tpu.memory_space<hbm>>
        %dma_start3A_421 = tpu.memref_squeeze %dma_start3A_420 : memref<1x1x4x1x128xf32, #tpu.memory_space<hbm>> -> memref<4x128xf32, #tpu.memory_space<hbm>>
        tpu.enqueue_dma source(%arg12 : memref<4x128xf32, #tpu.memory_space<vmem>>) target(%dma_start3A_421 : memref<4x128xf32, #tpu.memory_space<hbm>>) target_semaphore(%run_scoped3A_415 : memref<!tpu.dma_semaphore, #tpu.memory_space<semaphore_mem>>)
        %dma_wait3A_422 = arith.constant 0 : i32
        %dma_wait3A_423 = tpu.memref_slice %arg4[%run_scoped3A_362, %shift_right_logical3A_342, %mul3A_361, %and3A_344, %dma_wait3A_422] : memref<5x25x32x8x128xf32, #tpu.memory_space<hbm>> -> memref<1x1x4x1x128xf32, #tpu.memory_space<hbm>>
        %dma_wait3A_424 = tpu.memref_squeeze %dma_wait3A_423 : memref<1x1x4x1x128xf32, #tpu.memory_space<hbm>> -> memref<4x128xf32, #tpu.memory_space<hbm>>
        %dma_wait3A_425 = arith.constant 0 : i32
        %dma_wait3A_426 = tpu.memref_slice %arg4[%run_scoped3A_362, %shift_right_logical3A_342, %mul3A_361, %and3A_344, %dma_wait3A_425] : memref<5x25x32x8x128xf32, #tpu.memory_space<hbm>> -> memref<1x1x4x1x128xf32, #tpu.memory_space<hbm>>
        %dma_wait3A_427 = tpu.memref_squeeze %dma_wait3A_426 : memref<1x1x4x1x128xf32, #tpu.memory_space<hbm>> -> memref<4x128xf32, #tpu.memory_space<hbm>>
        tpu.wait_dma2 semaphore(%run_scoped3A_415 : memref<!tpu.dma_semaphore, #tpu.memory_space<semaphore_mem>>) src(%arg12 : memref<4x128xf32, #tpu.memory_space<vmem>>) dst(%dma_wait3A_427 : memref<4x128xf32, #tpu.memory_space<hbm>>)
        tpu.yield
      }) : () -> ()
      %mul3A_363 = arith.constant 4 : i32
      %mul3A_364 = arith.muli %and3A_340, %mul3A_363 : i32
      %run_scoped3A_365 = arith.constant 4 : i32
      "tpu.region"() ({
        %run_scoped3A_415 = tpu.sem_alloc : memref<!tpu.dma_semaphore, #tpu.memory_space<semaphore_mem>>
        %dma_start3A_416 = arith.constant 0 : i32
        %dma_start3A_417 = tpu.memref_slice %arg4[%run_scoped3A_365, %shift_right_logical3A_342, %mul3A_364, %and3A_344, %dma_start3A_416] : memref<5x25x32x8x128xf32, #tpu.memory_space<hbm>> -> memref<1x1x4x1x128xf32, #tpu.memory_space<hbm>>
        %dma_start3A_418 = tpu.memref_squeeze %dma_start3A_417 : memref<1x1x4x1x128xf32, #tpu.memory_space<hbm>> -> memref<4x128xf32, #tpu.memory_space<hbm>>
        %dma_start3A_419 = arith.constant 0 : i32
        %dma_start3A_420 = tpu.memref_slice %arg4[%run_scoped3A_365, %shift_right_logical3A_342, %mul3A_364, %and3A_344, %dma_start3A_419] : memref<5x25x32x8x128xf32, #tpu.memory_space<hbm>> -> memref<1x1x4x1x128xf32, #tpu.memory_space<hbm>>
        %dma_start3A_421 = tpu.memref_squeeze %dma_start3A_420 : memref<1x1x4x1x128xf32, #tpu.memory_space<hbm>> -> memref<4x128xf32, #tpu.memory_space<hbm>>
        tpu.enqueue_dma source(%arg13 : memref<4x128xf32, #tpu.memory_space<vmem>>) target(%dma_start3A_421 : memref<4x128xf32, #tpu.memory_space<hbm>>) target_semaphore(%run_scoped3A_415 : memref<!tpu.dma_semaphore, #tpu.memory_space<semaphore_mem>>)
        %dma_wait3A_422 = arith.constant 0 : i32
        %dma_wait3A_423 = tpu.memref_slice %arg4[%run_scoped3A_365, %shift_right_logical3A_342, %mul3A_364, %and3A_344, %dma_wait3A_422] : memref<5x25x32x8x128xf32, #tpu.memory_space<hbm>> -> memref<1x1x4x1x128xf32, #tpu.memory_space<hbm>>
        %dma_wait3A_424 = tpu.memref_squeeze %dma_wait3A_423 : memref<1x1x4x1x128xf32, #tpu.memory_space<hbm>> -> memref<4x128xf32, #tpu.memory_space<hbm>>
        %dma_wait3A_425 = arith.constant 0 : i32
        %dma_wait3A_426 = tpu.memref_slice %arg4[%run_scoped3A_365, %shift_right_logical3A_342, %mul3A_364, %and3A_344, %dma_wait3A_425] : memref<5x25x32x8x128xf32, #tpu.memory_space<hbm>> -> memref<1x1x4x1x128xf32, #tpu.memory_space<hbm>>
        %dma_wait3A_427 = tpu.memref_squeeze %dma_wait3A_426 : memref<1x1x4x1x128xf32, #tpu.memory_space<hbm>> -> memref<4x128xf32, #tpu.memory_space<hbm>>
        tpu.wait_dma2 semaphore(%run_scoped3A_415 : memref<!tpu.dma_semaphore, #tpu.memory_space<semaphore_mem>>) src(%arg13 : memref<4x128xf32, #tpu.memory_space<vmem>>) dst(%dma_wait3A_427 : memref<4x128xf32, #tpu.memory_space<hbm>>)
        tpu.yield
      }) : () -> ()
      %dma_wait3A_366 = arith.constant 0 : i32
      %dma_wait3A_367 = arith.constant 0 : i32
      %dma_wait3A_368 = arith.constant 0 : i32
      %dma_wait3A_369 = tpu.memref_slice %arg3[%dma_wait3A_366, %dma_wait3A_367, %dma_wait3A_368] : memref<200x32x128xi32, #tpu.memory_space<hbm>> -> memref<1x4x128xi32, #tpu.memory_space<hbm>>
      %dma_wait3A_370 = tpu.memref_squeeze %dma_wait3A_369 : memref<1x4x128xi32, #tpu.memory_space<hbm>> -> memref<4x128xi32, #tpu.memory_space<hbm>>
      %dma_wait3A_371 = arith.constant 0 : i32
      %dma_wait3A_372 = arith.constant 0 : i32
      %dma_wait3A_373 = tpu.memref_slice %arg3[%dma_wait3A_366, %dma_wait3A_371, %dma_wait3A_372] : memref<200x32x128xi32, #tpu.memory_space<hbm>> -> memref<1x4x128xi32, #tpu.memory_space<hbm>>
      %dma_wait3A_374 = tpu.memref_squeeze %dma_wait3A_373 : memref<1x4x128xi32, #tpu.memory_space<hbm>> -> memref<4x128xi32, #tpu.memory_space<hbm>>
      tpu.wait_dma2 semaphore(%arg17 : memref<!tpu.dma_semaphore, #tpu.memory_space<semaphore_mem>>) src(%dma_wait3A_374 : memref<4x128xi32, #tpu.memory_space<hbm>>) dst(%arg6 : memref<4x128xi32, #tpu.memory_space<vmem>>)
      %dma_start3A_375 = arith.constant 0 : i32
      %dma_start3A_376 = arith.constant 0 : i32
      %dma_start3A_377 = arith.constant 0 : i32
      %dma_start3A_378 = tpu.memref_slice %arg8[%dma_start3A_376, %dma_start3A_377] : memref<512x8xf32, #tpu.memory_space<vmem>> -> memref<128x8xf32, #tpu.memory_space<vmem>>
      %dma_start3A_379 = arith.constant 0 : i32
      %dma_start3A_380 = tpu.memref_slice %arg6[%dma_start3A_375, %dma_start3A_379] : memref<4x128xi32, #tpu.memory_space<vmem>> -> memref<1x128xi32, #tpu.memory_space<vmem>>
      %dma_start3A_381 = tpu.memref_squeeze %dma_start3A_380 : memref<1x128xi32, #tpu.memory_space<vmem>> -> memref<128xi32, #tpu.memory_space<vmem>>
      %dma_start3A_382 = arith.constant 0 : i32
      %dma_start3A_383 = arith.constant 0 : i32
      %dma_start3A_384 = tpu.memref_slice %arg2[%dma_start3A_382, %dma_start3A_383] : memref<201600x8xf32, #tpu.memory_space<hbm>> -> memref<201600x8xf32, #tpu.memory_space<hbm>>
      tpu.enqueue_indirect_dma source(%dma_start3A_384 : memref<201600x8xf32, #tpu.memory_space<hbm>>) target(%dma_start3A_378 : memref<128x8xf32, #tpu.memory_space<vmem>>) offsets(%dma_start3A_381 : memref<128xi32, #tpu.memory_space<vmem>>) semaphore(%arg15 : memref<!tpu.dma_semaphore, #tpu.memory_space<semaphore_mem>>)
      %dma_start3A_385 = arith.constant 1 : i32
      %dma_start3A_386 = arith.constant 128 : i32
      %dma_start3A_387 = arith.constant 0 : i32
      %dma_start3A_388 = tpu.memref_slice %arg8[%dma_start3A_386, %dma_start3A_387] : memref<512x8xf32, #tpu.memory_space<vmem>> -> memref<128x8xf32, #tpu.memory_space<vmem>>
      %dma_start3A_389 = arith.constant 0 : i32
      %dma_start3A_390 = tpu.memref_slice %arg6[%dma_start3A_385, %dma_start3A_389] : memref<4x128xi32, #tpu.memory_space<vmem>> -> memref<1x128xi32, #tpu.memory_space<vmem>>
      %dma_start3A_391 = tpu.memref_squeeze %dma_start3A_390 : memref<1x128xi32, #tpu.memory_space<vmem>> -> memref<128xi32, #tpu.memory_space<vmem>>
      %dma_start3A_392 = arith.constant 0 : i32
      %dma_start3A_393 = arith.constant 0 : i32
      %dma_start3A_394 = tpu.memref_slice %arg2[%dma_start3A_392, %dma_start3A_393] : memref<201600x8xf32, #tpu.memory_space<hbm>> -> memref<201600x8xf32, #tpu.memory_space<hbm>>
      tpu.enqueue_indirect_dma source(%dma_start3A_394 : memref<201600x8xf32, #tpu.memory_space<hbm>>) target(%dma_start3A_388 : memref<128x8xf32, #tpu.memory_space<vmem>>) offsets(%dma_start3A_391 : memref<128xi32, #tpu.memory_space<vmem>>) semaphore(%arg15 : memref<!tpu.dma_semaphore, #tpu.memory_space<semaphore_mem>>)
      %dma_start3A_395 = arith.constant 2 : i32
      %dma_start3A_396 = arith.constant 256 : i32
      %dma_start3A_397 = arith.constant 0 : i32
      %dma_start3A_398 = tpu.memref_slice %arg8[%dma_start3A_396, %dma_start3A_397] : memref<512x8xf32, #tpu.memory_space<vmem>> -> memref<128x8xf32, #tpu.memory_space<vmem>>
      %dma_start3A_399 = arith.constant 0 : i32
      %dma_start3A_400 = tpu.memref_slice %arg6[%dma_start3A_395, %dma_start3A_399] : memref<4x128xi32, #tpu.memory_space<vmem>> -> memref<1x128xi32, #tpu.memory_space<vmem>>
      %dma_start3A_401 = tpu.memref_squeeze %dma_start3A_400 : memref<1x128xi32, #tpu.memory_space<vmem>> -> memref<128xi32, #tpu.memory_space<vmem>>
      %dma_start3A_402 = arith.constant 0 : i32
      %dma_start3A_403 = arith.constant 0 : i32
      %dma_start3A_404 = tpu.memref_slice %arg2[%dma_start3A_402, %dma_start3A_403] : memref<201600x8xf32, #tpu.memory_space<hbm>> -> memref<201600x8xf32, #tpu.memory_space<hbm>>
      tpu.enqueue_indirect_dma source(%dma_start3A_404 : memref<201600x8xf32, #tpu.memory_space<hbm>>) target(%dma_start3A_398 : memref<128x8xf32, #tpu.memory_space<vmem>>) offsets(%dma_start3A_401 : memref<128xi32, #tpu.memory_space<vmem>>) semaphore(%arg15 : memref<!tpu.dma_semaphore, #tpu.memory_space<semaphore_mem>>)
      %dma_start3A_405 = arith.constant 3 : i32
      %dma_start3A_406 = arith.constant 384 : i32
      %dma_start3A_407 = arith.constant 0 : i32
      %dma_start3A_408 = tpu.memref_slice %arg8[%dma_start3A_406, %dma_start3A_407] : memref<512x8xf32, #tpu.memory_space<vmem>> -> memref<128x8xf32, #tpu.memory_space<vmem>>
      %dma_start3A_409 = arith.constant 0 : i32
      %dma_start3A_410 = tpu.memref_slice %arg6[%dma_start3A_405, %dma_start3A_409] : memref<4x128xi32, #tpu.memory_space<vmem>> -> memref<1x128xi32, #tpu.memory_space<vmem>>
      %dma_start3A_411 = tpu.memref_squeeze %dma_start3A_410 : memref<1x128xi32, #tpu.memory_space<vmem>> -> memref<128xi32, #tpu.memory_space<vmem>>
      %dma_start3A_412 = arith.constant 0 : i32
      %dma_start3A_413 = arith.constant 0 : i32
      %dma_start3A_414 = tpu.memref_slice %arg2[%dma_start3A_412, %dma_start3A_413] : memref<201600x8xf32, #tpu.memory_space<hbm>> -> memref<201600x8xf32, #tpu.memory_space<hbm>>
      tpu.enqueue_indirect_dma source(%dma_start3A_414 : memref<201600x8xf32, #tpu.memory_space<hbm>>) target(%dma_start3A_408 : memref<128x8xf32, #tpu.memory_space<vmem>>) offsets(%dma_start3A_411 : memref<128xi32, #tpu.memory_space<vmem>>) semaphore(%arg15 : memref<!tpu.dma_semaphore, #tpu.memory_space<semaphore_mem>>)
    }
    %scan3A_136 = arith.constant 24 : i32
    %dma_wait3A_137 = arith.constant 0 : i32
    %dma_wait3A_138 = arith.constant 0 : i32
    %dma_wait3A_139 = tpu.memref_slice %arg2[%dma_wait3A_137, %dma_wait3A_138] : memref<201600x8xf32, #tpu.memory_space<hbm>> -> memref<512x8xf32, #tpu.memory_space<hbm>>
    %dma_wait3A_140 = arith.constant 0 : i32
    %dma_wait3A_141 = arith.constant 0 : i32
    %dma_wait3A_142 = tpu.memref_slice %arg2[%dma_wait3A_140, %dma_wait3A_141] : memref<201600x8xf32, #tpu.memory_space<hbm>> -> memref<512x8xf32, #tpu.memory_space<hbm>>
    tpu.wait_dma2 semaphore(%arg14 : memref<!tpu.dma_semaphore, #tpu.memory_space<semaphore_mem>>) src(%dma_wait3A_142 : memref<512x8xf32, #tpu.memory_space<hbm>>) dst(%arg7 : memref<512x8xf32, #tpu.memory_space<vmem>>)
    %add3A_143 = arith.constant 50 : i32
    %add3A_144 = arith.addi %mul3A_11, %add3A_143 : i32
    %sub3A = arith.constant 2 : i32
    %sub3A_145 = arith.subi %add3A_144, %sub3A : i32
    %shift_right_logical3A_146 = arith.constant 3 : i32
    %shift_right_logical3A_147 = arith.shrui %sub3A_145, %shift_right_logical3A_146 : i32
    %and3A_148 = arith.constant 7 : i32
    %and3A_149 = arith.andi %sub3A_145, %and3A_148 : i32
    %shift_right_logical3A_150 = arith.constant 3 : i32
    %shift_right_logical3A_151 = arith.shrui %shift_right_logical3A_147, %shift_right_logical3A_150 : i32
    %and3A_152 = arith.constant 7 : i32
    %and3A_153 = arith.andi %shift_right_logical3A_147, %and3A_152 : i32
    %scan3A_154 = arith.constant 0 : i32
    %scan3A_155 = arith.constant 8 : i32
    %scan3A_156 = arith.addi %scan3A_154, %scan3A_155 : i32
    %scan3A_157 = arith.constant 1 : i32
    %scan3A_158 = scf.for %scan3A_213 = %scan3A_154 to %scan3A_156 step %scan3A_157 iter_args(%scan3A_214 = %iota3A) -> (vector<16xi32>)  : i32 {
      %mul3A_215 = arith.constant 4 : i32
      %mul3A_216 = arith.muli %scan3A_213, %mul3A_215 : i32
      %add3A_217 = arith.constant 0 : i32
      %add3A_218 = arith.addi %mul3A_216, %add3A_217 : i32
      %shift_right_logical3A_219 = arith.constant 3 : i32
      %shift_right_logical3A_220 = arith.shrui %add3A_218, %shift_right_logical3A_219 : i32
      %and3A_221 = arith.constant 7 : i32
      %and3A_222 = arith.andi %add3A_218, %and3A_221 : i32
      %mul3A_223 = arith.constant 16 : i32
      %mul3A_224 = arith.muli %and3A_222, %mul3A_223 : i32
      %add3A_225 = arith.constant 0 : i32
      %add3A_226 = vector.broadcast %add3A_225 : i32 to vector<16xi32>
      %add3A_227 = arith.addi %scan3A_214, %add3A_226 : vector<16xi32>
      %gather3A = tpu.vector_load_idx %arg7[%add3A_227, %broadcast_in_dim3A_1] : memref<512x8xf32, #tpu.memory_space<vmem>>[vector<16xi32>, vector<16xi32>], vector<16xf32>,
      %swap3A = arith.index_cast %shift_right_logical3A_220 : i32 to index
      %swap3A_228 = arith.index_cast %mul3A_224 : i32 to index
      %swap3A_229 = tpu.vector_load %arg9[%swap3A, %swap3A_228] {strides = array<i32>} : memref<4x128xf32, #tpu.memory_space<vmem>>, vector<16xf32>,
      tpu.vector_store %arg9[%swap3A, %swap3A_228], %gather3A {strides = array<i32>} : memref<4x128xf32, #tpu.memory_space<vmem>>, vector<16xf32>,
      %gather3A_230 = tpu.vector_load_idx %arg7[%add3A_227, %broadcast_in_dim3A_3] : memref<512x8xf32, #tpu.memory_space<vmem>>[vector<16xi32>, vector<16xi32>], vector<16xf32>,
      %swap3A_231 = arith.index_cast %shift_right_logical3A_220 : i32 to index
      %swap3A_232 = arith.index_cast %mul3A_224 : i32 to index
      %swap3A_233 = tpu.vector_load %arg10[%swap3A_231, %swap3A_232] {strides = array<i32>} : memref<4x128xf32, #tpu.memory_space<vmem>>, vector<16xf32>,
      tpu.vector_store %arg10[%swap3A_231, %swap3A_232], %gather3A_230 {strides = array<i32>} : memref<4x128xf32, #tpu.memory_space<vmem>>, vector<16xf32>,
      %gather3A_234 = tpu.vector_load_idx %arg7[%add3A_227, %broadcast_in_dim3A_5] : memref<512x8xf32, #tpu.memory_space<vmem>>[vector<16xi32>, vector<16xi32>], vector<16xf32>,
      %swap3A_235 = arith.index_cast %shift_right_logical3A_220 : i32 to index
      %swap3A_236 = arith.index_cast %mul3A_224 : i32 to index
      %swap3A_237 = tpu.vector_load %arg11[%swap3A_235, %swap3A_236] {strides = array<i32>} : memref<4x128xf32, #tpu.memory_space<vmem>>, vector<16xf32>,
      tpu.vector_store %arg11[%swap3A_235, %swap3A_236], %gather3A_234 {strides = array<i32>} : memref<4x128xf32, #tpu.memory_space<vmem>>, vector<16xf32>,
      %gather3A_238 = tpu.vector_load_idx %arg7[%add3A_227, %broadcast_in_dim3A_7] : memref<512x8xf32, #tpu.memory_space<vmem>>[vector<16xi32>, vector<16xi32>], vector<16xf32>,
      %swap3A_239 = arith.index_cast %shift_right_logical3A_220 : i32 to index
      %swap3A_240 = arith.index_cast %mul3A_224 : i32 to index
      %swap3A_241 = tpu.vector_load %arg12[%swap3A_239, %swap3A_240] {strides = array<i32>} : memref<4x128xf32, #tpu.memory_space<vmem>>, vector<16xf32>,
      tpu.vector_store %arg12[%swap3A_239, %swap3A_240], %gather3A_238 {strides = array<i32>} : memref<4x128xf32, #tpu.memory_space<vmem>>, vector<16xf32>,
      %gather3A_242 = tpu.vector_load_idx %arg7[%add3A_227, %broadcast_in_dim3A_9] : memref<512x8xf32, #tpu.memory_space<vmem>>[vector<16xi32>, vector<16xi32>], vector<16xf32>,
      %swap3A_243 = arith.index_cast %shift_right_logical3A_220 : i32 to index
      %swap3A_244 = arith.index_cast %mul3A_224 : i32 to index
      %swap3A_245 = tpu.vector_load %arg13[%swap3A_243, %swap3A_244] {strides = array<i32>} : memref<4x128xf32, #tpu.memory_space<vmem>>, vector<16xf32>,
      tpu.vector_store %arg13[%swap3A_243, %swap3A_244], %gather3A_242 {strides = array<i32>} : memref<4x128xf32, #tpu.memory_space<vmem>>, vector<16xf32>,
      %mul3A_246 = arith.constant 4 : i32
      %mul3A_247 = arith.muli %scan3A_213, %mul3A_246 : i32
      %add3A_248 = arith.constant 1 : i32
      %add3A_249 = arith.addi %mul3A_247, %add3A_248 : i32
      %shift_right_logical3A_250 = arith.constant 3 : i32
      %shift_right_logical3A_251 = arith.shrui %add3A_249, %shift_right_logical3A_250 : i32
      %and3A_252 = arith.constant 7 : i32
      %and3A_253 = arith.andi %add3A_249, %and3A_252 : i32
      %mul3A_254 = arith.constant 16 : i32
      %mul3A_255 = arith.muli %and3A_253, %mul3A_254 : i32
      %add3A_256 = arith.constant 16 : i32
      %add3A_257 = vector.broadcast %add3A_256 : i32 to vector<16xi32>
      %add3A_258 = arith.addi %scan3A_214, %add3A_257 : vector<16xi32>
      %gather3A_259 = tpu.vector_load_idx %arg7[%add3A_258, %broadcast_in_dim3A_1] : memref<512x8xf32, #tpu.memory_space<vmem>>[vector<16xi32>, vector<16xi32>], vector<16xf32>,
      %swap3A_260 = arith.index_cast %shift_right_logical3A_251 : i32 to index
      %swap3A_261 = arith.index_cast %mul3A_255 : i32 to index
      %swap3A_262 = tpu.vector_load %arg9[%swap3A_260, %swap3A_261] {strides = array<i32>} : memref<4x128xf32, #tpu.memory_space<vmem>>, vector<16xf32>,
      tpu.vector_store %arg9[%swap3A_260, %swap3A_261], %gather3A_259 {strides = array<i32>} : memref<4x128xf32, #tpu.memory_space<vmem>>, vector<16xf32>,
      %gather3A_263 = tpu.vector_load_idx %arg7[%add3A_258, %broadcast_in_dim3A_3] : memref<512x8xf32, #tpu.memory_space<vmem>>[vector<16xi32>, vector<16xi32>], vector<16xf32>,
      %swap3A_264 = arith.index_cast %shift_right_logical3A_251 : i32 to index
      %swap3A_265 = arith.index_cast %mul3A_255 : i32 to index
      %swap3A_266 = tpu.vector_load %arg10[%swap3A_264, %swap3A_265] {strides = array<i32>} : memref<4x128xf32, #tpu.memory_space<vmem>>, vector<16xf32>,
      tpu.vector_store %arg10[%swap3A_264, %swap3A_265], %gather3A_263 {strides = array<i32>} : memref<4x128xf32, #tpu.memory_space<vmem>>, vector<16xf32>,
      %gather3A_267 = tpu.vector_load_idx %arg7[%add3A_258, %broadcast_in_dim3A_5] : memref<512x8xf32, #tpu.memory_space<vmem>>[vector<16xi32>, vector<16xi32>], vector<16xf32>,
      %swap3A_268 = arith.index_cast %shift_right_logical3A_251 : i32 to index
      %swap3A_269 = arith.index_cast %mul3A_255 : i32 to index
      %swap3A_270 = tpu.vector_load %arg11[%swap3A_268, %swap3A_269] {strides = array<i32>} : memref<4x128xf32, #tpu.memory_space<vmem>>, vector<16xf32>,
      tpu.vector_store %arg11[%swap3A_268, %swap3A_269], %gather3A_267 {strides = array<i32>} : memref<4x128xf32, #tpu.memory_space<vmem>>, vector<16xf32>,
      %gather3A_271 = tpu.vector_load_idx %arg7[%add3A_258, %broadcast_in_dim3A_7] : memref<512x8xf32, #tpu.memory_space<vmem>>[vector<16xi32>, vector<16xi32>], vector<16xf32>,
      %swap3A_272 = arith.index_cast %shift_right_logical3A_251 : i32 to index
      %swap3A_273 = arith.index_cast %mul3A_255 : i32 to index
      %swap3A_274 = tpu.vector_load %arg12[%swap3A_272, %swap3A_273] {strides = array<i32>} : memref<4x128xf32, #tpu.memory_space<vmem>>, vector<16xf32>,
      tpu.vector_store %arg12[%swap3A_272, %swap3A_273], %gather3A_271 {strides = array<i32>} : memref<4x128xf32, #tpu.memory_space<vmem>>, vector<16xf32>,
      %gather3A_275 = tpu.vector_load_idx %arg7[%add3A_258, %broadcast_in_dim3A_9] : memref<512x8xf32, #tpu.memory_space<vmem>>[vector<16xi32>, vector<16xi32>], vector<16xf32>,
      %swap3A_276 = arith.index_cast %shift_right_logical3A_251 : i32 to index
      %swap3A_277 = arith.index_cast %mul3A_255 : i32 to index
      %swap3A_278 = tpu.vector_load %arg13[%swap3A_276, %swap3A_277] {strides = array<i32>} : memref<4x128xf32, #tpu.memory_space<vmem>>, vector<16xf32>,
      tpu.vector_store %arg13[%swap3A_276, %swap3A_277], %gather3A_275 {strides = array<i32>} : memref<4x128xf32, #tpu.memory_space<vmem>>, vector<16xf32>,
      %mul3A_279 = arith.constant 4 : i32
      %mul3A_280 = arith.muli %scan3A_213, %mul3A_279 : i32
      %add3A_281 = arith.constant 2 : i32
      %add3A_282 = arith.addi %mul3A_280, %add3A_281 : i32
      %shift_right_logical3A_283 = arith.constant 3 : i32
      %shift_right_logical3A_284 = arith.shrui %add3A_282, %shift_right_logical3A_283 : i32
      %and3A_285 = arith.constant 7 : i32
      %and3A_286 = arith.andi %add3A_282, %and3A_285 : i32
      %mul3A_287 = arith.constant 16 : i32
      %mul3A_288 = arith.muli %and3A_286, %mul3A_287 : i32
      %add3A_289 = arith.constant 32 : i32
      %add3A_290 = vector.broadcast %add3A_289 : i32 to vector<16xi32>
      %add3A_291 = arith.addi %scan3A_214, %add3A_290 : vector<16xi32>
      %gather3A_292 = tpu.vector_load_idx %arg7[%add3A_291, %broadcast_in_dim3A_1] : memref<512x8xf32, #tpu.memory_space<vmem>>[vector<16xi32>, vector<16xi32>], vector<16xf32>,
      %swap3A_293 = arith.index_cast %shift_right_logical3A_284 : i32 to index
      %swap3A_294 = arith.index_cast %mul3A_288 : i32 to index
      %swap3A_295 = tpu.vector_load %arg9[%swap3A_293, %swap3A_294] {strides = array<i32>} : memref<4x128xf32, #tpu.memory_space<vmem>>, vector<16xf32>,
      tpu.vector_store %arg9[%swap3A_293, %swap3A_294], %gather3A_292 {strides = array<i32>} : memref<4x128xf32, #tpu.memory_space<vmem>>, vector<16xf32>,
      %gather3A_296 = tpu.vector_load_idx %arg7[%add3A_291, %broadcast_in_dim3A_3] : memref<512x8xf32, #tpu.memory_space<vmem>>[vector<16xi32>, vector<16xi32>], vector<16xf32>,
      %swap3A_297 = arith.index_cast %shift_right_logical3A_284 : i32 to index
      %swap3A_298 = arith.index_cast %mul3A_288 : i32 to index
      %swap3A_299 = tpu.vector_load %arg10[%swap3A_297, %swap3A_298] {strides = array<i32>} : memref<4x128xf32, #tpu.memory_space<vmem>>, vector<16xf32>,
      tpu.vector_store %arg10[%swap3A_297, %swap3A_298], %gather3A_296 {strides = array<i32>} : memref<4x128xf32, #tpu.memory_space<vmem>>, vector<16xf32>,
      %gather3A_300 = tpu.vector_load_idx %arg7[%add3A_291, %broadcast_in_dim3A_5] : memref<512x8xf32, #tpu.memory_space<vmem>>[vector<16xi32>, vector<16xi32>], vector<16xf32>,
      %swap3A_301 = arith.index_cast %shift_right_logical3A_284 : i32 to index
      %swap3A_302 = arith.index_cast %mul3A_288 : i32 to index
      %swap3A_303 = tpu.vector_load %arg11[%swap3A_301, %swap3A_302] {strides = array<i32>} : memref<4x128xf32, #tpu.memory_space<vmem>>, vector<16xf32>,
      tpu.vector_store %arg11[%swap3A_301, %swap3A_302], %gather3A_300 {strides = array<i32>} : memref<4x128xf32, #tpu.memory_space<vmem>>, vector<16xf32>,
      %gather3A_304 = tpu.vector_load_idx %arg7[%add3A_291, %broadcast_in_dim3A_7] : memref<512x8xf32, #tpu.memory_space<vmem>>[vector<16xi32>, vector<16xi32>], vector<16xf32>,
      %swap3A_305 = arith.index_cast %shift_right_logical3A_284 : i32 to index
      %swap3A_306 = arith.index_cast %mul3A_288 : i32 to index
      %swap3A_307 = tpu.vector_load %arg12[%swap3A_305, %swap3A_306] {strides = array<i32>} : memref<4x128xf32, #tpu.memory_space<vmem>>, vector<16xf32>,
      tpu.vector_store %arg12[%swap3A_305, %swap3A_306], %gather3A_304 {strides = array<i32>} : memref<4x128xf32, #tpu.memory_space<vmem>>, vector<16xf32>,
      %gather3A_308 = tpu.vector_load_idx %arg7[%add3A_291, %broadcast_in_dim3A_9] : memref<512x8xf32, #tpu.memory_space<vmem>>[vector<16xi32>, vector<16xi32>], vector<16xf32>,
      %swap3A_309 = arith.index_cast %shift_right_logical3A_284 : i32 to index
      %swap3A_310 = arith.index_cast %mul3A_288 : i32 to index
      %swap3A_311 = tpu.vector_load %arg13[%swap3A_309, %swap3A_310] {strides = array<i32>} : memref<4x128xf32, #tpu.memory_space<vmem>>, vector<16xf32>,
      tpu.vector_store %arg13[%swap3A_309, %swap3A_310], %gather3A_308 {strides = array<i32>} : memref<4x128xf32, #tpu.memory_space<vmem>>, vector<16xf32>,
      %mul3A_312 = arith.constant 4 : i32
      %mul3A_313 = arith.muli %scan3A_213, %mul3A_312 : i32
      %add3A_314 = arith.constant 3 : i32
      %add3A_315 = arith.addi %mul3A_313, %add3A_314 : i32
      %shift_right_logical3A_316 = arith.constant 3 : i32
      %shift_right_logical3A_317 = arith.shrui %add3A_315, %shift_right_logical3A_316 : i32
      %and3A_318 = arith.constant 7 : i32
      %and3A_319 = arith.andi %add3A_315, %and3A_318 : i32
      %mul3A_320 = arith.constant 16 : i32
      %mul3A_321 = arith.muli %and3A_319, %mul3A_320 : i32
      %add3A_322 = arith.constant 48 : i32
      %add3A_323 = vector.broadcast %add3A_322 : i32 to vector<16xi32>
      %add3A_324 = arith.addi %scan3A_214, %add3A_323 : vector<16xi32>
      %gather3A_325 = tpu.vector_load_idx %arg7[%add3A_324, %broadcast_in_dim3A_1] : memref<512x8xf32, #tpu.memory_space<vmem>>[vector<16xi32>, vector<16xi32>], vector<16xf32>,
      %swap3A_326 = arith.index_cast %shift_right_logical3A_317 : i32 to index
      %swap3A_327 = arith.index_cast %mul3A_321 : i32 to index
      %swap3A_328 = tpu.vector_load %arg9[%swap3A_326, %swap3A_327] {strides = array<i32>} : memref<4x128xf32, #tpu.memory_space<vmem>>, vector<16xf32>,
      tpu.vector_store %arg9[%swap3A_326, %swap3A_327], %gather3A_325 {strides = array<i32>} : memref<4x128xf32, #tpu.memory_space<vmem>>, vector<16xf32>,
      %gather3A_329 = tpu.vector_load_idx %arg7[%add3A_324, %broadcast_in_dim3A_3] : memref<512x8xf32, #tpu.memory_space<vmem>>[vector<16xi32>, vector<16xi32>], vector<16xf32>,
      %swap3A_330 = arith.index_cast %shift_right_logical3A_317 : i32 to index
      %swap3A_331 = arith.index_cast %mul3A_321 : i32 to index
      %swap3A_332 = tpu.vector_load %arg10[%swap3A_330, %swap3A_331] {strides = array<i32>} : memref<4x128xf32, #tpu.memory_space<vmem>>, vector<16xf32>,
      tpu.vector_store %arg10[%swap3A_330, %swap3A_331], %gather3A_329 {strides = array<i32>} : memref<4x128xf32, #tpu.memory_space<vmem>>, vector<16xf32>,
      %gather3A_333 = tpu.vector_load_idx %arg7[%add3A_324, %broadcast_in_dim3A_5] : memref<512x8xf32, #tpu.memory_space<vmem>>[vector<16xi32>, vector<16xi32>], vector<16xf32>,
      %swap3A_334 = arith.index_cast %shift_right_logical3A_317 : i32 to index
      %swap3A_335 = arith.index_cast %mul3A_321 : i32 to index
      %swap3A_336 = tpu.vector_load %arg11[%swap3A_334, %swap3A_335] {strides = array<i32>} : memref<4x128xf32, #tpu.memory_space<vmem>>, vector<16xf32>,
      tpu.vector_store %arg11[%swap3A_334, %swap3A_335], %gather3A_333 {strides = array<i32>} : memref<4x128xf32, #tpu.memory_space<vmem>>, vector<16xf32>,
      %gather3A_337 = tpu.vector_load_idx %arg7[%add3A_324, %broadcast_in_dim3A_7] : memref<512x8xf32, #tpu.memory_space<vmem>>[vector<16xi32>, vector<16xi32>], vector<16xf32>,
      %swap3A_338 = arith.index_cast %shift_right_logical3A_317 : i32 to index
      %swap3A_339 = arith.index_cast %mul3A_321 : i32 to index
      %swap3A_340 = tpu.vector_load %arg12[%swap3A_338, %swap3A_339] {strides = array<i32>} : memref<4x128xf32, #tpu.memory_space<vmem>>, vector<16xf32>,
      tpu.vector_store %arg12[%swap3A_338, %swap3A_339], %gather3A_337 {strides = array<i32>} : memref<4x128xf32, #tpu.memory_space<vmem>>, vector<16xf32>,
      %gather3A_341 = tpu.vector_load_idx %arg7[%add3A_324, %broadcast_in_dim3A_9] : memref<512x8xf32, #tpu.memory_space<vmem>>[vector<16xi32>, vector<16xi32>], vector<16xf32>,
      %swap3A_342 = arith.index_cast %shift_right_logical3A_317 : i32 to index
      %swap3A_343 = arith.index_cast %mul3A_321 : i32 to index
      %swap3A_344 = tpu.vector_load %arg13[%swap3A_342, %swap3A_343] {strides = array<i32>} : memref<4x128xf32, #tpu.memory_space<vmem>>, vector<16xf32>,
      tpu.vector_store %arg13[%swap3A_342, %swap3A_343], %gather3A_341 {strides = array<i32>} : memref<4x128xf32, #tpu.memory_space<vmem>>, vector<16xf32>,
      %add3A_345 = arith.constant 64 : i32
      %add3A_346 = vector.broadcast %add3A_345 : i32 to vector<16xi32>
      %add3A_347 = arith.addi %scan3A_214, %add3A_346 : vector<16xi32>
      scf.yield %add3A_347 : vector<16xi32>
    }
    %scan3A_159 = arith.constant 8 : i32
    %mul3A_160 = arith.constant 4 : i32
    %mul3A_161 = arith.muli %and3A_149, %mul3A_160 : i32
    %run_scoped3A = arith.constant 0 : i32
    "tpu.region"() ({
      %run_scoped3A_213 = tpu.sem_alloc : memref<!tpu.dma_semaphore, #tpu.memory_space<semaphore_mem>>
      %dma_start3A_214 = arith.constant 0 : i32
      %dma_start3A_215 = tpu.memref_slice %arg4[%run_scoped3A, %shift_right_logical3A_151, %mul3A_161, %and3A_153, %dma_start3A_214] : memref<5x25x32x8x128xf32, #tpu.memory_space<hbm>> -> memref<1x1x4x1x128xf32, #tpu.memory_space<hbm>>
      %dma_start3A_216 = tpu.memref_squeeze %dma_start3A_215 : memref<1x1x4x1x128xf32, #tpu.memory_space<hbm>> -> memref<4x128xf32, #tpu.memory_space<hbm>>
      %dma_start3A_217 = arith.constant 0 : i32
      %dma_start3A_218 = tpu.memref_slice %arg4[%run_scoped3A, %shift_right_logical3A_151, %mul3A_161, %and3A_153, %dma_start3A_217] : memref<5x25x32x8x128xf32, #tpu.memory_space<hbm>> -> memref<1x1x4x1x128xf32, #tpu.memory_space<hbm>>
      %dma_start3A_219 = tpu.memref_squeeze %dma_start3A_218 : memref<1x1x4x1x128xf32, #tpu.memory_space<hbm>> -> memref<4x128xf32, #tpu.memory_space<hbm>>
      tpu.enqueue_dma source(%arg9 : memref<4x128xf32, #tpu.memory_space<vmem>>) target(%dma_start3A_219 : memref<4x128xf32, #tpu.memory_space<hbm>>) target_semaphore(%run_scoped3A_213 : memref<!tpu.dma_semaphore, #tpu.memory_space<semaphore_mem>>)
      %dma_wait3A_220 = arith.constant 0 : i32
      %dma_wait3A_221 = tpu.memref_slice %arg4[%run_scoped3A, %shift_right_logical3A_151, %mul3A_161, %and3A_153, %dma_wait3A_220] : memref<5x25x32x8x128xf32, #tpu.memory_space<hbm>> -> memref<1x1x4x1x128xf32, #tpu.memory_space<hbm>>
      %dma_wait3A_222 = tpu.memref_squeeze %dma_wait3A_221 : memref<1x1x4x1x128xf32, #tpu.memory_space<hbm>> -> memref<4x128xf32, #tpu.memory_space<hbm>>
      %dma_wait3A_223 = arith.constant 0 : i32
      %dma_wait3A_224 = tpu.memref_slice %arg4[%run_scoped3A, %shift_right_logical3A_151, %mul3A_161, %and3A_153, %dma_wait3A_223] : memref<5x25x32x8x128xf32, #tpu.memory_space<hbm>> -> memref<1x1x4x1x128xf32, #tpu.memory_space<hbm>>
      %dma_wait3A_225 = tpu.memref_squeeze %dma_wait3A_224 : memref<1x1x4x1x128xf32, #tpu.memory_space<hbm>> -> memref<4x128xf32, #tpu.memory_space<hbm>>
      tpu.wait_dma2 semaphore(%run_scoped3A_213 : memref<!tpu.dma_semaphore, #tpu.memory_space<semaphore_mem>>) src(%arg9 : memref<4x128xf32, #tpu.memory_space<vmem>>) dst(%dma_wait3A_225 : memref<4x128xf32, #tpu.memory_space<hbm>>)
      tpu.yield
    }) : () -> ()
    %mul3A_162 = arith.constant 4 : i32
    %mul3A_163 = arith.muli %and3A_149, %mul3A_162 : i32
    %run_scoped3A_164 = arith.constant 1 : i32
    "tpu.region"() ({
      %run_scoped3A_213 = tpu.sem_alloc : memref<!tpu.dma_semaphore, #tpu.memory_space<semaphore_mem>>
      %dma_start3A_214 = arith.constant 0 : i32
      %dma_start3A_215 = tpu.memref_slice %arg4[%run_scoped3A_164, %shift_right_logical3A_151, %mul3A_163, %and3A_153, %dma_start3A_214] : memref<5x25x32x8x128xf32, #tpu.memory_space<hbm>> -> memref<1x1x4x1x128xf32, #tpu.memory_space<hbm>>
      %dma_start3A_216 = tpu.memref_squeeze %dma_start3A_215 : memref<1x1x4x1x128xf32, #tpu.memory_space<hbm>> -> memref<4x128xf32, #tpu.memory_space<hbm>>
      %dma_start3A_217 = arith.constant 0 : i32
      %dma_start3A_218 = tpu.memref_slice %arg4[%run_scoped3A_164, %shift_right_logical3A_151, %mul3A_163, %and3A_153, %dma_start3A_217] : memref<5x25x32x8x128xf32, #tpu.memory_space<hbm>> -> memref<1x1x4x1x128xf32, #tpu.memory_space<hbm>>
      %dma_start3A_219 = tpu.memref_squeeze %dma_start3A_218 : memref<1x1x4x1x128xf32, #tpu.memory_space<hbm>> -> memref<4x128xf32, #tpu.memory_space<hbm>>
      tpu.enqueue_dma source(%arg10 : memref<4x128xf32, #tpu.memory_space<vmem>>) target(%dma_start3A_219 : memref<4x128xf32, #tpu.memory_space<hbm>>) target_semaphore(%run_scoped3A_213 : memref<!tpu.dma_semaphore, #tpu.memory_space<semaphore_mem>>)
      %dma_wait3A_220 = arith.constant 0 : i32
      %dma_wait3A_221 = tpu.memref_slice %arg4[%run_scoped3A_164, %shift_right_logical3A_151, %mul3A_163, %and3A_153, %dma_wait3A_220] : memref<5x25x32x8x128xf32, #tpu.memory_space<hbm>> -> memref<1x1x4x1x128xf32, #tpu.memory_space<hbm>>
      %dma_wait3A_222 = tpu.memref_squeeze %dma_wait3A_221 : memref<1x1x4x1x128xf32, #tpu.memory_space<hbm>> -> memref<4x128xf32, #tpu.memory_space<hbm>>
      %dma_wait3A_223 = arith.constant 0 : i32
      %dma_wait3A_224 = tpu.memref_slice %arg4[%run_scoped3A_164, %shift_right_logical3A_151, %mul3A_163, %and3A_153, %dma_wait3A_223] : memref<5x25x32x8x128xf32, #tpu.memory_space<hbm>> -> memref<1x1x4x1x128xf32, #tpu.memory_space<hbm>>
      %dma_wait3A_225 = tpu.memref_squeeze %dma_wait3A_224 : memref<1x1x4x1x128xf32, #tpu.memory_space<hbm>> -> memref<4x128xf32, #tpu.memory_space<hbm>>
      tpu.wait_dma2 semaphore(%run_scoped3A_213 : memref<!tpu.dma_semaphore, #tpu.memory_space<semaphore_mem>>) src(%arg10 : memref<4x128xf32, #tpu.memory_space<vmem>>) dst(%dma_wait3A_225 : memref<4x128xf32, #tpu.memory_space<hbm>>)
      tpu.yield
    }) : () -> ()
    %mul3A_165 = arith.constant 4 : i32
    %mul3A_166 = arith.muli %and3A_149, %mul3A_165 : i32
    %run_scoped3A_167 = arith.constant 2 : i32
    "tpu.region"() ({
      %run_scoped3A_213 = tpu.sem_alloc : memref<!tpu.dma_semaphore, #tpu.memory_space<semaphore_mem>>
      %dma_start3A_214 = arith.constant 0 : i32
      %dma_start3A_215 = tpu.memref_slice %arg4[%run_scoped3A_167, %shift_right_logical3A_151, %mul3A_166, %and3A_153, %dma_start3A_214] : memref<5x25x32x8x128xf32, #tpu.memory_space<hbm>> -> memref<1x1x4x1x128xf32, #tpu.memory_space<hbm>>
      %dma_start3A_216 = tpu.memref_squeeze %dma_start3A_215 : memref<1x1x4x1x128xf32, #tpu.memory_space<hbm>> -> memref<4x128xf32, #tpu.memory_space<hbm>>
      %dma_start3A_217 = arith.constant 0 : i32
      %dma_start3A_218 = tpu.memref_slice %arg4[%run_scoped3A_167, %shift_right_logical3A_151, %mul3A_166, %and3A_153, %dma_start3A_217] : memref<5x25x32x8x128xf32, #tpu.memory_space<hbm>> -> memref<1x1x4x1x128xf32, #tpu.memory_space<hbm>>
      %dma_start3A_219 = tpu.memref_squeeze %dma_start3A_218 : memref<1x1x4x1x128xf32, #tpu.memory_space<hbm>> -> memref<4x128xf32, #tpu.memory_space<hbm>>
      tpu.enqueue_dma source(%arg11 : memref<4x128xf32, #tpu.memory_space<vmem>>) target(%dma_start3A_219 : memref<4x128xf32, #tpu.memory_space<hbm>>) target_semaphore(%run_scoped3A_213 : memref<!tpu.dma_semaphore, #tpu.memory_space<semaphore_mem>>)
      %dma_wait3A_220 = arith.constant 0 : i32
      %dma_wait3A_221 = tpu.memref_slice %arg4[%run_scoped3A_167, %shift_right_logical3A_151, %mul3A_166, %and3A_153, %dma_wait3A_220] : memref<5x25x32x8x128xf32, #tpu.memory_space<hbm>> -> memref<1x1x4x1x128xf32, #tpu.memory_space<hbm>>
      %dma_wait3A_222 = tpu.memref_squeeze %dma_wait3A_221 : memref<1x1x4x1x128xf32, #tpu.memory_space<hbm>> -> memref<4x128xf32, #tpu.memory_space<hbm>>
      %dma_wait3A_223 = arith.constant 0 : i32
      %dma_wait3A_224 = tpu.memref_slice %arg4[%run_scoped3A_167, %shift_right_logical3A_151, %mul3A_166, %and3A_153, %dma_wait3A_223] : memref<5x25x32x8x128xf32, #tpu.memory_space<hbm>> -> memref<1x1x4x1x128xf32, #tpu.memory_space<hbm>>
      %dma_wait3A_225 = tpu.memref_squeeze %dma_wait3A_224 : memref<1x1x4x1x128xf32, #tpu.memory_space<hbm>> -> memref<4x128xf32, #tpu.memory_space<hbm>>
      tpu.wait_dma2 semaphore(%run_scoped3A_213 : memref<!tpu.dma_semaphore, #tpu.memory_space<semaphore_mem>>) src(%arg11 : memref<4x128xf32, #tpu.memory_space<vmem>>) dst(%dma_wait3A_225 : memref<4x128xf32, #tpu.memory_space<hbm>>)
      tpu.yield
    }) : () -> ()
    %mul3A_168 = arith.constant 4 : i32
    %mul3A_169 = arith.muli %and3A_149, %mul3A_168 : i32
    %run_scoped3A_170 = arith.constant 3 : i32
    "tpu.region"() ({
      %run_scoped3A_213 = tpu.sem_alloc : memref<!tpu.dma_semaphore, #tpu.memory_space<semaphore_mem>>
      %dma_start3A_214 = arith.constant 0 : i32
      %dma_start3A_215 = tpu.memref_slice %arg4[%run_scoped3A_170, %shift_right_logical3A_151, %mul3A_169, %and3A_153, %dma_start3A_214] : memref<5x25x32x8x128xf32, #tpu.memory_space<hbm>> -> memref<1x1x4x1x128xf32, #tpu.memory_space<hbm>>
      %dma_start3A_216 = tpu.memref_squeeze %dma_start3A_215 : memref<1x1x4x1x128xf32, #tpu.memory_space<hbm>> -> memref<4x128xf32, #tpu.memory_space<hbm>>
      %dma_start3A_217 = arith.constant 0 : i32
      %dma_start3A_218 = tpu.memref_slice %arg4[%run_scoped3A_170, %shift_right_logical3A_151, %mul3A_169, %and3A_153, %dma_start3A_217] : memref<5x25x32x8x128xf32, #tpu.memory_space<hbm>> -> memref<1x1x4x1x128xf32, #tpu.memory_space<hbm>>
      %dma_start3A_219 = tpu.memref_squeeze %dma_start3A_218 : memref<1x1x4x1x128xf32, #tpu.memory_space<hbm>> -> memref<4x128xf32, #tpu.memory_space<hbm>>
      tpu.enqueue_dma source(%arg12 : memref<4x128xf32, #tpu.memory_space<vmem>>) target(%dma_start3A_219 : memref<4x128xf32, #tpu.memory_space<hbm>>) target_semaphore(%run_scoped3A_213 : memref<!tpu.dma_semaphore, #tpu.memory_space<semaphore_mem>>)
      %dma_wait3A_220 = arith.constant 0 : i32
      %dma_wait3A_221 = tpu.memref_slice %arg4[%run_scoped3A_170, %shift_right_logical3A_151, %mul3A_169, %and3A_153, %dma_wait3A_220] : memref<5x25x32x8x128xf32, #tpu.memory_space<hbm>> -> memref<1x1x4x1x128xf32, #tpu.memory_space<hbm>>
      %dma_wait3A_222 = tpu.memref_squeeze %dma_wait3A_221 : memref<1x1x4x1x128xf32, #tpu.memory_space<hbm>> -> memref<4x128xf32, #tpu.memory_space<hbm>>
      %dma_wait3A_223 = arith.constant 0 : i32
      %dma_wait3A_224 = tpu.memref_slice %arg4[%run_scoped3A_170, %shift_right_logical3A_151, %mul3A_169, %and3A_153, %dma_wait3A_223] : memref<5x25x32x8x128xf32, #tpu.memory_space<hbm>> -> memref<1x1x4x1x128xf32, #tpu.memory_space<hbm>>
      %dma_wait3A_225 = tpu.memref_squeeze %dma_wait3A_224 : memref<1x1x4x1x128xf32, #tpu.memory_space<hbm>> -> memref<4x128xf32, #tpu.memory_space<hbm>>
      tpu.wait_dma2 semaphore(%run_scoped3A_213 : memref<!tpu.dma_semaphore, #tpu.memory_space<semaphore_mem>>) src(%arg12 : memref<4x128xf32, #tpu.memory_space<vmem>>) dst(%dma_wait3A_225 : memref<4x128xf32, #tpu.memory_space<hbm>>)
      tpu.yield
    }) : () -> ()
    %mul3A_171 = arith.constant 4 : i32
    %mul3A_172 = arith.muli %and3A_149, %mul3A_171 : i32
    %run_scoped3A_173 = arith.constant 4 : i32
    "tpu.region"() ({
      %run_scoped3A_213 = tpu.sem_alloc : memref<!tpu.dma_semaphore, #tpu.memory_space<semaphore_mem>>
      %dma_start3A_214 = arith.constant 0 : i32
      %dma_start3A_215 = tpu.memref_slice %arg4[%run_scoped3A_173, %shift_right_logical3A_151, %mul3A_172, %and3A_153, %dma_start3A_214] : memref<5x25x32x8x128xf32, #tpu.memory_space<hbm>> -> memref<1x1x4x1x128xf32, #tpu.memory_space<hbm>>
      %dma_start3A_216 = tpu.memref_squeeze %dma_start3A_215 : memref<1x1x4x1x128xf32, #tpu.memory_space<hbm>> -> memref<4x128xf32, #tpu.memory_space<hbm>>
      %dma_start3A_217 = arith.constant 0 : i32
      %dma_start3A_218 = tpu.memref_slice %arg4[%run_scoped3A_173, %shift_right_logical3A_151, %mul3A_172, %and3A_153, %dma_start3A_217] : memref<5x25x32x8x128xf32, #tpu.memory_space<hbm>> -> memref<1x1x4x1x128xf32, #tpu.memory_space<hbm>>
      %dma_start3A_219 = tpu.memref_squeeze %dma_start3A_218 : memref<1x1x4x1x128xf32, #tpu.memory_space<hbm>> -> memref<4x128xf32, #tpu.memory_space<hbm>>
      tpu.enqueue_dma source(%arg13 : memref<4x128xf32, #tpu.memory_space<vmem>>) target(%dma_start3A_219 : memref<4x128xf32, #tpu.memory_space<hbm>>) target_semaphore(%run_scoped3A_213 : memref<!tpu.dma_semaphore, #tpu.memory_space<semaphore_mem>>)
      %dma_wait3A_220 = arith.constant 0 : i32
      %dma_wait3A_221 = tpu.memref_slice %arg4[%run_scoped3A_173, %shift_right_logical3A_151, %mul3A_172, %and3A_153, %dma_wait3A_220] : memref<5x25x32x8x128xf32, #tpu.memory_space<hbm>> -> memref<1x1x4x1x128xf32, #tpu.memory_space<hbm>>
      %dma_wait3A_222 = tpu.memref_squeeze %dma_wait3A_221 : memref<1x1x4x1x128xf32, #tpu.memory_space<hbm>> -> memref<4x128xf32, #tpu.memory_space<hbm>>
      %dma_wait3A_223 = arith.constant 0 : i32
      %dma_wait3A_224 = tpu.memref_slice %arg4[%run_scoped3A_173, %shift_right_logical3A_151, %mul3A_172, %and3A_153, %dma_wait3A_223] : memref<5x25x32x8x128xf32, #tpu.memory_space<hbm>> -> memref<1x1x4x1x128xf32, #tpu.memory_space<hbm>>
      %dma_wait3A_225 = tpu.memref_squeeze %dma_wait3A_224 : memref<1x1x4x1x128xf32, #tpu.memory_space<hbm>> -> memref<4x128xf32, #tpu.memory_space<hbm>>
      tpu.wait_dma2 semaphore(%run_scoped3A_213 : memref<!tpu.dma_semaphore, #tpu.memory_space<semaphore_mem>>) src(%arg13 : memref<4x128xf32, #tpu.memory_space<vmem>>) dst(%dma_wait3A_225 : memref<4x128xf32, #tpu.memory_space<hbm>>)
      tpu.yield
    }) : () -> ()
    %dma_wait3A_174 = arith.constant 0 : i32
    %dma_wait3A_175 = arith.constant 0 : i32
    %dma_wait3A_176 = tpu.memref_slice %arg2[%dma_wait3A_174, %dma_wait3A_175] : memref<201600x8xf32, #tpu.memory_space<hbm>> -> memref<512x8xf32, #tpu.memory_space<hbm>>
    %dma_wait3A_177 = arith.constant 0 : i32
    %dma_wait3A_178 = arith.constant 0 : i32
    %dma_wait3A_179 = tpu.memref_slice %arg2[%dma_wait3A_177, %dma_wait3A_178] : memref<201600x8xf32, #tpu.memory_space<hbm>> -> memref<512x8xf32, #tpu.memory_space<hbm>>
    tpu.wait_dma2 semaphore(%arg15 : memref<!tpu.dma_semaphore, #tpu.memory_space<semaphore_mem>>) src(%dma_wait3A_179 : memref<512x8xf32, #tpu.memory_space<hbm>>) dst(%arg8 : memref<512x8xf32, #tpu.memory_space<vmem>>)
    %add3A_180 = arith.constant 50 : i32
    %add3A_181 = arith.addi %mul3A_11, %add3A_180 : i32
    %sub3A_182 = arith.constant 1 : i32
    %sub3A_183 = arith.subi %add3A_181, %sub3A_182 : i32
    %shift_right_logical3A_184 = arith.constant 3 : i32
    %shift_right_logical3A_185 = arith.shrui %sub3A_183, %shift_right_logical3A_184 : i32
    %and3A_186 = arith.constant 7 : i32
    %and3A_187 = arith.andi %sub3A_183, %and3A_186 : i32
    %shift_right_logical3A_188 = arith.constant 3 : i32
    %shift_right_logical3A_189 = arith.shrui %shift_right_logical3A_185, %shift_right_logical3A_188 : i32
    %and3A_190 = arith.constant 7 : i32
    %and3A_191 = arith.andi %shift_right_logical3A_185, %and3A_190 : i32
    %scan3A_192 = arith.constant 0 : i32
    %scan3A_193 = arith.constant 8 : i32
    %scan3A_194 = arith.addi %scan3A_192, %scan3A_193 : i32
    %scan3A_195 = arith.constant 1 : i32
    %scan3A_196 = scf.for %scan3A_213 = %scan3A_192 to %scan3A_194 step %scan3A_195 iter_args(%scan3A_214 = %iota3A) -> (vector<16xi32>)  : i32 {
      %mul3A_215 = arith.constant 4 : i32
      %mul3A_216 = arith.muli %scan3A_213, %mul3A_215 : i32
      %add3A_217 = arith.constant 0 : i32
      %add3A_218 = arith.addi %mul3A_216, %add3A_217 : i32
      %shift_right_logical3A_219 = arith.constant 3 : i32
      %shift_right_logical3A_220 = arith.shrui %add3A_218, %shift_right_logical3A_219 : i32
      %and3A_221 = arith.constant 7 : i32
      %and3A_222 = arith.andi %add3A_218, %and3A_221 : i32
      %mul3A_223 = arith.constant 16 : i32
      %mul3A_224 = arith.muli %and3A_222, %mul3A_223 : i32
      %add3A_225 = arith.constant 0 : i32
      %add3A_226 = vector.broadcast %add3A_225 : i32 to vector<16xi32>
      %add3A_227 = arith.addi %scan3A_214, %add3A_226 : vector<16xi32>
      %gather3A = tpu.vector_load_idx %arg8[%add3A_227, %broadcast_in_dim3A_1] : memref<512x8xf32, #tpu.memory_space<vmem>>[vector<16xi32>, vector<16xi32>], vector<16xf32>,
      %swap3A = arith.index_cast %shift_right_logical3A_220 : i32 to index
      %swap3A_228 = arith.index_cast %mul3A_224 : i32 to index
      %swap3A_229 = tpu.vector_load %arg9[%swap3A, %swap3A_228] {strides = array<i32>} : memref<4x128xf32, #tpu.memory_space<vmem>>, vector<16xf32>,
      tpu.vector_store %arg9[%swap3A, %swap3A_228], %gather3A {strides = array<i32>} : memref<4x128xf32, #tpu.memory_space<vmem>>, vector<16xf32>,
      %gather3A_230 = tpu.vector_load_idx %arg8[%add3A_227, %broadcast_in_dim3A_3] : memref<512x8xf32, #tpu.memory_space<vmem>>[vector<16xi32>, vector<16xi32>], vector<16xf32>,
      %swap3A_231 = arith.index_cast %shift_right_logical3A_220 : i32 to index
      %swap3A_232 = arith.index_cast %mul3A_224 : i32 to index
      %swap3A_233 = tpu.vector_load %arg10[%swap3A_231, %swap3A_232] {strides = array<i32>} : memref<4x128xf32, #tpu.memory_space<vmem>>, vector<16xf32>,
      tpu.vector_store %arg10[%swap3A_231, %swap3A_232], %gather3A_230 {strides = array<i32>} : memref<4x128xf32, #tpu.memory_space<vmem>>, vector<16xf32>,
      %gather3A_234 = tpu.vector_load_idx %arg8[%add3A_227, %broadcast_in_dim3A_5] : memref<512x8xf32, #tpu.memory_space<vmem>>[vector<16xi32>, vector<16xi32>], vector<16xf32>,
      %swap3A_235 = arith.index_cast %shift_right_logical3A_220 : i32 to index
      %swap3A_236 = arith.index_cast %mul3A_224 : i32 to index
      %swap3A_237 = tpu.vector_load %arg11[%swap3A_235, %swap3A_236] {strides = array<i32>} : memref<4x128xf32, #tpu.memory_space<vmem>>, vector<16xf32>,
      tpu.vector_store %arg11[%swap3A_235, %swap3A_236], %gather3A_234 {strides = array<i32>} : memref<4x128xf32, #tpu.memory_space<vmem>>, vector<16xf32>,
      %gather3A_238 = tpu.vector_load_idx %arg8[%add3A_227, %broadcast_in_dim3A_7] : memref<512x8xf32, #tpu.memory_space<vmem>>[vector<16xi32>, vector<16xi32>], vector<16xf32>,
      %swap3A_239 = arith.index_cast %shift_right_logical3A_220 : i32 to index
      %swap3A_240 = arith.index_cast %mul3A_224 : i32 to index
      %swap3A_241 = tpu.vector_load %arg12[%swap3A_239, %swap3A_240] {strides = array<i32>} : memref<4x128xf32, #tpu.memory_space<vmem>>, vector<16xf32>,
      tpu.vector_store %arg12[%swap3A_239, %swap3A_240], %gather3A_238 {strides = array<i32>} : memref<4x128xf32, #tpu.memory_space<vmem>>, vector<16xf32>,
      %gather3A_242 = tpu.vector_load_idx %arg8[%add3A_227, %broadcast_in_dim3A_9] : memref<512x8xf32, #tpu.memory_space<vmem>>[vector<16xi32>, vector<16xi32>], vector<16xf32>,
      %swap3A_243 = arith.index_cast %shift_right_logical3A_220 : i32 to index
      %swap3A_244 = arith.index_cast %mul3A_224 : i32 to index
      %swap3A_245 = tpu.vector_load %arg13[%swap3A_243, %swap3A_244] {strides = array<i32>} : memref<4x128xf32, #tpu.memory_space<vmem>>, vector<16xf32>,
      tpu.vector_store %arg13[%swap3A_243, %swap3A_244], %gather3A_242 {strides = array<i32>} : memref<4x128xf32, #tpu.memory_space<vmem>>, vector<16xf32>,
      %mul3A_246 = arith.constant 4 : i32
      %mul3A_247 = arith.muli %scan3A_213, %mul3A_246 : i32
      %add3A_248 = arith.constant 1 : i32
      %add3A_249 = arith.addi %mul3A_247, %add3A_248 : i32
      %shift_right_logical3A_250 = arith.constant 3 : i32
      %shift_right_logical3A_251 = arith.shrui %add3A_249, %shift_right_logical3A_250 : i32
      %and3A_252 = arith.constant 7 : i32
      %and3A_253 = arith.andi %add3A_249, %and3A_252 : i32
      %mul3A_254 = arith.constant 16 : i32
      %mul3A_255 = arith.muli %and3A_253, %mul3A_254 : i32
      %add3A_256 = arith.constant 16 : i32
      %add3A_257 = vector.broadcast %add3A_256 : i32 to vector<16xi32>
      %add3A_258 = arith.addi %scan3A_214, %add3A_257 : vector<16xi32>
      %gather3A_259 = tpu.vector_load_idx %arg8[%add3A_258, %broadcast_in_dim3A_1] : memref<512x8xf32, #tpu.memory_space<vmem>>[vector<16xi32>, vector<16xi32>], vector<16xf32>,
      %swap3A_260 = arith.index_cast %shift_right_logical3A_251 : i32 to index
      %swap3A_261 = arith.index_cast %mul3A_255 : i32 to index
      %swap3A_262 = tpu.vector_load %arg9[%swap3A_260, %swap3A_261] {strides = array<i32>} : memref<4x128xf32, #tpu.memory_space<vmem>>, vector<16xf32>,
      tpu.vector_store %arg9[%swap3A_260, %swap3A_261], %gather3A_259 {strides = array<i32>} : memref<4x128xf32, #tpu.memory_space<vmem>>, vector<16xf32>,
      %gather3A_263 = tpu.vector_load_idx %arg8[%add3A_258, %broadcast_in_dim3A_3] : memref<512x8xf32, #tpu.memory_space<vmem>>[vector<16xi32>, vector<16xi32>], vector<16xf32>,
      %swap3A_264 = arith.index_cast %shift_right_logical3A_251 : i32 to index
      %swap3A_265 = arith.index_cast %mul3A_255 : i32 to index
      %swap3A_266 = tpu.vector_load %arg10[%swap3A_264, %swap3A_265] {strides = array<i32>} : memref<4x128xf32, #tpu.memory_space<vmem>>, vector<16xf32>,
      tpu.vector_store %arg10[%swap3A_264, %swap3A_265], %gather3A_263 {strides = array<i32>} : memref<4x128xf32, #tpu.memory_space<vmem>>, vector<16xf32>,
      %gather3A_267 = tpu.vector_load_idx %arg8[%add3A_258, %broadcast_in_dim3A_5] : memref<512x8xf32, #tpu.memory_space<vmem>>[vector<16xi32>, vector<16xi32>], vector<16xf32>,
      %swap3A_268 = arith.index_cast %shift_right_logical3A_251 : i32 to index
      %swap3A_269 = arith.index_cast %mul3A_255 : i32 to index
      %swap3A_270 = tpu.vector_load %arg11[%swap3A_268, %swap3A_269] {strides = array<i32>} : memref<4x128xf32, #tpu.memory_space<vmem>>, vector<16xf32>,
      tpu.vector_store %arg11[%swap3A_268, %swap3A_269], %gather3A_267 {strides = array<i32>} : memref<4x128xf32, #tpu.memory_space<vmem>>, vector<16xf32>,
      %gather3A_271 = tpu.vector_load_idx %arg8[%add3A_258, %broadcast_in_dim3A_7] : memref<512x8xf32, #tpu.memory_space<vmem>>[vector<16xi32>, vector<16xi32>], vector<16xf32>,
      %swap3A_272 = arith.index_cast %shift_right_logical3A_251 : i32 to index
      %swap3A_273 = arith.index_cast %mul3A_255 : i32 to index
      %swap3A_274 = tpu.vector_load %arg12[%swap3A_272, %swap3A_273] {strides = array<i32>} : memref<4x128xf32, #tpu.memory_space<vmem>>, vector<16xf32>,
      tpu.vector_store %arg12[%swap3A_272, %swap3A_273], %gather3A_271 {strides = array<i32>} : memref<4x128xf32, #tpu.memory_space<vmem>>, vector<16xf32>,
      %gather3A_275 = tpu.vector_load_idx %arg8[%add3A_258, %broadcast_in_dim3A_9] : memref<512x8xf32, #tpu.memory_space<vmem>>[vector<16xi32>, vector<16xi32>], vector<16xf32>,
      %swap3A_276 = arith.index_cast %shift_right_logical3A_251 : i32 to index
      %swap3A_277 = arith.index_cast %mul3A_255 : i32 to index
      %swap3A_278 = tpu.vector_load %arg13[%swap3A_276, %swap3A_277] {strides = array<i32>} : memref<4x128xf32, #tpu.memory_space<vmem>>, vector<16xf32>,
      tpu.vector_store %arg13[%swap3A_276, %swap3A_277], %gather3A_275 {strides = array<i32>} : memref<4x128xf32, #tpu.memory_space<vmem>>, vector<16xf32>,
      %mul3A_279 = arith.constant 4 : i32
      %mul3A_280 = arith.muli %scan3A_213, %mul3A_279 : i32
      %add3A_281 = arith.constant 2 : i32
      %add3A_282 = arith.addi %mul3A_280, %add3A_281 : i32
      %shift_right_logical3A_283 = arith.constant 3 : i32
      %shift_right_logical3A_284 = arith.shrui %add3A_282, %shift_right_logical3A_283 : i32
      %and3A_285 = arith.constant 7 : i32
      %and3A_286 = arith.andi %add3A_282, %and3A_285 : i32
      %mul3A_287 = arith.constant 16 : i32
      %mul3A_288 = arith.muli %and3A_286, %mul3A_287 : i32
      %add3A_289 = arith.constant 32 : i32
      %add3A_290 = vector.broadcast %add3A_289 : i32 to vector<16xi32>
      %add3A_291 = arith.addi %scan3A_214, %add3A_290 : vector<16xi32>
      %gather3A_292 = tpu.vector_load_idx %arg8[%add3A_291, %broadcast_in_dim3A_1] : memref<512x8xf32, #tpu.memory_space<vmem>>[vector<16xi32>, vector<16xi32>], vector<16xf32>,
      %swap3A_293 = arith.index_cast %shift_right_logical3A_284 : i32 to index
      %swap3A_294 = arith.index_cast %mul3A_288 : i32 to index
      %swap3A_295 = tpu.vector_load %arg9[%swap3A_293, %swap3A_294] {strides = array<i32>} : memref<4x128xf32, #tpu.memory_space<vmem>>, vector<16xf32>,
      tpu.vector_store %arg9[%swap3A_293, %swap3A_294], %gather3A_292 {strides = array<i32>} : memref<4x128xf32, #tpu.memory_space<vmem>>, vector<16xf32>,
      %gather3A_296 = tpu.vector_load_idx %arg8[%add3A_291, %broadcast_in_dim3A_3] : memref<512x8xf32, #tpu.memory_space<vmem>>[vector<16xi32>, vector<16xi32>], vector<16xf32>,
      %swap3A_297 = arith.index_cast %shift_right_logical3A_284 : i32 to index
      %swap3A_298 = arith.index_cast %mul3A_288 : i32 to index
      %swap3A_299 = tpu.vector_load %arg10[%swap3A_297, %swap3A_298] {strides = array<i32>} : memref<4x128xf32, #tpu.memory_space<vmem>>, vector<16xf32>,
      tpu.vector_store %arg10[%swap3A_297, %swap3A_298], %gather3A_296 {strides = array<i32>} : memref<4x128xf32, #tpu.memory_space<vmem>>, vector<16xf32>,
      %gather3A_300 = tpu.vector_load_idx %arg8[%add3A_291, %broadcast_in_dim3A_5] : memref<512x8xf32, #tpu.memory_space<vmem>>[vector<16xi32>, vector<16xi32>], vector<16xf32>,
      %swap3A_301 = arith.index_cast %shift_right_logical3A_284 : i32 to index
      %swap3A_302 = arith.index_cast %mul3A_288 : i32 to index
      %swap3A_303 = tpu.vector_load %arg11[%swap3A_301, %swap3A_302] {strides = array<i32>} : memref<4x128xf32, #tpu.memory_space<vmem>>, vector<16xf32>,
      tpu.vector_store %arg11[%swap3A_301, %swap3A_302], %gather3A_300 {strides = array<i32>} : memref<4x128xf32, #tpu.memory_space<vmem>>, vector<16xf32>,
      %gather3A_304 = tpu.vector_load_idx %arg8[%add3A_291, %broadcast_in_dim3A_7] : memref<512x8xf32, #tpu.memory_space<vmem>>[vector<16xi32>, vector<16xi32>], vector<16xf32>,
      %swap3A_305 = arith.index_cast %shift_right_logical3A_284 : i32 to index
      %swap3A_306 = arith.index_cast %mul3A_288 : i32 to index
      %swap3A_307 = tpu.vector_load %arg12[%swap3A_305, %swap3A_306] {strides = array<i32>} : memref<4x128xf32, #tpu.memory_space<vmem>>, vector<16xf32>,
      tpu.vector_store %arg12[%swap3A_305, %swap3A_306], %gather3A_304 {strides = array<i32>} : memref<4x128xf32, #tpu.memory_space<vmem>>, vector<16xf32>,
      %gather3A_308 = tpu.vector_load_idx %arg8[%add3A_291, %broadcast_in_dim3A_9] : memref<512x8xf32, #tpu.memory_space<vmem>>[vector<16xi32>, vector<16xi32>], vector<16xf32>,
      %swap3A_309 = arith.index_cast %shift_right_logical3A_284 : i32 to index
      %swap3A_310 = arith.index_cast %mul3A_288 : i32 to index
      %swap3A_311 = tpu.vector_load %arg13[%swap3A_309, %swap3A_310] {strides = array<i32>} : memref<4x128xf32, #tpu.memory_space<vmem>>, vector<16xf32>,
      tpu.vector_store %arg13[%swap3A_309, %swap3A_310], %gather3A_308 {strides = array<i32>} : memref<4x128xf32, #tpu.memory_space<vmem>>, vector<16xf32>,
      %mul3A_312 = arith.constant 4 : i32
      %mul3A_313 = arith.muli %scan3A_213, %mul3A_312 : i32
      %add3A_314 = arith.constant 3 : i32
      %add3A_315 = arith.addi %mul3A_313, %add3A_314 : i32
      %shift_right_logical3A_316 = arith.constant 3 : i32
      %shift_right_logical3A_317 = arith.shrui %add3A_315, %shift_right_logical3A_316 : i32
      %and3A_318 = arith.constant 7 : i32
      %and3A_319 = arith.andi %add3A_315, %and3A_318 : i32
      %mul3A_320 = arith.constant 16 : i32
      %mul3A_321 = arith.muli %and3A_319, %mul3A_320 : i32
      %add3A_322 = arith.constant 48 : i32
      %add3A_323 = vector.broadcast %add3A_322 : i32 to vector<16xi32>
      %add3A_324 = arith.addi %scan3A_214, %add3A_323 : vector<16xi32>
      %gather3A_325 = tpu.vector_load_idx %arg8[%add3A_324, %broadcast_in_dim3A_1] : memref<512x8xf32, #tpu.memory_space<vmem>>[vector<16xi32>, vector<16xi32>], vector<16xf32>,
      %swap3A_326 = arith.index_cast %shift_right_logical3A_317 : i32 to index
      %swap3A_327 = arith.index_cast %mul3A_321 : i32 to index
      %swap3A_328 = tpu.vector_load %arg9[%swap3A_326, %swap3A_327] {strides = array<i32>} : memref<4x128xf32, #tpu.memory_space<vmem>>, vector<16xf32>,
      tpu.vector_store %arg9[%swap3A_326, %swap3A_327], %gather3A_325 {strides = array<i32>} : memref<4x128xf32, #tpu.memory_space<vmem>>, vector<16xf32>,
      %gather3A_329 = tpu.vector_load_idx %arg8[%add3A_324, %broadcast_in_dim3A_3] : memref<512x8xf32, #tpu.memory_space<vmem>>[vector<16xi32>, vector<16xi32>], vector<16xf32>,
      %swap3A_330 = arith.index_cast %shift_right_logical3A_317 : i32 to index
      %swap3A_331 = arith.index_cast %mul3A_321 : i32 to index
      %swap3A_332 = tpu.vector_load %arg10[%swap3A_330, %swap3A_331] {strides = array<i32>} : memref<4x128xf32, #tpu.memory_space<vmem>>, vector<16xf32>,
      tpu.vector_store %arg10[%swap3A_330, %swap3A_331], %gather3A_329 {strides = array<i32>} : memref<4x128xf32, #tpu.memory_space<vmem>>, vector<16xf32>,
      %gather3A_333 = tpu.vector_load_idx %arg8[%add3A_324, %broadcast_in_dim3A_5] : memref<512x8xf32, #tpu.memory_space<vmem>>[vector<16xi32>, vector<16xi32>], vector<16xf32>,
      %swap3A_334 = arith.index_cast %shift_right_logical3A_317 : i32 to index
      %swap3A_335 = arith.index_cast %mul3A_321 : i32 to index
      %swap3A_336 = tpu.vector_load %arg11[%swap3A_334, %swap3A_335] {strides = array<i32>} : memref<4x128xf32, #tpu.memory_space<vmem>>, vector<16xf32>,
      tpu.vector_store %arg11[%swap3A_334, %swap3A_335], %gather3A_333 {strides = array<i32>} : memref<4x128xf32, #tpu.memory_space<vmem>>, vector<16xf32>,
      %gather3A_337 = tpu.vector_load_idx %arg8[%add3A_324, %broadcast_in_dim3A_7] : memref<512x8xf32, #tpu.memory_space<vmem>>[vector<16xi32>, vector<16xi32>], vector<16xf32>,
      %swap3A_338 = arith.index_cast %shift_right_logical3A_317 : i32 to index
      %swap3A_339 = arith.index_cast %mul3A_321 : i32 to index
      %swap3A_340 = tpu.vector_load %arg12[%swap3A_338, %swap3A_339] {strides = array<i32>} : memref<4x128xf32, #tpu.memory_space<vmem>>, vector<16xf32>,
      tpu.vector_store %arg12[%swap3A_338, %swap3A_339], %gather3A_337 {strides = array<i32>} : memref<4x128xf32, #tpu.memory_space<vmem>>, vector<16xf32>,
      %gather3A_341 = tpu.vector_load_idx %arg8[%add3A_324, %broadcast_in_dim3A_9] : memref<512x8xf32, #tpu.memory_space<vmem>>[vector<16xi32>, vector<16xi32>], vector<16xf32>,
      %swap3A_342 = arith.index_cast %shift_right_logical3A_317 : i32 to index
      %swap3A_343 = arith.index_cast %mul3A_321 : i32 to index
      %swap3A_344 = tpu.vector_load %arg13[%swap3A_342, %swap3A_343] {strides = array<i32>} : memref<4x128xf32, #tpu.memory_space<vmem>>, vector<16xf32>,
      tpu.vector_store %arg13[%swap3A_342, %swap3A_343], %gather3A_341 {strides = array<i32>} : memref<4x128xf32, #tpu.memory_space<vmem>>, vector<16xf32>,
      %add3A_345 = arith.constant 64 : i32
      %add3A_346 = vector.broadcast %add3A_345 : i32 to vector<16xi32>
      %add3A_347 = arith.addi %scan3A_214, %add3A_346 : vector<16xi32>
      scf.yield %add3A_347 : vector<16xi32>
    }
    %scan3A_197 = arith.constant 8 : i32
    %mul3A_198 = arith.constant 4 : i32
    %mul3A_199 = arith.muli %and3A_187, %mul3A_198 : i32
    %run_scoped3A_200 = arith.constant 0 : i32
    "tpu.region"() ({
      %run_scoped3A_213 = tpu.sem_alloc : memref<!tpu.dma_semaphore, #tpu.memory_space<semaphore_mem>>
      %dma_start3A_214 = arith.constant 0 : i32
      %dma_start3A_215 = tpu.memref_slice %arg4[%run_scoped3A_200, %shift_right_logical3A_189, %mul3A_199, %and3A_191, %dma_start3A_214] : memref<5x25x32x8x128xf32, #tpu.memory_space<hbm>> -> memref<1x1x4x1x128xf32, #tpu.memory_space<hbm>>
      %dma_start3A_216 = tpu.memref_squeeze %dma_start3A_215 : memref<1x1x4x1x128xf32, #tpu.memory_space<hbm>> -> memref<4x128xf32, #tpu.memory_space<hbm>>
      %dma_start3A_217 = arith.constant 0 : i32
      %dma_start3A_218 = tpu.memref_slice %arg4[%run_scoped3A_200, %shift_right_logical3A_189, %mul3A_199, %and3A_191, %dma_start3A_217] : memref<5x25x32x8x128xf32, #tpu.memory_space<hbm>> -> memref<1x1x4x1x128xf32, #tpu.memory_space<hbm>>
      %dma_start3A_219 = tpu.memref_squeeze %dma_start3A_218 : memref<1x1x4x1x128xf32, #tpu.memory_space<hbm>> -> memref<4x128xf32, #tpu.memory_space<hbm>>
      tpu.enqueue_dma source(%arg9 : memref<4x128xf32, #tpu.memory_space<vmem>>) target(%dma_start3A_219 : memref<4x128xf32, #tpu.memory_space<hbm>>) target_semaphore(%run_scoped3A_213 : memref<!tpu.dma_semaphore, #tpu.memory_space<semaphore_mem>>)
      %dma_wait3A_220 = arith.constant 0 : i32
      %dma_wait3A_221 = tpu.memref_slice %arg4[%run_scoped3A_200, %shift_right_logical3A_189, %mul3A_199, %and3A_191, %dma_wait3A_220] : memref<5x25x32x8x128xf32, #tpu.memory_space<hbm>> -> memref<1x1x4x1x128xf32, #tpu.memory_space<hbm>>
      %dma_wait3A_222 = tpu.memref_squeeze %dma_wait3A_221 : memref<1x1x4x1x128xf32, #tpu.memory_space<hbm>> -> memref<4x128xf32, #tpu.memory_space<hbm>>
      %dma_wait3A_223 = arith.constant 0 : i32
      %dma_wait3A_224 = tpu.memref_slice %arg4[%run_scoped3A_200, %shift_right_logical3A_189, %mul3A_199, %and3A_191, %dma_wait3A_223] : memref<5x25x32x8x128xf32, #tpu.memory_space<hbm>> -> memref<1x1x4x1x128xf32, #tpu.memory_space<hbm>>
      %dma_wait3A_225 = tpu.memref_squeeze %dma_wait3A_224 : memref<1x1x4x1x128xf32, #tpu.memory_space<hbm>> -> memref<4x128xf32, #tpu.memory_space<hbm>>
      tpu.wait_dma2 semaphore(%run_scoped3A_213 : memref<!tpu.dma_semaphore, #tpu.memory_space<semaphore_mem>>) src(%arg9 : memref<4x128xf32, #tpu.memory_space<vmem>>) dst(%dma_wait3A_225 : memref<4x128xf32, #tpu.memory_space<hbm>>)
      tpu.yield
    }) : () -> ()
    %mul3A_201 = arith.constant 4 : i32
    %mul3A_202 = arith.muli %and3A_187, %mul3A_201 : i32
    %run_scoped3A_203 = arith.constant 1 : i32
    "tpu.region"() ({
      %run_scoped3A_213 = tpu.sem_alloc : memref<!tpu.dma_semaphore, #tpu.memory_space<semaphore_mem>>
      %dma_start3A_214 = arith.constant 0 : i32
      %dma_start3A_215 = tpu.memref_slice %arg4[%run_scoped3A_203, %shift_right_logical3A_189, %mul3A_202, %and3A_191, %dma_start3A_214] : memref<5x25x32x8x128xf32, #tpu.memory_space<hbm>> -> memref<1x1x4x1x128xf32, #tpu.memory_space<hbm>>
      %dma_start3A_216 = tpu.memref_squeeze %dma_start3A_215 : memref<1x1x4x1x128xf32, #tpu.memory_space<hbm>> -> memref<4x128xf32, #tpu.memory_space<hbm>>
      %dma_start3A_217 = arith.constant 0 : i32
      %dma_start3A_218 = tpu.memref_slice %arg4[%run_scoped3A_203, %shift_right_logical3A_189, %mul3A_202, %and3A_191, %dma_start3A_217] : memref<5x25x32x8x128xf32, #tpu.memory_space<hbm>> -> memref<1x1x4x1x128xf32, #tpu.memory_space<hbm>>
      %dma_start3A_219 = tpu.memref_squeeze %dma_start3A_218 : memref<1x1x4x1x128xf32, #tpu.memory_space<hbm>> -> memref<4x128xf32, #tpu.memory_space<hbm>>
      tpu.enqueue_dma source(%arg10 : memref<4x128xf32, #tpu.memory_space<vmem>>) target(%dma_start3A_219 : memref<4x128xf32, #tpu.memory_space<hbm>>) target_semaphore(%run_scoped3A_213 : memref<!tpu.dma_semaphore, #tpu.memory_space<semaphore_mem>>)
      %dma_wait3A_220 = arith.constant 0 : i32
      %dma_wait3A_221 = tpu.memref_slice %arg4[%run_scoped3A_203, %shift_right_logical3A_189, %mul3A_202, %and3A_191, %dma_wait3A_220] : memref<5x25x32x8x128xf32, #tpu.memory_space<hbm>> -> memref<1x1x4x1x128xf32, #tpu.memory_space<hbm>>
      %dma_wait3A_222 = tpu.memref_squeeze %dma_wait3A_221 : memref<1x1x4x1x128xf32, #tpu.memory_space<hbm>> -> memref<4x128xf32, #tpu.memory_space<hbm>>
      %dma_wait3A_223 = arith.constant 0 : i32
      %dma_wait3A_224 = tpu.memref_slice %arg4[%run_scoped3A_203, %shift_right_logical3A_189, %mul3A_202, %and3A_191, %dma_wait3A_223] : memref<5x25x32x8x128xf32, #tpu.memory_space<hbm>> -> memref<1x1x4x1x128xf32, #tpu.memory_space<hbm>>
      %dma_wait3A_225 = tpu.memref_squeeze %dma_wait3A_224 : memref<1x1x4x1x128xf32, #tpu.memory_space<hbm>> -> memref<4x128xf32, #tpu.memory_space<hbm>>
      tpu.wait_dma2 semaphore(%run_scoped3A_213 : memref<!tpu.dma_semaphore, #tpu.memory_space<semaphore_mem>>) src(%arg10 : memref<4x128xf32, #tpu.memory_space<vmem>>) dst(%dma_wait3A_225 : memref<4x128xf32, #tpu.memory_space<hbm>>)
      tpu.yield
    }) : () -> ()
    %mul3A_204 = arith.constant 4 : i32
    %mul3A_205 = arith.muli %and3A_187, %mul3A_204 : i32
    %run_scoped3A_206 = arith.constant 2 : i32
    "tpu.region"() ({
      %run_scoped3A_213 = tpu.sem_alloc : memref<!tpu.dma_semaphore, #tpu.memory_space<semaphore_mem>>
      %dma_start3A_214 = arith.constant 0 : i32
      %dma_start3A_215 = tpu.memref_slice %arg4[%run_scoped3A_206, %shift_right_logical3A_189, %mul3A_205, %and3A_191, %dma_start3A_214] : memref<5x25x32x8x128xf32, #tpu.memory_space<hbm>> -> memref<1x1x4x1x128xf32, #tpu.memory_space<hbm>>
      %dma_start3A_216 = tpu.memref_squeeze %dma_start3A_215 : memref<1x1x4x1x128xf32, #tpu.memory_space<hbm>> -> memref<4x128xf32, #tpu.memory_space<hbm>>
      %dma_start3A_217 = arith.constant 0 : i32
      %dma_start3A_218 = tpu.memref_slice %arg4[%run_scoped3A_206, %shift_right_logical3A_189, %mul3A_205, %and3A_191, %dma_start3A_217] : memref<5x25x32x8x128xf32, #tpu.memory_space<hbm>> -> memref<1x1x4x1x128xf32, #tpu.memory_space<hbm>>
      %dma_start3A_219 = tpu.memref_squeeze %dma_start3A_218 : memref<1x1x4x1x128xf32, #tpu.memory_space<hbm>> -> memref<4x128xf32, #tpu.memory_space<hbm>>
      tpu.enqueue_dma source(%arg11 : memref<4x128xf32, #tpu.memory_space<vmem>>) target(%dma_start3A_219 : memref<4x128xf32, #tpu.memory_space<hbm>>) target_semaphore(%run_scoped3A_213 : memref<!tpu.dma_semaphore, #tpu.memory_space<semaphore_mem>>)
      %dma_wait3A_220 = arith.constant 0 : i32
      %dma_wait3A_221 = tpu.memref_slice %arg4[%run_scoped3A_206, %shift_right_logical3A_189, %mul3A_205, %and3A_191, %dma_wait3A_220] : memref<5x25x32x8x128xf32, #tpu.memory_space<hbm>> -> memref<1x1x4x1x128xf32, #tpu.memory_space<hbm>>
      %dma_wait3A_222 = tpu.memref_squeeze %dma_wait3A_221 : memref<1x1x4x1x128xf32, #tpu.memory_space<hbm>> -> memref<4x128xf32, #tpu.memory_space<hbm>>
      %dma_wait3A_223 = arith.constant 0 : i32
      %dma_wait3A_224 = tpu.memref_slice %arg4[%run_scoped3A_206, %shift_right_logical3A_189, %mul3A_205, %and3A_191, %dma_wait3A_223] : memref<5x25x32x8x128xf32, #tpu.memory_space<hbm>> -> memref<1x1x4x1x128xf32, #tpu.memory_space<hbm>>
      %dma_wait3A_225 = tpu.memref_squeeze %dma_wait3A_224 : memref<1x1x4x1x128xf32, #tpu.memory_space<hbm>> -> memref<4x128xf32, #tpu.memory_space<hbm>>
      tpu.wait_dma2 semaphore(%run_scoped3A_213 : memref<!tpu.dma_semaphore, #tpu.memory_space<semaphore_mem>>) src(%arg11 : memref<4x128xf32, #tpu.memory_space<vmem>>) dst(%dma_wait3A_225 : memref<4x128xf32, #tpu.memory_space<hbm>>)
      tpu.yield
    }) : () -> ()
    %mul3A_207 = arith.constant 4 : i32
    %mul3A_208 = arith.muli %and3A_187, %mul3A_207 : i32
    %run_scoped3A_209 = arith.constant 3 : i32
    "tpu.region"() ({
      %run_scoped3A_213 = tpu.sem_alloc : memref<!tpu.dma_semaphore, #tpu.memory_space<semaphore_mem>>
      %dma_start3A_214 = arith.constant 0 : i32
      %dma_start3A_215 = tpu.memref_slice %arg4[%run_scoped3A_209, %shift_right_logical3A_189, %mul3A_208, %and3A_191, %dma_start3A_214] : memref<5x25x32x8x128xf32, #tpu.memory_space<hbm>> -> memref<1x1x4x1x128xf32, #tpu.memory_space<hbm>>
      %dma_start3A_216 = tpu.memref_squeeze %dma_start3A_215 : memref<1x1x4x1x128xf32, #tpu.memory_space<hbm>> -> memref<4x128xf32, #tpu.memory_space<hbm>>
      %dma_start3A_217 = arith.constant 0 : i32
      %dma_start3A_218 = tpu.memref_slice %arg4[%run_scoped3A_209, %shift_right_logical3A_189, %mul3A_208, %and3A_191, %dma_start3A_217] : memref<5x25x32x8x128xf32, #tpu.memory_space<hbm>> -> memref<1x1x4x1x128xf32, #tpu.memory_space<hbm>>
      %dma_start3A_219 = tpu.memref_squeeze %dma_start3A_218 : memref<1x1x4x1x128xf32, #tpu.memory_space<hbm>> -> memref<4x128xf32, #tpu.memory_space<hbm>>
      tpu.enqueue_dma source(%arg12 : memref<4x128xf32, #tpu.memory_space<vmem>>) target(%dma_start3A_219 : memref<4x128xf32, #tpu.memory_space<hbm>>) target_semaphore(%run_scoped3A_213 : memref<!tpu.dma_semaphore, #tpu.memory_space<semaphore_mem>>)
      %dma_wait3A_220 = arith.constant 0 : i32
      %dma_wait3A_221 = tpu.memref_slice %arg4[%run_scoped3A_209, %shift_right_logical3A_189, %mul3A_208, %and3A_191, %dma_wait3A_220] : memref<5x25x32x8x128xf32, #tpu.memory_space<hbm>> -> memref<1x1x4x1x128xf32, #tpu.memory_space<hbm>>
      %dma_wait3A_222 = tpu.memref_squeeze %dma_wait3A_221 : memref<1x1x4x1x128xf32, #tpu.memory_space<hbm>> -> memref<4x128xf32, #tpu.memory_space<hbm>>
      %dma_wait3A_223 = arith.constant 0 : i32
      %dma_wait3A_224 = tpu.memref_slice %arg4[%run_scoped3A_209, %shift_right_logical3A_189, %mul3A_208, %and3A_191, %dma_wait3A_223] : memref<5x25x32x8x128xf32, #tpu.memory_space<hbm>> -> memref<1x1x4x1x128xf32, #tpu.memory_space<hbm>>
      %dma_wait3A_225 = tpu.memref_squeeze %dma_wait3A_224 : memref<1x1x4x1x128xf32, #tpu.memory_space<hbm>> -> memref<4x128xf32, #tpu.memory_space<hbm>>
      tpu.wait_dma2 semaphore(%run_scoped3A_213 : memref<!tpu.dma_semaphore, #tpu.memory_space<semaphore_mem>>) src(%arg12 : memref<4x128xf32, #tpu.memory_space<vmem>>) dst(%dma_wait3A_225 : memref<4x128xf32, #tpu.memory_space<hbm>>)
      tpu.yield
    }) : () -> ()
    %mul3A_210 = arith.constant 4 : i32
    %mul3A_211 = arith.muli %and3A_187, %mul3A_210 : i32
    %run_scoped3A_212 = arith.constant 4 : i32
    "tpu.region"() ({
      %run_scoped3A_213 = tpu.sem_alloc : memref<!tpu.dma_semaphore, #tpu.memory_space<semaphore_mem>>
      %dma_start3A_214 = arith.constant 0 : i32
      %dma_start3A_215 = tpu.memref_slice %arg4[%run_scoped3A_212, %shift_right_logical3A_189, %mul3A_211, %and3A_191, %dma_start3A_214] : memref<5x25x32x8x128xf32, #tpu.memory_space<hbm>> -> memref<1x1x4x1x128xf32, #tpu.memory_space<hbm>>
      %dma_start3A_216 = tpu.memref_squeeze %dma_start3A_215 : memref<1x1x4x1x128xf32, #tpu.memory_space<hbm>> -> memref<4x128xf32, #tpu.memory_space<hbm>>
      %dma_start3A_217 = arith.constant 0 : i32
      %dma_start3A_218 = tpu.memref_slice %arg4[%run_scoped3A_212, %shift_right_logical3A_189, %mul3A_211, %and3A_191, %dma_start3A_217] : memref<5x25x32x8x128xf32, #tpu.memory_space<hbm>> -> memref<1x1x4x1x128xf32, #tpu.memory_space<hbm>>
      %dma_start3A_219 = tpu.memref_squeeze %dma_start3A_218 : memref<1x1x4x1x128xf32, #tpu.memory_space<hbm>> -> memref<4x128xf32, #tpu.memory_space<hbm>>
      tpu.enqueue_dma source(%arg13 : memref<4x128xf32, #tpu.memory_space<vmem>>) target(%dma_start3A_219 : memref<4x128xf32, #tpu.memory_space<hbm>>) target_semaphore(%run_scoped3A_213 : memref<!tpu.dma_semaphore, #tpu.memory_space<semaphore_mem>>)
      %dma_wait3A_220 = arith.constant 0 : i32
      %dma_wait3A_221 = tpu.memref_slice %arg4[%run_scoped3A_212, %shift_right_logical3A_189, %mul3A_211, %and3A_191, %dma_wait3A_220] : memref<5x25x32x8x128xf32, #tpu.memory_space<hbm>> -> memref<1x1x4x1x128xf32, #tpu.memory_space<hbm>>
      %dma_wait3A_222 = tpu.memref_squeeze %dma_wait3A_221 : memref<1x1x4x1x128xf32, #tpu.memory_space<hbm>> -> memref<4x128xf32, #tpu.memory_space<hbm>>
      %dma_wait3A_223 = arith.constant 0 : i32
      %dma_wait3A_224 = tpu.memref_slice %arg4[%run_scoped3A_212, %shift_right_logical3A_189, %mul3A_211, %and3A_191, %dma_wait3A_223] : memref<5x25x32x8x128xf32, #tpu.memory_space<hbm>> -> memref<1x1x4x1x128xf32, #tpu.memory_space<hbm>>
      %dma_wait3A_225 = tpu.memref_squeeze %dma_wait3A_224 : memref<1x1x4x1x128xf32, #tpu.memory_space<hbm>> -> memref<4x128xf32, #tpu.memory_space<hbm>>
      tpu.wait_dma2 semaphore(%run_scoped3A_213 : memref<!tpu.dma_semaphore, #tpu.memory_space<semaphore_mem>>) src(%arg13 : memref<4x128xf32, #tpu.memory_space<vmem>>) dst(%dma_wait3A_225 : memref<4x128xf32, #tpu.memory_space<hbm>>)
      tpu.yield
    }) : () -> ()
    return
  }
}

module attributes {stable_mosaic.version = 14 : i64} {
  func.func @_mlp_table_block(%arg0: i32, %arg1: memref<3x200x16xf32, #tpu.memory_space<vmem>>, %arg2: memref<3x4xf32, #tpu.memory_space<smem>>, %arg3: memref<4xf32, #tpu.memory_space<smem>>, %arg4: memref<4x128xf32, #tpu.memory_space<vmem>>, %arg5: memref<1x128xf32, #tpu.memory_space<vmem>>, %arg6: memref<200x128xf32, #tpu.memory_space<vmem>>) attributes {dimension_semantics = [#tpu.dimension_semantics<arbitrary>], iteration_bounds = array<i64: 63>, scalar_prefetch = 0 : i64, scratch_operands = 0 : i64, tpu.core_type = #tpu.core_type<tc>, window_params = [{transform_indices = @transform_0, window_bounds = array<i64: 3, 200, 16>}, {transform_indices = @transform_1, window_bounds = array<i64: 3, 4>}, {transform_indices = @transform_2, window_bounds = array<i64: 4>}, {pipeline_mode = #tpu.pipeline_mode<synchronous>, transform_indices = @transform_3, window_bounds = array<i64: 4, 128>}, {pipeline_mode = #tpu.pipeline_mode<synchronous>, transform_indices = @transform_4, window_bounds = array<i64: 1, 128>}, {transform_indices = @transform_5, window_bounds = array<i64: 200, 128>}]} {
    %get3A = arith.constant 0 : index
    %get3A_0 = arith.constant 0 : index
    %get3A_1 = arith.constant 0 : index
    %get3A_2 = vector.load %arg1[%get3A, %get3A_0, %get3A_1] : memref<3x200x16xf32, #tpu.memory_space<vmem>>, vector<1x200x16xf32>
    %get3A_3 = vector.shape_cast %get3A_2 : vector<1x200x16xf32> to vector<200x16xf32>
    %broadcast_in_dim3A = vector.shape_cast %get3A_3 : vector<200x16xf32> to vector<200x16x1xf32>
    %broadcast_in_dim3A_4 = vector.broadcast %broadcast_in_dim3A : vector<200x16x1xf32> to vector<200x16x8xf32>
    %reshape3A = vector.shape_cast %broadcast_in_dim3A_4 : vector<200x16x8xf32> to vector<200x128xf32>
    %get3A_5 = arith.constant 1 : index
    %get3A_6 = arith.constant 0 : index
    %get3A_7 = arith.constant 0 : index
    %get3A_8 = vector.load %arg1[%get3A_5, %get3A_6, %get3A_7] : memref<3x200x16xf32, #tpu.memory_space<vmem>>, vector<1x200x16xf32>
    %get3A_9 = vector.shape_cast %get3A_8 : vector<1x200x16xf32> to vector<200x16xf32>
    %broadcast_in_dim3A_10 = vector.shape_cast %get3A_9 : vector<200x16xf32> to vector<200x16x1xf32>
    %broadcast_in_dim3A_11 = vector.broadcast %broadcast_in_dim3A_10 : vector<200x16x1xf32> to vector<200x16x8xf32>
    %reshape3A_12 = vector.shape_cast %broadcast_in_dim3A_11 : vector<200x16x8xf32> to vector<200x128xf32>
    %get3A_13 = arith.constant 2 : index
    %get3A_14 = arith.constant 0 : index
    %get3A_15 = arith.constant 0 : index
    %get3A_16 = vector.load %arg1[%get3A_13, %get3A_14, %get3A_15] : memref<3x200x16xf32, #tpu.memory_space<vmem>>, vector<1x200x16xf32>
    %get3A_17 = vector.shape_cast %get3A_16 : vector<1x200x16xf32> to vector<200x16xf32>
    %broadcast_in_dim3A_18 = vector.shape_cast %get3A_17 : vector<200x16xf32> to vector<200x16x1xf32>
    %broadcast_in_dim3A_19 = vector.broadcast %broadcast_in_dim3A_18 : vector<200x16x1xf32> to vector<200x16x8xf32>
    %reshape3A_20 = vector.shape_cast %broadcast_in_dim3A_19 : vector<200x16x8xf32> to vector<200x128xf32>
    %get3A_21 = arith.constant 0 : index
    %get3A_22 = arith.constant 0 : index
    %get3A_23 = memref.load %arg2[%get3A_21, %get3A_22] : memref<3x4xf32, #tpu.memory_space<smem>>
    %mul3A = vector.broadcast %get3A_23 : f32 to vector<200x128xf32>
    %mul3A_24 = arith.mulf %reshape3A, %mul3A : vector<200x128xf32>
    %get3A_25 = arith.constant 1 : index
    %get3A_26 = arith.constant 0 : index
    %get3A_27 = memref.load %arg2[%get3A_25, %get3A_26] : memref<3x4xf32, #tpu.memory_space<smem>>
    %mul3A_28 = vector.broadcast %get3A_27 : f32 to vector<200x128xf32>
    %mul3A_29 = arith.mulf %reshape3A_12, %mul3A_28 : vector<200x128xf32>
    %add3A = arith.addf %mul3A_24, %mul3A_29 : vector<200x128xf32>
    %get3A_30 = arith.constant 2 : index
    %get3A_31 = arith.constant 0 : index
    %get3A_32 = memref.load %arg2[%get3A_30, %get3A_31] : memref<3x4xf32, #tpu.memory_space<smem>>
    %mul3A_33 = vector.broadcast %get3A_32 : f32 to vector<200x128xf32>
    %mul3A_34 = arith.mulf %reshape3A_20, %mul3A_33 : vector<200x128xf32>
    %add3A_35 = arith.addf %add3A, %mul3A_34 : vector<200x128xf32>
    %get3A_36 = arith.constant 0 : index
    %get3A_37 = memref.load %arg3[%get3A_36] : memref<4xf32, #tpu.memory_space<smem>>
    %add3A_38 = vector.broadcast %get3A_37 : f32 to vector<200x128xf32>
    %add3A_39 = arith.addf %add3A_35, %add3A_38 : vector<200x128xf32>
    %get3A_40 = arith.constant 0 : index
    %get3A_41 = arith.constant 1 : index
    %get3A_42 = memref.load %arg2[%get3A_40, %get3A_41] : memref<3x4xf32, #tpu.memory_space<smem>>
    %mul3A_43 = vector.broadcast %get3A_42 : f32 to vector<200x128xf32>
    %mul3A_44 = arith.mulf %reshape3A, %mul3A_43 : vector<200x128xf32>
    %get3A_45 = arith.constant 1 : index
    %get3A_46 = arith.constant 1 : index
    %get3A_47 = memref.load %arg2[%get3A_45, %get3A_46] : memref<3x4xf32, #tpu.memory_space<smem>>
    %mul3A_48 = vector.broadcast %get3A_47 : f32 to vector<200x128xf32>
    %mul3A_49 = arith.mulf %reshape3A_12, %mul3A_48 : vector<200x128xf32>
    %add3A_50 = arith.addf %mul3A_44, %mul3A_49 : vector<200x128xf32>
    %get3A_51 = arith.constant 2 : index
    %get3A_52 = arith.constant 1 : index
    %get3A_53 = memref.load %arg2[%get3A_51, %get3A_52] : memref<3x4xf32, #tpu.memory_space<smem>>
    %mul3A_54 = vector.broadcast %get3A_53 : f32 to vector<200x128xf32>
    %mul3A_55 = arith.mulf %reshape3A_20, %mul3A_54 : vector<200x128xf32>
    %add3A_56 = arith.addf %add3A_50, %mul3A_55 : vector<200x128xf32>
    %get3A_57 = arith.constant 1 : index
    %get3A_58 = memref.load %arg3[%get3A_57] : memref<4xf32, #tpu.memory_space<smem>>
    %add3A_59 = vector.broadcast %get3A_58 : f32 to vector<200x128xf32>
    %add3A_60 = arith.addf %add3A_56, %add3A_59 : vector<200x128xf32>
    %get3A_61 = arith.constant 0 : index
    %get3A_62 = arith.constant 2 : index
    %get3A_63 = memref.load %arg2[%get3A_61, %get3A_62] : memref<3x4xf32, #tpu.memory_space<smem>>
    %mul3A_64 = vector.broadcast %get3A_63 : f32 to vector<200x128xf32>
    %mul3A_65 = arith.mulf %reshape3A, %mul3A_64 : vector<200x128xf32>
    %get3A_66 = arith.constant 1 : index
    %get3A_67 = arith.constant 2 : index
    %get3A_68 = memref.load %arg2[%get3A_66, %get3A_67] : memref<3x4xf32, #tpu.memory_space<smem>>
    %mul3A_69 = vector.broadcast %get3A_68 : f32 to vector<200x128xf32>
    %mul3A_70 = arith.mulf %reshape3A_12, %mul3A_69 : vector<200x128xf32>
    %add3A_71 = arith.addf %mul3A_65, %mul3A_70 : vector<200x128xf32>
    %get3A_72 = arith.constant 2 : index
    %get3A_73 = arith.constant 2 : index
    %get3A_74 = memref.load %arg2[%get3A_72, %get3A_73] : memref<3x4xf32, #tpu.memory_space<smem>>
    %mul3A_75 = vector.broadcast %get3A_74 : f32 to vector<200x128xf32>
    %mul3A_76 = arith.mulf %reshape3A_20, %mul3A_75 : vector<200x128xf32>
    %add3A_77 = arith.addf %add3A_71, %mul3A_76 : vector<200x128xf32>
    %get3A_78 = arith.constant 2 : index
    %get3A_79 = memref.load %arg3[%get3A_78] : memref<4xf32, #tpu.memory_space<smem>>
    %add3A_80 = vector.broadcast %get3A_79 : f32 to vector<200x128xf32>
    %add3A_81 = arith.addf %add3A_77, %add3A_80 : vector<200x128xf32>
    %get3A_82 = arith.constant 0 : index
    %get3A_83 = arith.constant 3 : index
    %get3A_84 = memref.load %arg2[%get3A_82, %get3A_83] : memref<3x4xf32, #tpu.memory_space<smem>>
    %mul3A_85 = vector.broadcast %get3A_84 : f32 to vector<200x128xf32>
    %mul3A_86 = arith.mulf %reshape3A, %mul3A_85 : vector<200x128xf32>
    %get3A_87 = arith.constant 1 : index
    %get3A_88 = arith.constant 3 : index
    %get3A_89 = memref.load %arg2[%get3A_87, %get3A_88] : memref<3x4xf32, #tpu.memory_space<smem>>
    %mul3A_90 = vector.broadcast %get3A_89 : f32 to vector<200x128xf32>
    %mul3A_91 = arith.mulf %reshape3A_12, %mul3A_90 : vector<200x128xf32>
    %add3A_92 = arith.addf %mul3A_86, %mul3A_91 : vector<200x128xf32>
    %get3A_93 = arith.constant 2 : index
    %get3A_94 = arith.constant 3 : index
    %get3A_95 = memref.load %arg2[%get3A_93, %get3A_94] : memref<3x4xf32, #tpu.memory_space<smem>>
    %mul3A_96 = vector.broadcast %get3A_95 : f32 to vector<200x128xf32>
    %mul3A_97 = arith.mulf %reshape3A_20, %mul3A_96 : vector<200x128xf32>
    %add3A_98 = arith.addf %add3A_92, %mul3A_97 : vector<200x128xf32>
    %get3A_99 = arith.constant 3 : index
    %get3A_100 = memref.load %arg3[%get3A_99] : memref<4xf32, #tpu.memory_space<smem>>
    %add3A_101 = vector.broadcast %get3A_100 : f32 to vector<200x128xf32>
    %add3A_102 = arith.addf %add3A_98, %add3A_101 : vector<200x128xf32>
    %add3A_103 = arith.addf %add3A_39, %add3A_60 : vector<200x128xf32>
    %add3A_104 = arith.addf %add3A_103, %add3A_81 : vector<200x128xf32>
    %add3A_105 = arith.addf %add3A_104, %add3A_102 : vector<200x128xf32>
    %mul3A_106 = arith.constant 2.500000e-01 : f32
    %mul3A_107 = vector.broadcast %mul3A_106 : f32 to vector<200x128xf32>
    %mul3A_108 = arith.mulf %add3A_105, %mul3A_107 : vector<200x128xf32>
    %sub3A = arith.subf %add3A_39, %mul3A_108 : vector<200x128xf32>
    %sub3A_109 = arith.subf %add3A_60, %mul3A_108 : vector<200x128xf32>
    %sub3A_110 = arith.subf %add3A_81, %mul3A_108 : vector<200x128xf32>
    %sub3A_111 = arith.subf %add3A_102, %mul3A_108 : vector<200x128xf32>
    %mul3A_112 = arith.mulf %sub3A, %sub3A : vector<200x128xf32>
    %mul3A_113 = arith.mulf %sub3A_109, %sub3A_109 : vector<200x128xf32>
    %add3A_114 = arith.addf %mul3A_112, %mul3A_113 : vector<200x128xf32>
    %mul3A_115 = arith.mulf %sub3A_110, %sub3A_110 : vector<200x128xf32>
    %add3A_116 = arith.addf %add3A_114, %mul3A_115 : vector<200x128xf32>
    %mul3A_117 = arith.mulf %sub3A_111, %sub3A_111 : vector<200x128xf32>
    %add3A_118 = arith.addf %add3A_116, %mul3A_117 : vector<200x128xf32>
    %mul3A_119 = arith.constant 2.500000e-01 : f32
    %mul3A_120 = vector.broadcast %mul3A_119 : f32 to vector<200x128xf32>
    %mul3A_121 = arith.mulf %add3A_118, %mul3A_120 : vector<200x128xf32>
    %add3A_122 = arith.constant 9.99999974E-6 : f32
    %add3A_123 = vector.broadcast %add3A_122 : f32 to vector<200x128xf32>
    %add3A_124 = arith.addf %mul3A_121, %add3A_123 : vector<200x128xf32>
    %sqrt3A = math.sqrt %add3A_124 : vector<200x128xf32>
    %get3A_125 = arith.constant 0 : index
    %get3A_126 = arith.constant 0 : index
    %get3A_127 = vector.load %arg4[%get3A_125, %get3A_126] : memref<4x128xf32, #tpu.memory_space<vmem>>, vector<1x128xf32>
    %mul3A_128 = vector.broadcast %get3A_127 : vector<1x128xf32> to vector<200x128xf32>
    %mul3A_129 = arith.mulf %sub3A, %mul3A_128 : vector<200x128xf32>
    %get3A_130 = arith.constant 1 : index
    %get3A_131 = arith.constant 0 : index
    %get3A_132 = vector.load %arg4[%get3A_130, %get3A_131] : memref<4x128xf32, #tpu.memory_space<vmem>>, vector<1x128xf32>
    %mul3A_133 = vector.broadcast %get3A_132 : vector<1x128xf32> to vector<200x128xf32>
    %mul3A_134 = arith.mulf %sub3A_109, %mul3A_133 : vector<200x128xf32>
    %add3A_135 = arith.addf %mul3A_129, %mul3A_134 : vector<200x128xf32>
    %get3A_136 = arith.constant 2 : index
    %get3A_137 = arith.constant 0 : index
    %get3A_138 = vector.load %arg4[%get3A_136, %get3A_137] : memref<4x128xf32, #tpu.memory_space<vmem>>, vector<1x128xf32>
    %mul3A_139 = vector.broadcast %get3A_138 : vector<1x128xf32> to vector<200x128xf32>
    %mul3A_140 = arith.mulf %sub3A_110, %mul3A_139 : vector<200x128xf32>
    %add3A_141 = arith.addf %add3A_135, %mul3A_140 : vector<200x128xf32>
    %get3A_142 = arith.constant 3 : index
    %get3A_143 = arith.constant 0 : index
    %get3A_144 = vector.load %arg4[%get3A_142, %get3A_143] : memref<4x128xf32, #tpu.memory_space<vmem>>, vector<1x128xf32>
    %mul3A_145 = vector.broadcast %get3A_144 : vector<1x128xf32> to vector<200x128xf32>
    %mul3A_146 = arith.mulf %sub3A_111, %mul3A_145 : vector<200x128xf32>
    %add3A_147 = arith.addf %add3A_141, %mul3A_146 : vector<200x128xf32>
    %div3A = arith.divf %add3A_147, %sqrt3A : vector<200x128xf32>
    %get3A_148 = arith.constant 0 : index
    %get3A_149 = arith.constant 0 : index
    %get3A_150 = vector.load %arg5[%get3A_148, %get3A_149] : memref<1x128xf32, #tpu.memory_space<vmem>>, vector<1x128xf32>
    %add3A_151 = vector.broadcast %get3A_150 : vector<1x128xf32> to vector<200x128xf32>
    %add3A_152 = arith.addf %div3A, %add3A_151 : vector<200x128xf32>
    %swap3A = arith.constant 0 : index
    %swap3A_153 = arith.constant 0 : index
    %swap3A_154 = vector.load %arg6[%swap3A, %swap3A_153] : memref<200x128xf32, #tpu.memory_space<vmem>>, vector<200x128xf32>
    tpu.vector_store %arg6[%swap3A, %swap3A_153], %add3A_152 {strides = array<i32>} : memref<200x128xf32, #tpu.memory_space<vmem>>, vector<200x128xf32>,
    return
  }
  func.func @transform_0(%arg0: i32) -> (i32, i32, i32) {
    %c0_i32 = arith.constant 0 : i32
    %c0_i32_0 = arith.constant 0 : i32
    %c0_i32_1 = arith.constant 0 : i32
    return %c0_i32, %arg0, %c0_i32_0 : i32, i32, i32
  }
  func.func @transform_1(%arg0: i32) -> (i32, i32) {
    %c0_i32 = arith.constant 0 : i32
    %c0_i32_0 = arith.constant 0 : i32
    %c0_i32_1 = arith.constant 0 : i32
    return %c0_i32, %c0_i32_0 : i32, i32
  }
  func.func @transform_2(%arg0: i32) -> i32 {
    %c0_i32 = arith.constant 0 : i32
    %c0_i32_0 = arith.constant 0 : i32
    return %c0_i32 : i32
  }
  func.func @transform_3(%arg0: i32) -> (i32, i32) {
    %c0_i32 = arith.constant 0 : i32
    %c0_i32_0 = arith.constant 0 : i32
    %c0_i32_1 = arith.constant 0 : i32
    return %c0_i32, %c0_i32_0 : i32, i32
  }
  func.func @transform_4(%arg0: i32) -> (i32, i32) {
    %c0_i32 = arith.constant 0 : i32
    %c0_i32_0 = arith.constant 0 : i32
    %c0_i32_1 = arith.constant 0 : i32
    return %c0_i32, %c0_i32_0 : i32, i32
  }
  func.func @transform_5(%arg0: i32) -> (i32, i32) {
    %c0_i32 = arith.constant 0 : i32
    %c0_i32_0 = arith.constant 0 : i32
    return %arg0, %c0_i32 : i32, i32
  }
}

</mosaic_0001>

<sc_bundles>
// kernel: kernel.4.cloned.1.call-start
scs
__scs_entry_jumppad:
0x0: {  	(pc) =	sbr.rel $0x88, $3  }
0x1: {  	(tag) =	ssettag $0x0;
	lr =	simm.s32 $0x1  }
0x2: {  	[smem:$0x3F99] =	sst lr;
	_ =	strace $0xD0000000  }
0x3: {  	_ = 	snop  }
0x4: {  	_ = 	snop  }
0x5: {  	_ = 	snop  }
0x6: {  	_ = 	snop  }
0x7: {  	_ = 	snop  }
__scs_overlays_trampoline_lowered:
0x8: {  	[smem:$0x3FA8] =	sst s0  }
0x9: {  	[smem:$0x3FA9] =	sst s1  }
0xa: {  	[smem:$0x3FAA] =	sst s2  }
0xb: {  	[smem:$0x3FAB] =	sst s3  }
0xc: {  	[smem:$0x3FAC] =	sst s4  }
0xd: {  	[smem:$0x3FAD] =	sst s5  }
0xe: {  	[smem:$0x3FAE] =	sst s6  }
0xf: {  	[smem:$0x3FAF] =	sst s7  }
0x10: {  	[smem:$0x3FB0] =	sst s8  }
0x11: {  	[smem:$0x3FB1] =	sst s9;
	s0 =	simm.s32 @!p0 $0x0  }
0x12: {  	s1 =	sld [smem:$0x3F97];
	s0 =	simm.s32 @p0 $0x1  }
0x13: {  	[smem:$0x3FB2] =	sst s0;
	s0 =	simm.s32 @!p1 $0x0  }
0x14: {  	s2 =	sld [smem:$0x3F96];
	s0 =	simm.s32 @p1 $0x1  }
0x15: {  	[smem:$0x3FB3] =	sst s0;
	s0 =	simm.s32 @!p2 $0x0  }
0x16: {  	s3 =	sld [smem:$0x3FDB];
	s0 =	simm.s32 @p2 $0x1  }
0x17: {  	s4 =	simm.s32 $0x1BF5;
	[smem:$0x3FB5] =	sst s0  }
0x18: {  	s0 =	sld [smem:$0x3F98];
	_ =	swait.ge [sflag:s4], $0x0  }
0x19: {  	s7 =	sld [smem:$0x3F99]  }
0x1a: {  	s8 =	sadd.s32 $0xFFFFE003, lr  }
0x1b: {  	s9 =	sadd.s32 $0xFFFFFEF7, lr;
	s5 =	simm.s32 $0xFFFFFFFF;
	p2 =	slt.u32 s8, $0xFFFFF086  }
0x1c: {  	p1 =	slt.u32 s9, $0xF7A;
	s5 =	simm.s32 @!p2 $0x0  }
0x1d: {  	s5 =	simm.s32 @p1 $0x1;
	p0 =	seq.s32 s7, s2  }
0x1e: {  	s7 =	smul.u32 @!p0 $0xF7A, s2;
	p2 =	seq.s32 @!p0 s5, $0x0  }
0x1f: {  	s9 =	smul.u32 $0xF7A, s1;
	s8 =	simm.s32 @!p0 $0x1BF5;
	p2 =	por !p2, p0  }
0x20: {  	[sflag:s8] =	ssyncset.s32 @!p0 $0xFFFFF086;
	s6 =	sadd.s32 @!p0 s3, s7;
	s7 =	simm.s32 @!p0 $0x108  }
0x21: {  	s3 =	sadd.s32 s3, s9;
	s6 =	sadd.s32 @!p0 $0x88, s6;
	s7 =	simm.s32 @p2 $0x1082  }
0x22: {  	[simem:s7], [sflag:s8] =	dma.local @!p0 [hbm:s6], $0xF7A  }
0x23: {  	s9 =	sor.u32 $0xD0000000, s2;
	s6 =	simm.s32 $0x108;
	_ =	swait.ge @!p0 [sflag:s8], $0x0  }
0x24: {  	s3 =	sadd.s32 $0x88, s3;
	s6 =	simm.s32 @!p1 $0x1082;
	[sflag:s4] =	ssyncset.s32 $0xFFFFF086  }
0x25: {  	[simem:s6], [sflag:s4] =	dma.local [hbm:s3], $0xF7A  }
0x26: {  	[smem:$0x3F99] =	sst s1;
	(tag) =	ssettag s2;
	_ =	strace s9  }
0x27: {  	s1 =	sld [smem:$0x3FA9]  }
0x28: {  	s2 =	sld [smem:$0x3FAA]  }
0x29: {  	s4 =	sld [smem:$0x3FAC]  }
0x2a: {  	p0 =	seq.s32 s5, $0x0;
	s5 =	sld [smem:$0x3FAD]  }
0x2b: {  	s6 =	sld [smem:$0x3FAE]  }
0x2c: {  	s7 =	sld [smem:$0x3FAF]  }
0x2d: {  	s3 =	simm.s32 $0x108;
	s8 =	sld [smem:$0x3FB0]  }
0x2e: {  	s3 =	simm.s32 @!p0 $0x1082;
	s9 =	sld [smem:$0x3FB1]  }
0x2f: {  	lr =	sadd.s32 s0, s3;
	s0 =	sld [smem:$0x3FA8]  }
0x30: {  	s3 =	sld [smem:$0x3FAB]  }
0x31: {  	[smem:$0x3FB4] =	sst s10  }
0x32: {  	s10 =	sld [smem:$0x3FB2];
	_ =	sdelay $0x3  }
0x33: {  	p0 =	seq.s32 s10, $0x1;
	s10 =	sld [smem:$0x3FB4];
	_ =	sdelay $0x3  }
0x34: {  	[smem:$0x3FB4] =	sst s10  }
0x35: {  	s10 =	sld [smem:$0x3FB3];
	_ =	sdelay $0x3  }
0x36: {  	p1 =	seq.s32 s10, $0x1;
	s10 =	sld [smem:$0x3FB4];
	_ =	sdelay $0x3  }
0x37: {  	[smem:$0x3FB4] =	sst s10  }
0x38: {  	s10 =	sld [smem:$0x3FB5]  }
0x39: {  	_ = 	snop;
	(pc) =	sbr.ind lr, $3  }
0x3a: {  	_ = 	snop  }
0x3b: {  	_ = 	snop  }
0x3c: {  	p2 =	seq.s32 s10, $0x1;
	s10 =	sld [smem:$0x3FB4]  }
0x3d: {  	_ =	shalt  }
0x3e: {  	_ =	shalt  }
0x3f: {  	_ =	shalt  }
0x40: {  	_ =	shalt  }
0x41: {  	_ =	shalt  }
0x42: {  	_ =	shalt  }
0x43: {  	_ =	shalt  }
0x44: {  	_ =	shalt  }
0x45: {  	_ =	shalt  }
0x46: {  	_ =	shalt  }
0x47: {  	_ =	shalt  }
0x48: {  	_ =	shalt  }
0x49: {  	_ =	shalt  }
0x4a: {  	_ =	shalt  }
0x4b: {  	_ =	shalt  }
0x4c: {  	_ =	shalt  }
0x4d: {  	_ =	shalt  }
0x4e: {  	_ =	shalt  }
0x4f: {  	_ =	shalt  }
0x50: {  	_ =	shalt  }
0x51: {  	_ =	shalt  }
0x52: {  	_ =	shalt  }
0x53: {  	_ =	shalt  }
0x54: {  	_ =	shalt  }
0x55: {  	_ =	shalt  }
0x56: {  	_ =	shalt  }
0x57: {  	_ =	shalt  }
0x58: {  	_ =	shalt  }
0x59: {  	_ =	shalt  }
0x5a: {  	_ =	shalt  }
0x5b: {  	_ =	shalt  }
0x5c: {  	_ =	shalt  }
0x5d: {  	_ =	shalt  }
0x5e: {  	_ =	shalt  }
0x5f: {  	_ =	shalt  }
0x60: {  	_ =	shalt  }
0x61: {  	_ =	shalt  }
0x62: {  	_ =	shalt  }
0x63: {  	_ =	shalt  }
0x64: {  	_ =	shalt  }
0x65: {  	_ =	shalt  }
0x66: {  	_ =	shalt  }
0x67: {  	_ =	shalt  }
0x68: {  	_ =	shalt  }
0x69: {  	_ =	shalt  }
0x6a: {  	_ =	shalt  }
0x6b: {  	_ =	shalt  }
0x6c: {  	_ =	shalt  }
0x6d: {  	_ =	shalt  }
0x6e: {  	_ =	shalt  }
0x6f: {  	_ =	shalt  }
0x70: {  	_ =	shalt  }
0x71: {  	_ =	shalt  }
0x72: {  	_ =	shalt  }
0x73: {  	_ =	shalt  }
0x74: {  	_ =	shalt  }
0x75: {  	_ =	shalt  }
0x76: {  	_ =	shalt  }
0x77: {  	_ =	shalt  }
0x78: {  	_ =	shalt  }
0x79: {  	_ =	shalt  }
0x7a: {  	_ =	shalt  }
0x7b: {  	_ =	shalt  }
0x7c: {  	_ =	shalt  }
0x7d: {  	_ =	shalt  }
0x7e: {  	_ =	shalt  }
0x7f: {  	_ =	shalt  }
0x80: {  	_ =	shalt  }
0x81: {  	_ =	shalt  }
0x82: {  	_ =	shalt  }
0x83: {  	_ =	shalt  }
0x84: {  	_ =	shalt  }
0x85: {  	_ =	shalt  }
0x86: {  	_ =	shalt  }
0x87: {  	_ =	shalt  }
.Lfunc_end0:
.L_simem_size_0:
called_computation_lowered:
.L_overlay_start_0:
0x88: {  	s2 =	sld [smem:$0x3FD9]  }
0x89: {  	s3 =	sld [smem:$0x3FFE];
	_ =	sdelay $0x1  }
0x8a: {  	s1 =	srdreg.scid  }
0x8b: {  	s0 =	sand.u32 $0x1, s1  }
0x8c: {  	s17 =	sshll.u32 s0, $0xA;
	s2 =	sadd.s32 s3, s2  }
0x8d: {  	s2 =	sadd.s32 s2, s17  }
0x8e: {  	[smem:$0x3FC0] =	sst s2  }
0x8f: {  	_ = 	snop  }
0x90: {  	s2 =	sld [smem:$0x3FD0];
	(tm) =	ssettm $0x1  }
0x91: {  	s18 =	sld [smem:$0x3FFB];
	_ =	sdelay $0x3  }
0x92: {  	_ =	strace s18  }
0x93: {  	s3 =	sld [smem:$0x3FFC];
	_ =	sdelay $0x3  }
0x94: {  	_ =	strace s3  }
0x95: {  	s3 =	sld [smem:$0x3FFD];
	_ =	sdelay $0x3  }
0x96: {  	_ =	strace s3  }
0x97: {  	_ =	strace $0x8FFFFFFF  }
0x98: {  	s19 =	sld [smem:$0x3FDB];
	_ =	sdelay $0x1  }
0x99: {  	s4 =	simm.s32 $_scs_section_size  }
0x9a: {  	s5 =	simm.s32 $_size__tile_overlayer_lowered;
	s6 =	simm.s32 $_tile_overlayer_lowered  }
0x9b: {  	s22 =	simm.s32 $0x1BFF;
	s21 =	sshll.u32 s6, $0x1;
	s3 =	sadd.s32 s4, s19  }
0x9c: {  	s7 =	simm.s32 $0x0;
	s20 =	sshll.u32 s5, $0x1;
	s5 =	sadd.s32 s21, s3  }
0x9d: {  	[timem:s7], [sflag:s22] =	dma.local [hbm:s5], s20  }
0x9e: {  	_ =	swait.ge [sflag:s22], s20  }
0x9f: {  	s4 =	ssub.s32 $0x0, s20;
	[sflag:s22] =	ssyncset.done $0x0  }
0xa0: {  	[sflag:s22] =	ssyncadd.s32 s4;
	_ =	sdelay $0x1  }
0xa1: {  	s23 =	simm.s32 $0x1B8B  }
0xa2: {  	_ =	swait.ge [sflag:s23], $0x1  }
0xa3: {  	[sflag:s23] =	ssyncset.done $0x0  }
0xa4: {  	s25 =	simm.s32 $0x1B8E;
	s24 =	sld [smem:$0x3FFE];
	[sflag:s23] =	ssyncadd.s32 $0xFFFFFFFF  }
0xa5: {  	s26 =	simm.s32 $execute0_lowered;
	[smem:$0x3FD2] =	sst s25  }
0xa6: {  	s5 =	sshll.u32 s26, $0x1;
	_ =	strace $0x80000046;
	[dreg:$0x1] =	wrdreg $0xFFFFFFFF  }
0xa7: {  	s28 =	simm.s32 $_size_execute0_lowered;
	s3 =	sadd.s32 s3, s5;
	[dreg:$0x0] =	wrdreg $0x0  }
0xa8: {  	s5 =	sshll.u32 s28, $0x1;
	[dreg:$0x2] =	wrdreg s3  }
0xa9: {  	[dreg:$0x3] =	wrdreg s5  }
0xaa: {  	[dreg:$0x4] =	wrdreg $0xC0  }
0xab: {  	_ =	task [dreg:s7], $0x5FFFF  }
0xac: {  	[dreg:$0x1] =	wrdreg $0xFFFFFFFF  }
0xad: {  	[dreg:$0x0] =	wrdreg $0x60  }
0xae: {  	[dreg:$0x2] =	wrdreg s24  }
0xaf: {  	[dreg:$0x3] =	wrdreg s2  }
0xb0: {  	[dreg:$0x4] =	wrdreg $0x9  }
0xb1: {  	_ =	task.clear_ibuf [dreg:s7], $0x5FFFF;
	_ =	strace $0x90000046  }
0xb2: {  	s29 =	simm.s32 $0x9;
	_ =	strace $0x80000048  }
0xb3: {  	_ =	swait.ge [sflag:s29], $0x1  }
0xb4: {  	[sflag:s29] =	ssyncadd.s32 $0xFFFFFFFF  }
0xb5: {  	_ =	strace $0x90000048  }
0xb6: {  	_ =	sfence  }
0xb7: {  	s30 =	sld [smem:$0x0];
	_ =	sdelay $0x2  }
0xb8: {  	s31 =	sshll.u32 s1, $0xD;
	s1 =	sshrl.u32 s1, $0x2  }
0xb9: {  	s3 =	sand.u32 $0x4000, s31;
	s1 =	sadd.s32 s1, s30  }
0xba: {  	s0 =	sor.u32 s3, s0;
	s1 =	sshll.u32 s1, $0x11  }
0xbb: {  	s0 =	sor.u32 s1, s0  }
0xbc: {  	s0 =	sadd.s32 $0x8F2B, s0  }
0xbd: {  	[sflag:s0] =	ssyncadd.remote.s32 $0x1  }
0xbe: {  	_ =	sfence.sel $0xFFFF  }
0xbf: {  	[dreg:$0x0] =	wrdreg $0xFFFFFFFF;
	(pc) =	sbr.abs _section_cstart, $3  }
0xc0: {  	[dreg:$0x1] =	wrdreg $0xFFFFFFFF  }
0xc1: {  	_ =	task.clear_ibuf [dreg:s7], $0x2FFFF;
	_ =	strace $0x9FFFFFFF  }
0xc2: {  	(tm) =	ssettm $0x7FFFFFFF  }
0xc3: {  	_ =	shalt  }
tec
execute0_lowered:
.L_overlay_start_1:
0x0: {  	(tag) =	ssettag $0x1  }
0x1: {  	v0 =	vlaneseq.u32  }
0x2: {  	v0 =	vmul.u32 $0x8, v0  }
0x3: {  	s1 =	rddreg [dreg:$0x0];
	s3 =	simm.s32 $0x0  }
0x4: {  	[smem:$0x7FF] =	sst s3;
	v1 =	vor.u32 $0x1, v0  }
0x5: {  	s12 =	rddreg [dreg:$0x1];
	_ =	strace $0x80000047;
	[tilespmem:$0x1FC10] =	vst v1;
	v1 =	vor.u32 $0x2, v0  }
0x6: {  	[tilespmem:$0x1FC20] =	vst v1;
	v1 =	vor.u32 $0x3, v0  }
0x7: {  	[tilespmem:$0x1FC30] =	vst v1;
	v1 =	vor.u32 $0x4, v0  }
0x8: {  	[tilespmem:$0x1FC40] =	vst v1;
	v1 =	vor.u32 $0x80, v0  }
0x9: {  	[tilespmem:$0x1FC50] =	vst v1;
	v1 =	vor.u32 $0x81, v0  }
0xa: {  	[tilespmem:$0x1FC60] =	vst v1;
	v1 =	vor.u32 $0x82, v0  }
0xb: {  	[tilespmem:$0x1FC70] =	vst v1;
	v1 =	vor.u32 $0x83, v0  }
0xc: {  	[tilespmem:$0x1FC80] =	vst v1;
	v1 =	vor.u32 $0x84, v0  }
0xd: {  	[tilespmem:$0x1FC90] =	vst v1;
	v1 =	vor.u32 $0x100, v0  }
0xe: {  	[tilespmem:$0x1FCA0] =	vst v1;
	v1 =	vor.u32 $0x101, v0  }
0xf: {  	[tilespmem:$0x1FCB0] =	vst v1;
	v1 =	vor.u32 $0x102, v0  }
0x10: {  	[tilespmem:$0x1FCC0] =	vst v1;
	v1 =	vor.u32 $0x103, v0  }
0x11: {  	[tilespmem:$0x1FCD0] =	vst v1;
	v1 =	vor.u32 $0x104, v0  }
0x12: {  	[tilespmem:$0x1FCE0] =	vst v1;
	v1 =	vor.u32 $0x180, v0  }
0x13: {  	[tilespmem:$0x1FCF0] =	vst v1;
	v1 =	vor.u32 $0x181, v0  }
0x14: {  	[tilespmem:$0x1FD00] =	vst v1;
	v1 =	vor.u32 $0x182, v0  }
0x15: {  	[tilespmem:$0x1FD10] =	vst v1;
	v1 =	vor.u32 $0x183, v0  }
0x16: {  	[tilespmem:$0x1FD20] =	vst v1;
	v1 =	vor.u32 $0x184, v0  }
0x17: {  	[tilespmem:$0x1FD30] =	vst v1;
	v1 =	vor.u32 $0x200, v0  }
0x18: {  	[tilespmem:$0x1FD40] =	vst v1;
	v1 =	vor.u32 $0x201, v0  }
0x19: {  	[tilespmem:$0x1FD50] =	vst v1;
	v1 =	vor.u32 $0x202, v0  }
0x1a: {  	[tilespmem:$0x1FD60] =	vst v1;
	v1 =	vor.u32 $0x203, v0  }
0x1b: {  	[tilespmem:$0x1FD70] =	vst v1;
	v1 =	vor.u32 $0x204, v0  }
0x1c: {  	[tilespmem:$0x1FD80] =	vst v1;
	v1 =	vor.u32 $0x280, v0  }
0x1d: {  	s11 =	stileid.u32;
	[tilespmem:$0x1FD90] =	vst v1;
	v1 =	vor.u32 $0x281, v0  }
0x1e: {  	s13 =	smul.u32 $0x1900, s11;
	[tilespmem:$0x1FDA0] =	vst v1;
	v1 =	vor.u32 $0x282, v0  }
0x1f: {  	s0 =	srdreg.scid;
	s17 =	smul.u32 $0x640, s11;
	[tilespmem:$0x1FDB0] =	vst v1;
	v1 =	vor.u32 $0x283, v0  }
0x20: {  	s0 =	sand.u32 $0x1, s0;
	s21 =	smul.u32 $0xC800, s11;
	[tilespmem:$0x1FDC0] =	vst v1;
	v1 =	vor.u32 $0x284, v0  }
0x21: {  	s15 =	smul.u32 $0xC80, s0;
	[tilespmem:$0x1FDD0] =	vst v1;
	v1 =	vor.u32 $0x300, v0  }
0x22: {  	s19 =	smul.u32 $0x320, s0;
	[tilespmem:$0x1FDE0] =	vst v1;
	v1 =	vor.u32 $0x301, v0  }
0x23: {  	s30 =	simm.s32 $0x200;
	s2 =	sshll.u32 s11, $0x1;
	s24 =	smul.u32 $0x6400, s0;
	[tilespmem:$0x1FDF0] =	vst v1;
	v1 =	vor.u32 $0x302, v0  }
0x24: {  	s2 =	sor.u32 s0, s2;
	s6 =	ssub.s32 $0x2, s0;
	s0 =	smul.u32 $0x32000, s0;
	[tilespmem:$0x1FE00] =	vst v1;
	v1 =	vor.u32 $0x303, v0  }
0x25: {  	s31 =	simm.s32 $0x4;
	s29 =	simm.s32 $0x2000;
	s5 =	smul.u32 $0x32, s2;
	[tilespmem:$0x1FE10] =	vst v1;
	v1 =	vor.u32 $0x304, v0  }
0x26: {  	s4 =	sadd.s32 $0x1400, s1;
	s1 =	sadd.s32 $0x95000, s1;
	s7 =	smul.u32 $0x6400, s2;
	[tilespmem:$0x1FE20] =	vst v1;
	v1 =	vor.u32 $0x380, v0  }
0x27: {  	s8 =	sshrl.u32 s6, $0x1;
	s9 =	sshll.u32 s2, $0xA;
	s2 =	sshll.u32 s2, $0xD;
	[tilespmem:$0x1FE30] =	vst v1;
	v1 =	vor.u32 $0x381, v0  }
0x28: {  	s9 =	sand.u32 $0xC00, s9;
	s2 =	sand.u32 $0x6000, s2;
	s10 =	sadd.s32 $0x30, s5;
	[tilespmem:$0x1FE40] =	vst v1;
	v1 =	vor.u32 $0x382, v0  }
0x29: {  	s7 =	sand.u32 $0xFF000, s7;
	s5 =	sadd.s32 $0x31, s5;
	s25 =	sshll.u32 s10, $0x9;
	[tilespmem:$0x1FE50] =	vst v1;
	v1 =	vor.u32 $0x383, v0  }
0x2a: {  	s7 =	sor.u32 s9, s7;
	s10 =	sshll.u32 s10, $0x4;
	s9 =	sand.u32 $0x1F8000, s25;
	[tilespmem:$0x1FE60] =	vst v1;
	v1 =	vor.u32 $0x384, v0  }
0x2b: {  	s7 =	sshrl.u32 s7, $0x3;
	s10 =	sand.u32 $0x380, s10;
	s25 =	smul.u32 $0x64000, s11;
	[tilespmem:$0x1FE70] =	vst v1;
	v1 =	vor.u32 $0x400, v0  }
0x2c: {  	s11 =	simm.s32 $0x380;
	s9 =	sor.u32 s2, s9;
	s2 =	ssub.s32 s6, s8;
	[tilespmem:$0x1FE80] =	vst v1;
	v1 =	vor.u32 $0x401, v0  }
0x2d: {  	s7 =	sadd.s32 s1, s7;
	s8 =	sshll.u32 s5, $0xC;
	s1 =	sadd.s32 s13, s1;
	[tilespmem:$0x1FE90] =	vst v1;
	v1 =	vor.u32 $0x402, v0  }
0x2e: {  	s13 =	simm.s32 $0x1;
	s26 =	sor.u32 s10, s9;
	[dreg:$0x4] =	wrdreg s7;
	[tilespmem:$0x1FEA0] =	vst v1;
	v1 =	vor.u32 $0x403, v0  }
0x2f: {  	s7 =	sadd.s32 $0x40, s7;
	s10 =	sshll.u32 s5, $0x9;
	s5 =	sshll.u32 s5, $0x4;
	[tilespmem:$0x1FEB0] =	vst v1;
	v1 =	vor.u32 $0x404, v0  }
0x30: {  	s2 =	smax.u32 s2, $0x1;
	s1 =	sadd.s32 s15, s1;
	s0 =	sadd.s32 s0, s25;
	[tilespmem:$0x1FEC0] =	vst v1;
	v1 =	vor.u32 $0x480, v0  }
0x31: {  	s25 =	simm.s32 $0x1800;
	s15 =	simm.s32 $0x2600;
	[dreg:$0x5] =	wrdreg s7;
	[tilespmem:$0x1FED0] =	vst v1;
	v1 =	vor.u32 $0x481, v0  }
0x32: {  	s6 =	sshrl.u32 s26, $0x3;
	s7 =	sand.u32 $0x1F8000, s10;
	[dreg:$0x10] =	wrdreg s2;
	[tilespmem:$0x1FEE0] =	vst v1;
	v1 =	vor.u32 $0x482, v0  }
0x33: {  	s5 =	sand.u32 $0x380, s5;
	[dreg:$0x3] =	wrdreg s1;
	s26 =	sadd.s32 s19, s17;
	[tilespmem:$0x1FEF0] =	vst v1;
	v1 =	vor.u32 $0x483, v0  }
0x34: {  	[dreg:$0x13] =	wrdreg s0;
	s1 =	simm.s32 $0xC00;
	s0 =	simm.s32 $0x1400;
	[tilespmem:$0x1FF00] =	vst v1;
	v1 =	vor.u32 $0x484, v0  }
0x35: {  	s10 =	simm.s32 $0x1C00;
	s17 =	simm.s32 $0x2A00;
	s19 =	simm.s32 $0x2;
	[tilespmem:$0x1FF10] =	vst v1;
	v1 =	vor.u32 $0x500, v0  }
0x36: {  	s28 =	sadd.s32 s12, s6;
	s6 =	sand.u32 $0x7000, s8;
	[dreg:$0x11] =	wrdreg s26;
	[tilespmem:$0x1FF20] =	vst v1;
	v1 =	vor.u32 $0x501, v0  }
0x37: {  	s26 =	simm.s32 $0x800;
	s8 =	simm.s32 $0x1000;
	s6 =	sor.u32 s6, s7;
	[tilespmem:$0x1FF30] =	vst v1;
	v1 =	vor.u32 $0x502, v0  }
0x38: {  	s14 =	sadd.s32 $0x19000, s28;
	s16 =	sadd.s32 $0x32000, s28;
	[dreg:$0x6] =	wrdreg s28;
	[tilespmem:$0x1FF40] =	vst v1;
	v1 =	vor.u32 $0x503, v0  }
0x39: {  	s18 =	sadd.s32 $0x4B000, s28;
	s9 =	sadd.s32 $0x64000, s28;
	[dreg:$0x7] =	wrdreg s14;
	[tilespmem:$0x1FF50] =	vst v1;
	v1 =	vor.u32 $0x504, v0  }
0x3a: {  	s28 =	sadd.s32 s24, s21;
	s21 =	simm.s32 $0x3;
	[dreg:$0x8] =	wrdreg s16;
	[tilespmem:$0x1FF60] =	vst v1;
	v1 =	vor.u32 $0x580, v0  }
0x3b: {  	s7 =	simm.s32 $0x100;
	s5 =	sor.u32 s5, s6;
	[dreg:$0x9] =	wrdreg s18;
	[tilespmem:$0x1FF70] =	vst v1;
	v1 =	vor.u32 $0x581, v0  }
0x3c: {  	s24 =	simm.s32 $0x280;
	[dreg:$0xb] =	wrdreg s9;
	s5 =	sshrl.u32 s5, $0x3;
	[tilespmem:$0x1FF80] =	vst v1;
	v1 =	vor.u32 $0x582, v0  }
0x3d: {  	[dreg:$0x12] =	wrdreg s28;
	s6 =	simm.s32 $0x180;
	s12 =	sadd.s32 s12, s5;
	[tilespmem:$0x1FF90] =	vst v1;
	v1 =	vor.u32 $0x583, v0  }
0x3e: {  	s9 =	simm.s32 $0x300;
	s20 =	sadd.s32 $0x19000, s12;
	[dreg:$0xa] =	wrdreg s12;
	[tilespmem:$0x1FFA0] =	vst v1;
	v1 =	vor.u32 $0x584, v0  }
0x3f: {  	s14 =	simm.s32 $0x5;
	s22 =	sadd.s32 $0x32000, s12;
	[dreg:$0xc] =	wrdreg s20;
	[tilespmem:$0x1FFB0] =	vst v1;
	v1 =	vor.u32 $0x600, v0  }
0x40: {  	s16 =	simm.s32 $0x2800;
	s23 =	sadd.s32 $0x4B000, s12;
	[dreg:$0xd] =	wrdreg s22;
	[tilespmem:$0x1FFC0] =	vst v1;
	v1 =	vor.u32 $0x601, v0  }
0x41: {  	s18 =	simm.s32 $0x2C00;
	s12 =	sadd.s32 $0x64000, s12;
	[dreg:$0xe] =	wrdreg s23;
	[tilespmem:$0x1FFD0] =	vst v1;
	v1 =	vor.u32 $0x602, v0  }
0x42: {  	s5 =	simm.s32 $0x2400;
	[dreg:$0xf] =	wrdreg s12;
	s22 =	simm.s32 $0x80;
	[tilespmem:$0x1FFE0] =	vst v1;
	v1 =	vor.u32 $0x603, v0  }
0x43: {  	s23 =	simm.s32 $0x400;
	s12 =	simm.s32 $0x2000;
	s20 =	simm.s32 $0x0;
	[tilespmem:$0x1FFF0] =	vst v1  }
.LBB2_1:
0x44: {  	[dreg:$0x14] =	wrdreg s20  }
0x45: {  	s2 =	rddreg [dreg:$0x4]  }
0x46: {  	[tilespmem:s3], [sflag:$0x3] =	stream.linear.gather [hbm4b:s2+s3], $0x200, $0x38;
	[tilespmem:$0x2E00] =	vst v63  }
0x47: {  	_ =	swait.ge [sflag:s21], $0x200  }
0x48: {  	[sflag:s21] =	ssyncset.done $0x0  }
0x49: {  	[sflag:s21] =	ssyncadd.s32 $0xFFFFFE00  }
0x4a: {  	[tilespmem:s23], [sflag:$0x1] =	stream.indirect.gather [hbm4b:s4+s22], $0x8, s3, s22, $0xb8;
	[tilespmem:$0x2E00] =	vst v63  }
0x4b: {  	_ = 	snop  }
0x4c: {  	[tilespmem:s26], [sflag:$0x1] =	stream.indirect.gather [hbm4b:s4+s22], $0x8, s22, s22, $0xb8;
	[tilespmem:$0x2E00] =	vst v63  }
0x4d: {  	_ = 	snop  }
0x4e: {  	[tilespmem:s1], [sflag:$0x1] =	stream.indirect.gather [hbm4b:s4+s22], $0x8, s7, s22, $0xb8;
	[tilespmem:$0x2E00] =	vst v63  }
0x4f: {  	_ = 	snop  }
0x50: {  	[tilespmem:s8], [sflag:$0x1] =	stream.indirect.gather [hbm4b:s4+s22], $0x8, s6, s22, $0xb8;
	[tilespmem:$0x2E00] =	vst v63  }
0x51: {  	s26 =	rddreg [dreg:$0x5]  }
0x52: {  	[tilespmem:s30], [sflag:$0x4] =	stream.linear.gather [hbm4b:s26+s3], $0x200, $0x38;
	[tilespmem:$0x2E00] =	vst v63  }
0x53: {  	_ =	swait.ge [sflag:s31], $0x200  }
0x54: {  	[sflag:s31] =	ssyncset.done $0x0  }
0x55: {  	[sflag:s31] =	ssyncadd.s32 $0xFFFFFE00  }
0x56: {  	[tilespmem:s0], [sflag:$0x2] =	stream.indirect.gather [hbm4b:s4+s22], $0x8, s30, s22, $0xb8;
	[tilespmem:$0x2E00] =	vst v63  }
0x57: {  	s7 =	rddreg [dreg:$0x13]  }
0x58: {  	[tilespmem:s25], [sflag:$0x2] =	stream.indirect.gather [hbm4b:s4+s22], $0x8, s24, s22, $0xb8;
	[tilespmem:$0x2E00] =	vst v63  }
0x59: {  	s2 =	simm.s32 $0x0;
	s20 =	rddreg [dreg:$0x11]  }
0x5a: {  	[tilespmem:s10], [sflag:$0x2] =	stream.indirect.gather [hbm4b:s4+s22], $0x8, s9, s22, $0xb8;
	[tilespmem:$0x2E00] =	vst v63  }
0x5b: {  	s8 =	simm.s32 $0x1000;
	s28 =	rddreg [dreg:$0x1];
	s9 =	simm.s32 $0x300  }
0x5c: {  	[tilespmem:s12], [sflag:$0x2] =	stream.indirect.gather [hbm4b:s4+s22], $0x8, s11, s22, $0xb8;
	[tilespmem:$0x2E00] =	vst v63  }
0x5d: {  	s10 =	simm.s32 $0x1C00;
	s12 =	simm.s32 $0x380;
	s11 =	rddreg [dreg:$0x12]  }
.LBB2_2:
0x5e: {  	_ =	swait.ge [sflag:s13], $0x1000  }
0x5f: {  	s24 =	rddreg [dreg:$0x3]  }
0x60: {  	[sflag:s13] =	ssyncset.done $0x0;
	s24 =	sadd.s32 s2, s24  }
0x61: {  	[sflag:s13] =	ssyncadd.s32 $0xFFFFF000;
	s25 =	sadd.s32 $0x80, s24  }
0x62: {  	[tilespmem:s3], [sflag:$0x3] =	stream.linear.gather [hbm4b:s25+s3], $0x200, $0x38;
	[tilespmem:$0x2E00] =	vst v63  }
0x63: {  	v1 =	vld.idx.msk [tilespmem:v0+s23+$0x0], $0xffff;
	_ =	sdelay $0x4  }
0x64: {  	[tilespmem:$0x2400] =	vst v1;
	v1 =	vld [tilespmem:$0x1FC10];
	_ =	sdelay $0x7  }
0x65: {  	v1 =	vld.idx.msk [tilespmem:v1+s23+$0x0], $0xffff;
	_ =	sdelay $0x4  }
0x66: {  	[tilespmem:$0x2600] =	vst v1;
	v1 =	vld [tilespmem:$0x1FC20];
	_ =	sdelay $0x7  }
0x67: {  	v1 =	vld.idx.msk [tilespmem:v1+s23+$0x0], $0xffff;
	_ =	sdelay $0x4  }
0x68: {  	[tilespmem:$0x2800] =	vst v1;
	v1 =	vld [tilespmem:$0x1FC30];
	_ =	sdelay $0x7  }
0x69: {  	v1 =	vld.idx.msk [tilespmem:v1+s23+$0x0], $0xffff;
	_ =	sdelay $0x4  }
0x6a: {  	[tilespmem:$0x2A00] =	vst v1;
	v1 =	vld [tilespmem:$0x1FC40];
	_ =	sdelay $0x7  }
0x6b: {  	v1 =	vld.idx.msk [tilespmem:v1+s23+$0x0], $0xffff;
	_ =	sdelay $0x4  }
0x6c: {  	[tilespmem:$0x2C00] =	vst v1;
	v1 =	vld [tilespmem:$0x1FC50];
	_ =	sdelay $0x7  }
0x6d: {  	v1 =	vld.idx.msk [tilespmem:v1+s23+$0x0], $0xffff;
	_ =	sdelay $0x4  }
0x6e: {  	[tilespmem:$0x2410] =	vst v1;
	v1 =	vld [tilespmem:$0x1FC60];
	_ =	sdelay $0x7  }
0x6f: {  	v1 =	vld.idx.msk [tilespmem:v1+s23+$0x0], $0xffff;
	_ =	sdelay $0x4  }
0x70: {  	[tilespmem:$0x2610] =	vst v1;
	v1 =	vld [tilespmem:$0x1FC70];
	_ =	sdelay $0x7  }
0x71: {  	v1 =	vld.idx.msk [tilespmem:v1+s23+$0x0], $0xffff;
	_ =	sdelay $0x4  }
0x72: {  	[tilespmem:$0x2810] =	vst v1;
	v1 =	vld [tilespmem:$0x1FC80];
	_ =	sdelay $0x7  }
0x73: {  	v1 =	vld.idx.msk [tilespmem:v1+s23+$0x0], $0xffff;
	_ =	sdelay $0x4  }
0x74: {  	[tilespmem:$0x2A10] =	vst v1;
	v1 =	vld [tilespmem:$0x1FC90];
	_ =	sdelay $0x7  }
0x75: {  	v1 =	vld.idx.msk [tilespmem:v1+s23+$0x0], $0xffff;
	_ =	sdelay $0x4  }
0x76: {  	[tilespmem:$0x2C10] =	vst v1;
	v1 =	vld [tilespmem:$0x1FCA0];
	_ =	sdelay $0x7  }
0x77: {  	v1 =	vld.idx.msk [tilespmem:v1+s23+$0x0], $0xffff;
	_ =	sdelay $0x4  }
0x78: {  	[tilespmem:$0x2420] =	vst v1;
	v1 =	vld [tilespmem:$0x1FCB0];
	_ =	sdelay $0x7  }
0x79: {  	v1 =	vld.idx.msk [tilespmem:v1+s23+$0x0], $0xffff;
	_ =	sdelay $0x4  }
0x7a: {  	[tilespmem:$0x2620] =	vst v1;
	v1 =	vld [tilespmem:$0x1FCC0];
	_ =	sdelay $0x7  }
0x7b: {  	v1 =	vld.idx.msk [tilespmem:v1+s23+$0x0], $0xffff;
	_ =	sdelay $0x4  }
0x7c: {  	[tilespmem:$0x2820] =	vst v1;
	v1 =	vld [tilespmem:$0x1FCD0];
	_ =	sdelay $0x7  }
0x7d: {  	v1 =	vld.idx.msk [tilespmem:v1+s23+$0x0], $0xffff;
	_ =	sdelay $0x4  }
0x7e: {  	[tilespmem:$0x2A20] =	vst v1;
	v1 =	vld [tilespmem:$0x1FCE0];
	_ =	sdelay $0x7  }
0x7f: {  	v1 =	vld.idx.msk [tilespmem:v1+s23+$0x0], $0xffff;
	_ =	sdelay $0x4  }
0x80: {  	[tilespmem:$0x2C20] =	vst v1;
	v1 =	vld [tilespmem:$0x1FCF0];
	_ =	sdelay $0x7  }
0x81: {  	v1 =	vld.idx.msk [tilespmem:v1+s23+$0x0], $0xffff;
	_ =	sdelay $0x4  }
0x82: {  	[tilespmem:$0x2430] =	vst v1;
	v1 =	vld [tilespmem:$0x1FD00];
	_ =	sdelay $0x7  }
0x83: {  	v1 =	vld.idx.msk [tilespmem:v1+s23+$0x0], $0xffff;
	_ =	sdelay $0x4  }
0x84: {  	[tilespmem:$0x2630] =	vst v1;
	v1 =	vld [tilespmem:$0x1FD10];
	_ =	sdelay $0x7  }
0x85: {  	v1 =	vld.idx.msk [tilespmem:v1+s23+$0x0], $0xffff;
	_ =	sdelay $0x4  }
0x86: {  	[tilespmem:$0x2830] =	vst v1;
	v1 =	vld [tilespmem:$0x1FD20];
	_ =	sdelay $0x7  }
0x87: {  	v1 =	vld.idx.msk [tilespmem:v1+s23+$0x0], $0xffff;
	_ =	sdelay $0x4  }
0x88: {  	[tilespmem:$0x2A30] =	vst v1;
	v1 =	vld [tilespmem:$0x1FD30];
	_ =	sdelay $0x7  }
0x89: {  	v1 =	vld.idx.msk [tilespmem:v1+s23+$0x0], $0xffff;
	_ =	sdelay $0x4  }
0x8a: {  	[tilespmem:$0x2C30] =	vst v1;
	v1 =	vld [tilespmem:$0x1FD40];
	_ =	sdelay $0x7  }
0x8b: {  	v1 =	vld.idx.msk [tilespmem:v1+s23+$0x0], $0xffff;
	_ =	sdelay $0x4  }
0x8c: {  	[tilespmem:$0x2440] =	vst v1;
	v1 =	vld [tilespmem:$0x1FD50];
	_ =	sdelay $0x7  }
0x8d: {  	v1 =	vld.idx.msk [tilespmem:v1+s23+$0x0], $0xffff;
	_ =	sdelay $0x4  }
0x8e: {  	[tilespmem:$0x2640] =	vst v1;
	v1 =	vld [tilespmem:$0x1FD60];
	_ =	sdelay $0x7  }
0x8f: {  	v1 =	vld.idx.msk [tilespmem:v1+s23+$0x0], $0xffff;
	_ =	sdelay $0x4  }
0x90: {  	[tilespmem:$0x2840] =	vst v1;
	v1 =	vld [tilespmem:$0x1FD70];
	_ =	sdelay $0x7  }
0x91: {  	v1 =	vld.idx.msk [tilespmem:v1+s23+$0x0], $0xffff;
	_ =	sdelay $0x4  }
0x92: {  	[tilespmem:$0x2A40] =	vst v1;
	v1 =	vld [tilespmem:$0x1FD80];
	_ =	sdelay $0x7  }
0x93: {  	v1 =	vld.idx.msk [tilespmem:v1+s23+$0x0], $0xffff;
	_ =	sdelay $0x4  }
0x94: {  	[tilespmem:$0x2C40] =	vst v1;
	v1 =	vld [tilespmem:$0x1FD90];
	_ =	sdelay $0x7  }
0x95: {  	v1 =	vld.idx.msk [tilespmem:v1+s23+$0x0], $0xffff;
	_ =	sdelay $0x4  }
0x96: {  	[tilespmem:$0x2450] =	vst v1;
	v1 =	vld [tilespmem:$0x1FDA0];
	_ =	sdelay $0x7  }
0x97: {  	v1 =	vld.idx.msk [tilespmem:v1+s23+$0x0], $0xffff;
	_ =	sdelay $0x4  }
0x98: {  	[tilespmem:$0x2650] =	vst v1;
	v1 =	vld [tilespmem:$0x1FDB0];
	_ =	sdelay $0x7  }
0x99: {  	v1 =	vld.idx.msk [tilespmem:v1+s23+$0x0], $0xffff;
	_ =	sdelay $0x4  }
0x9a: {  	[tilespmem:$0x2850] =	vst v1;
	v1 =	vld [tilespmem:$0x1FDC0];
	_ =	sdelay $0x7  }
0x9b: {  	v1 =	vld.idx.msk [tilespmem:v1+s23+$0x0], $0xffff;
	_ =	sdelay $0x4  }
0x9c: {  	[tilespmem:$0x2A50] =	vst v1;
	v1 =	vld [tilespmem:$0x1FDD0];
	_ =	sdelay $0x7  }
0x9d: {  	v1 =	vld.idx.msk [tilespmem:v1+s23+$0x0], $0xffff;
	_ =	sdelay $0x4  }
0x9e: {  	[tilespmem:$0x2C50] =	vst v1;
	v1 =	vld [tilespmem:$0x1FDE0];
	_ =	sdelay $0x7  }
0x9f: {  	v1 =	vld.idx.msk [tilespmem:v1+s23+$0x0], $0xffff;
	_ =	sdelay $0x4  }
0xa0: {  	[tilespmem:$0x2460] =	vst v1;
	v1 =	vld [tilespmem:$0x1FDF0];
	_ =	sdelay $0x7  }
0xa1: {  	v1 =	vld.idx.msk [tilespmem:v1+s23+$0x0], $0xffff;
	_ =	sdelay $0x4  }
0xa2: {  	[tilespmem:$0x2660] =	vst v1;
	v1 =	vld [tilespmem:$0x1FE00];
	_ =	sdelay $0x7  }
0xa3: {  	v1 =	vld.idx.msk [tilespmem:v1+s23+$0x0], $0xffff;
	_ =	sdelay $0x4  }
0xa4: {  	[tilespmem:$0x2860] =	vst v1;
	v1 =	vld [tilespmem:$0x1FE10];
	_ =	sdelay $0x7  }
0xa5: {  	v1 =	vld.idx.msk [tilespmem:v1+s23+$0x0], $0xffff;
	_ =	sdelay $0x4  }
0xa6: {  	[tilespmem:$0x2A60] =	vst v1;
	v1 =	vld [tilespmem:$0x1FE20];
	_ =	sdelay $0x7  }
0xa7: {  	v1 =	vld.idx.msk [tilespmem:v1+s23+$0x0], $0xffff;
	_ =	sdelay $0x4  }
0xa8: {  	[tilespmem:$0x2C60] =	vst v1;
	v1 =	vld [tilespmem:$0x1FE30];
	_ =	sdelay $0x7  }
0xa9: {  	v1 =	vld.idx.msk [tilespmem:v1+s23+$0x0], $0xffff;
	_ =	sdelay $0x4  }
0xaa: {  	[tilespmem:$0x2470] =	vst v1;
	v1 =	vld [tilespmem:$0x1FE40];
	_ =	sdelay $0x7  }
0xab: {  	v1 =	vld.idx.msk [tilespmem:v1+s23+$0x0], $0xffff;
	_ =	sdelay $0x4  }
0xac: {  	[tilespmem:$0x2670] =	vst v1;
	v1 =	vld [tilespmem:$0x1FE50];
	_ =	sdelay $0x7  }
0xad: {  	v1 =	vld.idx.msk [tilespmem:v1+s23+$0x0], $0xffff;
	_ =	sdelay $0x4  }
0xae: {  	[tilespmem:$0x2870] =	vst v1;
	v1 =	vld [tilespmem:$0x1FE60];
	_ =	sdelay $0x7  }
0xaf: {  	v1 =	vld.idx.msk [tilespmem:v1+s23+$0x0], $0xffff;
	_ =	sdelay $0x4  }
0xb0: {  	[tilespmem:$0x2A70] =	vst v1;
	v1 =	vld [tilespmem:$0x1FE70];
	_ =	sdelay $0x7  }
0xb1: {  	v1 =	vld.idx.msk [tilespmem:v1+s23+$0x0], $0xffff;
	_ =	sdelay $0x4  }
0xb2: {  	[tilespmem:$0x2C70] =	vst v1;
	v1 =	vld [tilespmem:$0x1FE80];
	_ =	sdelay $0x7  }
0xb3: {  	v1 =	vld.idx.msk [tilespmem:v1+s23+$0x0], $0xffff;
	_ =	sdelay $0x4  }
0xb4: {  	[tilespmem:$0x2480] =	vst v1;
	v1 =	vld [tilespmem:$0x1FE90];
	_ =	sdelay $0x7  }
0xb5: {  	v1 =	vld.idx.msk [tilespmem:v1+s23+$0x0], $0xffff;
	_ =	sdelay $0x4  }
0xb6: {  	[tilespmem:$0x2680] =	vst v1;
	v1 =	vld [tilespmem:$0x1FEA0];
	_ =	sdelay $0x7  }
0xb7: {  	v1 =	vld.idx.msk [tilespmem:v1+s23+$0x0], $0xffff;
	_ =	sdelay $0x4  }
0xb8: {  	[tilespmem:$0x2880] =	vst v1;
	v1 =	vld [tilespmem:$0x1FEB0];
	_ =	sdelay $0x7  }
0xb9: {  	v1 =	vld.idx.msk [tilespmem:v1+s23+$0x0], $0xffff;
	_ =	sdelay $0x4  }
0xba: {  	[tilespmem:$0x2A80] =	vst v1;
	v1 =	vld [tilespmem:$0x1FEC0];
	_ =	sdelay $0x7  }
0xbb: {  	v1 =	vld.idx.msk [tilespmem:v1+s23+$0x0], $0xffff;
	_ =	sdelay $0x4  }
0xbc: {  	[tilespmem:$0x2C80] =	vst v1;
	v1 =	vld [tilespmem:$0x1FED0];
	_ =	sdelay $0x7  }
0xbd: {  	v1 =	vld.idx.msk [tilespmem:v1+s23+$0x0], $0xffff;
	_ =	sdelay $0x4  }
0xbe: {  	[tilespmem:$0x2490] =	vst v1;
	v1 =	vld [tilespmem:$0x1FEE0];
	_ =	sdelay $0x7  }
0xbf: {  	v1 =	vld.idx.msk [tilespmem:v1+s23+$0x0], $0xffff;
	_ =	sdelay $0x4  }
0xc0: {  	[tilespmem:$0x2690] =	vst v1;
	v1 =	vld [tilespmem:$0x1FEF0];
	_ =	sdelay $0x7  }
0xc1: {  	v1 =	vld.idx.msk [tilespmem:v1+s23+$0x0], $0xffff;
	_ =	sdelay $0x4  }
0xc2: {  	[tilespmem:$0x2890] =	vst v1;
	v1 =	vld [tilespmem:$0x1FF00];
	_ =	sdelay $0x7  }
0xc3: {  	v1 =	vld.idx.msk [tilespmem:v1+s23+$0x0], $0xffff;
	_ =	sdelay $0x4  }
0xc4: {  	[tilespmem:$0x2A90] =	vst v1;
	v1 =	vld [tilespmem:$0x1FF10];
	_ =	sdelay $0x7  }
0xc5: {  	v1 =	vld.idx.msk [tilespmem:v1+s23+$0x0], $0xffff;
	_ =	sdelay $0x4  }
0xc6: {  	[tilespmem:$0x2C90] =	vst v1;
	v1 =	vld [tilespmem:$0x1FF20];
	_ =	sdelay $0x7  }
0xc7: {  	v1 =	vld.idx.msk [tilespmem:v1+s23+$0x0], $0xffff;
	_ =	sdelay $0x4  }
0xc8: {  	[tilespmem:$0x24A0] =	vst v1;
	v1 =	vld [tilespmem:$0x1FF30];
	_ =	sdelay $0x7  }
0xc9: {  	v1 =	vld.idx.msk [tilespmem:v1+s23+$0x0], $0xffff;
	_ =	sdelay $0x4  }
0xca: {  	[tilespmem:$0x26A0] =	vst v1;
	v1 =	vld [tilespmem:$0x1FF40];
	_ =	sdelay $0x7  }
0xcb: {  	v1 =	vld.idx.msk [tilespmem:v1+s23+$0x0], $0xffff;
	_ =	sdelay $0x4  }
0xcc: {  	[tilespmem:$0x28A0] =	vst v1;
	v1 =	vld [tilespmem:$0x1FF50];
	_ =	sdelay $0x7  }
0xcd: {  	v1 =	vld.idx.msk [tilespmem:v1+s23+$0x0], $0xffff;
	_ =	sdelay $0x4  }
0xce: {  	[tilespmem:$0x2AA0] =	vst v1;
	v1 =	vld [tilespmem:$0x1FF60];
	_ =	sdelay $0x7  }
0xcf: {  	v1 =	vld.idx.msk [tilespmem:v1+s23+$0x0], $0xffff;
	_ =	sdelay $0x4  }
0xd0: {  	[tilespmem:$0x2CA0] =	vst v1;
	v1 =	vld [tilespmem:$0x1FF70];
	_ =	sdelay $0x7  }
0xd1: {  	v1 =	vld.idx.msk [tilespmem:v1+s23+$0x0], $0xffff;
	_ =	sdelay $0x4  }
0xd2: {  	[tilespmem:$0x24B0] =	vst v1;
	v1 =	vld [tilespmem:$0x1FF80];
	_ =	sdelay $0x7  }
0xd3: {  	v1 =	vld.idx.msk [tilespmem:v1+s23+$0x0], $0xffff;
	_ =	sdelay $0x4  }
0xd4: {  	[tilespmem:$0x26B0] =	vst v1;
	v1 =	vld [tilespmem:$0x1FF90];
	_ =	sdelay $0x7  }
0xd5: {  	v1 =	vld.idx.msk [tilespmem:v1+s23+$0x0], $0xffff;
	_ =	sdelay $0x4  }
0xd6: {  	[tilespmem:$0x28B0] =	vst v1;
	v1 =	vld [tilespmem:$0x1FFA0];
	_ =	sdelay $0x7  }
0xd7: {  	v1 =	vld.idx.msk [tilespmem:v1+s23+$0x0], $0xffff;
	_ =	sdelay $0x4  }
0xd8: {  	[tilespmem:$0x2AB0] =	vst v1;
	v1 =	vld [tilespmem:$0x1FFB0];
	_ =	sdelay $0x7  }
0xd9: {  	v1 =	vld.idx.msk [tilespmem:v1+s23+$0x0], $0xffff;
	_ =	sdelay $0x4  }
0xda: {  	[tilespmem:$0x2CB0] =	vst v1;
	v1 =	vld [tilespmem:$0x1FFC0];
	_ =	sdelay $0x7  }
0xdb: {  	v1 =	vld.idx.msk [tilespmem:v1+s23+$0x0], $0xffff;
	_ =	sdelay $0x4  }
0xdc: {  	[tilespmem:$0x24C0] =	vst v1;
	v1 =	vld [tilespmem:$0x1FFD0];
	_ =	sdelay $0x7  }
0xdd: {  	v1 =	vld.idx.msk [tilespmem:v1+s23+$0x0], $0xffff;
	_ =	sdelay $0x4  }
0xde: {  	[tilespmem:$0x26C0] =	vst v1;
	v1 =	vld [tilespmem:$0x1FFE0];
	_ =	sdelay $0x7  }
0xdf: {  	v1 =	vld.idx.msk [tilespmem:v1+s23+$0x0], $0xffff;
	_ =	sdelay $0x4  }
0xe0: {  	[tilespmem:$0x28C0] =	vst v1;
	v1 =	vld [tilespmem:$0x1FFF0];
	_ =	sdelay $0x7  }
0xe1: {  	v1 =	vld.idx.msk [tilespmem:v1+s23+$0x0], $0xffff  }
0xe2: {  	v2 =	vor.u32 $0x604, v0;
	_ =	sdelay $0x3  }
0xe3: {  	[tilespmem:$0x2AC0] =	vst v1  }
0xe4: {  	v1 =	vld.idx.msk [tilespmem:v2+s23+$0x0], $0xffff  }
0xe5: {  	[tilespmem:$0x1F9E0] =	vst v2;
	v2 =	vor.u32 $0x680, v0;
	_ =	sdelay $0x3  }
0xe6: {  	[tilespmem:$0x2CC0] =	vst v1  }
0xe7: {  	v1 =	vld.idx.msk [tilespmem:v2+s23+$0x0], $0xffff  }
0xe8: {  	[tilespmem:$0x1F9F0] =	vst v2;
	v2 =	vor.u32 $0x681, v0;
	_ =	sdelay $0x3  }
0xe9: {  	[tilespmem:$0x24D0] =	vst v1  }
0xea: {  	v1 =	vld.idx.msk [tilespmem:v2+s23+$0x0], $0xffff  }
0xeb: {  	[tilespmem:$0x1FA00] =	vst v2;
	v2 =	vor.u32 $0x682, v0;
	_ =	sdelay $0x3  }
0xec: {  	[tilespmem:$0x26D0] =	vst v1  }
0xed: {  	v1 =	vld.idx.msk [tilespmem:v2+s23+$0x0], $0xffff  }
0xee: {  	[tilespmem:$0x1FA10] =	vst v2;
	v2 =	vor.u32 $0x683, v0;
	_ =	sdelay $0x3  }
0xef: {  	[tilespmem:$0x28D0] =	vst v1  }
0xf0: {  	v1 =	vld.idx.msk [tilespmem:v2+s23+$0x0], $0xffff  }
0xf1: {  	[tilespmem:$0x1FA20] =	vst v2;
	v2 =	vor.u32 $0x684, v0;
	_ =	sdelay $0x3  }
0xf2: {  	[tilespmem:$0x2AD0] =	vst v1  }
0xf3: {  	v1 =	vld.idx.msk [tilespmem:v2+s23+$0x0], $0xffff  }
0xf4: {  	[tilespmem:$0x1FA30] =	vst v2;
	v2 =	vor.u32 $0x700, v0;
	_ =	sdelay $0x3  }
0xf5: {  	[tilespmem:$0x2CD0] =	vst v1  }
0xf6: {  	v1 =	vld.idx.msk [tilespmem:v2+s23+$0x0], $0xffff  }
0xf7: {  	[tilespmem:$0x1FA40] =	vst v2;
	v2 =	vor.u32 $0x701, v0;
	_ =	sdelay $0x3  }
0xf8: {  	[tilespmem:$0x24E0] =	vst v1  }
0xf9: {  	v1 =	vld.idx.msk [tilespmem:v2+s23+$0x0], $0xffff  }
0xfa: {  	[tilespmem:$0x1FA50] =	vst v2;
	v2 =	vor.u32 $0x702, v0;
	_ =	sdelay $0x3  }
0xfb: {  	[tilespmem:$0x26E0] =	vst v1  }
0xfc: {  	v1 =	vld.idx.msk [tilespmem:v2+s23+$0x0], $0xffff  }
0xfd: {  	[tilespmem:$0x1FA60] =	vst v2;
	v2 =	vor.u32 $0x703, v0;
	_ =	sdelay $0x3  }
0xfe: {  	[tilespmem:$0x28E0] =	vst v1  }
0xff: {  	v1 =	vld.idx.msk [tilespmem:v2+s23+$0x0], $0xffff  }
0x100: {  	[tilespmem:$0x1FA70] =	vst v2;
	v2 =	vor.u32 $0x704, v0;
	_ =	sdelay $0x3  }
0x101: {  	[tilespmem:$0x2AE0] =	vst v1  }
0x102: {  	v1 =	vld.idx.msk [tilespmem:v2+s23+$0x0], $0xffff  }
0x103: {  	[tilespmem:$0x1FA80] =	vst v2;
	v2 =	vor.u32 $0x780, v0;
	_ =	sdelay $0x3  }
0x104: {  	[tilespmem:$0x2CE0] =	vst v1  }
0x105: {  	v1 =	vld.idx.msk [tilespmem:v2+s23+$0x0], $0xffff  }
0x106: {  	[tilespmem:$0x1FA90] =	vst v2;
	v2 =	vor.u32 $0x781, v0;
	_ =	sdelay $0x3  }
0x107: {  	[tilespmem:$0x24F0] =	vst v1  }
0x108: {  	v1 =	vld.idx.msk [tilespmem:v2+s23+$0x0], $0xffff  }
0x109: {  	[tilespmem:$0x1FAA0] =	vst v2;
	v2 =	vor.u32 $0x782, v0;
	_ =	sdelay $0x3  }
0x10a: {  	[tilespmem:$0x26F0] =	vst v1  }
0x10b: {  	v1 =	vld.idx.msk [tilespmem:v2+s23+$0x0], $0xffff  }
0x10c: {  	[tilespmem:$0x1FAB0] =	vst v2;
	v2 =	vor.u32 $0x783, v0;
	_ =	sdelay $0x3  }
0x10d: {  	[tilespmem:$0x28F0] =	vst v1  }
0x10e: {  	v1 =	vld.idx.msk [tilespmem:v2+s23+$0x0], $0xffff  }
0x10f: {  	[tilespmem:$0x1FAC0] =	vst v2;
	v2 =	vor.u32 $0x784, v0;
	_ =	sdelay $0x3  }
0x110: {  	[tilespmem:$0x2AF0] =	vst v1  }
0x111: {  	v1 =	vld.idx.msk [tilespmem:v2+s23+$0x0], $0xffff  }
0x112: {  	[tilespmem:$0x1FAD0] =	vst v2;
	v2 =	vor.u32 $0x800, v0;
	_ =	sdelay $0x3  }
0x113: {  	[tilespmem:$0x2CF0] =	vst v1  }
0x114: {  	v1 =	vld.idx.msk [tilespmem:v2+s23+$0x0], $0xffff  }
0x115: {  	[tilespmem:$0x1FAE0] =	vst v2;
	v2 =	vor.u32 $0x801, v0;
	_ =	sdelay $0x3  }
0x116: {  	[tilespmem:$0x2500] =	vst v1  }
0x117: {  	v1 =	vld.idx.msk [tilespmem:v2+s23+$0x0], $0xffff  }
0x118: {  	[tilespmem:$0x1FAF0] =	vst v2;
	v2 =	vor.u32 $0x802, v0;
	_ =	sdelay $0x3  }
0x119: {  	[tilespmem:$0x2700] =	vst v1  }
0x11a: {  	v1 =	vld.idx.msk [tilespmem:v2+s23+$0x0], $0xffff  }
0x11b: {  	[tilespmem:$0x1FB00] =	vst v2;
	v2 =	vor.u32 $0x803, v0;
	_ =	sdelay $0x3  }
0x11c: {  	[tilespmem:$0x2900] =	vst v1  }
0x11d: {  	v1 =	vld.idx.msk [tilespmem:v2+s23+$0x0], $0xffff  }
0x11e: {  	[tilespmem:$0x1FB10] =	vst v2;
	v2 =	vor.u32 $0x804, v0;
	_ =	sdelay $0x3  }
0x11f: {  	[tilespmem:$0x2B00] =	vst v1  }
0x120: {  	v1 =	vld.idx.msk [tilespmem:v2+s23+$0x0], $0xffff  }
0x121: {  	[tilespmem:$0x1FB20] =	vst v2;
	v2 =	vor.u32 $0x880, v0;
	_ =	sdelay $0x3  }
0x122: {  	[tilespmem:$0x2D00] =	vst v1  }
0x123: {  	v1 =	vld.idx.msk [tilespmem:v2+s23+$0x0], $0xffff  }
0x124: {  	[tilespmem:$0x1FB30] =	vst v2;
	v2 =	vor.u32 $0x881, v0;
	_ =	sdelay $0x3  }
0x125: {  	[tilespmem:$0x2510] =	vst v1  }
0x126: {  	v1 =	vld.idx.msk [tilespmem:v2+s23+$0x0], $0xffff  }
0x127: {  	[tilespmem:$0x1FB40] =	vst v2;
	v2 =	vor.u32 $0x882, v0;
	_ =	sdelay $0x3  }
0x128: {  	[tilespmem:$0x2710] =	vst v1  }
0x129: {  	v1 =	vld.idx.msk [tilespmem:v2+s23+$0x0], $0xffff  }
0x12a: {  	[tilespmem:$0x1FB50] =	vst v2;
	v2 =	vor.u32 $0x883, v0;
	_ =	sdelay $0x3  }
0x12b: {  	[tilespmem:$0x2910] =	vst v1  }
0x12c: {  	v1 =	vld.idx.msk [tilespmem:v2+s23+$0x0], $0xffff  }
0x12d: {  	[tilespmem:$0x1FB60] =	vst v2;
	v2 =	vor.u32 $0x884, v0;
	_ =	sdelay $0x3  }
0x12e: {  	[tilespmem:$0x2B10] =	vst v1  }
0x12f: {  	v1 =	vld.idx.msk [tilespmem:v2+s23+$0x0], $0xffff  }
0x130: {  	[tilespmem:$0x1FB70] =	vst v2;
	v2 =	vor.u32 $0x900, v0;
	_ =	sdelay $0x3  }
0x131: {  	[tilespmem:$0x2D10] =	vst v1  }
0x132: {  	v1 =	vld.idx.msk [tilespmem:v2+s23+$0x0], $0xffff  }
0x133: {  	[tilespmem:$0x1FB80] =	vst v2;
	v2 =	vor.u32 $0x901, v0;
	_ =	sdelay $0x3  }
0x134: {  	[tilespmem:$0x2520] =	vst v1  }
0x135: {  	v1 =	vld.idx.msk [tilespmem:v2+s23+$0x0], $0xffff  }
0x136: {  	[tilespmem:$0x1FB90] =	vst v2;
	v2 =	vor.u32 $0x902, v0;
	_ =	sdelay $0x3  }
0x137: {  	[tilespmem:$0x2720] =	vst v1  }
0x138: {  	v1 =	vld.idx.msk [tilespmem:v2+s23+$0x0], $0xffff  }
0x139: {  	[tilespmem:$0x1FBA0] =	vst v2;
	v2 =	vor.u32 $0x903, v0;
	_ =	sdelay $0x3  }
0x13a: {  	[tilespmem:$0x2920] =	vst v1  }
0x13b: {  	v1 =	vld.idx.msk [tilespmem:v2+s23+$0x0], $0xffff  }
0x13c: {  	[tilespmem:$0x1FBB0] =	vst v2;
	v2 =	vor.u32 $0x904, v0;
	_ =	sdelay $0x3  }
0x13d: {  	[tilespmem:$0x2B20] =	vst v1  }
0x13e: {  	v1 =	vld.idx.msk [tilespmem:v2+s23+$0x0], $0xffff  }
0x13f: {  	[tilespmem:$0x1FBC0] =	vst v2;
	v2 =	vor.u32 $0x980, v0;
	_ =	sdelay $0x3  }
0x140: {  	[tilespmem:$0x2D20] =	vst v1  }
0x141: {  	v1 =	vld.idx.msk [tilespmem:v2+s23+$0x0], $0xffff  }
0x142: {  	[tilespmem:$0x1FBD0] =	vst v2;
	v2 =	vor.u32 $0x981, v0;
	_ =	sdelay $0x3  }
0x143: {  	[tilespmem:$0x2530] =	vst v1  }
0x144: {  	v1 =	vld.idx.msk [tilespmem:v2+s23+$0x0], $0xffff  }
0x145: {  	[tilespmem:$0x1FBE0] =	vst v2;
	v2 =	vor.u32 $0x982, v0;
	_ =	sdelay $0x3  }
0x146: {  	[tilespmem:$0x2730] =	vst v1  }
0x147: {  	v1 =	vld.idx.msk [tilespmem:v2+s23+$0x0], $0xffff  }
0x148: {  	v63 =	vor.u32 $0x983, v0;
	_ =	sdelay $0x3  }
0x149: {  	[tilespmem:$0x2930] =	vst v1  }
0x14a: {  	v1 =	vld.idx.msk [tilespmem:v63+s23+$0x0], $0xffff  }
0x14b: {  	v62 =	vor.u32 $0x984, v0;
	_ =	sdelay $0x3  }
0x14c: {  	[tilespmem:$0x2B30] =	vst v1  }
0x14d: {  	v1 =	vld.idx.msk [tilespmem:v62+s23+$0x0], $0xffff  }
0x14e: {  	v61 =	vor.u32 $0xA00, v0;
	_ =	sdelay $0x3  }
0x14f: {  	[tilespmem:$0x2D30] =	vst v1  }
0x150: {  	v1 =	vld.idx.msk [tilespmem:v61+s23+$0x0], $0xffff  }
0x151: {  	v60 =	vor.u32 $0xA01, v0;
	_ =	sdelay $0x3  }
0x152: {  	[tilespmem:$0x2540] =	vst v1  }
0x153: {  	v1 =	vld.idx.msk [tilespmem:v60+s23+$0x0], $0xffff  }
0x154: {  	v59 =	vor.u32 $0xA02, v0;
	_ =	sdelay $0x3  }
0x155: {  	[tilespmem:$0x2740] =	vst v1  }
0x156: {  	v1 =	vld.idx.msk [tilespmem:v59+s23+$0x0], $0xffff  }
0x157: {  	v58 =	vor.u32 $0xA03, v0;
	_ =	sdelay $0x3  }
0x158: {  	[tilespmem:$0x2940] =	vst v1  }
0x159: {  	v1 =	vld.idx.msk [tilespmem:v58+s23+$0x0], $0xffff  }
0x15a: {  	v57 =	vor.u32 $0xA04, v0;
	_ =	sdelay $0x3  }
0x15b: {  	[tilespmem:$0x2B40] =	vst v1  }
0x15c: {  	v1 =	vld.idx.msk [tilespmem:v57+s23+$0x0], $0xffff  }
0x15d: {  	v56 =	vor.u32 $0xA80, v0;
	_ =	sdelay $0x3  }
0x15e: {  	[tilespmem:$0x2D40] =	vst v1  }
0x15f: {  	v1 =	vld.idx.msk [tilespmem:v56+s23+$0x0], $0xffff  }
0x160: {  	v55 =	vor.u32 $0xA81, v0;
	_ =	sdelay $0x3  }
0x161: {  	[tilespmem:$0x2550] =	vst v1  }
0x162: {  	v1 =	vld.idx.msk [tilespmem:v55+s23+$0x0], $0xffff  }
0x163: {  	v54 =	vor.u32 $0xA82, v0;
	_ =	sdelay $0x3  }
0x164: {  	[tilespmem:$0x2750] =	vst v1  }
0x165: {  	v1 =	vld.idx.msk [tilespmem:v54+s23+$0x0], $0xffff  }
0x166: {  	v53 =	vor.u32 $0xA83, v0;
	_ =	sdelay $0x3  }
0x167: {  	[tilespmem:$0x2950] =	vst v1  }
0x168: {  	v1 =	vld.idx.msk [tilespmem:v53+s23+$0x0], $0xffff  }
0x169: {  	v52 =	vor.u32 $0xA84, v0;
	_ =	sdelay $0x3  }
0x16a: {  	[tilespmem:$0x2B50] =	vst v1  }
0x16b: {  	v1 =	vld.idx.msk [tilespmem:v52+s23+$0x0], $0xffff  }
0x16c: {  	v51 =	vor.u32 $0xB00, v0;
	_ =	sdelay $0x3  }
0x16d: {  	[tilespmem:$0x2D50] =	vst v1  }
0x16e: {  	v1 =	vld.idx.msk [tilespmem:v51+s23+$0x0], $0xffff  }
0x16f: {  	v50 =	vor.u32 $0xB01, v0;
	_ =	sdelay $0x3  }
0x170: {  	[tilespmem:$0x2560] =	vst v1  }
0x171: {  	v1 =	vld.idx.msk [tilespmem:v50+s23+$0x0], $0xffff  }
0x172: {  	v49 =	vor.u32 $0xB02, v0;
	_ =	sdelay $0x3  }
0x173: {  	[tilespmem:$0x2760] =	vst v1  }
0x174: {  	v1 =	vld.idx.msk [tilespmem:v49+s23+$0x0], $0xffff  }
0x175: {  	v48 =	vor.u32 $0xB03, v0;
	_ =	sdelay $0x3  }
0x176: {  	[tilespmem:$0x2960] =	vst v1  }
0x177: {  	v1 =	vld.idx.msk [tilespmem:v48+s23+$0x0], $0xffff  }
0x178: {  	v47 =	vor.u32 $0xB04, v0;
	_ =	sdelay $0x3  }
0x179: {  	[tilespmem:$0x2B60] =	vst v1  }
0x17a: {  	v1 =	vld.idx.msk [tilespmem:v47+s23+$0x0], $0xffff  }
0x17b: {  	v46 =	vor.u32 $0xB80, v0;
	_ =	sdelay $0x3  }
0x17c: {  	[tilespmem:$0x2D60] =	vst v1  }
0x17d: {  	v1 =	vld.idx.msk [tilespmem:v46+s23+$0x0], $0xffff  }
0x17e: {  	v45 =	vor.u32 $0xB81, v0;
	_ =	sdelay $0x3  }
0x17f: {  	[tilespmem:$0x2570] =	vst v1  }
0x180: {  	v1 =	vld.idx.msk [tilespmem:v45+s23+$0x0], $0xffff  }
0x181: {  	v44 =	vor.u32 $0xB82, v0;
	_ =	sdelay $0x3  }
0x182: {  	[tilespmem:$0x2770] =	vst v1  }
0x183: {  	v1 =	vld.idx.msk [tilespmem:v44+s23+$0x0], $0xffff  }
0x184: {  	v43 =	vor.u32 $0xB83, v0;
	_ =	sdelay $0x3  }
0x185: {  	[tilespmem:$0x2970] =	vst v1  }
0x186: {  	v1 =	vld.idx.msk [tilespmem:v43+s23+$0x0], $0xffff  }
0x187: {  	v42 =	vor.u32 $0xB84, v0;
	_ =	sdelay $0x3  }
0x188: {  	[tilespmem:$0x2B70] =	vst v1  }
0x189: {  	v1 =	vld.idx.msk [tilespmem:v42+s23+$0x0], $0xffff  }
0x18a: {  	v41 =	vor.u32 $0xC00, v0;
	_ =	sdelay $0x3  }
0x18b: {  	[tilespmem:$0x2D70] =	vst v1  }
0x18c: {  	v1 =	vld.idx.msk [tilespmem:v41+s23+$0x0], $0xffff  }
0x18d: {  	v40 =	vor.u32 $0xC01, v0;
	_ =	sdelay $0x3  }
0x18e: {  	[tilespmem:$0x2580] =	vst v1  }
0x18f: {  	v1 =	vld.idx.msk [tilespmem:v40+s23+$0x0], $0xffff  }
0x190: {  	v39 =	vor.u32 $0xC02, v0;
	_ =	sdelay $0x3  }
0x191: {  	[tilespmem:$0x2780] =	vst v1  }
0x192: {  	v1 =	vld.idx.msk [tilespmem:v39+s23+$0x0], $0xffff  }
0x193: {  	v38 =	vor.u32 $0xC03, v0;
	_ =	sdelay $0x3  }
0x194: {  	[tilespmem:$0x2980] =	vst v1  }
0x195: {  	v1 =	vld.idx.msk [tilespmem:v38+s23+$0x0], $0xffff  }
0x196: {  	v37 =	vor.u32 $0xC04, v0;
	_ =	sdelay $0x3  }
0x197: {  	[tilespmem:$0x2B80] =	vst v1  }
0x198: {  	v1 =	vld.idx.msk [tilespmem:v37+s23+$0x0], $0xffff  }
0x199: {  	v36 =	vor.u32 $0xC80, v0;
	_ =	sdelay $0x3  }
0x19a: {  	[tilespmem:$0x2D80] =	vst v1  }
0x19b: {  	v1 =	vld.idx.msk [tilespmem:v36+s23+$0x0], $0xffff  }
0x19c: {  	v35 =	vor.u32 $0xC81, v0;
	_ =	sdelay $0x3  }
0x19d: {  	[tilespmem:$0x2590] =	vst v1  }
0x19e: {  	[tilespmem:$0x1FBF0] =	vst v2;
	v2 =	vld.idx.msk [tilespmem:v35+s23+$0x0], $0xffff  }
0x19f: {  	v1 =	vor.u32 $0xC82, v0;
	_ =	sdelay $0x3  }
0x1a0: {  	[tilespmem:$0x2790] =	vst v2  }
0x1a1: {  	v3 =	vld.idx.msk [tilespmem:v1+s23+$0x0], $0xffff  }
0x1a2: {  	v2 =	vor.u32 $0xC83, v0;
	_ =	sdelay $0x3  }
0x1a3: {  	[tilespmem:$0x2990] =	vst v3  }
0x1a4: {  	v4 =	vld.idx.msk [tilespmem:v2+s23+$0x0], $0xffff  }
0x1a5: {  	v3 =	vor.u32 $0xC84, v0;
	_ =	sdelay $0x3  }
0x1a6: {  	[tilespmem:$0x2B90] =	vst v4  }
0x1a7: {  	v5 =	vld.idx.msk [tilespmem:v3+s23+$0x0], $0xffff  }
0x1a8: {  	v4 =	vor.u32 $0xD00, v0;
	_ =	sdelay $0x3  }
0x1a9: {  	[tilespmem:$0x2D90] =	vst v5  }
0x1aa: {  	v6 =	vld.idx.msk [tilespmem:v4+s23+$0x0], $0xffff  }
0x1ab: {  	v5 =	vor.u32 $0xD01, v0;
	_ =	sdelay $0x3  }
0x1ac: {  	[tilespmem:$0x25A0] =	vst v6  }
0x1ad: {  	v7 =	vld.idx.msk [tilespmem:v5+s23+$0x0], $0xffff  }
0x1ae: {  	v6 =	vor.u32 $0xD02, v0;
	_ =	sdelay $0x3  }
0x1af: {  	[tilespmem:$0x27A0] =	vst v7  }
0x1b0: {  	v8 =	vld.idx.msk [tilespmem:v6+s23+$0x0], $0xffff  }
0x1b1: {  	v7 =	vor.u32 $0xD03, v0;
	_ =	sdelay $0x3  }
0x1b2: {  	[tilespmem:$0x29A0] =	vst v8  }
0x1b3: {  	v9 =	vld.idx.msk [tilespmem:v7+s23+$0x0], $0xffff  }
0x1b4: {  	v8 =	vor.u32 $0xD04, v0;
	_ =	sdelay $0x3  }
0x1b5: {  	[tilespmem:$0x2BA0] =	vst v9  }
0x1b6: {  	v10 =	vld.idx.msk [tilespmem:v8+s23+$0x0], $0xffff  }
0x1b7: {  	v9 =	vor.u32 $0xD80, v0;
	_ =	sdelay $0x3  }
0x1b8: {  	[tilespmem:$0x2DA0] =	vst v10  }
0x1b9: {  	v11 =	vld.idx.msk [tilespmem:v9+s23+$0x0], $0xffff  }
0x1ba: {  	v10 =	vor.u32 $0xD81, v0;
	_ =	sdelay $0x3  }
0x1bb: {  	[tilespmem:$0x25B0] =	vst v11  }
0x1bc: {  	v12 =	vld.idx.msk [tilespmem:v10+s23+$0x0], $0xffff  }
0x1bd: {  	v11 =	vor.u32 $0xD82, v0;
	_ =	sdelay $0x3  }
0x1be: {  	[tilespmem:$0x27B0] =	vst v12  }
0x1bf: {  	v13 =	vld.idx.msk [tilespmem:v11+s23+$0x0], $0xffff  }
0x1c0: {  	v12 =	vor.u32 $0xD83, v0;
	_ =	sdelay $0x3  }
0x1c1: {  	[tilespmem:$0x29B0] =	vst v13  }
0x1c2: {  	v14 =	vld.idx.msk [tilespmem:v12+s23+$0x0], $0xffff  }
0x1c3: {  	v13 =	vor.u32 $0xD84, v0;
	_ =	sdelay $0x3  }
0x1c4: {  	[tilespmem:$0x2BB0] =	vst v14  }
0x1c5: {  	v15 =	vld.idx.msk [tilespmem:v13+s23+$0x0], $0xffff  }
0x1c6: {  	v14 =	vor.u32 $0xE00, v0;
	_ =	sdelay $0x3  }
0x1c7: {  	[tilespmem:$0x2DB0] =	vst v15  }
0x1c8: {  	v16 =	vld.idx.msk [tilespmem:v14+s23+$0x0], $0xffff  }
0x1c9: {  	v15 =	vor.u32 $0xE01, v0;
	_ =	sdelay $0x3  }
0x1ca: {  	[tilespmem:$0x25C0] =	vst v16  }
0x1cb: {  	v17 =	vld.idx.msk [tilespmem:v15+s23+$0x0], $0xffff  }
0x1cc: {  	v16 =	vor.u32 $0xE02, v0;
	_ =	sdelay $0x3  }
0x1cd: {  	[tilespmem:$0x27C0] =	vst v17  }
0x1ce: {  	v18 =	vld.idx.msk [tilespmem:v16+s23+$0x0], $0xffff  }
0x1cf: {  	v17 =	vor.u32 $0xE03, v0;
	_ =	sdelay $0x3  }
0x1d0: {  	[tilespmem:$0x29C0] =	vst v18  }
0x1d1: {  	v19 =	vld.idx.msk [tilespmem:v17+s23+$0x0], $0xffff  }
0x1d2: {  	v18 =	vor.u32 $0xE04, v0;
	_ =	sdelay $0x3  }
0x1d3: {  	[tilespmem:$0x2BC0] =	vst v19  }
0x1d4: {  	v20 =	vld.idx.msk [tilespmem:v18+s23+$0x0], $0xffff  }
0x1d5: {  	v19 =	vor.u32 $0xE80, v0;
	_ =	sdelay $0x3  }
0x1d6: {  	[tilespmem:$0x2DC0] =	vst v20  }
0x1d7: {  	v21 =	vld.idx.msk [tilespmem:v19+s23+$0x0], $0xffff  }
0x1d8: {  	v20 =	vor.u32 $0xE81, v0;
	_ =	sdelay $0x3  }
0x1d9: {  	[tilespmem:$0x25D0] =	vst v21  }
0x1da: {  	v22 =	vld.idx.msk [tilespmem:v20+s23+$0x0], $0xffff  }
0x1db: {  	v21 =	vor.u32 $0xE82, v0;
	_ =	sdelay $0x3  }
0x1dc: {  	[tilespmem:$0x27D0] =	vst v22  }
0x1dd: {  	v23 =	vld.idx.msk [tilespmem:v21+s23+$0x0], $0xffff  }
0x1de: {  	v22 =	vor.u32 $0xE83, v0;
	_ =	sdelay $0x3  }
0x1df: {  	[tilespmem:$0x29D0] =	vst v23  }
0x1e0: {  	v24 =	vld.idx.msk [tilespmem:v22+s23+$0x0], $0xffff  }
0x1e1: {  	v23 =	vor.u32 $0xE84, v0;
	_ =	sdelay $0x3  }
0x1e2: {  	[tilespmem:$0x2BD0] =	vst v24  }
0x1e3: {  	v25 =	vld.idx.msk [tilespmem:v23+s23+$0x0], $0xffff  }
0x1e4: {  	v24 =	vor.u32 $0xF00, v0;
	_ =	sdelay $0x3  }
0x1e5: {  	[tilespmem:$0x2DD0] =	vst v25  }
0x1e6: {  	v26 =	vld.idx.msk [tilespmem:v24+s23+$0x0], $0xffff  }
0x1e7: {  	v25 =	vor.u32 $0xF01, v0;
	_ =	sdelay $0x3  }
0x1e8: {  	[tilespmem:$0x25E0] =	vst v26  }
0x1e9: {  	v27 =	vld.idx.msk [tilespmem:v25+s23+$0x0], $0xffff  }
0x1ea: {  	v26 =	vor.u32 $0xF02, v0;
	_ =	sdelay $0x3  }
0x1eb: {  	[tilespmem:$0x27E0] =	vst v27  }
0x1ec: {  	v28 =	vld.idx.msk [tilespmem:v26+s23+$0x0], $0xffff  }
0x1ed: {  	v27 =	vor.u32 $0xF03, v0;
	_ =	sdelay $0x3  }
0x1ee: {  	[tilespmem:$0x29E0] =	vst v28  }
0x1ef: {  	v29 =	vld.idx.msk [tilespmem:v27+s23+$0x0], $0xffff  }
0x1f0: {  	v28 =	vor.u32 $0xF04, v0;
	_ =	sdelay $0x3  }
0x1f1: {  	[tilespmem:$0x2BE0] =	vst v29  }
0x1f2: {  	v30 =	vld.idx.msk [tilespmem:v28+s23+$0x0], $0xffff  }
0x1f3: {  	v29 =	vor.u32 $0xF80, v0;
	_ =	sdelay $0x3  }
0x1f4: {  	[tilespmem:$0x2DE0] =	vst v30  }
0x1f5: {  	v31 =	vld.idx.msk [tilespmem:v29+s23+$0x0], $0xffff  }
0x1f6: {  	v30 =	vor.u32 $0xF81, v0;
	_ =	sdelay $0x3  }
0x1f7: {  	[tilespmem:$0x25F0] =	vst v31  }
0x1f8: {  	v32 =	vld.idx.msk [tilespmem:v30+s23+$0x0], $0xffff  }
0x1f9: {  	v31 =	vor.u32 $0xF82, v0;
	_ =	sdelay $0x3  }
0x1fa: {  	[tilespmem:$0x27F0] =	vst v32  }
0x1fb: {  	v33 =	vld.idx.msk [tilespmem:v31+s23+$0x0], $0xffff  }
0x1fc: {  	v32 =	vor.u32 $0xF83, v0;
	_ =	sdelay $0x3  }
0x1fd: {  	[tilespmem:$0x29F0] =	vst v33  }
0x1fe: {  	v34 =	vld.idx.msk [tilespmem:v32+s23+$0x0], $0xffff  }
0x1ff: {  	v33 =	vor.u32 $0xF84, v0;
	_ =	sdelay $0x3  }
0x200: {  	[tilespmem:$0x2BF0] =	vst v34  }
0x201: {  	v34 =	vld.idx.msk [tilespmem:v33+s23+$0x0], $0xffff  }
0x202: {  	s6 =	sand.u32 $0x6000, s7;
	s26 =	sand.u32 $0x7FFF8000, s11  }
0x203: {  	s1 =	sand.u32 $0x380, s20;
	s25 =	sor.u32 s6, s26  }
0x204: {  	s25 =	sor.u32 s1, s25  }
0x205: {  	s25 =	sshrl.u32 s25, $0x3  }
0x206: {  	s25 =	sadd.s32 s28, s25;
	[tilespmem:$0x2DF0] =	vst v34  }
0x207: {  	[hbm4b:s25+s22] =	stream.strided.scatter [tilespmem:s5], [sflag:$0x5], $0x200, s23, s22, $0x38;
	[tilespmem:$0x2E00] =	vst v63  }
0x208: {  	_ =	swait.ge [sflag:s14], $0x200  }
0x209: {  	[sflag:s14] =	ssyncset.done $0x0  }
0x20a: {  	s6 =	sadd.s32 $0x19000, s25;
	[sflag:s14] =	ssyncadd.s32 $0xFFFFFE00  }
0x20b: {  	[hbm4b:s6+s22] =	stream.strided.scatter [tilespmem:s15], [sflag:$0x5], $0x200, s23, s22, $0x38;
	[tilespmem:$0x2E00] =	vst v63  }
0x20c: {  	_ =	swait.ge [sflag:s14], $0x200  }
0x20d: {  	[sflag:s14] =	ssyncset.done $0x0  }
0x20e: {  	s1 =	sadd.s32 $0x32000, s25;
	[sflag:s14] =	ssyncadd.s32 $0xFFFFFE00  }
0x20f: {  	[hbm4b:s1+s22] =	stream.strided.scatter [tilespmem:s16], [sflag:$0x5], $0x200, s23, s22, $0x38;
	[tilespmem:$0x2E00] =	vst v63  }
0x210: {  	_ =	swait.ge [sflag:s14], $0x200  }
0x211: {  	[sflag:s14] =	ssyncset.done $0x0  }
0x212: {  	s6 =	sadd.s32 $0x4B000, s25;
	[sflag:s14] =	ssyncadd.s32 $0xFFFFFE00  }
0x213: {  	[hbm4b:s6+s22] =	stream.strided.scatter [tilespmem:s17], [sflag:$0x5], $0x200, s23, s22, $0x38;
	[tilespmem:$0x2E00] =	vst v63  }
0x214: {  	_ =	swait.ge [sflag:s14], $0x200  }
0x215: {  	[sflag:s14] =	ssyncset.done $0x0  }
0x216: {  	s1 =	sadd.s32 $0x64000, s25;
	[sflag:s14] =	ssyncadd.s32 $0xFFFFFE00  }
0x217: {  	[hbm4b:s1+s22] =	stream.strided.scatter [tilespmem:s18], [sflag:$0x5], $0x200, s23, s22, $0x38;
	[tilespmem:$0x2E00] =	vst v63  }
0x218: {  	_ =	swait.ge [sflag:s14], $0x200  }
0x219: {  	[sflag:s14] =	ssyncset.done $0x0  }
0x21a: {  	[sflag:s14] =	ssyncadd.s32 $0xFFFFFE00  }
0x21b: {  	_ =	swait.ge [sflag:s21], $0x200  }
0x21c: {  	[sflag:s21] =	ssyncset.done $0x0  }
0x21d: {  	[sflag:s21] =	ssyncadd.s32 $0xFFFFFE00  }
0x21e: {  	[tilespmem:s23], [sflag:$0x1] =	stream.indirect.gather [hbm4b:s4+s22], $0x8, s3, s22, $0xb8;
	[tilespmem:$0x2E00] =	vst v63  }
0x21f: {  	s26 =	simm.s32 $0x800  }
0x220: {  	[tilespmem:s26], [sflag:$0x1] =	stream.indirect.gather [hbm4b:s4+s22], $0x8, s22, s22, $0xb8;
	[tilespmem:$0x2E00] =	vst v63  }
0x221: {  	s6 =	simm.s32 $0xC00;
	s1 =	simm.s32 $0x100  }
0x222: {  	[tilespmem:s6], [sflag:$0x1] =	stream.indirect.gather [hbm4b:s4+s22], $0x8, s1, s22, $0xb8;
	[tilespmem:$0x2E00] =	vst v63  }
0x223: {  	s6 =	simm.s32 $0x180  }
0x224: {  	[tilespmem:s8], [sflag:$0x1] =	stream.indirect.gather [hbm4b:s4+s22], $0x8, s6, s22, $0xb8;
	[tilespmem:$0x2E00] =	vst v63  }
0x225: {  	_ =	swait.ge [sflag:s19], $0x1000  }
0x226: {  	[sflag:s19] =	ssyncset.done $0x0  }
0x227: {  	s24 =	sadd.s32 $0xC0, s24;
	[sflag:s19] =	ssyncadd.s32 $0xFFFFF000  }
0x228: {  	[tilespmem:s30], [sflag:$0x4] =	stream.linear.gather [hbm4b:s24+s3], $0x200, $0x38;
	[tilespmem:$0x2E00] =	vst v63  }
0x229: {  	v34 =	vld.idx.msk [tilespmem:v0+s0+$0x0], $0xffff;
	_ =	sdelay $0x4  }
0x22a: {  	[tilespmem:$0x2400] =	vst v34;
	v34 =	vld [tilespmem:$0x1FC10];
	_ =	sdelay $0x7  }
0x22b: {  	v34 =	vld.idx.msk [tilespmem:v34+s0+$0x0], $0xffff;
	_ =	sdelay $0x4  }
0x22c: {  	[tilespmem:$0x2600] =	vst v34;
	v34 =	vld [tilespmem:$0x1FC20];
	_ =	sdelay $0x7  }
0x22d: {  	v34 =	vld.idx.msk [tilespmem:v34+s0+$0x0], $0xffff;
	_ =	sdelay $0x4  }
0x22e: {  	[tilespmem:$0x2800] =	vst v34;
	v34 =	vld [tilespmem:$0x1FC30];
	_ =	sdelay $0x7  }
0x22f: {  	v34 =	vld.idx.msk [tilespmem:v34+s0+$0x0], $0xffff;
	_ =	sdelay $0x4  }
0x230: {  	[tilespmem:$0x2A00] =	vst v34;
	v34 =	vld [tilespmem:$0x1FC40];
	_ =	sdelay $0x7  }
0x231: {  	v34 =	vld.idx.msk [tilespmem:v34+s0+$0x0], $0xffff;
	_ =	sdelay $0x4  }
0x232: {  	[tilespmem:$0x2C00] =	vst v34;
	v34 =	vld [tilespmem:$0x1FC50];
	_ =	sdelay $0x7  }
0x233: {  	v34 =	vld.idx.msk [tilespmem:v34+s0+$0x0], $0xffff;
	_ =	sdelay $0x4  }
0x234: {  	[tilespmem:$0x2410] =	vst v34;
	v34 =	vld [tilespmem:$0x1FC60];
	_ =	sdelay $0x7  }
0x235: {  	v34 =	vld.idx.msk [tilespmem:v34+s0+$0x0], $0xffff;
	_ =	sdelay $0x4  }
0x236: {  	[tilespmem:$0x2610] =	vst v34;
	v34 =	vld [tilespmem:$0x1FC70];
	_ =	sdelay $0x7  }
0x237: {  	v34 =	vld.idx.msk [tilespmem:v34+s0+$0x0], $0xffff;
	_ =	sdelay $0x4  }
0x238: {  	[tilespmem:$0x2810] =	vst v34;
	v34 =	vld [tilespmem:$0x1FC80];
	_ =	sdelay $0x7  }
0x239: {  	v34 =	vld.idx.msk [tilespmem:v34+s0+$0x0], $0xffff;
	_ =	sdelay $0x4  }
0x23a: {  	[tilespmem:$0x2A10] =	vst v34;
	v34 =	vld [tilespmem:$0x1FC90];
	_ =	sdelay $0x7  }
0x23b: {  	v34 =	vld.idx.msk [tilespmem:v34+s0+$0x0], $0xffff;
	_ =	sdelay $0x4  }
0x23c: {  	[tilespmem:$0x2C10] =	vst v34;
	v34 =	vld [tilespmem:$0x1FCA0];
	_ =	sdelay $0x7  }
0x23d: {  	v34 =	vld.idx.msk [tilespmem:v34+s0+$0x0], $0xffff;
	_ =	sdelay $0x4  }
0x23e: {  	[tilespmem:$0x2420] =	vst v34;
	v34 =	vld [tilespmem:$0x1FCB0];
	_ =	sdelay $0x7  }
0x23f: {  	v34 =	vld.idx.msk [tilespmem:v34+s0+$0x0], $0xffff;
	_ =	sdelay $0x4  }
0x240: {  	[tilespmem:$0x2620] =	vst v34;
	v34 =	vld [tilespmem:$0x1FCC0];
	_ =	sdelay $0x7  }
0x241: {  	v34 =	vld.idx.msk [tilespmem:v34+s0+$0x0], $0xffff;
	_ =	sdelay $0x4  }
0x242: {  	[tilespmem:$0x2820] =	vst v34;
	v34 =	vld [tilespmem:$0x1FCD0];
	_ =	sdelay $0x7  }
0x243: {  	v34 =	vld.idx.msk [tilespmem:v34+s0+$0x0], $0xffff;
	_ =	sdelay $0x4  }
0x244: {  	[tilespmem:$0x2A20] =	vst v34;
	v34 =	vld [tilespmem:$0x1FCE0];
	_ =	sdelay $0x7  }
0x245: {  	v34 =	vld.idx.msk [tilespmem:v34+s0+$0x0], $0xffff;
	_ =	sdelay $0x4  }
0x246: {  	[tilespmem:$0x2C20] =	vst v34;
	v34 =	vld [tilespmem:$0x1FCF0];
	_ =	sdelay $0x7  }
0x247: {  	v34 =	vld.idx.msk [tilespmem:v34+s0+$0x0], $0xffff;
	_ =	sdelay $0x4  }
0x248: {  	[tilespmem:$0x2430] =	vst v34;
	v34 =	vld [tilespmem:$0x1FD00];
	_ =	sdelay $0x7  }
0x249: {  	v34 =	vld.idx.msk [tilespmem:v34+s0+$0x0], $0xffff;
	_ =	sdelay $0x4  }
0x24a: {  	[tilespmem:$0x2630] =	vst v34;
	v34 =	vld [tilespmem:$0x1FD10];
	_ =	sdelay $0x7  }
0x24b: {  	v34 =	vld.idx.msk [tilespmem:v34+s0+$0x0], $0xffff;
	_ =	sdelay $0x4  }
0x24c: {  	[tilespmem:$0x2830] =	vst v34;
	v34 =	vld [tilespmem:$0x1FD20];
	_ =	sdelay $0x7  }
0x24d: {  	v34 =	vld.idx.msk [tilespmem:v34+s0+$0x0], $0xffff;
	_ =	sdelay $0x4  }
0x24e: {  	[tilespmem:$0x2A30] =	vst v34;
	v34 =	vld [tilespmem:$0x1FD30];
	_ =	sdelay $0x7  }
0x24f: {  	v34 =	vld.idx.msk [tilespmem:v34+s0+$0x0], $0xffff;
	_ =	sdelay $0x4  }
0x250: {  	[tilespmem:$0x2C30] =	vst v34;
	v34 =	vld [tilespmem:$0x1FD40];
	_ =	sdelay $0x7  }
0x251: {  	v34 =	vld.idx.msk [tilespmem:v34+s0+$0x0], $0xffff;
	_ =	sdelay $0x4  }
0x252: {  	[tilespmem:$0x2440] =	vst v34;
	v34 =	vld [tilespmem:$0x1FD50];
	_ =	sdelay $0x7  }
0x253: {  	v34 =	vld.idx.msk [tilespmem:v34+s0+$0x0], $0xffff;
	_ =	sdelay $0x4  }
0x254: {  	[tilespmem:$0x2640] =	vst v34;
	v34 =	vld [tilespmem:$0x1FD60];
	_ =	sdelay $0x7  }
0x255: {  	v34 =	vld.idx.msk [tilespmem:v34+s0+$0x0], $0xffff;
	_ =	sdelay $0x4  }
0x256: {  	[tilespmem:$0x2840] =	vst v34;
	v34 =	vld [tilespmem:$0x1FD70];
	_ =	sdelay $0x7  }
0x257: {  	v34 =	vld.idx.msk [tilespmem:v34+s0+$0x0], $0xffff;
	_ =	sdelay $0x4  }
0x258: {  	[tilespmem:$0x2A40] =	vst v34;
	v34 =	vld [tilespmem:$0x1FD80];
	_ =	sdelay $0x7  }
0x259: {  	v34 =	vld.idx.msk [tilespmem:v34+s0+$0x0], $0xffff;
	_ =	sdelay $0x4  }
0x25a: {  	[tilespmem:$0x2C40] =	vst v34;
	v34 =	vld [tilespmem:$0x1FD90];
	_ =	sdelay $0x7  }
0x25b: {  	v34 =	vld.idx.msk [tilespmem:v34+s0+$0x0], $0xffff;
	_ =	sdelay $0x4  }
0x25c: {  	[tilespmem:$0x2450] =	vst v34;
	v34 =	vld [tilespmem:$0x1FDA0];
	_ =	sdelay $0x7  }
0x25d: {  	v34 =	vld.idx.msk [tilespmem:v34+s0+$0x0], $0xffff;
	_ =	sdelay $0x4  }
0x25e: {  	[tilespmem:$0x2650] =	vst v34;
	v34 =	vld [tilespmem:$0x1FDB0];
	_ =	sdelay $0x7  }
0x25f: {  	v34 =	vld.idx.msk [tilespmem:v34+s0+$0x0], $0xffff;
	_ =	sdelay $0x4  }
0x260: {  	[tilespmem:$0x2850] =	vst v34;
	v34 =	vld [tilespmem:$0x1FDC0];
	_ =	sdelay $0x7  }
0x261: {  	v34 =	vld.idx.msk [tilespmem:v34+s0+$0x0], $0xffff;
	_ =	sdelay $0x4  }
0x262: {  	[tilespmem:$0x2A50] =	vst v34;
	v34 =	vld [tilespmem:$0x1FDD0];
	_ =	sdelay $0x7  }
0x263: {  	v34 =	vld.idx.msk [tilespmem:v34+s0+$0x0], $0xffff;
	_ =	sdelay $0x4  }
0x264: {  	[tilespmem:$0x2C50] =	vst v34;
	v34 =	vld [tilespmem:$0x1FDE0];
	_ =	sdelay $0x7  }
0x265: {  	v34 =	vld.idx.msk [tilespmem:v34+s0+$0x0], $0xffff;
	_ =	sdelay $0x4  }
0x266: {  	[tilespmem:$0x2460] =	vst v34;
	v34 =	vld [tilespmem:$0x1FDF0];
	_ =	sdelay $0x7  }
0x267: {  	v34 =	vld.idx.msk [tilespmem:v34+s0+$0x0], $0xffff;
	_ =	sdelay $0x4  }
0x268: {  	[tilespmem:$0x2660] =	vst v34;
	v34 =	vld [tilespmem:$0x1FE00];
	_ =	sdelay $0x7  }
0x269: {  	v34 =	vld.idx.msk [tilespmem:v34+s0+$0x0], $0xffff;
	_ =	sdelay $0x4  }
0x26a: {  	[tilespmem:$0x2860] =	vst v34;
	v34 =	vld [tilespmem:$0x1FE10];
	_ =	sdelay $0x7  }
0x26b: {  	v34 =	vld.idx.msk [tilespmem:v34+s0+$0x0], $0xffff;
	_ =	sdelay $0x4  }
0x26c: {  	[tilespmem:$0x2A60] =	vst v34;
	v34 =	vld [tilespmem:$0x1FE20];
	_ =	sdelay $0x7  }
0x26d: {  	v34 =	vld.idx.msk [tilespmem:v34+s0+$0x0], $0xffff;
	_ =	sdelay $0x4  }
0x26e: {  	[tilespmem:$0x2C60] =	vst v34;
	v34 =	vld [tilespmem:$0x1FE30];
	_ =	sdelay $0x7  }
0x26f: {  	v34 =	vld.idx.msk [tilespmem:v34+s0+$0x0], $0xffff;
	_ =	sdelay $0x4  }
0x270: {  	[tilespmem:$0x2470] =	vst v34;
	v34 =	vld [tilespmem:$0x1FE40];
	_ =	sdelay $0x7  }
0x271: {  	v34 =	vld.idx.msk [tilespmem:v34+s0+$0x0], $0xffff;
	_ =	sdelay $0x4  }
0x272: {  	[tilespmem:$0x2670] =	vst v34;
	v34 =	vld [tilespmem:$0x1FE50];
	_ =	sdelay $0x7  }
0x273: {  	v34 =	vld.idx.msk [tilespmem:v34+s0+$0x0], $0xffff;
	_ =	sdelay $0x4  }
0x274: {  	[tilespmem:$0x2870] =	vst v34;
	v34 =	vld [tilespmem:$0x1FE60];
	_ =	sdelay $0x7  }
0x275: {  	v34 =	vld.idx.msk [tilespmem:v34+s0+$0x0], $0xffff;
	_ =	sdelay $0x4  }
0x276: {  	[tilespmem:$0x2A70] =	vst v34;
	v34 =	vld [tilespmem:$0x1FE70];
	_ =	sdelay $0x7  }
0x277: {  	v34 =	vld.idx.msk [tilespmem:v34+s0+$0x0], $0xffff;
	_ =	sdelay $0x4  }
0x278: {  	[tilespmem:$0x2C70] =	vst v34;
	v34 =	vld [tilespmem:$0x1FE80];
	_ =	sdelay $0x7  }
0x279: {  	v34 =	vld.idx.msk [tilespmem:v34+s0+$0x0], $0xffff;
	_ =	sdelay $0x4  }
0x27a: {  	[tilespmem:$0x2480] =	vst v34;
	v34 =	vld [tilespmem:$0x1FE90];
	_ =	sdelay $0x7  }
0x27b: {  	v34 =	vld.idx.msk [tilespmem:v34+s0+$0x0], $0xffff;
	_ =	sdelay $0x4  }
0x27c: {  	[tilespmem:$0x2680] =	vst v34;
	v34 =	vld [tilespmem:$0x1FEA0];
	_ =	sdelay $0x7  }
0x27d: {  	v34 =	vld.idx.msk [tilespmem:v34+s0+$0x0], $0xffff;
	_ =	sdelay $0x4  }
0x27e: {  	[tilespmem:$0x2880] =	vst v34;
	v34 =	vld [tilespmem:$0x1FEB0];
	_ =	sdelay $0x7  }
0x27f: {  	v34 =	vld.idx.msk [tilespmem:v34+s0+$0x0], $0xffff;
	_ =	sdelay $0x4  }
0x280: {  	[tilespmem:$0x2A80] =	vst v34;
	v34 =	vld [tilespmem:$0x1FEC0];
	_ =	sdelay $0x7  }
0x281: {  	v34 =	vld.idx.msk [tilespmem:v34+s0+$0x0], $0xffff;
	_ =	sdelay $0x4  }
0x282: {  	[tilespmem:$0x2C80] =	vst v34;
	v34 =	vld [tilespmem:$0x1FED0];
	_ =	sdelay $0x7  }
0x283: {  	v34 =	vld.idx.msk [tilespmem:v34+s0+$0x0], $0xffff;
	_ =	sdelay $0x4  }
0x284: {  	[tilespmem:$0x2490] =	vst v34;
	v34 =	vld [tilespmem:$0x1FEE0];
	_ =	sdelay $0x7  }
0x285: {  	v34 =	vld.idx.msk [tilespmem:v34+s0+$0x0], $0xffff;
	_ =	sdelay $0x4  }
0x286: {  	[tilespmem:$0x2690] =	vst v34;
	v34 =	vld [tilespmem:$0x1FEF0];
	_ =	sdelay $0x7  }
0x287: {  	v34 =	vld.idx.msk [tilespmem:v34+s0+$0x0], $0xffff;
	_ =	sdelay $0x4  }
0x288: {  	[tilespmem:$0x2890] =	vst v34;
	v34 =	vld [tilespmem:$0x1FF00];
	_ =	sdelay $0x7  }
0x289: {  	v34 =	vld.idx.msk [tilespmem:v34+s0+$0x0], $0xffff;
	_ =	sdelay $0x4  }
0x28a: {  	[tilespmem:$0x2A90] =	vst v34;
	v34 =	vld [tilespmem:$0x1FF10];
	_ =	sdelay $0x7  }
0x28b: {  	v34 =	vld.idx.msk [tilespmem:v34+s0+$0x0], $0xffff;
	_ =	sdelay $0x4  }
0x28c: {  	[tilespmem:$0x2C90] =	vst v34;
	v34 =	vld [tilespmem:$0x1FF20];
	_ =	sdelay $0x7  }
0x28d: {  	v34 =	vld.idx.msk [tilespmem:v34+s0+$0x0], $0xffff;
	_ =	sdelay $0x4  }
0x28e: {  	[tilespmem:$0x24A0] =	vst v34;
	v34 =	vld [tilespmem:$0x1FF30];
	_ =	sdelay $0x7  }
0x28f: {  	v34 =	vld.idx.msk [tilespmem:v34+s0+$0x0], $0xffff;
	_ =	sdelay $0x4  }
0x290: {  	[tilespmem:$0x26A0] =	vst v34;
	v34 =	vld [tilespmem:$0x1FF40];
	_ =	sdelay $0x7  }
0x291: {  	v34 =	vld.idx.msk [tilespmem:v34+s0+$0x0], $0xffff;
	_ =	sdelay $0x4  }
0x292: {  	[tilespmem:$0x28A0] =	vst v34;
	v34 =	vld [tilespmem:$0x1FF50];
	_ =	sdelay $0x7  }
0x293: {  	v34 =	vld.idx.msk [tilespmem:v34+s0+$0x0], $0xffff;
	_ =	sdelay $0x4  }
0x294: {  	[tilespmem:$0x2AA0] =	vst v34;
	v34 =	vld [tilespmem:$0x1FF60];
	_ =	sdelay $0x7  }
0x295: {  	v34 =	vld.idx.msk [tilespmem:v34+s0+$0x0], $0xffff;
	_ =	sdelay $0x4  }
0x296: {  	[tilespmem:$0x2CA0] =	vst v34;
	v34 =	vld [tilespmem:$0x1FF70];
	_ =	sdelay $0x7  }
0x297: {  	v34 =	vld.idx.msk [tilespmem:v34+s0+$0x0], $0xffff;
	_ =	sdelay $0x4  }
0x298: {  	[tilespmem:$0x24B0] =	vst v34;
	v34 =	vld [tilespmem:$0x1FF80];
	_ =	sdelay $0x7  }
0x299: {  	v34 =	vld.idx.msk [tilespmem:v34+s0+$0x0], $0xffff;
	_ =	sdelay $0x4  }
0x29a: {  	[tilespmem:$0x26B0] =	vst v34;
	v34 =	vld [tilespmem:$0x1FF90];
	_ =	sdelay $0x7  }
0x29b: {  	v34 =	vld.idx.msk [tilespmem:v34+s0+$0x0], $0xffff;
	_ =	sdelay $0x4  }
0x29c: {  	[tilespmem:$0x28B0] =	vst v34;
	v34 =	vld [tilespmem:$0x1FFA0];
	_ =	sdelay $0x7  }
0x29d: {  	v34 =	vld.idx.msk [tilespmem:v34+s0+$0x0], $0xffff;
	_ =	sdelay $0x4  }
0x29e: {  	[tilespmem:$0x2AB0] =	vst v34;
	v34 =	vld [tilespmem:$0x1FFB0];
	_ =	sdelay $0x7  }
0x29f: {  	v34 =	vld.idx.msk [tilespmem:v34+s0+$0x0], $0xffff;
	_ =	sdelay $0x4  }
0x2a0: {  	[tilespmem:$0x2CB0] =	vst v34;
	v34 =	vld [tilespmem:$0x1FFC0];
	_ =	sdelay $0x7  }
0x2a1: {  	v34 =	vld.idx.msk [tilespmem:v34+s0+$0x0], $0xffff;
	_ =	sdelay $0x4  }
0x2a2: {  	[tilespmem:$0x24C0] =	vst v34;
	v34 =	vld [tilespmem:$0x1FFD0];
	_ =	sdelay $0x7  }
0x2a3: {  	v34 =	vld.idx.msk [tilespmem:v34+s0+$0x0], $0xffff;
	_ =	sdelay $0x4  }
0x2a4: {  	[tilespmem:$0x26C0] =	vst v34;
	v34 =	vld [tilespmem:$0x1FFE0];
	_ =	sdelay $0x7  }
0x2a5: {  	v34 =	vld.idx.msk [tilespmem:v34+s0+$0x0], $0xffff;
	_ =	sdelay $0x4  }
0x2a6: {  	[tilespmem:$0x28C0] =	vst v34;
	v34 =	vld [tilespmem:$0x1FFF0];
	_ =	sdelay $0x7  }
0x2a7: {  	v34 =	vld.idx.msk [tilespmem:v34+s0+$0x0], $0xffff;
	_ =	sdelay $0x4  }
0x2a8: {  	[tilespmem:$0x2AC0] =	vst v34;
	v34 =	vld [tilespmem:$0x1F9E0];
	_ =	sdelay $0x7  }
0x2a9: {  	v34 =	vld.idx.msk [tilespmem:v34+s0+$0x0], $0xffff;
	_ =	sdelay $0x4  }
0x2aa: {  	[tilespmem:$0x2CC0] =	vst v34;
	v34 =	vld [tilespmem:$0x1F9F0];
	_ =	sdelay $0x7  }
0x2ab: {  	v34 =	vld.idx.msk [tilespmem:v34+s0+$0x0], $0xffff;
	_ =	sdelay $0x4  }
0x2ac: {  	[tilespmem:$0x24D0] =	vst v34;
	v34 =	vld [tilespmem:$0x1FA00];
	_ =	sdelay $0x7  }
0x2ad: {  	v34 =	vld.idx.msk [tilespmem:v34+s0+$0x0], $0xffff;
	_ =	sdelay $0x4  }
0x2ae: {  	[tilespmem:$0x26D0] =	vst v34;
	v34 =	vld [tilespmem:$0x1FA10];
	_ =	sdelay $0x7  }
0x2af: {  	v34 =	vld.idx.msk [tilespmem:v34+s0+$0x0], $0xffff;
	_ =	sdelay $0x4  }
0x2b0: {  	[tilespmem:$0x28D0] =	vst v34;
	v34 =	vld [tilespmem:$0x1FA20];
	_ =	sdelay $0x7  }
0x2b1: {  	v34 =	vld.idx.msk [tilespmem:v34+s0+$0x0], $0xffff;
	_ =	sdelay $0x4  }
0x2b2: {  	[tilespmem:$0x2AD0] =	vst v34;
	v34 =	vld [tilespmem:$0x1FA30];
	_ =	sdelay $0x7  }
0x2b3: {  	v34 =	vld.idx.msk [tilespmem:v34+s0+$0x0], $0xffff;
	_ =	sdelay $0x4  }
0x2b4: {  	[tilespmem:$0x2CD0] =	vst v34;
	v34 =	vld [tilespmem:$0x1FA40];
	_ =	sdelay $0x7  }
0x2b5: {  	v34 =	vld.idx.msk [tilespmem:v34+s0+$0x0], $0xffff;
	_ =	sdelay $0x4  }
0x2b6: {  	[tilespmem:$0x24E0] =	vst v34;
	v34 =	vld [tilespmem:$0x1FA50];
	_ =	sdelay $0x7  }
0x2b7: {  	v34 =	vld.idx.msk [tilespmem:v34+s0+$0x0], $0xffff;
	_ =	sdelay $0x4  }
0x2b8: {  	[tilespmem:$0x26E0] =	vst v34;
	v34 =	vld [tilespmem:$0x1FA60];
	_ =	sdelay $0x7  }
0x2b9: {  	v34 =	vld.idx.msk [tilespmem:v34+s0+$0x0], $0xffff;
	_ =	sdelay $0x4  }
0x2ba: {  	[tilespmem:$0x28E0] =	vst v34;
	v34 =	vld [tilespmem:$0x1FA70];
	_ =	sdelay $0x7  }
0x2bb: {  	v34 =	vld.idx.msk [tilespmem:v34+s0+$0x0], $0xffff;
	_ =	sdelay $0x4  }
0x2bc: {  	[tilespmem:$0x2AE0] =	vst v34;
	v34 =	vld [tilespmem:$0x1FA80];
	_ =	sdelay $0x7  }
0x2bd: {  	v34 =	vld.idx.msk [tilespmem:v34+s0+$0x0], $0xffff;
	_ =	sdelay $0x4  }
0x2be: {  	[tilespmem:$0x2CE0] =	vst v34;
	v34 =	vld [tilespmem:$0x1FA90];
	_ =	sdelay $0x7  }
0x2bf: {  	v34 =	vld.idx.msk [tilespmem:v34+s0+$0x0], $0xffff;
	_ =	sdelay $0x4  }
0x2c0: {  	[tilespmem:$0x24F0] =	vst v34;
	v34 =	vld [tilespmem:$0x1FAA0];
	_ =	sdelay $0x7  }
0x2c1: {  	v34 =	vld.idx.msk [tilespmem:v34+s0+$0x0], $0xffff;
	_ =	sdelay $0x4  }
0x2c2: {  	[tilespmem:$0x26F0] =	vst v34;
	v34 =	vld [tilespmem:$0x1FAB0];
	_ =	sdelay $0x7  }
0x2c3: {  	v34 =	vld.idx.msk [tilespmem:v34+s0+$0x0], $0xffff;
	_ =	sdelay $0x4  }
0x2c4: {  	[tilespmem:$0x28F0] =	vst v34;
	v34 =	vld [tilespmem:$0x1FAC0];
	_ =	sdelay $0x7  }
0x2c5: {  	v34 =	vld.idx.msk [tilespmem:v34+s0+$0x0], $0xffff;
	_ =	sdelay $0x4  }
0x2c6: {  	[tilespmem:$0x2AF0] =	vst v34;
	v34 =	vld [tilespmem:$0x1FAD0];
	_ =	sdelay $0x7  }
0x2c7: {  	v34 =	vld.idx.msk [tilespmem:v34+s0+$0x0], $0xffff;
	_ =	sdelay $0x4  }
0x2c8: {  	[tilespmem:$0x2CF0] =	vst v34;
	v34 =	vld [tilespmem:$0x1FAE0];
	_ =	sdelay $0x7  }
0x2c9: {  	v34 =	vld.idx.msk [tilespmem:v34+s0+$0x0], $0xffff;
	_ =	sdelay $0x4  }
0x2ca: {  	[tilespmem:$0x2500] =	vst v34;
	v34 =	vld [tilespmem:$0x1FAF0];
	_ =	sdelay $0x7  }
0x2cb: {  	v34 =	vld.idx.msk [tilespmem:v34+s0+$0x0], $0xffff;
	_ =	sdelay $0x4  }
0x2cc: {  	[tilespmem:$0x2700] =	vst v34;
	v34 =	vld [tilespmem:$0x1FB00];
	_ =	sdelay $0x7  }
0x2cd: {  	v34 =	vld.idx.msk [tilespmem:v34+s0+$0x0], $0xffff;
	_ =	sdelay $0x4  }
0x2ce: {  	[tilespmem:$0x2900] =	vst v34;
	v34 =	vld [tilespmem:$0x1FB10];
	_ =	sdelay $0x7  }
0x2cf: {  	v34 =	vld.idx.msk [tilespmem:v34+s0+$0x0], $0xffff;
	_ =	sdelay $0x4  }
0x2d0: {  	[tilespmem:$0x2B00] =	vst v34;
	v34 =	vld [tilespmem:$0x1FB20];
	_ =	sdelay $0x7  }
0x2d1: {  	v34 =	vld.idx.msk [tilespmem:v34+s0+$0x0], $0xffff;
	_ =	sdelay $0x4  }
0x2d2: {  	[tilespmem:$0x2D00] =	vst v34;
	v34 =	vld [tilespmem:$0x1FB30];
	_ =	sdelay $0x7  }
0x2d3: {  	v34 =	vld.idx.msk [tilespmem:v34+s0+$0x0], $0xffff;
	_ =	sdelay $0x4  }
0x2d4: {  	[tilespmem:$0x2510] =	vst v34;
	v34 =	vld [tilespmem:$0x1FB40];
	_ =	sdelay $0x7  }
0x2d5: {  	v34 =	vld.idx.msk [tilespmem:v34+s0+$0x0], $0xffff;
	_ =	sdelay $0x4  }
0x2d6: {  	[tilespmem:$0x2710] =	vst v34;
	v34 =	vld [tilespmem:$0x1FB50];
	_ =	sdelay $0x7  }
0x2d7: {  	v34 =	vld.idx.msk [tilespmem:v34+s0+$0x0], $0xffff;
	_ =	sdelay $0x4  }
0x2d8: {  	[tilespmem:$0x2910] =	vst v34;
	v34 =	vld [tilespmem:$0x1FB60];
	_ =	sdelay $0x7  }
0x2d9: {  	v34 =	vld.idx.msk [tilespmem:v34+s0+$0x0], $0xffff;
	_ =	sdelay $0x4  }
0x2da: {  	[tilespmem:$0x2B10] =	vst v34;
	v34 =	vld [tilespmem:$0x1FB70];
	_ =	sdelay $0x7  }
0x2db: {  	v34 =	vld.idx.msk [tilespmem:v34+s0+$0x0], $0xffff;
	_ =	sdelay $0x4  }
0x2dc: {  	[tilespmem:$0x2D10] =	vst v34;
	v34 =	vld [tilespmem:$0x1FB80];
	_ =	sdelay $0x7  }
0x2dd: {  	v34 =	vld.idx.msk [tilespmem:v34+s0+$0x0], $0xffff;
	_ =	sdelay $0x4  }
0x2de: {  	[tilespmem:$0x2520] =	vst v34;
	v34 =	vld [tilespmem:$0x1FB90];
	_ =	sdelay $0x7  }
0x2df: {  	v34 =	vld.idx.msk [tilespmem:v34+s0+$0x0], $0xffff;
	_ =	sdelay $0x4  }
0x2e0: {  	[tilespmem:$0x2720] =	vst v34;
	v34 =	vld [tilespmem:$0x1FBA0];
	_ =	sdelay $0x7  }
0x2e1: {  	v34 =	vld.idx.msk [tilespmem:v34+s0+$0x0], $0xffff;
	_ =	sdelay $0x4  }
0x2e2: {  	[tilespmem:$0x2920] =	vst v34;
	v34 =	vld [tilespmem:$0x1FBB0];
	_ =	sdelay $0x7  }
0x2e3: {  	v34 =	vld.idx.msk [tilespmem:v34+s0+$0x0], $0xffff;
	_ =	sdelay $0x4  }
0x2e4: {  	[tilespmem:$0x2B20] =	vst v34;
	v34 =	vld [tilespmem:$0x1FBC0];
	_ =	sdelay $0x7  }
0x2e5: {  	v34 =	vld.idx.msk [tilespmem:v34+s0+$0x0], $0xffff;
	_ =	sdelay $0x4  }
0x2e6: {  	[tilespmem:$0x2D20] =	vst v34;
	v34 =	vld [tilespmem:$0x1FBD0];
	_ =	sdelay $0x7  }
0x2e7: {  	v34 =	vld.idx.msk [tilespmem:v34+s0+$0x0], $0xffff;
	_ =	sdelay $0x4  }
0x2e8: {  	[tilespmem:$0x2530] =	vst v34;
	v34 =	vld [tilespmem:$0x1FBE0];
	_ =	sdelay $0x7  }
0x2e9: {  	v34 =	vld.idx.msk [tilespmem:v34+s0+$0x0], $0xffff;
	_ =	sdelay $0x4  }
0x2ea: {  	[tilespmem:$0x2730] =	vst v34;
	v34 =	vld [tilespmem:$0x1FBF0];
	_ =	sdelay $0x7  }
0x2eb: {  	v34 =	vld.idx.msk [tilespmem:v34+s0+$0x0], $0xffff;
	_ =	sdelay $0x4  }
0x2ec: {  	[tilespmem:$0x2930] =	vst v34  }
0x2ed: {  	v34 =	vld.idx.msk [tilespmem:v63+s0+$0x0], $0xffff;
	_ =	sdelay $0x4  }
0x2ee: {  	[tilespmem:$0x2B30] =	vst v34  }
0x2ef: {  	v34 =	vld.idx.msk [tilespmem:v62+s0+$0x0], $0xffff;
	_ =	sdelay $0x4  }
0x2f0: {  	[tilespmem:$0x2D30] =	vst v34  }
0x2f1: {  	v34 =	vld.idx.msk [tilespmem:v61+s0+$0x0], $0xffff;
	_ =	sdelay $0x4  }
0x2f2: {  	[tilespmem:$0x2540] =	vst v34  }
0x2f3: {  	v34 =	vld.idx.msk [tilespmem:v60+s0+$0x0], $0xffff;
	_ =	sdelay $0x4  }
0x2f4: {  	[tilespmem:$0x2740] =	vst v34  }
0x2f5: {  	v34 =	vld.idx.msk [tilespmem:v59+s0+$0x0], $0xffff;
	_ =	sdelay $0x4  }
0x2f6: {  	[tilespmem:$0x2940] =	vst v34  }
0x2f7: {  	v34 =	vld.idx.msk [tilespmem:v58+s0+$0x0], $0xffff;
	_ =	sdelay $0x4  }
0x2f8: {  	[tilespmem:$0x2B40] =	vst v34  }
0x2f9: {  	v34 =	vld.idx.msk [tilespmem:v57+s0+$0x0], $0xffff;
	_ =	sdelay $0x4  }
0x2fa: {  	[tilespmem:$0x2D40] =	vst v34  }
0x2fb: {  	v34 =	vld.idx.msk [tilespmem:v56+s0+$0x0], $0xffff;
	_ =	sdelay $0x4  }
0x2fc: {  	[tilespmem:$0x2550] =	vst v34  }
0x2fd: {  	v34 =	vld.idx.msk [tilespmem:v55+s0+$0x0], $0xffff;
	_ =	sdelay $0x4  }
0x2fe: {  	[tilespmem:$0x2750] =	vst v34  }
0x2ff: {  	v34 =	vld.idx.msk [tilespmem:v54+s0+$0x0], $0xffff;
	_ =	sdelay $0x4  }
0x300: {  	[tilespmem:$0x2950] =	vst v34  }
0x301: {  	v34 =	vld.idx.msk [tilespmem:v53+s0+$0x0], $0xffff;
	_ =	sdelay $0x4  }
0x302: {  	[tilespmem:$0x2B50] =	vst v34  }
0x303: {  	v34 =	vld.idx.msk [tilespmem:v52+s0+$0x0], $0xffff;
	_ =	sdelay $0x4  }
0x304: {  	[tilespmem:$0x2D50] =	vst v34  }
0x305: {  	v34 =	vld.idx.msk [tilespmem:v51+s0+$0x0], $0xffff;
	_ =	sdelay $0x4  }
0x306: {  	[tilespmem:$0x2560] =	vst v34  }
0x307: {  	v34 =	vld.idx.msk [tilespmem:v50+s0+$0x0], $0xffff;
	_ =	sdelay $0x4  }
0x308: {  	[tilespmem:$0x2760] =	vst v34  }
0x309: {  	v34 =	vld.idx.msk [tilespmem:v49+s0+$0x0], $0xffff;
	_ =	sdelay $0x4  }
0x30a: {  	[tilespmem:$0x2960] =	vst v34  }
0x30b: {  	v34 =	vld.idx.msk [tilespmem:v48+s0+$0x0], $0xffff;
	_ =	sdelay $0x4  }
0x30c: {  	[tilespmem:$0x2B60] =	vst v34  }
0x30d: {  	v34 =	vld.idx.msk [tilespmem:v47+s0+$0x0], $0xffff;
	_ =	sdelay $0x4  }
0x30e: {  	[tilespmem:$0x2D60] =	vst v34  }
0x30f: {  	v34 =	vld.idx.msk [tilespmem:v46+s0+$0x0], $0xffff;
	_ =	sdelay $0x4  }
0x310: {  	[tilespmem:$0x2570] =	vst v34  }
0x311: {  	v34 =	vld.idx.msk [tilespmem:v45+s0+$0x0], $0xffff;
	_ =	sdelay $0x4  }
0x312: {  	[tilespmem:$0x2770] =	vst v34  }
0x313: {  	v34 =	vld.idx.msk [tilespmem:v44+s0+$0x0], $0xffff;
	_ =	sdelay $0x4  }
0x314: {  	[tilespmem:$0x2970] =	vst v34  }
0x315: {  	v34 =	vld.idx.msk [tilespmem:v43+s0+$0x0], $0xffff;
	_ =	sdelay $0x4  }
0x316: {  	[tilespmem:$0x2B70] =	vst v34  }
0x317: {  	v34 =	vld.idx.msk [tilespmem:v42+s0+$0x0], $0xffff;
	_ =	sdelay $0x4  }
0x318: {  	[tilespmem:$0x2D70] =	vst v34  }
0x319: {  	v34 =	vld.idx.msk [tilespmem:v41+s0+$0x0], $0xffff;
	_ =	sdelay $0x4  }
0x31a: {  	[tilespmem:$0x2580] =	vst v34  }
0x31b: {  	v34 =	vld.idx.msk [tilespmem:v40+s0+$0x0], $0xffff;
	_ =	sdelay $0x4  }
0x31c: {  	[tilespmem:$0x2780] =	vst v34  }
0x31d: {  	v34 =	vld.idx.msk [tilespmem:v39+s0+$0x0], $0xffff;
	_ =	sdelay $0x4  }
0x31e: {  	[tilespmem:$0x2980] =	vst v34  }
0x31f: {  	v34 =	vld.idx.msk [tilespmem:v38+s0+$0x0], $0xffff;
	_ =	sdelay $0x4  }
0x320: {  	[tilespmem:$0x2B80] =	vst v34  }
0x321: {  	v34 =	vld.idx.msk [tilespmem:v37+s0+$0x0], $0xffff;
	_ =	sdelay $0x4  }
0x322: {  	[tilespmem:$0x2D80] =	vst v34  }
0x323: {  	v34 =	vld.idx.msk [tilespmem:v36+s0+$0x0], $0xffff;
	_ =	sdelay $0x4  }
0x324: {  	[tilespmem:$0x2590] =	vst v34  }
0x325: {  	v34 =	vld.idx.msk [tilespmem:v35+s0+$0x0], $0xffff;
	_ =	sdelay $0x4  }
0x326: {  	[tilespmem:$0x2790] =	vst v34  }
0x327: {  	v34 =	vld.idx.msk [tilespmem:v1+s0+$0x0], $0xffff;
	_ =	sdelay $0x4  }
0x328: {  	[tilespmem:$0x2990] =	vst v34  }
0x329: {  	v34 =	vld.idx.msk [tilespmem:v2+s0+$0x0], $0xffff;
	_ =	sdelay $0x4  }
0x32a: {  	[tilespmem:$0x2B90] =	vst v34  }
0x32b: {  	v34 =	vld.idx.msk [tilespmem:v3+s0+$0x0], $0xffff;
	_ =	sdelay $0x4  }
0x32c: {  	[tilespmem:$0x2D90] =	vst v34  }
0x32d: {  	v34 =	vld.idx.msk [tilespmem:v4+s0+$0x0], $0xffff;
	_ =	sdelay $0x4  }
0x32e: {  	[tilespmem:$0x25A0] =	vst v34  }
0x32f: {  	v34 =	vld.idx.msk [tilespmem:v5+s0+$0x0], $0xffff;
	_ =	sdelay $0x4  }
0x330: {  	[tilespmem:$0x27A0] =	vst v34  }
0x331: {  	v34 =	vld.idx.msk [tilespmem:v6+s0+$0x0], $0xffff;
	_ =	sdelay $0x4  }
0x332: {  	[tilespmem:$0x29A0] =	vst v34  }
0x333: {  	v34 =	vld.idx.msk [tilespmem:v7+s0+$0x0], $0xffff;
	_ =	sdelay $0x4  }
0x334: {  	[tilespmem:$0x2BA0] =	vst v34  }
0x335: {  	v34 =	vld.idx.msk [tilespmem:v8+s0+$0x0], $0xffff;
	_ =	sdelay $0x4  }
0x336: {  	[tilespmem:$0x2DA0] =	vst v34  }
0x337: {  	v34 =	vld.idx.msk [tilespmem:v9+s0+$0x0], $0xffff;
	_ =	sdelay $0x4  }
0x338: {  	[tilespmem:$0x25B0] =	vst v34  }
0x339: {  	v34 =	vld.idx.msk [tilespmem:v10+s0+$0x0], $0xffff;
	_ =	sdelay $0x4  }
0x33a: {  	[tilespmem:$0x27B0] =	vst v34  }
0x33b: {  	v34 =	vld.idx.msk [tilespmem:v11+s0+$0x0], $0xffff;
	_ =	sdelay $0x4  }
0x33c: {  	[tilespmem:$0x29B0] =	vst v34  }
0x33d: {  	v34 =	vld.idx.msk [tilespmem:v12+s0+$0x0], $0xffff;
	_ =	sdelay $0x4  }
0x33e: {  	[tilespmem:$0x2BB0] =	vst v34  }
0x33f: {  	v34 =	vld.idx.msk [tilespmem:v13+s0+$0x0], $0xffff;
	_ =	sdelay $0x4  }
0x340: {  	[tilespmem:$0x2DB0] =	vst v34  }
0x341: {  	v34 =	vld.idx.msk [tilespmem:v14+s0+$0x0], $0xffff;
	_ =	sdelay $0x4  }
0x342: {  	[tilespmem:$0x25C0] =	vst v34  }
0x343: {  	v34 =	vld.idx.msk [tilespmem:v15+s0+$0x0], $0xffff;
	_ =	sdelay $0x4  }
0x344: {  	[tilespmem:$0x27C0] =	vst v34  }
0x345: {  	v34 =	vld.idx.msk [tilespmem:v16+s0+$0x0], $0xffff;
	_ =	sdelay $0x4  }
0x346: {  	[tilespmem:$0x29C0] =	vst v34  }
0x347: {  	v34 =	vld.idx.msk [tilespmem:v17+s0+$0x0], $0xffff;
	_ =	sdelay $0x4  }
0x348: {  	[tilespmem:$0x2BC0] =	vst v34  }
0x349: {  	v34 =	vld.idx.msk [tilespmem:v18+s0+$0x0], $0xffff;
	_ =	sdelay $0x4  }
0x34a: {  	[tilespmem:$0x2DC0] =	vst v34  }
0x34b: {  	v34 =	vld.idx.msk [tilespmem:v19+s0+$0x0], $0xffff;
	_ =	sdelay $0x4  }
0x34c: {  	[tilespmem:$0x25D0] =	vst v34  }
0x34d: {  	v34 =	vld.idx.msk [tilespmem:v20+s0+$0x0], $0xffff;
	_ =	sdelay $0x4  }
0x34e: {  	[tilespmem:$0x27D0] =	vst v34  }
0x34f: {  	v34 =	vld.idx.msk [tilespmem:v21+s0+$0x0], $0xffff;
	_ =	sdelay $0x4  }
0x350: {  	[tilespmem:$0x29D0] =	vst v34  }
0x351: {  	v34 =	vld.idx.msk [tilespmem:v22+s0+$0x0], $0xffff;
	_ =	sdelay $0x4  }
0x352: {  	[tilespmem:$0x2BD0] =	vst v34  }
0x353: {  	v34 =	vld.idx.msk [tilespmem:v23+s0+$0x0], $0xffff;
	_ =	sdelay $0x4  }
0x354: {  	[tilespmem:$0x2DD0] =	vst v34  }
0x355: {  	v34 =	vld.idx.msk [tilespmem:v24+s0+$0x0], $0xffff;
	_ =	sdelay $0x4  }
0x356: {  	[tilespmem:$0x25E0] =	vst v34  }
0x357: {  	v34 =	vld.idx.msk [tilespmem:v25+s0+$0x0], $0xffff;
	_ =	sdelay $0x4  }
0x358: {  	[tilespmem:$0x27E0] =	vst v34  }
0x359: {  	v34 =	vld.idx.msk [tilespmem:v26+s0+$0x0], $0xffff;
	_ =	sdelay $0x4  }
0x35a: {  	[tilespmem:$0x29E0] =	vst v34  }
0x35b: {  	v34 =	vld.idx.msk [tilespmem:v27+s0+$0x0], $0xffff;
	_ =	sdelay $0x4  }
0x35c: {  	[tilespmem:$0x2BE0] =	vst v34  }
0x35d: {  	v34 =	vld.idx.msk [tilespmem:v28+s0+$0x0], $0xffff;
	_ =	sdelay $0x4  }
0x35e: {  	[tilespmem:$0x2DE0] =	vst v34  }
0x35f: {  	v34 =	vld.idx.msk [tilespmem:v29+s0+$0x0], $0xffff;
	_ =	sdelay $0x4  }
0x360: {  	[tilespmem:$0x25F0] =	vst v34  }
0x361: {  	v34 =	vld.idx.msk [tilespmem:v30+s0+$0x0], $0xffff;
	_ =	sdelay $0x4  }
0x362: {  	[tilespmem:$0x27F0] =	vst v34  }
0x363: {  	v34 =	vld.idx.msk [tilespmem:v31+s0+$0x0], $0xffff;
	_ =	sdelay $0x4  }
0x364: {  	[tilespmem:$0x29F0] =	vst v34  }
0x365: {  	v34 =	vld.idx.msk [tilespmem:v32+s0+$0x0], $0xffff;
	_ =	sdelay $0x4  }
0x366: {  	[tilespmem:$0x2BF0] =	vst v34  }
0x367: {  	v34 =	vld.idx.msk [tilespmem:v33+s0+$0x0], $0xffff;
	_ =	sdelay $0x3  }
0x368: {  	[tilespmem:$0x1FC00] =	vst v63  }
0x369: {  	s6 =	sadd.s32 $0x200, s25;
	[tilespmem:$0x2DF0] =	vst v34  }
0x36a: {  	[hbm4b:s6+s22] =	stream.strided.scatter [tilespmem:s5], [sflag:$0x5], $0x200, s23, s22, $0x38;
	[tilespmem:$0x2E00] =	vst v63  }
0x36b: {  	_ =	swait.ge [sflag:s14], $0x200  }
0x36c: {  	[sflag:s14] =	ssyncset.done $0x0  }
0x36d: {  	s1 =	sadd.s32 $0x19200, s25;
	[sflag:s14] =	ssyncadd.s32 $0xFFFFFE00  }
0x36e: {  	[hbm4b:s1+s22] =	stream.strided.scatter [tilespmem:s15], [sflag:$0x5], $0x200, s23, s22, $0x38;
	[tilespmem:$0x2E00] =	vst v63  }
0x36f: {  	_ =	swait.ge [sflag:s14], $0x200  }
0x370: {  	[sflag:s14] =	ssyncset.done $0x0  }
0x371: {  	s6 =	sadd.s32 $0x32200, s25;
	[sflag:s14] =	ssyncadd.s32 $0xFFFFFE00  }
0x372: {  	[hbm4b:s6+s22] =	stream.strided.scatter [tilespmem:s16], [sflag:$0x5], $0x200, s23, s22, $0x38;
	[tilespmem:$0x2E00] =	vst v63  }
0x373: {  	_ =	swait.ge [sflag:s14], $0x200  }
0x374: {  	[sflag:s14] =	ssyncset.done $0x0  }
0x375: {  	s1 =	sadd.s32 $0x4B200, s25;
	[sflag:s14] =	ssyncadd.s32 $0xFFFFFE00  }
0x376: {  	[hbm4b:s1+s22] =	stream.strided.scatter [tilespmem:s17], [sflag:$0x5], $0x200, s23, s22, $0x38;
	[tilespmem:$0x2E00] =	vst v63  }
0x377: {  	_ =	swait.ge [sflag:s14], $0x200  }
0x378: {  	[sflag:s14] =	ssyncset.done $0x0  }
0x379: {  	s6 =	sadd.s32 $0x64200, s25;
	[sflag:s14] =	ssyncadd.s32 $0xFFFFFE00  }
0x37a: {  	[hbm4b:s6+s22] =	stream.strided.scatter [tilespmem:s18], [sflag:$0x5], $0x200, s23, s22, $0x38;
	[tilespmem:$0x2E00] =	vst v63  }
0x37b: {  	_ =	swait.ge [sflag:s14], $0x200  }
0x37c: {  	[sflag:s14] =	ssyncset.done $0x0  }
0x37d: {  	[sflag:s14] =	ssyncadd.s32 $0xFFFFFE00  }
0x37e: {  	_ =	swait.ge [sflag:s31], $0x200  }
0x37f: {  	[sflag:s31] =	ssyncset.done $0x0  }
0x380: {  	[sflag:s31] =	ssyncadd.s32 $0xFFFFFE00  }
0x381: {  	[tilespmem:s0], [sflag:$0x2] =	stream.indirect.gather [hbm4b:s4+s22], $0x8, s30, s22, $0xb8;
	[tilespmem:$0x2E00] =	vst v63  }
0x382: {  	p0 =	sne.s32 s2, $0xB80;
	s24 =	simm.s32 $0x280;
	s25 =	simm.s32 $0x1800  }
0x383: {  	[tilespmem:s25], [sflag:$0x2] =	stream.indirect.gather [hbm4b:s4+s22], $0x8, s24, s22, $0xb8;
	[tilespmem:$0x2E00] =	vst v63  }
.Ltmp0:
0x384: {  	_ = 	snop;
	(pc) =	sbr.rel @p0 .LBB2_2-.Ltmp0, $4  }
0x385: {  	s20 =	sadd.s32 $0x20, s20  }
0x386: {  	[tilespmem:s10], [sflag:$0x2] =	stream.indirect.gather [hbm4b:s4+s22], $0x8, s9, s22, $0xb8;
	[tilespmem:$0x2E00] =	vst v63  }
0x387: {  	s11 =	sadd.s32 $0x400, s11;
	s7 =	sadd.s32 $0x2000, s7;
	s2 =	sadd.s32 $0x80, s2  }
0x388: {  	[tilespmem:s29], [sflag:$0x2] =	stream.indirect.gather [hbm4b:s4+s22], $0x8, s12, s22, $0xb8;
	[tilespmem:$0x2E00] =	vst v63  }
0x389: {  	v63 =	vmov v62  }
0x38a: {  	v62 =	vmovc v61;
	v61 =	vmovc v60;
	v60 =	vmov v59;
	v59 =	vmov v58;
	v58 =	vmov v57  }
0x38b: {  	v57 =	vmovc v56;
	v56 =	vmovc v55;
	v55 =	vmov v54;
	v54 =	vmov v53;
	v53 =	vmov v52  }
0x38c: {  	v52 =	vmovc v51;
	v51 =	vmovc v50;
	v50 =	vmov v49;
	v49 =	vmov v48;
	v48 =	vmov v47  }
0x38d: {  	v47 =	vmovc v46;
	v46 =	vmovc v45;
	v45 =	vmov v44;
	v44 =	vmov v43;
	v43 =	vmov v42  }
0x38e: {  	v42 =	vmovc v41;
	v41 =	vmovc v40;
	v40 =	vmov v39;
	v39 =	vmov v38;
	v38 =	vmov v37  }
0x38f: {  	v37 =	vmovc v36;
	v36 =	vmovc v35;
	v35 =	vmov v1;
	v1 =	vmov v2;
	v2 =	vmov v3  }
0x390: {  	v3 =	vmovc v4;
	v4 =	vmovc v5;
	v5 =	vmov v6;
	v6 =	vmov v7;
	v7 =	vmov v8  }
0x391: {  	v8 =	vmovc v9;
	v9 =	vmovc v10;
	v10 =	vmov v11;
	v11 =	vmov v12;
	v12 =	vmov v13  }
0x392: {  	v13 =	vmovc v14;
	v14 =	vmovc v15;
	v15 =	vmov v16;
	v16 =	vmov v17;
	v17 =	vmov v18  }
0x393: {  	v18 =	vmovc v19;
	v19 =	vmovc v20;
	v20 =	vmov v21;
	v21 =	vmov v22;
	v22 =	vmov v23  }
0x394: {  	v23 =	vmovc v24;
	v24 =	vmovc v25;
	v25 =	vmov v26;
	v26 =	vmov v27;
	v27 =	vmov v28;
	_ =	swait.ge [sflag:s13], $0x1000  }
0x395: {  	v28 =	vmovc v29;
	v29 =	vmovc v30;
	v30 =	vmov v31;
	v31 =	vmov v32;
	v32 =	vmov v33;
	[sflag:s13] =	ssyncset.done $0x0;
	v33 =	vld [tilespmem:$0x1FC10]  }
0x396: {  	[sflag:s13] =	ssyncadd.s32 $0xFFFFF000  }
0x397: {  	v34 =	vld.idx.msk [tilespmem:v0+s23+$0x0], $0xffff;
	_ =	sdelay $0x4  }
0x398: {  	[tilespmem:$0x2400] =	vst v34  }
0x399: {  	v34 =	vld.idx.msk [tilespmem:v33+s23+$0x0], $0xffff  }
0x39a: {  	v33 =	vld [tilespmem:$0x1FC20];
	_ =	sdelay $0x6  }
0x39b: {  	[tilespmem:$0x2600] =	vst v34  }
0x39c: {  	v34 =	vld.idx.msk [tilespmem:v33+s23+$0x0], $0xffff  }
0x39d: {  	v33 =	vld [tilespmem:$0x1FC30];
	_ =	sdelay $0x6  }
0x39e: {  	[tilespmem:$0x2800] =	vst v34  }
0x39f: {  	v34 =	vld.idx.msk [tilespmem:v33+s23+$0x0], $0xffff  }
0x3a0: {  	v33 =	vld [tilespmem:$0x1FC40];
	_ =	sdelay $0x6  }
0x3a1: {  	[tilespmem:$0x2A00] =	vst v34  }
0x3a2: {  	v34 =	vld.idx.msk [tilespmem:v33+s23+$0x0], $0xffff  }
0x3a3: {  	v33 =	vld [tilespmem:$0x1FC50];
	_ =	sdelay $0x6  }
0x3a4: {  	[tilespmem:$0x2C00] =	vst v34  }
0x3a5: {  	v34 =	vld.idx.msk [tilespmem:v33+s23+$0x0], $0xffff  }
0x3a6: {  	v33 =	vld [tilespmem:$0x1FC60];
	_ =	sdelay $0x6  }
0x3a7: {  	[tilespmem:$0x2410] =	vst v34  }
0x3a8: {  	v34 =	vld.idx.msk [tilespmem:v33+s23+$0x0], $0xffff  }
0x3a9: {  	v33 =	vld [tilespmem:$0x1FC70];
	_ =	sdelay $0x6  }
0x3aa: {  	[tilespmem:$0x2610] =	vst v34  }
0x3ab: {  	v34 =	vld.idx.msk [tilespmem:v33+s23+$0x0], $0xffff  }
0x3ac: {  	v33 =	vld [tilespmem:$0x1FC80];
	_ =	sdelay $0x6  }
0x3ad: {  	[tilespmem:$0x2810] =	vst v34  }
0x3ae: {  	v34 =	vld.idx.msk [tilespmem:v33+s23+$0x0], $0xffff  }
0x3af: {  	v33 =	vld [tilespmem:$0x1FC90];
	_ =	sdelay $0x6  }
0x3b0: {  	[tilespmem:$0x2A10] =	vst v34  }
0x3b1: {  	v34 =	vld.idx.msk [tilespmem:v33+s23+$0x0], $0xffff  }
0x3b2: {  	v33 =	vld [tilespmem:$0x1FCA0];
	_ =	sdelay $0x6  }
0x3b3: {  	[tilespmem:$0x2C10] =	vst v34  }
0x3b4: {  	v34 =	vld.idx.msk [tilespmem:v33+s23+$0x0], $0xffff  }
0x3b5: {  	v33 =	vld [tilespmem:$0x1FCB0];
	_ =	sdelay $0x6  }
0x3b6: {  	[tilespmem:$0x2420] =	vst v34  }
0x3b7: {  	v34 =	vld.idx.msk [tilespmem:v33+s23+$0x0], $0xffff  }
0x3b8: {  	v33 =	vld [tilespmem:$0x1FCC0];
	_ =	sdelay $0x6  }
0x3b9: {  	[tilespmem:$0x2620] =	vst v34  }
0x3ba: {  	v34 =	vld.idx.msk [tilespmem:v33+s23+$0x0], $0xffff  }
0x3bb: {  	v33 =	vld [tilespmem:$0x1FCD0];
	_ =	sdelay $0x6  }
0x3bc: {  	[tilespmem:$0x2820] =	vst v34  }
0x3bd: {  	v34 =	vld.idx.msk [tilespmem:v33+s23+$0x0], $0xffff  }
0x3be: {  	v33 =	vld [tilespmem:$0x1FCE0];
	_ =	sdelay $0x6  }
0x3bf: {  	[tilespmem:$0x2A20] =	vst v34  }
0x3c0: {  	v34 =	vld.idx.msk [tilespmem:v33+s23+$0x0], $0xffff  }
0x3c1: {  	v33 =	vld [tilespmem:$0x1FCF0];
	_ =	sdelay $0x6  }
0x3c2: {  	[tilespmem:$0x2C20] =	vst v34  }
0x3c3: {  	v34 =	vld.idx.msk [tilespmem:v33+s23+$0x0], $0xffff  }
0x3c4: {  	v33 =	vld [tilespmem:$0x1FD00];
	_ =	sdelay $0x6  }
0x3c5: {  	[tilespmem:$0x2430] =	vst v34  }
0x3c6: {  	v34 =	vld.idx.msk [tilespmem:v33+s23+$0x0], $0xffff  }
0x3c7: {  	v33 =	vld [tilespmem:$0x1FD10];
	_ =	sdelay $0x6  }
0x3c8: {  	[tilespmem:$0x2630] =	vst v34  }
0x3c9: {  	v34 =	vld.idx.msk [tilespmem:v33+s23+$0x0], $0xffff  }
0x3ca: {  	v33 =	vld [tilespmem:$0x1FD20];
	_ =	sdelay $0x6  }
0x3cb: {  	[tilespmem:$0x2830] =	vst v34  }
0x3cc: {  	v34 =	vld.idx.msk [tilespmem:v33+s23+$0x0], $0xffff  }
0x3cd: {  	v33 =	vld [tilespmem:$0x1FD30];
	_ =	sdelay $0x6  }
0x3ce: {  	[tilespmem:$0x2A30] =	vst v34  }
0x3cf: {  	v34 =	vld.idx.msk [tilespmem:v33+s23+$0x0], $0xffff  }
0x3d0: {  	v33 =	vld [tilespmem:$0x1FD40];
	_ =	sdelay $0x6  }
0x3d1: {  	[tilespmem:$0x2C30] =	vst v34  }
0x3d2: {  	v34 =	vld.idx.msk [tilespmem:v33+s23+$0x0], $0xffff  }
0x3d3: {  	v33 =	vld [tilespmem:$0x1FD50];
	_ =	sdelay $0x6  }
0x3d4: {  	[tilespmem:$0x2440] =	vst v34  }
0x3d5: {  	v34 =	vld.idx.msk [tilespmem:v33+s23+$0x0], $0xffff  }
0x3d6: {  	v33 =	vld [tilespmem:$0x1FD60];
	_ =	sdelay $0x6  }
0x3d7: {  	[tilespmem:$0x2640] =	vst v34  }
0x3d8: {  	v34 =	vld.idx.msk [tilespmem:v33+s23+$0x0], $0xffff  }
0x3d9: {  	v33 =	vld [tilespmem:$0x1FD70];
	_ =	sdelay $0x6  }
0x3da: {  	[tilespmem:$0x2840] =	vst v34  }
0x3db: {  	v34 =	vld.idx.msk [tilespmem:v33+s23+$0x0], $0xffff  }
0x3dc: {  	v33 =	vld [tilespmem:$0x1FD80];
	_ =	sdelay $0x6  }
0x3dd: {  	[tilespmem:$0x2A40] =	vst v34  }
0x3de: {  	v34 =	vld.idx.msk [tilespmem:v33+s23+$0x0], $0xffff  }
0x3df: {  	v33 =	vld [tilespmem:$0x1FD90];
	_ =	sdelay $0x6  }
0x3e0: {  	[tilespmem:$0x2C40] =	vst v34  }
0x3e1: {  	v34 =	vld.idx.msk [tilespmem:v33+s23+$0x0], $0xffff  }
0x3e2: {  	v33 =	vld [tilespmem:$0x1FDA0];
	_ =	sdelay $0x6  }
0x3e3: {  	[tilespmem:$0x2450] =	vst v34  }
0x3e4: {  	v34 =	vld.idx.msk [tilespmem:v33+s23+$0x0], $0xffff  }
0x3e5: {  	v33 =	vld [tilespmem:$0x1FDB0];
	_ =	sdelay $0x6  }
0x3e6: {  	[tilespmem:$0x2650] =	vst v34  }
0x3e7: {  	v34 =	vld.idx.msk [tilespmem:v33+s23+$0x0], $0xffff  }
0x3e8: {  	v33 =	vld [tilespmem:$0x1FDC0];
	_ =	sdelay $0x6  }
0x3e9: {  	[tilespmem:$0x2850] =	vst v34  }
0x3ea: {  	v34 =	vld.idx.msk [tilespmem:v33+s23+$0x0], $0xffff  }
0x3eb: {  	v33 =	vld [tilespmem:$0x1FDD0];
	_ =	sdelay $0x6  }
0x3ec: {  	[tilespmem:$0x2A50] =	vst v34  }
0x3ed: {  	v34 =	vld.idx.msk [tilespmem:v33+s23+$0x0], $0xffff  }
0x3ee: {  	v33 =	vld [tilespmem:$0x1FDE0];
	_ =	sdelay $0x6  }
0x3ef: {  	[tilespmem:$0x2C50] =	vst v34  }
0x3f0: {  	v34 =	vld.idx.msk [tilespmem:v33+s23+$0x0], $0xffff  }
0x3f1: {  	v33 =	vld [tilespmem:$0x1FDF0];
	_ =	sdelay $0x6  }
0x3f2: {  	[tilespmem:$0x2460] =	vst v34  }
0x3f3: {  	v34 =	vld.idx.msk [tilespmem:v33+s23+$0x0], $0xffff  }
0x3f4: {  	v33 =	vld [tilespmem:$0x1FE00];
	_ =	sdelay $0x6  }
0x3f5: {  	[tilespmem:$0x2660] =	vst v34  }
0x3f6: {  	v34 =	vld.idx.msk [tilespmem:v33+s23+$0x0], $0xffff  }
0x3f7: {  	v33 =	vld [tilespmem:$0x1FE10];
	_ =	sdelay $0x6  }
0x3f8: {  	[tilespmem:$0x2860] =	vst v34  }
0x3f9: {  	v34 =	vld.idx.msk [tilespmem:v33+s23+$0x0], $0xffff  }
0x3fa: {  	v33 =	vld [tilespmem:$0x1FE20];
	_ =	sdelay $0x6  }
0x3fb: {  	[tilespmem:$0x2A60] =	vst v34  }
0x3fc: {  	v34 =	vld.idx.msk [tilespmem:v33+s23+$0x0], $0xffff  }
0x3fd: {  	v33 =	vld [tilespmem:$0x1FE30];
	_ =	sdelay $0x6  }
0x3fe: {  	[tilespmem:$0x2C60] =	vst v34  }
0x3ff: {  	v34 =	vld.idx.msk [tilespmem:v33+s23+$0x0], $0xffff  }
0x400: {  	v33 =	vld [tilespmem:$0x1FE40];
	_ =	sdelay $0x6  }
0x401: {  	[tilespmem:$0x2470] =	vst v34  }
0x402: {  	v34 =	vld.idx.msk [tilespmem:v33+s23+$0x0], $0xffff  }
0x403: {  	v33 =	vld [tilespmem:$0x1FE50];
	_ =	sdelay $0x6  }
0x404: {  	[tilespmem:$0x2670] =	vst v34  }
0x405: {  	v34 =	vld.idx.msk [tilespmem:v33+s23+$0x0], $0xffff  }
0x406: {  	v33 =	vld [tilespmem:$0x1FE60];
	_ =	sdelay $0x6  }
0x407: {  	[tilespmem:$0x2870] =	vst v34  }
0x408: {  	v34 =	vld.idx.msk [tilespmem:v33+s23+$0x0], $0xffff  }
0x409: {  	v33 =	vld [tilespmem:$0x1FE70];
	_ =	sdelay $0x6  }
0x40a: {  	[tilespmem:$0x2A70] =	vst v34  }
0x40b: {  	v34 =	vld.idx.msk [tilespmem:v33+s23+$0x0], $0xffff  }
0x40c: {  	v33 =	vld [tilespmem:$0x1FE80];
	_ =	sdelay $0x6  }
0x40d: {  	[tilespmem:$0x2C70] =	vst v34  }
0x40e: {  	v34 =	vld.idx.msk [tilespmem:v33+s23+$0x0], $0xffff  }
0x40f: {  	v33 =	vld [tilespmem:$0x1FE90];
	_ =	sdelay $0x6  }
0x410: {  	[tilespmem:$0x2480] =	vst v34  }
0x411: {  	v34 =	vld.idx.msk [tilespmem:v33+s23+$0x0], $0xffff  }
0x412: {  	v33 =	vld [tilespmem:$0x1FEA0];
	_ =	sdelay $0x6  }
0x413: {  	[tilespmem:$0x2680] =	vst v34  }
0x414: {  	v34 =	vld.idx.msk [tilespmem:v33+s23+$0x0], $0xffff  }
0x415: {  	v33 =	vld [tilespmem:$0x1FEB0];
	_ =	sdelay $0x6  }
0x416: {  	[tilespmem:$0x2880] =	vst v34  }
0x417: {  	v34 =	vld.idx.msk [tilespmem:v33+s23+$0x0], $0xffff  }
0x418: {  	v33 =	vld [tilespmem:$0x1FEC0];
	_ =	sdelay $0x6  }
0x419: {  	[tilespmem:$0x2A80] =	vst v34  }
0x41a: {  	v34 =	vld.idx.msk [tilespmem:v33+s23+$0x0], $0xffff  }
0x41b: {  	v33 =	vld [tilespmem:$0x1FED0];
	_ =	sdelay $0x6  }
0x41c: {  	[tilespmem:$0x2C80] =	vst v34  }
0x41d: {  	v34 =	vld.idx.msk [tilespmem:v33+s23+$0x0], $0xffff  }
0x41e: {  	v33 =	vld [tilespmem:$0x1FEE0];
	_ =	sdelay $0x6  }
0x41f: {  	[tilespmem:$0x2490] =	vst v34  }
0x420: {  	v34 =	vld.idx.msk [tilespmem:v33+s23+$0x0], $0xffff  }
0x421: {  	v33 =	vld [tilespmem:$0x1FEF0];
	_ =	sdelay $0x6  }
0x422: {  	[tilespmem:$0x2690] =	vst v34  }
0x423: {  	v34 =	vld.idx.msk [tilespmem:v33+s23+$0x0], $0xffff  }
0x424: {  	v33 =	vld [tilespmem:$0x1FF00];
	_ =	sdelay $0x6  }
0x425: {  	[tilespmem:$0x2890] =	vst v34  }
0x426: {  	v34 =	vld.idx.msk [tilespmem:v33+s23+$0x0], $0xffff  }
0x427: {  	v33 =	vld [tilespmem:$0x1FF10];
	_ =	sdelay $0x6  }
0x428: {  	[tilespmem:$0x2A90] =	vst v34  }
0x429: {  	v34 =	vld.idx.msk [tilespmem:v33+s23+$0x0], $0xffff  }
0x42a: {  	v33 =	vld [tilespmem:$0x1FF20];
	_ =	sdelay $0x6  }
0x42b: {  	[tilespmem:$0x2C90] =	vst v34  }
0x42c: {  	v34 =	vld.idx.msk [tilespmem:v33+s23+$0x0], $0xffff  }
0x42d: {  	v33 =	vld [tilespmem:$0x1FF30];
	_ =	sdelay $0x6  }
0x42e: {  	[tilespmem:$0x24A0] =	vst v34  }
0x42f: {  	v34 =	vld.idx.msk [tilespmem:v33+s23+$0x0], $0xffff  }
0x430: {  	v33 =	vld [tilespmem:$0x1FF40];
	_ =	sdelay $0x6  }
0x431: {  	[tilespmem:$0x26A0] =	vst v34  }
0x432: {  	v34 =	vld.idx.msk [tilespmem:v33+s23+$0x0], $0xffff  }
0x433: {  	v33 =	vld [tilespmem:$0x1FF50];
	_ =	sdelay $0x6  }
0x434: {  	[tilespmem:$0x28A0] =	vst v34  }
0x435: {  	v34 =	vld.idx.msk [tilespmem:v33+s23+$0x0], $0xffff  }
0x436: {  	v33 =	vld [tilespmem:$0x1FF60];
	_ =	sdelay $0x6  }
0x437: {  	[tilespmem:$0x2AA0] =	vst v34  }
0x438: {  	v34 =	vld.idx.msk [tilespmem:v33+s23+$0x0], $0xffff  }
0x439: {  	v33 =	vld [tilespmem:$0x1FF70];
	_ =	sdelay $0x6  }
0x43a: {  	[tilespmem:$0x2CA0] =	vst v34  }
0x43b: {  	v34 =	vld.idx.msk [tilespmem:v33+s23+$0x0], $0xffff  }
0x43c: {  	v33 =	vld [tilespmem:$0x1FF80];
	_ =	sdelay $0x6  }
0x43d: {  	[tilespmem:$0x24B0] =	vst v34  }
0x43e: {  	v34 =	vld.idx.msk [tilespmem:v33+s23+$0x0], $0xffff  }
0x43f: {  	v33 =	vld [tilespmem:$0x1FF90];
	_ =	sdelay $0x6  }
0x440: {  	[tilespmem:$0x26B0] =	vst v34  }
0x441: {  	v34 =	vld.idx.msk [tilespmem:v33+s23+$0x0], $0xffff  }
0x442: {  	v33 =	vld [tilespmem:$0x1FFA0];
	_ =	sdelay $0x6  }
0x443: {  	[tilespmem:$0x28B0] =	vst v34  }
0x444: {  	v34 =	vld.idx.msk [tilespmem:v33+s23+$0x0], $0xffff  }
0x445: {  	v33 =	vld [tilespmem:$0x1FFB0];
	_ =	sdelay $0x6  }
0x446: {  	[tilespmem:$0x2AB0] =	vst v34  }
0x447: {  	v34 =	vld.idx.msk [tilespmem:v33+s23+$0x0], $0xffff  }
0x448: {  	v33 =	vld [tilespmem:$0x1FFC0];
	_ =	sdelay $0x6  }
0x449: {  	[tilespmem:$0x2CB0] =	vst v34  }
0x44a: {  	v34 =	vld.idx.msk [tilespmem:v33+s23+$0x0], $0xffff  }
0x44b: {  	v33 =	vld [tilespmem:$0x1FFD0];
	_ =	sdelay $0x6  }
0x44c: {  	[tilespmem:$0x24C0] =	vst v34  }
0x44d: {  	v34 =	vld.idx.msk [tilespmem:v33+s23+$0x0], $0xffff  }
0x44e: {  	v33 =	vld [tilespmem:$0x1FFE0];
	_ =	sdelay $0x6  }
0x44f: {  	[tilespmem:$0x26C0] =	vst v34  }
0x450: {  	v34 =	vld.idx.msk [tilespmem:v33+s23+$0x0], $0xffff  }
0x451: {  	v33 =	vld [tilespmem:$0x1FFF0];
	_ =	sdelay $0x6  }
0x452: {  	[tilespmem:$0x28C0] =	vst v34  }
0x453: {  	v34 =	vld.idx.msk [tilespmem:v33+s23+$0x0], $0xffff  }
0x454: {  	v33 =	vld [tilespmem:$0x1F9E0];
	_ =	sdelay $0x6  }
0x455: {  	[tilespmem:$0x2AC0] =	vst v34  }
0x456: {  	v34 =	vld.idx.msk [tilespmem:v33+s23+$0x0], $0xffff  }
0x457: {  	v33 =	vld [tilespmem:$0x1F9F0];
	_ =	sdelay $0x6  }
0x458: {  	[tilespmem:$0x2CC0] =	vst v34  }
0x459: {  	v34 =	vld.idx.msk [tilespmem:v33+s23+$0x0], $0xffff  }
0x45a: {  	v33 =	vld [tilespmem:$0x1FA00];
	_ =	sdelay $0x6  }
0x45b: {  	[tilespmem:$0x24D0] =	vst v34  }
0x45c: {  	v34 =	vld.idx.msk [tilespmem:v33+s23+$0x0], $0xffff  }
0x45d: {  	v33 =	vld [tilespmem:$0x1FA10];
	_ =	sdelay $0x6  }
0x45e: {  	[tilespmem:$0x26D0] =	vst v34  }
0x45f: {  	v34 =	vld.idx.msk [tilespmem:v33+s23+$0x0], $0xffff  }
0x460: {  	v33 =	vld [tilespmem:$0x1FA20];
	_ =	sdelay $0x6  }
0x461: {  	[tilespmem:$0x28D0] =	vst v34  }
0x462: {  	v34 =	vld.idx.msk [tilespmem:v33+s23+$0x0], $0xffff  }
0x463: {  	v33 =	vld [tilespmem:$0x1FA30];
	_ =	sdelay $0x6  }
0x464: {  	[tilespmem:$0x2AD0] =	vst v34  }
0x465: {  	v34 =	vld.idx.msk [tilespmem:v33+s23+$0x0], $0xffff  }
0x466: {  	v33 =	vld [tilespmem:$0x1FA40];
	_ =	sdelay $0x6  }
0x467: {  	[tilespmem:$0x2CD0] =	vst v34  }
0x468: {  	v34 =	vld.idx.msk [tilespmem:v33+s23+$0x0], $0xffff  }
0x469: {  	v33 =	vld [tilespmem:$0x1FA50];
	_ =	sdelay $0x6  }
0x46a: {  	[tilespmem:$0x24E0] =	vst v34  }
0x46b: {  	v34 =	vld.idx.msk [tilespmem:v33+s23+$0x0], $0xffff  }
0x46c: {  	v33 =	vld [tilespmem:$0x1FA60];
	_ =	sdelay $0x6  }
0x46d: {  	[tilespmem:$0x26E0] =	vst v34  }
0x46e: {  	v34 =	vld.idx.msk [tilespmem:v33+s23+$0x0], $0xffff  }
0x46f: {  	v33 =	vld [tilespmem:$0x1FA70];
	_ =	sdelay $0x6  }
0x470: {  	[tilespmem:$0x28E0] =	vst v34  }
0x471: {  	v34 =	vld.idx.msk [tilespmem:v33+s23+$0x0], $0xffff  }
0x472: {  	v33 =	vld [tilespmem:$0x1FA80];
	_ =	sdelay $0x6  }
0x473: {  	[tilespmem:$0x2AE0] =	vst v34  }
0x474: {  	v34 =	vld.idx.msk [tilespmem:v33+s23+$0x0], $0xffff  }
0x475: {  	v33 =	vld [tilespmem:$0x1FA90];
	_ =	sdelay $0x6  }
0x476: {  	[tilespmem:$0x2CE0] =	vst v34  }
0x477: {  	v34 =	vld.idx.msk [tilespmem:v33+s23+$0x0], $0xffff  }
0x478: {  	v33 =	vld [tilespmem:$0x1FAA0];
	_ =	sdelay $0x6  }
0x479: {  	[tilespmem:$0x24F0] =	vst v34  }
0x47a: {  	v34 =	vld.idx.msk [tilespmem:v33+s23+$0x0], $0xffff  }
0x47b: {  	v33 =	vld [tilespmem:$0x1FAB0];
	_ =	sdelay $0x6  }
0x47c: {  	[tilespmem:$0x26F0] =	vst v34  }
0x47d: {  	v34 =	vld.idx.msk [tilespmem:v33+s23+$0x0], $0xffff  }
0x47e: {  	v33 =	vld [tilespmem:$0x1FAC0];
	_ =	sdelay $0x6  }
0x47f: {  	[tilespmem:$0x28F0] =	vst v34  }
0x480: {  	v34 =	vld.idx.msk [tilespmem:v33+s23+$0x0], $0xffff  }
0x481: {  	v33 =	vld [tilespmem:$0x1FAD0];
	_ =	sdelay $0x6  }
0x482: {  	[tilespmem:$0x2AF0] =	vst v34  }
0x483: {  	v34 =	vld.idx.msk [tilespmem:v33+s23+$0x0], $0xffff  }
0x484: {  	v33 =	vld [tilespmem:$0x1FAE0];
	_ =	sdelay $0x6  }
0x485: {  	[tilespmem:$0x2CF0] =	vst v34  }
0x486: {  	v34 =	vld.idx.msk [tilespmem:v33+s23+$0x0], $0xffff  }
0x487: {  	v33 =	vld [tilespmem:$0x1FAF0];
	_ =	sdelay $0x6  }
0x488: {  	[tilespmem:$0x2500] =	vst v34  }
0x489: {  	v34 =	vld.idx.msk [tilespmem:v33+s23+$0x0], $0xffff  }
0x48a: {  	v33 =	vld [tilespmem:$0x1FB00];
	_ =	sdelay $0x6  }
0x48b: {  	[tilespmem:$0x2700] =	vst v34  }
0x48c: {  	v34 =	vld.idx.msk [tilespmem:v33+s23+$0x0], $0xffff  }
0x48d: {  	v33 =	vld [tilespmem:$0x1FB10];
	_ =	sdelay $0x6  }
0x48e: {  	[tilespmem:$0x2900] =	vst v34  }
0x48f: {  	v34 =	vld.idx.msk [tilespmem:v33+s23+$0x0], $0xffff  }
0x490: {  	v33 =	vld [tilespmem:$0x1FB20];
	_ =	sdelay $0x6  }
0x491: {  	[tilespmem:$0x2B00] =	vst v34  }
0x492: {  	v34 =	vld.idx.msk [tilespmem:v33+s23+$0x0], $0xffff  }
0x493: {  	v33 =	vld [tilespmem:$0x1FB30];
	_ =	sdelay $0x6  }
0x494: {  	[tilespmem:$0x2D00] =	vst v34  }
0x495: {  	v34 =	vld.idx.msk [tilespmem:v33+s23+$0x0], $0xffff  }
0x496: {  	v33 =	vld [tilespmem:$0x1FB40];
	_ =	sdelay $0x6  }
0x497: {  	[tilespmem:$0x2510] =	vst v34  }
0x498: {  	v34 =	vld.idx.msk [tilespmem:v33+s23+$0x0], $0xffff  }
0x499: {  	v33 =	vld [tilespmem:$0x1FB50];
	_ =	sdelay $0x6  }
0x49a: {  	[tilespmem:$0x2710] =	vst v34  }
0x49b: {  	v34 =	vld.idx.msk [tilespmem:v33+s23+$0x0], $0xffff  }
0x49c: {  	v33 =	vld [tilespmem:$0x1FB60];
	_ =	sdelay $0x6  }
0x49d: {  	[tilespmem:$0x2910] =	vst v34  }
0x49e: {  	v34 =	vld.idx.msk [tilespmem:v33+s23+$0x0], $0xffff  }
0x49f: {  	v33 =	vld [tilespmem:$0x1FB70];
	_ =	sdelay $0x6  }
0x4a0: {  	[tilespmem:$0x2B10] =	vst v34  }
0x4a1: {  	v34 =	vld.idx.msk [tilespmem:v33+s23+$0x0], $0xffff  }
0x4a2: {  	v33 =	vld [tilespmem:$0x1FB80];
	_ =	sdelay $0x6  }
0x4a3: {  	[tilespmem:$0x2D10] =	vst v34  }
0x4a4: {  	v34 =	vld.idx.msk [tilespmem:v33+s23+$0x0], $0xffff  }
0x4a5: {  	v33 =	vld [tilespmem:$0x1FB90];
	_ =	sdelay $0x6  }
0x4a6: {  	[tilespmem:$0x2520] =	vst v34  }
0x4a7: {  	v34 =	vld.idx.msk [tilespmem:v33+s23+$0x0], $0xffff  }
0x4a8: {  	v33 =	vld [tilespmem:$0x1FBA0];
	_ =	sdelay $0x6  }
0x4a9: {  	[tilespmem:$0x2720] =	vst v34  }
0x4aa: {  	v34 =	vld.idx.msk [tilespmem:v33+s23+$0x0], $0xffff  }
0x4ab: {  	v33 =	vld [tilespmem:$0x1FBB0];
	_ =	sdelay $0x6  }
0x4ac: {  	[tilespmem:$0x2920] =	vst v34  }
0x4ad: {  	v34 =	vld.idx.msk [tilespmem:v33+s23+$0x0], $0xffff  }
0x4ae: {  	v33 =	vld [tilespmem:$0x1FBC0];
	_ =	sdelay $0x6  }
0x4af: {  	[tilespmem:$0x2B20] =	vst v34  }
0x4b0: {  	v34 =	vld.idx.msk [tilespmem:v33+s23+$0x0], $0xffff  }
0x4b1: {  	v33 =	vld [tilespmem:$0x1FBD0];
	_ =	sdelay $0x6  }
0x4b2: {  	[tilespmem:$0x2D20] =	vst v34  }
0x4b3: {  	v34 =	vld.idx.msk [tilespmem:v33+s23+$0x0], $0xffff  }
0x4b4: {  	v33 =	vld [tilespmem:$0x1FBE0];
	_ =	sdelay $0x6  }
0x4b5: {  	[tilespmem:$0x2530] =	vst v34  }
0x4b6: {  	v34 =	vld.idx.msk [tilespmem:v33+s23+$0x0], $0xffff  }
0x4b7: {  	v33 =	vld [tilespmem:$0x1FBF0];
	_ =	sdelay $0x6  }
0x4b8: {  	[tilespmem:$0x2730] =	vst v34  }
0x4b9: {  	v34 =	vld.idx.msk [tilespmem:v33+s23+$0x0], $0xffff  }
0x4ba: {  	v33 =	vld [tilespmem:$0x1FC00];
	_ =	sdelay $0x6  }
0x4bb: {  	[tilespmem:$0x2930] =	vst v34  }
0x4bc: {  	v34 =	vld.idx.msk [tilespmem:v33+s23+$0x0], $0xffff;
	_ =	sdelay $0x4  }
0x4bd: {  	[tilespmem:$0x2B30] =	vst v34  }
0x4be: {  	v34 =	vld.idx.msk [tilespmem:v63+s23+$0x0], $0xffff;
	_ =	sdelay $0x4  }
0x4bf: {  	[tilespmem:$0x2D30] =	vst v34  }
0x4c0: {  	v34 =	vld.idx.msk [tilespmem:v62+s23+$0x0], $0xffff;
	_ =	sdelay $0x4  }
0x4c1: {  	[tilespmem:$0x2540] =	vst v34  }
0x4c2: {  	v34 =	vld.idx.msk [tilespmem:v61+s23+$0x0], $0xffff;
	_ =	sdelay $0x4  }
0x4c3: {  	[tilespmem:$0x2740] =	vst v34  }
0x4c4: {  	v34 =	vld.idx.msk [tilespmem:v60+s23+$0x0], $0xffff;
	_ =	sdelay $0x4  }
0x4c5: {  	[tilespmem:$0x2940] =	vst v34  }
0x4c6: {  	v34 =	vld.idx.msk [tilespmem:v59+s23+$0x0], $0xffff;
	_ =	sdelay $0x4  }
0x4c7: {  	[tilespmem:$0x2B40] =	vst v34  }
0x4c8: {  	v34 =	vld.idx.msk [tilespmem:v58+s23+$0x0], $0xffff;
	_ =	sdelay $0x4  }
0x4c9: {  	[tilespmem:$0x2D40] =	vst v34  }
0x4ca: {  	v34 =	vld.idx.msk [tilespmem:v57+s23+$0x0], $0xffff;
	_ =	sdelay $0x4  }
0x4cb: {  	[tilespmem:$0x2550] =	vst v34  }
0x4cc: {  	v34 =	vld.idx.msk [tilespmem:v56+s23+$0x0], $0xffff;
	_ =	sdelay $0x4  }
0x4cd: {  	[tilespmem:$0x2750] =	vst v34  }
0x4ce: {  	v34 =	vld.idx.msk [tilespmem:v55+s23+$0x0], $0xffff;
	_ =	sdelay $0x4  }
0x4cf: {  	[tilespmem:$0x2950] =	vst v34  }
0x4d0: {  	v34 =	vld.idx.msk [tilespmem:v54+s23+$0x0], $0xffff;
	_ =	sdelay $0x4  }
0x4d1: {  	[tilespmem:$0x2B50] =	vst v34  }
0x4d2: {  	v34 =	vld.idx.msk [tilespmem:v53+s23+$0x0], $0xffff;
	_ =	sdelay $0x4  }
0x4d3: {  	[tilespmem:$0x2D50] =	vst v34  }
0x4d4: {  	v34 =	vld.idx.msk [tilespmem:v52+s23+$0x0], $0xffff;
	_ =	sdelay $0x4  }
0x4d5: {  	[tilespmem:$0x2560] =	vst v34  }
0x4d6: {  	v34 =	vld.idx.msk [tilespmem:v51+s23+$0x0], $0xffff;
	_ =	sdelay $0x4  }
0x4d7: {  	[tilespmem:$0x2760] =	vst v34  }
0x4d8: {  	v34 =	vld.idx.msk [tilespmem:v50+s23+$0x0], $0xffff;
	_ =	sdelay $0x4  }
0x4d9: {  	[tilespmem:$0x2960] =	vst v34  }
0x4da: {  	v34 =	vld.idx.msk [tilespmem:v49+s23+$0x0], $0xffff;
	_ =	sdelay $0x4  }
0x4db: {  	[tilespmem:$0x2B60] =	vst v34  }
0x4dc: {  	v34 =	vld.idx.msk [tilespmem:v48+s23+$0x0], $0xffff;
	_ =	sdelay $0x4  }
0x4dd: {  	[tilespmem:$0x2D60] =	vst v34  }
0x4de: {  	v34 =	vld.idx.msk [tilespmem:v47+s23+$0x0], $0xffff;
	_ =	sdelay $0x4  }
0x4df: {  	[tilespmem:$0x2570] =	vst v34  }
0x4e0: {  	v34 =	vld.idx.msk [tilespmem:v46+s23+$0x0], $0xffff;
	_ =	sdelay $0x4  }
0x4e1: {  	[tilespmem:$0x2770] =	vst v34  }
0x4e2: {  	v34 =	vld.idx.msk [tilespmem:v45+s23+$0x0], $0xffff;
	_ =	sdelay $0x4  }
0x4e3: {  	[tilespmem:$0x2970] =	vst v34  }
0x4e4: {  	v34 =	vld.idx.msk [tilespmem:v44+s23+$0x0], $0xffff;
	_ =	sdelay $0x4  }
0x4e5: {  	[tilespmem:$0x2B70] =	vst v34  }
0x4e6: {  	v34 =	vld.idx.msk [tilespmem:v43+s23+$0x0], $0xffff;
	_ =	sdelay $0x4  }
0x4e7: {  	[tilespmem:$0x2D70] =	vst v34  }
0x4e8: {  	v34 =	vld.idx.msk [tilespmem:v42+s23+$0x0], $0xffff;
	_ =	sdelay $0x4  }
0x4e9: {  	[tilespmem:$0x2580] =	vst v34  }
0x4ea: {  	v34 =	vld.idx.msk [tilespmem:v41+s23+$0x0], $0xffff;
	_ =	sdelay $0x4  }
0x4eb: {  	[tilespmem:$0x2780] =	vst v34  }
0x4ec: {  	v34 =	vld.idx.msk [tilespmem:v40+s23+$0x0], $0xffff;
	_ =	sdelay $0x4  }
0x4ed: {  	[tilespmem:$0x2980] =	vst v34  }
0x4ee: {  	v34 =	vld.idx.msk [tilespmem:v39+s23+$0x0], $0xffff;
	_ =	sdelay $0x4  }
0x4ef: {  	[tilespmem:$0x2B80] =	vst v34  }
0x4f0: {  	v34 =	vld.idx.msk [tilespmem:v38+s23+$0x0], $0xffff;
	_ =	sdelay $0x4  }
0x4f1: {  	[tilespmem:$0x2D80] =	vst v34  }
0x4f2: {  	v34 =	vld.idx.msk [tilespmem:v37+s23+$0x0], $0xffff;
	_ =	sdelay $0x4  }
0x4f3: {  	[tilespmem:$0x2590] =	vst v34  }
0x4f4: {  	v34 =	vld.idx.msk [tilespmem:v36+s23+$0x0], $0xffff;
	_ =	sdelay $0x4  }
0x4f5: {  	[tilespmem:$0x2790] =	vst v34  }
0x4f6: {  	v34 =	vld.idx.msk [tilespmem:v35+s23+$0x0], $0xffff;
	_ =	sdelay $0x4  }
0x4f7: {  	[tilespmem:$0x2990] =	vst v34  }
0x4f8: {  	v34 =	vld.idx.msk [tilespmem:v1+s23+$0x0], $0xffff;
	_ =	sdelay $0x4  }
0x4f9: {  	[tilespmem:$0x2B90] =	vst v34  }
0x4fa: {  	v34 =	vld.idx.msk [tilespmem:v2+s23+$0x0], $0xffff;
	_ =	sdelay $0x4  }
0x4fb: {  	[tilespmem:$0x2D90] =	vst v34  }
0x4fc: {  	v34 =	vld.idx.msk [tilespmem:v3+s23+$0x0], $0xffff;
	_ =	sdelay $0x4  }
0x4fd: {  	[tilespmem:$0x25A0] =	vst v34  }
0x4fe: {  	v34 =	vld.idx.msk [tilespmem:v4+s23+$0x0], $0xffff;
	_ =	sdelay $0x4  }
0x4ff: {  	[tilespmem:$0x27A0] =	vst v34  }
0x500: {  	v34 =	vld.idx.msk [tilespmem:v5+s23+$0x0], $0xffff;
	_ =	sdelay $0x4  }
0x501: {  	[tilespmem:$0x29A0] =	vst v34  }
0x502: {  	v34 =	vld.idx.msk [tilespmem:v6+s23+$0x0], $0xffff;
	_ =	sdelay $0x4  }
0x503: {  	[tilespmem:$0x2BA0] =	vst v34  }
0x504: {  	v34 =	vld.idx.msk [tilespmem:v7+s23+$0x0], $0xffff;
	_ =	sdelay $0x4  }
0x505: {  	[tilespmem:$0x2DA0] =	vst v34  }
0x506: {  	v34 =	vld.idx.msk [tilespmem:v8+s23+$0x0], $0xffff;
	_ =	sdelay $0x4  }
0x507: {  	[tilespmem:$0x25B0] =	vst v34  }
0x508: {  	v34 =	vld.idx.msk [tilespmem:v9+s23+$0x0], $0xffff;
	_ =	sdelay $0x4  }
0x509: {  	[tilespmem:$0x27B0] =	vst v34  }
0x50a: {  	v34 =	vld.idx.msk [tilespmem:v10+s23+$0x0], $0xffff;
	_ =	sdelay $0x4  }
0x50b: {  	[tilespmem:$0x29B0] =	vst v34  }
0x50c: {  	v34 =	vld.idx.msk [tilespmem:v11+s23+$0x0], $0xffff;
	_ =	sdelay $0x4  }
0x50d: {  	[tilespmem:$0x2BB0] =	vst v34  }
0x50e: {  	v34 =	vld.idx.msk [tilespmem:v12+s23+$0x0], $0xffff;
	_ =	sdelay $0x4  }
0x50f: {  	[tilespmem:$0x2DB0] =	vst v34  }
0x510: {  	v34 =	vld.idx.msk [tilespmem:v13+s23+$0x0], $0xffff;
	_ =	sdelay $0x3  }
0x511: {  	[tilespmem:$0x1F9D0] =	vst v1  }
0x512: {  	[tilespmem:$0x25C0] =	vst v34  }
0x513: {  	v34 =	vld.idx.msk [tilespmem:v14+s23+$0x0], $0xffff;
	_ =	sdelay $0x4  }
0x514: {  	[tilespmem:$0x27C0] =	vst v34  }
0x515: {  	v34 =	vld.idx.msk [tilespmem:v15+s23+$0x0], $0xffff;
	_ =	sdelay $0x4  }
0x516: {  	[tilespmem:$0x29C0] =	vst v34  }
0x517: {  	v34 =	vld.idx.msk [tilespmem:v16+s23+$0x0], $0xffff;
	_ =	sdelay $0x4  }
0x518: {  	[tilespmem:$0x2BC0] =	vst v34  }
0x519: {  	v34 =	vld.idx.msk [tilespmem:v17+s23+$0x0], $0xffff;
	_ =	sdelay $0x4  }
0x51a: {  	[tilespmem:$0x2DC0] =	vst v34  }
0x51b: {  	v34 =	vld.idx.msk [tilespmem:v18+s23+$0x0], $0xffff;
	_ =	sdelay $0x4  }
0x51c: {  	[tilespmem:$0x25D0] =	vst v34  }
0x51d: {  	v34 =	vld.idx.msk [tilespmem:v19+s23+$0x0], $0xffff;
	_ =	sdelay $0x4  }
0x51e: {  	[tilespmem:$0x27D0] =	vst v34  }
0x51f: {  	v34 =	vld.idx.msk [tilespmem:v20+s23+$0x0], $0xffff;
	_ =	sdelay $0x4  }
0x520: {  	[tilespmem:$0x29D0] =	vst v34  }
0x521: {  	v34 =	vld.idx.msk [tilespmem:v21+s23+$0x0], $0xffff;
	_ =	sdelay $0x4  }
0x522: {  	[tilespmem:$0x2BD0] =	vst v34  }
0x523: {  	v34 =	vld.idx.msk [tilespmem:v22+s23+$0x0], $0xffff;
	_ =	sdelay $0x4  }
0x524: {  	[tilespmem:$0x2DD0] =	vst v34  }
0x525: {  	v34 =	vld.idx.msk [tilespmem:v23+s23+$0x0], $0xffff;
	_ =	sdelay $0x4  }
0x526: {  	[tilespmem:$0x25E0] =	vst v34  }
0x527: {  	v34 =	vld.idx.msk [tilespmem:v24+s23+$0x0], $0xffff;
	_ =	sdelay $0x4  }
0x528: {  	[tilespmem:$0x27E0] =	vst v34  }
0x529: {  	v34 =	vld.idx.msk [tilespmem:v25+s23+$0x0], $0xffff;
	_ =	sdelay $0x4  }
0x52a: {  	[tilespmem:$0x29E0] =	vst v34  }
0x52b: {  	v34 =	vld.idx.msk [tilespmem:v26+s23+$0x0], $0xffff;
	_ =	sdelay $0x4  }
0x52c: {  	[tilespmem:$0x2BE0] =	vst v34  }
0x52d: {  	v34 =	vld.idx.msk [tilespmem:v27+s23+$0x0], $0xffff;
	_ =	sdelay $0x4  }
0x52e: {  	[tilespmem:$0x2DE0] =	vst v34  }
0x52f: {  	v34 =	vld.idx.msk [tilespmem:v28+s23+$0x0], $0xffff;
	_ =	sdelay $0x4  }
0x530: {  	[tilespmem:$0x25F0] =	vst v34  }
0x531: {  	v34 =	vld.idx.msk [tilespmem:v29+s23+$0x0], $0xffff;
	_ =	sdelay $0x4  }
0x532: {  	[tilespmem:$0x27F0] =	vst v34  }
0x533: {  	v34 =	vld.idx.msk [tilespmem:v30+s23+$0x0], $0xffff;
	_ =	sdelay $0x4  }
0x534: {  	[tilespmem:$0x29F0] =	vst v34  }
0x535: {  	v34 =	vld.idx.msk [tilespmem:v31+s23+$0x0], $0xffff;
	_ =	sdelay $0x4  }
0x536: {  	[tilespmem:$0x2BF0] =	vst v34  }
0x537: {  	v34 =	vld.idx.msk [tilespmem:v32+s23+$0x0], $0xffff;
	_ =	sdelay $0x4  }
0x538: {  	s2 =	rddreg [dreg:$0x6];
	[tilespmem:$0x2DF0] =	vst v34  }
0x539: {  	[hbm4b:s2+s22] =	stream.strided.scatter [tilespmem:s5], [sflag:$0x5], $0x200, s23, s22, $0x38;
	[tilespmem:$0x2E00] =	vst v63  }
0x53a: {  	_ =	swait.ge [sflag:s14], $0x200  }
0x53b: {  	[sflag:s14] =	ssyncset.done $0x0  }
0x53c: {  	s1 =	rddreg [dreg:$0x7];
	[sflag:s14] =	ssyncadd.s32 $0xFFFFFE00  }
0x53d: {  	[hbm4b:s1+s22] =	stream.strided.scatter [tilespmem:s15], [sflag:$0x5], $0x200, s23, s22, $0x38;
	[tilespmem:$0x2E00] =	vst v63  }
0x53e: {  	_ =	swait.ge [sflag:s14], $0x200  }
0x53f: {  	[sflag:s14] =	ssyncset.done $0x0  }
0x540: {  	s6 =	rddreg [dreg:$0x8];
	[sflag:s14] =	ssyncadd.s32 $0xFFFFFE00  }
0x541: {  	[hbm4b:s6+s22] =	stream.strided.scatter [tilespmem:s16], [sflag:$0x5], $0x200, s23, s22, $0x38;
	[tilespmem:$0x2E00] =	vst v63  }
0x542: {  	_ =	swait.ge [sflag:s14], $0x200  }
0x543: {  	[sflag:s14] =	ssyncset.done $0x0  }
0x544: {  	s7 =	rddreg [dreg:$0x9];
	[sflag:s14] =	ssyncadd.s32 $0xFFFFFE00  }
0x545: {  	[hbm4b:s7+s22] =	stream.strided.scatter [tilespmem:s17], [sflag:$0x5], $0x200, s23, s22, $0x38;
	[tilespmem:$0x2E00] =	vst v63  }
0x546: {  	_ =	swait.ge [sflag:s14], $0x200  }
0x547: {  	[sflag:s14] =	ssyncset.done $0x0  }
0x548: {  	s8 =	rddreg [dreg:$0xb];
	[sflag:s14] =	ssyncadd.s32 $0xFFFFFE00  }
0x549: {  	[hbm4b:s8+s22] =	stream.strided.scatter [tilespmem:s18], [sflag:$0x5], $0x200, s23, s22, $0x38;
	[tilespmem:$0x2E00] =	vst v63  }
0x54a: {  	_ =	swait.ge [sflag:s14], $0x200  }
0x54b: {  	[sflag:s14] =	ssyncset.done $0x0  }
0x54c: {  	[sflag:s14] =	ssyncadd.s32 $0xFFFFFE00  }
0x54d: {  	_ =	swait.ge [sflag:s19], $0x1000  }
0x54e: {  	[sflag:s19] =	ssyncset.done $0x0;
	v1 =	vld [tilespmem:$0x1FC10]  }
0x54f: {  	[sflag:s19] =	ssyncadd.s32 $0xFFFFF000  }
0x550: {  	v34 =	vld.idx.msk [tilespmem:v0+s0+$0x0], $0xffff;
	_ =	sdelay $0x4  }
0x551: {  	[tilespmem:$0x2400] =	vst v34  }
0x552: {  	v34 =	vld.idx.msk [tilespmem:v1+s0+$0x0], $0xffff  }
0x553: {  	v1 =	vld [tilespmem:$0x1FC20];
	_ =	sdelay $0x6  }
0x554: {  	[tilespmem:$0x2600] =	vst v34  }
0x555: {  	v34 =	vld.idx.msk [tilespmem:v1+s0+$0x0], $0xffff  }
0x556: {  	v1 =	vld [tilespmem:$0x1FC30];
	_ =	sdelay $0x6  }
0x557: {  	[tilespmem:$0x2800] =	vst v34  }
0x558: {  	v34 =	vld.idx.msk [tilespmem:v1+s0+$0x0], $0xffff  }
0x559: {  	v1 =	vld [tilespmem:$0x1FC40];
	_ =	sdelay $0x6  }
0x55a: {  	[tilespmem:$0x2A00] =	vst v34  }
0x55b: {  	v34 =	vld.idx.msk [tilespmem:v1+s0+$0x0], $0xffff  }
0x55c: {  	v1 =	vld [tilespmem:$0x1FC50];
	_ =	sdelay $0x6  }
0x55d: {  	[tilespmem:$0x2C00] =	vst v34  }
0x55e: {  	v34 =	vld.idx.msk [tilespmem:v1+s0+$0x0], $0xffff  }
0x55f: {  	v1 =	vld [tilespmem:$0x1FC60];
	_ =	sdelay $0x6  }
0x560: {  	[tilespmem:$0x2410] =	vst v34  }
0x561: {  	v34 =	vld.idx.msk [tilespmem:v1+s0+$0x0], $0xffff  }
0x562: {  	v1 =	vld [tilespmem:$0x1FC70];
	_ =	sdelay $0x6  }
0x563: {  	[tilespmem:$0x2610] =	vst v34  }
0x564: {  	v34 =	vld.idx.msk [tilespmem:v1+s0+$0x0], $0xffff  }
0x565: {  	v1 =	vld [tilespmem:$0x1FC80];
	_ =	sdelay $0x6  }
0x566: {  	[tilespmem:$0x2810] =	vst v34  }
0x567: {  	v34 =	vld.idx.msk [tilespmem:v1+s0+$0x0], $0xffff  }
0x568: {  	v1 =	vld [tilespmem:$0x1FC90];
	_ =	sdelay $0x6  }
0x569: {  	[tilespmem:$0x2A10] =	vst v34  }
0x56a: {  	v34 =	vld.idx.msk [tilespmem:v1+s0+$0x0], $0xffff  }
0x56b: {  	v1 =	vld [tilespmem:$0x1FCA0];
	_ =	sdelay $0x6  }
0x56c: {  	[tilespmem:$0x2C10] =	vst v34  }
0x56d: {  	v34 =	vld.idx.msk [tilespmem:v1+s0+$0x0], $0xffff  }
0x56e: {  	v1 =	vld [tilespmem:$0x1FCB0];
	_ =	sdelay $0x6  }
0x56f: {  	[tilespmem:$0x2420] =	vst v34  }
0x570: {  	v34 =	vld.idx.msk [tilespmem:v1+s0+$0x0], $0xffff  }
0x571: {  	v1 =	vld [tilespmem:$0x1FCC0];
	_ =	sdelay $0x6  }
0x572: {  	[tilespmem:$0x2620] =	vst v34  }
0x573: {  	v34 =	vld.idx.msk [tilespmem:v1+s0+$0x0], $0xffff  }
0x574: {  	v1 =	vld [tilespmem:$0x1FCD0];
	_ =	sdelay $0x6  }
0x575: {  	[tilespmem:$0x2820] =	vst v34  }
0x576: {  	v34 =	vld.idx.msk [tilespmem:v1+s0+$0x0], $0xffff  }
0x577: {  	v1 =	vld [tilespmem:$0x1FCE0];
	_ =	sdelay $0x6  }
0x578: {  	[tilespmem:$0x2A20] =	vst v34  }
0x579: {  	v34 =	vld.idx.msk [tilespmem:v1+s0+$0x0], $0xffff  }
0x57a: {  	v1 =	vld [tilespmem:$0x1FCF0];
	_ =	sdelay $0x6  }
0x57b: {  	[tilespmem:$0x2C20] =	vst v34  }
0x57c: {  	v34 =	vld.idx.msk [tilespmem:v1+s0+$0x0], $0xffff  }
0x57d: {  	v1 =	vld [tilespmem:$0x1FD00];
	_ =	sdelay $0x6  }
0x57e: {  	[tilespmem:$0x2430] =	vst v34  }
0x57f: {  	v34 =	vld.idx.msk [tilespmem:v1+s0+$0x0], $0xffff  }
0x580: {  	v1 =	vld [tilespmem:$0x1FD10];
	_ =	sdelay $0x6  }
0x581: {  	[tilespmem:$0x2630] =	vst v34  }
0x582: {  	v34 =	vld.idx.msk [tilespmem:v1+s0+$0x0], $0xffff  }
0x583: {  	v1 =	vld [tilespmem:$0x1FD20];
	_ =	sdelay $0x6  }
0x584: {  	[tilespmem:$0x2830] =	vst v34  }
0x585: {  	v34 =	vld.idx.msk [tilespmem:v1+s0+$0x0], $0xffff  }
0x586: {  	v1 =	vld [tilespmem:$0x1FD30];
	_ =	sdelay $0x6  }
0x587: {  	[tilespmem:$0x2A30] =	vst v34  }
0x588: {  	v34 =	vld.idx.msk [tilespmem:v1+s0+$0x0], $0xffff  }
0x589: {  	v1 =	vld [tilespmem:$0x1FD40];
	_ =	sdelay $0x6  }
0x58a: {  	[tilespmem:$0x2C30] =	vst v34  }
0x58b: {  	v34 =	vld.idx.msk [tilespmem:v1+s0+$0x0], $0xffff  }
0x58c: {  	v1 =	vld [tilespmem:$0x1FD50];
	_ =	sdelay $0x6  }
0x58d: {  	[tilespmem:$0x2440] =	vst v34  }
0x58e: {  	v34 =	vld.idx.msk [tilespmem:v1+s0+$0x0], $0xffff  }
0x58f: {  	v1 =	vld [tilespmem:$0x1FD60];
	_ =	sdelay $0x6  }
0x590: {  	[tilespmem:$0x2640] =	vst v34  }
0x591: {  	v34 =	vld.idx.msk [tilespmem:v1+s0+$0x0], $0xffff  }
0x592: {  	v1 =	vld [tilespmem:$0x1FD70];
	_ =	sdelay $0x6  }
0x593: {  	[tilespmem:$0x2840] =	vst v34  }
0x594: {  	v34 =	vld.idx.msk [tilespmem:v1+s0+$0x0], $0xffff  }
0x595: {  	v1 =	vld [tilespmem:$0x1FD80];
	_ =	sdelay $0x6  }
0x596: {  	[tilespmem:$0x2A40] =	vst v34  }
0x597: {  	v34 =	vld.idx.msk [tilespmem:v1+s0+$0x0], $0xffff  }
0x598: {  	v1 =	vld [tilespmem:$0x1FD90];
	_ =	sdelay $0x6  }
0x599: {  	[tilespmem:$0x2C40] =	vst v34  }
0x59a: {  	v34 =	vld.idx.msk [tilespmem:v1+s0+$0x0], $0xffff  }
0x59b: {  	v1 =	vld [tilespmem:$0x1FDA0];
	_ =	sdelay $0x6  }
0x59c: {  	[tilespmem:$0x2450] =	vst v34  }
0x59d: {  	v34 =	vld.idx.msk [tilespmem:v1+s0+$0x0], $0xffff  }
0x59e: {  	v1 =	vld [tilespmem:$0x1FDB0];
	_ =	sdelay $0x6  }
0x59f: {  	[tilespmem:$0x2650] =	vst v34  }
0x5a0: {  	v34 =	vld.idx.msk [tilespmem:v1+s0+$0x0], $0xffff  }
0x5a1: {  	v1 =	vld [tilespmem:$0x1FDC0];
	_ =	sdelay $0x6  }
0x5a2: {  	[tilespmem:$0x2850] =	vst v34  }
0x5a3: {  	v34 =	vld.idx.msk [tilespmem:v1+s0+$0x0], $0xffff  }
0x5a4: {  	v1 =	vld [tilespmem:$0x1FDD0];
	_ =	sdelay $0x6  }
0x5a5: {  	[tilespmem:$0x2A50] =	vst v34  }
0x5a6: {  	v34 =	vld.idx.msk [tilespmem:v1+s0+$0x0], $0xffff  }
0x5a7: {  	v1 =	vld [tilespmem:$0x1FDE0];
	_ =	sdelay $0x6  }
0x5a8: {  	[tilespmem:$0x2C50] =	vst v34  }
0x5a9: {  	v34 =	vld.idx.msk [tilespmem:v1+s0+$0x0], $0xffff  }
0x5aa: {  	v1 =	vld [tilespmem:$0x1FDF0];
	_ =	sdelay $0x6  }
0x5ab: {  	[tilespmem:$0x2460] =	vst v34  }
0x5ac: {  	v34 =	vld.idx.msk [tilespmem:v1+s0+$0x0], $0xffff  }
0x5ad: {  	v1 =	vld [tilespmem:$0x1FE00];
	_ =	sdelay $0x6  }
0x5ae: {  	[tilespmem:$0x2660] =	vst v34  }
0x5af: {  	v34 =	vld.idx.msk [tilespmem:v1+s0+$0x0], $0xffff  }
0x5b0: {  	v1 =	vld [tilespmem:$0x1FE10];
	_ =	sdelay $0x6  }
0x5b1: {  	[tilespmem:$0x2860] =	vst v34  }
0x5b2: {  	v34 =	vld.idx.msk [tilespmem:v1+s0+$0x0], $0xffff  }
0x5b3: {  	v1 =	vld [tilespmem:$0x1FE20];
	_ =	sdelay $0x6  }
0x5b4: {  	[tilespmem:$0x2A60] =	vst v34  }
0x5b5: {  	v34 =	vld.idx.msk [tilespmem:v1+s0+$0x0], $0xffff  }
0x5b6: {  	v1 =	vld [tilespmem:$0x1FE30];
	_ =	sdelay $0x6  }
0x5b7: {  	[tilespmem:$0x2C60] =	vst v34  }
0x5b8: {  	v34 =	vld.idx.msk [tilespmem:v1+s0+$0x0], $0xffff  }
0x5b9: {  	v1 =	vld [tilespmem:$0x1FE40];
	_ =	sdelay $0x6  }
0x5ba: {  	[tilespmem:$0x2470] =	vst v34  }
0x5bb: {  	v34 =	vld.idx.msk [tilespmem:v1+s0+$0x0], $0xffff  }
0x5bc: {  	v1 =	vld [tilespmem:$0x1FE50];
	_ =	sdelay $0x6  }
0x5bd: {  	[tilespmem:$0x2670] =	vst v34  }
0x5be: {  	v34 =	vld.idx.msk [tilespmem:v1+s0+$0x0], $0xffff  }
0x5bf: {  	v1 =	vld [tilespmem:$0x1FE60];
	_ =	sdelay $0x6  }
0x5c0: {  	[tilespmem:$0x2870] =	vst v34  }
0x5c1: {  	v34 =	vld.idx.msk [tilespmem:v1+s0+$0x0], $0xffff  }
0x5c2: {  	v1 =	vld [tilespmem:$0x1FE70];
	_ =	sdelay $0x6  }
0x5c3: {  	[tilespmem:$0x2A70] =	vst v34  }
0x5c4: {  	v34 =	vld.idx.msk [tilespmem:v1+s0+$0x0], $0xffff  }
0x5c5: {  	v1 =	vld [tilespmem:$0x1FE80];
	_ =	sdelay $0x6  }
0x5c6: {  	[tilespmem:$0x2C70] =	vst v34  }
0x5c7: {  	v34 =	vld.idx.msk [tilespmem:v1+s0+$0x0], $0xffff  }
0x5c8: {  	v1 =	vld [tilespmem:$0x1FE90];
	_ =	sdelay $0x6  }
0x5c9: {  	[tilespmem:$0x2480] =	vst v34  }
0x5ca: {  	v34 =	vld.idx.msk [tilespmem:v1+s0+$0x0], $0xffff  }
0x5cb: {  	v1 =	vld [tilespmem:$0x1FEA0];
	_ =	sdelay $0x6  }
0x5cc: {  	[tilespmem:$0x2680] =	vst v34  }
0x5cd: {  	v34 =	vld.idx.msk [tilespmem:v1+s0+$0x0], $0xffff  }
0x5ce: {  	v1 =	vld [tilespmem:$0x1FEB0];
	_ =	sdelay $0x6  }
0x5cf: {  	[tilespmem:$0x2880] =	vst v34  }
0x5d0: {  	v34 =	vld.idx.msk [tilespmem:v1+s0+$0x0], $0xffff  }
0x5d1: {  	v1 =	vld [tilespmem:$0x1FEC0];
	_ =	sdelay $0x6  }
0x5d2: {  	[tilespmem:$0x2A80] =	vst v34  }
0x5d3: {  	v34 =	vld.idx.msk [tilespmem:v1+s0+$0x0], $0xffff  }
0x5d4: {  	v1 =	vld [tilespmem:$0x1FED0];
	_ =	sdelay $0x6  }
0x5d5: {  	[tilespmem:$0x2C80] =	vst v34  }
0x5d6: {  	v34 =	vld.idx.msk [tilespmem:v1+s0+$0x0], $0xffff  }
0x5d7: {  	v1 =	vld [tilespmem:$0x1FEE0];
	_ =	sdelay $0x6  }
0x5d8: {  	[tilespmem:$0x2490] =	vst v34  }
0x5d9: {  	v34 =	vld.idx.msk [tilespmem:v1+s0+$0x0], $0xffff  }
0x5da: {  	v1 =	vld [tilespmem:$0x1FEF0];
	_ =	sdelay $0x6  }
0x5db: {  	[tilespmem:$0x2690] =	vst v34  }
0x5dc: {  	v34 =	vld.idx.msk [tilespmem:v1+s0+$0x0], $0xffff  }
0x5dd: {  	v1 =	vld [tilespmem:$0x1FF00];
	_ =	sdelay $0x6  }
0x5de: {  	[tilespmem:$0x2890] =	vst v34  }
0x5df: {  	v34 =	vld.idx.msk [tilespmem:v1+s0+$0x0], $0xffff  }
0x5e0: {  	v1 =	vld [tilespmem:$0x1FF10];
	_ =	sdelay $0x6  }
0x5e1: {  	[tilespmem:$0x2A90] =	vst v34  }
0x5e2: {  	v34 =	vld.idx.msk [tilespmem:v1+s0+$0x0], $0xffff  }
0x5e3: {  	v1 =	vld [tilespmem:$0x1FF20];
	_ =	sdelay $0x6  }
0x5e4: {  	[tilespmem:$0x2C90] =	vst v34  }
0x5e5: {  	v34 =	vld.idx.msk [tilespmem:v1+s0+$0x0], $0xffff  }
0x5e6: {  	v1 =	vld [tilespmem:$0x1FF30];
	_ =	sdelay $0x6  }
0x5e7: {  	[tilespmem:$0x24A0] =	vst v34  }
0x5e8: {  	v34 =	vld.idx.msk [tilespmem:v1+s0+$0x0], $0xffff  }
0x5e9: {  	v1 =	vld [tilespmem:$0x1FF40];
	_ =	sdelay $0x6  }
0x5ea: {  	[tilespmem:$0x26A0] =	vst v34  }
0x5eb: {  	v34 =	vld.idx.msk [tilespmem:v1+s0+$0x0], $0xffff  }
0x5ec: {  	v1 =	vld [tilespmem:$0x1FF50];
	_ =	sdelay $0x6  }
0x5ed: {  	[tilespmem:$0x28A0] =	vst v34  }
0x5ee: {  	v34 =	vld.idx.msk [tilespmem:v1+s0+$0x0], $0xffff  }
0x5ef: {  	v1 =	vld [tilespmem:$0x1FF60];
	_ =	sdelay $0x6  }
0x5f0: {  	[tilespmem:$0x2AA0] =	vst v34  }
0x5f1: {  	v34 =	vld.idx.msk [tilespmem:v1+s0+$0x0], $0xffff  }
0x5f2: {  	v1 =	vld [tilespmem:$0x1FF70];
	_ =	sdelay $0x6  }
0x5f3: {  	[tilespmem:$0x2CA0] =	vst v34  }
0x5f4: {  	v34 =	vld.idx.msk [tilespmem:v1+s0+$0x0], $0xffff  }
0x5f5: {  	v1 =	vld [tilespmem:$0x1FF80];
	_ =	sdelay $0x6  }
0x5f6: {  	[tilespmem:$0x24B0] =	vst v34  }
0x5f7: {  	v34 =	vld.idx.msk [tilespmem:v1+s0+$0x0], $0xffff  }
0x5f8: {  	v1 =	vld [tilespmem:$0x1FF90];
	_ =	sdelay $0x6  }
0x5f9: {  	[tilespmem:$0x26B0] =	vst v34  }
0x5fa: {  	v34 =	vld.idx.msk [tilespmem:v1+s0+$0x0], $0xffff  }
0x5fb: {  	v1 =	vld [tilespmem:$0x1FFA0];
	_ =	sdelay $0x6  }
0x5fc: {  	[tilespmem:$0x28B0] =	vst v34  }
0x5fd: {  	v34 =	vld.idx.msk [tilespmem:v1+s0+$0x0], $0xffff  }
0x5fe: {  	v1 =	vld [tilespmem:$0x1FFB0];
	_ =	sdelay $0x6  }
0x5ff: {  	[tilespmem:$0x2AB0] =	vst v34  }
0x600: {  	v34 =	vld.idx.msk [tilespmem:v1+s0+$0x0], $0xffff  }
0x601: {  	v1 =	vld [tilespmem:$0x1FFC0];
	_ =	sdelay $0x6  }
0x602: {  	[tilespmem:$0x2CB0] =	vst v34  }
0x603: {  	v34 =	vld.idx.msk [tilespmem:v1+s0+$0x0], $0xffff  }
0x604: {  	v1 =	vld [tilespmem:$0x1FFD0];
	_ =	sdelay $0x6  }
0x605: {  	[tilespmem:$0x24C0] =	vst v34  }
0x606: {  	v34 =	vld.idx.msk [tilespmem:v1+s0+$0x0], $0xffff  }
0x607: {  	v1 =	vld [tilespmem:$0x1FFE0];
	_ =	sdelay $0x6  }
0x608: {  	[tilespmem:$0x26C0] =	vst v34  }
0x609: {  	v34 =	vld.idx.msk [tilespmem:v1+s0+$0x0], $0xffff  }
0x60a: {  	v1 =	vld [tilespmem:$0x1FFF0];
	_ =	sdelay $0x6  }
0x60b: {  	[tilespmem:$0x28C0] =	vst v34  }
0x60c: {  	v34 =	vld.idx.msk [tilespmem:v1+s0+$0x0], $0xffff  }
0x60d: {  	v1 =	vld [tilespmem:$0x1F9E0];
	_ =	sdelay $0x6  }
0x60e: {  	[tilespmem:$0x2AC0] =	vst v34  }
0x60f: {  	v34 =	vld.idx.msk [tilespmem:v1+s0+$0x0], $0xffff  }
0x610: {  	v1 =	vld [tilespmem:$0x1F9F0];
	_ =	sdelay $0x6  }
0x611: {  	[tilespmem:$0x2CC0] =	vst v34  }
0x612: {  	v34 =	vld.idx.msk [tilespmem:v1+s0+$0x0], $0xffff  }
0x613: {  	v1 =	vld [tilespmem:$0x1FA00];
	_ =	sdelay $0x6  }
0x614: {  	[tilespmem:$0x24D0] =	vst v34  }
0x615: {  	v34 =	vld.idx.msk [tilespmem:v1+s0+$0x0], $0xffff  }
0x616: {  	v1 =	vld [tilespmem:$0x1FA10];
	_ =	sdelay $0x6  }
0x617: {  	[tilespmem:$0x26D0] =	vst v34  }
0x618: {  	v34 =	vld.idx.msk [tilespmem:v1+s0+$0x0], $0xffff  }
0x619: {  	v1 =	vld [tilespmem:$0x1FA20];
	_ =	sdelay $0x6  }
0x61a: {  	[tilespmem:$0x28D0] =	vst v34  }
0x61b: {  	v34 =	vld.idx.msk [tilespmem:v1+s0+$0x0], $0xffff  }
0x61c: {  	v1 =	vld [tilespmem:$0x1FA30];
	_ =	sdelay $0x6  }
0x61d: {  	[tilespmem:$0x2AD0] =	vst v34  }
0x61e: {  	v34 =	vld.idx.msk [tilespmem:v1+s0+$0x0], $0xffff  }
0x61f: {  	v1 =	vld [tilespmem:$0x1FA40];
	_ =	sdelay $0x6  }
0x620: {  	[tilespmem:$0x2CD0] =	vst v34  }
0x621: {  	v34 =	vld.idx.msk [tilespmem:v1+s0+$0x0], $0xffff  }
0x622: {  	v1 =	vld [tilespmem:$0x1FA50];
	_ =	sdelay $0x6  }
0x623: {  	[tilespmem:$0x24E0] =	vst v34  }
0x624: {  	v34 =	vld.idx.msk [tilespmem:v1+s0+$0x0], $0xffff  }
0x625: {  	v1 =	vld [tilespmem:$0x1FA60];
	_ =	sdelay $0x6  }
0x626: {  	[tilespmem:$0x26E0] =	vst v34  }
0x627: {  	v34 =	vld.idx.msk [tilespmem:v1+s0+$0x0], $0xffff  }
0x628: {  	v1 =	vld [tilespmem:$0x1FA70];
	_ =	sdelay $0x6  }
0x629: {  	[tilespmem:$0x28E0] =	vst v34  }
0x62a: {  	v34 =	vld.idx.msk [tilespmem:v1+s0+$0x0], $0xffff  }
0x62b: {  	v1 =	vld [tilespmem:$0x1FA80];
	_ =	sdelay $0x6  }
0x62c: {  	[tilespmem:$0x2AE0] =	vst v34  }
0x62d: {  	v34 =	vld.idx.msk [tilespmem:v1+s0+$0x0], $0xffff  }
0x62e: {  	v1 =	vld [tilespmem:$0x1FA90];
	_ =	sdelay $0x6  }
0x62f: {  	[tilespmem:$0x2CE0] =	vst v34  }
0x630: {  	v34 =	vld.idx.msk [tilespmem:v1+s0+$0x0], $0xffff  }
0x631: {  	v1 =	vld [tilespmem:$0x1FAA0];
	_ =	sdelay $0x6  }
0x632: {  	[tilespmem:$0x24F0] =	vst v34  }
0x633: {  	v34 =	vld.idx.msk [tilespmem:v1+s0+$0x0], $0xffff  }
0x634: {  	v1 =	vld [tilespmem:$0x1FAB0];
	_ =	sdelay $0x6  }
0x635: {  	[tilespmem:$0x26F0] =	vst v34  }
0x636: {  	v34 =	vld.idx.msk [tilespmem:v1+s0+$0x0], $0xffff  }
0x637: {  	v1 =	vld [tilespmem:$0x1FAC0];
	_ =	sdelay $0x6  }
0x638: {  	[tilespmem:$0x28F0] =	vst v34  }
0x639: {  	v34 =	vld.idx.msk [tilespmem:v1+s0+$0x0], $0xffff  }
0x63a: {  	v1 =	vld [tilespmem:$0x1FAD0];
	_ =	sdelay $0x6  }
0x63b: {  	[tilespmem:$0x2AF0] =	vst v34  }
0x63c: {  	v34 =	vld.idx.msk [tilespmem:v1+s0+$0x0], $0xffff  }
0x63d: {  	v1 =	vld [tilespmem:$0x1FAE0];
	_ =	sdelay $0x6  }
0x63e: {  	[tilespmem:$0x2CF0] =	vst v34  }
0x63f: {  	v34 =	vld.idx.msk [tilespmem:v1+s0+$0x0], $0xffff  }
0x640: {  	v1 =	vld [tilespmem:$0x1FAF0];
	_ =	sdelay $0x6  }
0x641: {  	[tilespmem:$0x2500] =	vst v34  }
0x642: {  	v34 =	vld.idx.msk [tilespmem:v1+s0+$0x0], $0xffff  }
0x643: {  	v1 =	vld [tilespmem:$0x1FB00];
	_ =	sdelay $0x6  }
0x644: {  	[tilespmem:$0x2700] =	vst v34  }
0x645: {  	v34 =	vld.idx.msk [tilespmem:v1+s0+$0x0], $0xffff  }
0x646: {  	v1 =	vld [tilespmem:$0x1FB10];
	_ =	sdelay $0x6  }
0x647: {  	[tilespmem:$0x2900] =	vst v34  }
0x648: {  	v34 =	vld.idx.msk [tilespmem:v1+s0+$0x0], $0xffff  }
0x649: {  	v1 =	vld [tilespmem:$0x1FB20];
	_ =	sdelay $0x6  }
0x64a: {  	[tilespmem:$0x2B00] =	vst v34  }
0x64b: {  	v34 =	vld.idx.msk [tilespmem:v1+s0+$0x0], $0xffff  }
0x64c: {  	v1 =	vld [tilespmem:$0x1FB30];
	_ =	sdelay $0x6  }
0x64d: {  	[tilespmem:$0x2D00] =	vst v34  }
0x64e: {  	v34 =	vld.idx.msk [tilespmem:v1+s0+$0x0], $0xffff  }
0x64f: {  	v1 =	vld [tilespmem:$0x1FB40];
	_ =	sdelay $0x6  }
0x650: {  	[tilespmem:$0x2510] =	vst v34  }
0x651: {  	v34 =	vld.idx.msk [tilespmem:v1+s0+$0x0], $0xffff  }
0x652: {  	v1 =	vld [tilespmem:$0x1FB50];
	_ =	sdelay $0x6  }
0x653: {  	[tilespmem:$0x2710] =	vst v34  }
0x654: {  	v34 =	vld.idx.msk [tilespmem:v1+s0+$0x0], $0xffff  }
0x655: {  	v1 =	vld [tilespmem:$0x1FB60];
	_ =	sdelay $0x6  }
0x656: {  	[tilespmem:$0x2910] =	vst v34  }
0x657: {  	v34 =	vld.idx.msk [tilespmem:v1+s0+$0x0], $0xffff  }
0x658: {  	v1 =	vld [tilespmem:$0x1FB70];
	_ =	sdelay $0x6  }
0x659: {  	[tilespmem:$0x2B10] =	vst v34  }
0x65a: {  	v34 =	vld.idx.msk [tilespmem:v1+s0+$0x0], $0xffff  }
0x65b: {  	v1 =	vld [tilespmem:$0x1FB80];
	_ =	sdelay $0x6  }
0x65c: {  	[tilespmem:$0x2D10] =	vst v34  }
0x65d: {  	v34 =	vld.idx.msk [tilespmem:v1+s0+$0x0], $0xffff  }
0x65e: {  	v1 =	vld [tilespmem:$0x1FB90];
	_ =	sdelay $0x6  }
0x65f: {  	[tilespmem:$0x2520] =	vst v34  }
0x660: {  	v34 =	vld.idx.msk [tilespmem:v1+s0+$0x0], $0xffff  }
0x661: {  	v1 =	vld [tilespmem:$0x1FBA0];
	_ =	sdelay $0x6  }
0x662: {  	[tilespmem:$0x2720] =	vst v34  }
0x663: {  	v34 =	vld.idx.msk [tilespmem:v1+s0+$0x0], $0xffff  }
0x664: {  	v1 =	vld [tilespmem:$0x1FBB0];
	_ =	sdelay $0x6  }
0x665: {  	[tilespmem:$0x2920] =	vst v34  }
0x666: {  	v34 =	vld.idx.msk [tilespmem:v1+s0+$0x0], $0xffff  }
0x667: {  	v1 =	vld [tilespmem:$0x1FBC0];
	_ =	sdelay $0x6  }
0x668: {  	[tilespmem:$0x2B20] =	vst v34  }
0x669: {  	v34 =	vld.idx.msk [tilespmem:v1+s0+$0x0], $0xffff  }
0x66a: {  	v1 =	vld [tilespmem:$0x1FBD0];
	_ =	sdelay $0x6  }
0x66b: {  	[tilespmem:$0x2D20] =	vst v34  }
0x66c: {  	v34 =	vld.idx.msk [tilespmem:v1+s0+$0x0], $0xffff  }
0x66d: {  	v1 =	vld [tilespmem:$0x1FBE0];
	_ =	sdelay $0x6  }
0x66e: {  	[tilespmem:$0x2530] =	vst v34  }
0x66f: {  	v34 =	vld.idx.msk [tilespmem:v1+s0+$0x0], $0xffff  }
0x670: {  	v1 =	vld [tilespmem:$0x1FBF0];
	_ =	sdelay $0x6  }
0x671: {  	[tilespmem:$0x2730] =	vst v34  }
0x672: {  	v34 =	vld.idx.msk [tilespmem:v1+s0+$0x0], $0xffff;
	_ =	sdelay $0x4  }
0x673: {  	[tilespmem:$0x2930] =	vst v34  }
0x674: {  	v34 =	vld.idx.msk [tilespmem:v33+s0+$0x0], $0xffff;
	_ =	sdelay $0x4  }
0x675: {  	[tilespmem:$0x2B30] =	vst v34  }
0x676: {  	v34 =	vld.idx.msk [tilespmem:v63+s0+$0x0], $0xffff;
	_ =	sdelay $0x4  }
0x677: {  	[tilespmem:$0x2D30] =	vst v34  }
0x678: {  	v34 =	vld.idx.msk [tilespmem:v62+s0+$0x0], $0xffff;
	_ =	sdelay $0x4  }
0x679: {  	[tilespmem:$0x2540] =	vst v34  }
0x67a: {  	v34 =	vld.idx.msk [tilespmem:v61+s0+$0x0], $0xffff;
	_ =	sdelay $0x4  }
0x67b: {  	[tilespmem:$0x2740] =	vst v34  }
0x67c: {  	v34 =	vld.idx.msk [tilespmem:v60+s0+$0x0], $0xffff;
	_ =	sdelay $0x4  }
0x67d: {  	[tilespmem:$0x2940] =	vst v34  }
0x67e: {  	v34 =	vld.idx.msk [tilespmem:v59+s0+$0x0], $0xffff;
	_ =	sdelay $0x4  }
0x67f: {  	[tilespmem:$0x2B40] =	vst v34  }
0x680: {  	v34 =	vld.idx.msk [tilespmem:v58+s0+$0x0], $0xffff;
	_ =	sdelay $0x4  }
0x681: {  	[tilespmem:$0x2D40] =	vst v34  }
0x682: {  	v34 =	vld.idx.msk [tilespmem:v57+s0+$0x0], $0xffff;
	_ =	sdelay $0x4  }
0x683: {  	[tilespmem:$0x2550] =	vst v34  }
0x684: {  	v34 =	vld.idx.msk [tilespmem:v56+s0+$0x0], $0xffff;
	_ =	sdelay $0x4  }
0x685: {  	[tilespmem:$0x2750] =	vst v34  }
0x686: {  	v34 =	vld.idx.msk [tilespmem:v55+s0+$0x0], $0xffff;
	_ =	sdelay $0x4  }
0x687: {  	[tilespmem:$0x2950] =	vst v34  }
0x688: {  	v34 =	vld.idx.msk [tilespmem:v54+s0+$0x0], $0xffff;
	_ =	sdelay $0x4  }
0x689: {  	[tilespmem:$0x2B50] =	vst v34  }
0x68a: {  	v34 =	vld.idx.msk [tilespmem:v53+s0+$0x0], $0xffff;
	_ =	sdelay $0x4  }
0x68b: {  	[tilespmem:$0x2D50] =	vst v34  }
0x68c: {  	v34 =	vld.idx.msk [tilespmem:v52+s0+$0x0], $0xffff;
	_ =	sdelay $0x4  }
0x68d: {  	[tilespmem:$0x2560] =	vst v34  }
0x68e: {  	v34 =	vld.idx.msk [tilespmem:v51+s0+$0x0], $0xffff;
	_ =	sdelay $0x4  }
0x68f: {  	[tilespmem:$0x2760] =	vst v34  }
0x690: {  	v34 =	vld.idx.msk [tilespmem:v50+s0+$0x0], $0xffff;
	_ =	sdelay $0x4  }
0x691: {  	[tilespmem:$0x2960] =	vst v34  }
0x692: {  	v34 =	vld.idx.msk [tilespmem:v49+s0+$0x0], $0xffff;
	_ =	sdelay $0x4  }
0x693: {  	[tilespmem:$0x2B60] =	vst v34  }
0x694: {  	v34 =	vld.idx.msk [tilespmem:v48+s0+$0x0], $0xffff;
	_ =	sdelay $0x4  }
0x695: {  	[tilespmem:$0x2D60] =	vst v34  }
0x696: {  	v34 =	vld.idx.msk [tilespmem:v47+s0+$0x0], $0xffff;
	_ =	sdelay $0x4  }
0x697: {  	[tilespmem:$0x2570] =	vst v34  }
0x698: {  	v34 =	vld.idx.msk [tilespmem:v46+s0+$0x0], $0xffff;
	_ =	sdelay $0x4  }
0x699: {  	[tilespmem:$0x2770] =	vst v34  }
0x69a: {  	v34 =	vld.idx.msk [tilespmem:v45+s0+$0x0], $0xffff;
	_ =	sdelay $0x4  }
0x69b: {  	[tilespmem:$0x2970] =	vst v34  }
0x69c: {  	v34 =	vld.idx.msk [tilespmem:v44+s0+$0x0], $0xffff;
	_ =	sdelay $0x4  }
0x69d: {  	[tilespmem:$0x2B70] =	vst v34  }
0x69e: {  	v34 =	vld.idx.msk [tilespmem:v43+s0+$0x0], $0xffff;
	_ =	sdelay $0x4  }
0x69f: {  	[tilespmem:$0x2D70] =	vst v34  }
0x6a0: {  	v34 =	vld.idx.msk [tilespmem:v42+s0+$0x0], $0xffff;
	_ =	sdelay $0x4  }
0x6a1: {  	[tilespmem:$0x2580] =	vst v34  }
0x6a2: {  	v34 =	vld.idx.msk [tilespmem:v41+s0+$0x0], $0xffff;
	_ =	sdelay $0x4  }
0x6a3: {  	[tilespmem:$0x2780] =	vst v34  }
0x6a4: {  	v34 =	vld.idx.msk [tilespmem:v40+s0+$0x0], $0xffff;
	_ =	sdelay $0x4  }
0x6a5: {  	[tilespmem:$0x2980] =	vst v34  }
0x6a6: {  	v34 =	vld.idx.msk [tilespmem:v39+s0+$0x0], $0xffff;
	_ =	sdelay $0x4  }
0x6a7: {  	[tilespmem:$0x2B80] =	vst v34  }
0x6a8: {  	v34 =	vld.idx.msk [tilespmem:v38+s0+$0x0], $0xffff;
	_ =	sdelay $0x4  }
0x6a9: {  	[tilespmem:$0x2D80] =	vst v34  }
0x6aa: {  	v34 =	vld.idx.msk [tilespmem:v37+s0+$0x0], $0xffff;
	_ =	sdelay $0x4  }
0x6ab: {  	[tilespmem:$0x2590] =	vst v34  }
0x6ac: {  	v34 =	vld.idx.msk [tilespmem:v36+s0+$0x0], $0xffff;
	_ =	sdelay $0x4  }
0x6ad: {  	[tilespmem:$0x2790] =	vst v34  }
0x6ae: {  	v1 =	vld.idx.msk [tilespmem:v35+s0+$0x0], $0xffff;
	_ =	sdelay $0x4  }
0x6af: {  	[tilespmem:$0x2990] =	vst v1;
	v1 =	vld [tilespmem:$0x1F9D0];
	_ =	sdelay $0x7  }
0x6b0: {  	v1 =	vld.idx.msk [tilespmem:v1+s0+$0x0], $0xffff;
	_ =	sdelay $0x4  }
0x6b1: {  	[tilespmem:$0x2B90] =	vst v1  }
0x6b2: {  	v1 =	vld.idx.msk [tilespmem:v2+s0+$0x0], $0xffff;
	_ =	sdelay $0x4  }
0x6b3: {  	[tilespmem:$0x2D90] =	vst v1  }
0x6b4: {  	v1 =	vld.idx.msk [tilespmem:v3+s0+$0x0], $0xffff;
	_ =	sdelay $0x4  }
0x6b5: {  	[tilespmem:$0x25A0] =	vst v1  }
0x6b6: {  	v1 =	vld.idx.msk [tilespmem:v4+s0+$0x0], $0xffff;
	_ =	sdelay $0x4  }
0x6b7: {  	[tilespmem:$0x27A0] =	vst v1  }
0x6b8: {  	v1 =	vld.idx.msk [tilespmem:v5+s0+$0x0], $0xffff;
	_ =	sdelay $0x4  }
0x6b9: {  	[tilespmem:$0x29A0] =	vst v1  }
0x6ba: {  	v1 =	vld.idx.msk [tilespmem:v6+s0+$0x0], $0xffff;
	_ =	sdelay $0x4  }
0x6bb: {  	[tilespmem:$0x2BA0] =	vst v1  }
0x6bc: {  	v1 =	vld.idx.msk [tilespmem:v7+s0+$0x0], $0xffff;
	_ =	sdelay $0x4  }
0x6bd: {  	[tilespmem:$0x2DA0] =	vst v1  }
0x6be: {  	v1 =	vld.idx.msk [tilespmem:v8+s0+$0x0], $0xffff;
	_ =	sdelay $0x4  }
0x6bf: {  	[tilespmem:$0x25B0] =	vst v1  }
0x6c0: {  	v1 =	vld.idx.msk [tilespmem:v9+s0+$0x0], $0xffff;
	_ =	sdelay $0x4  }
0x6c1: {  	[tilespmem:$0x27B0] =	vst v1  }
0x6c2: {  	v1 =	vld.idx.msk [tilespmem:v10+s0+$0x0], $0xffff;
	_ =	sdelay $0x4  }
0x6c3: {  	[tilespmem:$0x29B0] =	vst v1  }
0x6c4: {  	v1 =	vld.idx.msk [tilespmem:v11+s0+$0x0], $0xffff;
	_ =	sdelay $0x4  }
0x6c5: {  	[tilespmem:$0x2BB0] =	vst v1  }
0x6c6: {  	v1 =	vld.idx.msk [tilespmem:v12+s0+$0x0], $0xffff;
	_ =	sdelay $0x4  }
0x6c7: {  	[tilespmem:$0x2DB0] =	vst v1  }
0x6c8: {  	v1 =	vld.idx.msk [tilespmem:v13+s0+$0x0], $0xffff;
	_ =	sdelay $0x4  }
0x6c9: {  	[tilespmem:$0x25C0] =	vst v1  }
0x6ca: {  	v1 =	vld.idx.msk [tilespmem:v14+s0+$0x0], $0xffff;
	_ =	sdelay $0x4  }
0x6cb: {  	[tilespmem:$0x27C0] =	vst v1  }
0x6cc: {  	v1 =	vld.idx.msk [tilespmem:v15+s0+$0x0], $0xffff;
	_ =	sdelay $0x4  }
0x6cd: {  	[tilespmem:$0x29C0] =	vst v1  }
0x6ce: {  	v1 =	vld.idx.msk [tilespmem:v16+s0+$0x0], $0xffff;
	_ =	sdelay $0x4  }
0x6cf: {  	[tilespmem:$0x2BC0] =	vst v1  }
0x6d0: {  	v1 =	vld.idx.msk [tilespmem:v17+s0+$0x0], $0xffff;
	_ =	sdelay $0x4  }
0x6d1: {  	[tilespmem:$0x2DC0] =	vst v1  }
0x6d2: {  	v1 =	vld.idx.msk [tilespmem:v18+s0+$0x0], $0xffff;
	_ =	sdelay $0x4  }
0x6d3: {  	[tilespmem:$0x25D0] =	vst v1  }
0x6d4: {  	v1 =	vld.idx.msk [tilespmem:v19+s0+$0x0], $0xffff;
	_ =	sdelay $0x4  }
0x6d5: {  	[tilespmem:$0x27D0] =	vst v1  }
0x6d6: {  	v1 =	vld.idx.msk [tilespmem:v20+s0+$0x0], $0xffff;
	_ =	sdelay $0x4  }
0x6d7: {  	[tilespmem:$0x29D0] =	vst v1  }
0x6d8: {  	v1 =	vld.idx.msk [tilespmem:v21+s0+$0x0], $0xffff;
	_ =	sdelay $0x4  }
0x6d9: {  	[tilespmem:$0x2BD0] =	vst v1  }
0x6da: {  	v1 =	vld.idx.msk [tilespmem:v22+s0+$0x0], $0xffff;
	_ =	sdelay $0x4  }
0x6db: {  	[tilespmem:$0x2DD0] =	vst v1  }
0x6dc: {  	v1 =	vld.idx.msk [tilespmem:v23+s0+$0x0], $0xffff;
	_ =	sdelay $0x4  }
0x6dd: {  	[tilespmem:$0x25E0] =	vst v1  }
0x6de: {  	v1 =	vld.idx.msk [tilespmem:v24+s0+$0x0], $0xffff;
	_ =	sdelay $0x4  }
0x6df: {  	[tilespmem:$0x27E0] =	vst v1  }
0x6e0: {  	v1 =	vld.idx.msk [tilespmem:v25+s0+$0x0], $0xffff;
	_ =	sdelay $0x4  }
0x6e1: {  	[tilespmem:$0x29E0] =	vst v1  }
0x6e2: {  	v1 =	vld.idx.msk [tilespmem:v26+s0+$0x0], $0xffff;
	_ =	sdelay $0x4  }
0x6e3: {  	[tilespmem:$0x2BE0] =	vst v1  }
0x6e4: {  	v1 =	vld.idx.msk [tilespmem:v27+s0+$0x0], $0xffff;
	_ =	sdelay $0x4  }
0x6e5: {  	[tilespmem:$0x2DE0] =	vst v1  }
0x6e6: {  	v1 =	vld.idx.msk [tilespmem:v28+s0+$0x0], $0xffff;
	_ =	sdelay $0x4  }
0x6e7: {  	[tilespmem:$0x25F0] =	vst v1  }
0x6e8: {  	v1 =	vld.idx.msk [tilespmem:v29+s0+$0x0], $0xffff;
	_ =	sdelay $0x4  }
0x6e9: {  	[tilespmem:$0x27F0] =	vst v1  }
0x6ea: {  	v1 =	vld.idx.msk [tilespmem:v30+s0+$0x0], $0xffff;
	_ =	sdelay $0x4  }
0x6eb: {  	[tilespmem:$0x29F0] =	vst v1  }
0x6ec: {  	v1 =	vld.idx.msk [tilespmem:v31+s0+$0x0], $0xffff;
	_ =	sdelay $0x4  }
0x6ed: {  	[tilespmem:$0x2BF0] =	vst v1  }
0x6ee: {  	v1 =	vld.idx.msk [tilespmem:v32+s0+$0x0], $0xffff;
	_ =	sdelay $0x4  }
0x6ef: {  	s9 =	rddreg [dreg:$0xa];
	[tilespmem:$0x2DF0] =	vst v1  }
0x6f0: {  	[hbm4b:s9+s22] =	stream.strided.scatter [tilespmem:s5], [sflag:$0x5], $0x200, s23, s22, $0x38;
	[tilespmem:$0x2E00] =	vst v63  }
0x6f1: {  	_ =	swait.ge [sflag:s14], $0x200  }
0x6f2: {  	[sflag:s14] =	ssyncset.done $0x0  }
0x6f3: {  	s10 =	rddreg [dreg:$0xc];
	[sflag:s14] =	ssyncadd.s32 $0xFFFFFE00  }
0x6f4: {  	[hbm4b:s10+s22] =	stream.strided.scatter [tilespmem:s15], [sflag:$0x5], $0x200, s23, s22, $0x38;
	[tilespmem:$0x2E00] =	vst v63  }
0x6f5: {  	_ =	swait.ge [sflag:s14], $0x200  }
0x6f6: {  	[sflag:s14] =	ssyncset.done $0x0  }
0x6f7: {  	s11 =	rddreg [dreg:$0xd];
	[sflag:s14] =	ssyncadd.s32 $0xFFFFFE00  }
0x6f8: {  	[hbm4b:s11+s22] =	stream.strided.scatter [tilespmem:s16], [sflag:$0x5], $0x200, s23, s22, $0x38;
	[tilespmem:$0x2E00] =	vst v63  }
0x6f9: {  	_ =	swait.ge [sflag:s14], $0x200  }
0x6fa: {  	[sflag:s14] =	ssyncset.done $0x0  }
0x6fb: {  	s12 =	rddreg [dreg:$0xe];
	[sflag:s14] =	ssyncadd.s32 $0xFFFFFE00  }
0x6fc: {  	[hbm4b:s12+s22] =	stream.strided.scatter [tilespmem:s17], [sflag:$0x5], $0x200, s23, s22, $0x38;
	[tilespmem:$0x2E00] =	vst v63  }
0x6fd: {  	_ =	swait.ge [sflag:s14], $0x200  }
0x6fe: {  	[sflag:s14] =	ssyncset.done $0x0  }
0x6ff: {  	s20 =	rddreg [dreg:$0xf];
	[sflag:s14] =	ssyncadd.s32 $0xFFFFFE00  }
0x700: {  	[hbm4b:s20+s22] =	stream.strided.scatter [tilespmem:s18], [sflag:$0x5], $0x200, s23, s22, $0x38;
	[tilespmem:$0x2E00] =	vst v63  }
0x701: {  	_ =	swait.ge [sflag:s14], $0x200  }
0x702: {  	s20 =	rddreg [dreg:$0x14]  }
0x703: {  	s28 =	rddreg [dreg:$0x10];
	s20 =	sadd.s32 $0x1, s20  }
0x704: {  	p0 =	sne.s32 s20, s28  }
.Ltmp1:
0x705: {  	_ = 	snop;
	(pc) =	sbr.rel @p0 .LBB2_1-.Ltmp1, $4  }
0x706: {  	s1 =	simm.s32 $0xC00  }
0x707: {  	s6 =	simm.s32 $0x180;
	s7 =	simm.s32 $0x100;
	s8 =	simm.s32 $0x1000  }
0x708: {  	s9 =	simm.s32 $0x300;
	s10 =	simm.s32 $0x1C00;
	[sflag:s14] =	ssyncset.done $0x0  }
0x709: {  	s11 =	simm.s32 $0x380;
	s12 =	simm.s32 $0x2000;
	[sflag:s14] =	ssyncadd.s32 $0xFFFFFE00  }
0x70a: {  	_ =	sfence.sel $0x180000  }
0x70b: {  	[bflag:$0x0] =	sbarrier.arrive $0xFFFF  }
0x70c: {  	_ =	strace $0x90000047  }
0x70d: {  	s0 =	stileid.u32;
	[bflag:$0x2] =	sbarrier.arrive $0xFFFF  }
0x70e: {  	p0 =	sne.s32 s0, $0x0;
	s0 =	rddreg [dreg:$0x2]  }
0x70f: {  	s0 =	sadd.s32 @!p0 $0x100000, s0  }
0x710: {  	[sflag:s0] =	ssyncadd.tile.s32 @!p0 $0x1;
	_ =	shalt  }
.Lfunc_end2:
_tile_overlayer_lowered:
.L_overlay_start_2:
0x711: {  	(tag) =	ssettag $0x2  }
0x712: {  	s0 =	rddreg [dreg:$0x0];
	s2 =	stileid.u32  }
0x713: {  	s1 =	rddreg [dreg:$0x1];
	p0 =	sne.s32 s2, $0x0  }
0x714: {  	s3 =	rddreg [dreg:$0x2];
	[bflag:$0x3] =	sbarrier.arrive $0xFFFF;
	s2 =	simm.s32 @!p0 $0x1C05  }
0x715: {  	[timem:s3], [sflag:s2] =	dma.local @!p0 [hbm:s0], s1  }
0x716: {  	s0 =	simm.s32 @!p0 $0x5  }
0x717: {  	_ =	swait.ge @!p0 [sflag:s0], s1  }
0x718: {  	s1 =	ssub.s32 @!p0 $0x0, s1;
	[sflag:s0] =	ssyncset.done @!p0 $0x0  }
0x719: {  	[sflag:s0] =	ssyncadd.s32 @!p0 s1  }
0x71a: {  	[bflag:$0x3] =	sbarrier.arrive $0xFFFF  }
0x71b: {  	_ =	shalt  }

</sc_bundles>
